<compile_context>
chip_gen: v7x
topology: tpu7x:2x2x1
jax: 0.10.2.dev20260603
libtpu: 0.0.44.dev20260713+nightly
codegen_flags: <defaults>
</compile_context>

<pallas_src>
import functools

import jax
import jax.numpy as jnp
from jax import lax
from jax.experimental import pallas as pl
from jax.experimental.pallas import tpu as pltpu
from jax.experimental.pallas import tpu_sc as plsc

_NC = 2
_NS = 16
_N = 10000
_E = 320000
_D = 128
_HD = _D // _NC
_CH = 160
_ES = _CH * 128
_ACC = 10240
_RPS = _ACC // _NS
_ZR = _RPS // 128
_DCH = _CH // _NC


def _deg_body(eip_hbm, out_hbm, eib, idxb, ones_v, acc, sem):
    c = lax.axis_index("c")
    s = lax.axis_index("s")
    w = 2 * s + c
    sync = pltpu.sync_copy
    for r in range(128):
        ones_v[r, pl.ds(0, 16)] = jnp.zeros((16,), jnp.float32)
    for i in range(_ZR):
        sync(ones_v, acc.at[pl.ds(s * _RPS + i * 128, 128)])
    onerow = jnp.where(lax.iota(jnp.int32, 16) < 1, 1.0, 0.0)
    for r in range(128):
        ones_v[r, pl.ds(0, 16)] = onerow

    sync(eip_hbm.at[w], eib)

    def unpack(r, carry):
        for k in range(8):
            idxb[r, pl.ds(k * 16, 16)] = eib[r, pl.ds(k * 16, 16)] >> 14
        return carry

    lax.fori_loop(0, _DCH, unpack, 0)
    plsc.subcore_barrier()

    def chunk(j, carry):
        sync(ones_v, acc.at[idxb.at[j]], add=True)
        return carry

    lax.fori_loop(0, _DCH, chunk, 0)
    plsc.subcore_barrier()
    sync(acc.at[pl.ds(s * _RPS, _RPS)], out_hbm.at[pl.ds(s * _RPS, _RPS), c])


def _agg_body(m_hbm, eip_hbm, out_hbm, eib, srcb, dstb, rows, acc, sem0, sem1, ss0, ss1):
    c = lax.axis_index("c")
    s = lax.axis_index("s")
    sync = pltpu.sync_copy

    z = jnp.zeros((16,), jnp.float32)

    def zrow(r, carry):
        for k in range(_HD // 16):
            rows[0, r, pl.ds(k * 16, 16)] = z
        return carry

    lax.fori_loop(0, 128, zrow, 0)
    for i in range(_ZR):
        sync(rows.at[0], acc.at[pl.ds(s * _RPS + i * 128, 128)])
    plsc.subcore_barrier()

    sync(eip_hbm.at[s], eib)

    def unpack(r, carry):
        for k in range(8):
            v = eib[r, pl.ds(k * 16, 16)]
            srcb[r, pl.ds(k * 16, 16)] = ((v & 16383) << 1) | c
            dstb[r, pl.ds(k * 16, 16)] = v >> 14
        return carry

    lax.fori_loop(0, _CH, unpack, 0)
    for r in (_CH, _CH + 1):
        for k in range(8):
            srcb[r, pl.ds(k * 16, 16)] = jnp.zeros((16,), jnp.int32)

    pltpu.async_copy(m_hbm.at[srcb.at[0]], rows.at[0], sem0)

    def step(t, carry):
        j0 = 2 * t
        pltpu.async_copy(m_hbm.at[srcb.at[j0 + 1]], rows.at[1], sem1)
        pltpu.make_async_copy(m_hbm.at[srcb.at[j0]], rows.at[0], sem0).wait()
        pltpu.async_copy(rows.at[0], acc.at[dstb.at[j0]], ss0, add=True).wait()
        pltpu.async_copy(m_hbm.at[srcb.at[j0 + 2]], rows.at[0], sem0)
        pltpu.make_async_copy(m_hbm.at[srcb.at[j0 + 1]], rows.at[1], sem1).wait()
        pltpu.async_copy(rows.at[1], acc.at[dstb.at[j0 + 1]], ss1, add=True).wait()
        return carry

    lax.fori_loop(0, _CH // 2, step, 0)
    pltpu.make_async_copy(m_hbm.at[srcb.at[0]], rows.at[0], sem0).wait()
    plsc.subcore_barrier()
    sync(acc.at[pl.ds(s * _RPS, _RPS)], out_hbm.at[pl.ds(s * _RPS, _RPS), c])


@functools.lru_cache(maxsize=1)
def _sc_kernels():
    mesh = plsc.VectorSubcoreMesh(
        core_axis_name="c", subcore_axis_name="s", num_cores=_NC, num_subcores=_NS
    )
    untiled = pltpu.CompilerParams(use_tc_tiling_on_sc=False)
    deg = functools.partial(
        pl.kernel,
        out_type=jax.ShapeDtypeStruct((_ACC, _NC, 16), jnp.float32),
        mesh=mesh,
        scratch_types=[
            pltpu.VMEM((_DCH, 128), jnp.int32),
            pltpu.VMEM((_DCH, 128), jnp.int32),
            pltpu.VMEM((128, 16), jnp.float32),
            pltpu.VMEM_SHARED((_ACC, 16), jnp.float32),
            pltpu.SemaphoreType.DMA,
        ],
        compiler_params=untiled,
    )(_deg_body)
    agg = functools.partial(
        pl.kernel,
        out_type=jax.ShapeDtypeStruct((_ACC, _NC, _HD), jnp.float32),
        mesh=mesh,
        scratch_types=[
            pltpu.VMEM((_CH, 128), jnp.int32),
            pltpu.VMEM((_CH + 2, 128), jnp.int32),
            pltpu.VMEM((_CH, 128), jnp.int32),
            pltpu.VMEM((2, 128, _HD), jnp.float32),
            pltpu.VMEM_SHARED((_ACC, _HD), jnp.float32),
        ] + [pltpu.SemaphoreType.DMA] * 4,
        compiler_params=untiled,
    )(_agg_body)
    return deg, agg


def _dis(dp_ref):
    deg = dp_ref[:, 0, 0:1] + dp_ref[:, 1, 0:1] + 1.0
    return lax.rsqrt(deg)


def _mm1_body(dp_ref, x_ref, w_ref, o_ref):
    m = jnp.dot(x_ref[...], w_ref[...], preferred_element_type=jnp.float32)
    o_ref[...] = m * _dis(dp_ref)


def _mid_body(dp_ref, p_ref, m1_ref, b1_ref, w2_ref, o_ref):
    dis = _dis(dp_ref)
    a1 = (p_ref[...] + m1_ref[...]) * dis
    h = jnp.maximum(a1 + b1_ref[...], 0.0)
    o_ref[...] = jnp.dot(h, w2_ref[...], preferred_element_type=jnp.float32) * dis


def _fin_body(dp_ref, q_ref, m2_ref, b2_ref, o_ref):
    o_ref[...] = (q_ref[...] + m2_ref[...]) * _dis(dp_ref) + b2_ref[...]


_BLK = 1000
_GRID = _N // _BLK

_dp_spec = pl.BlockSpec((_BLK, _NC, 16), lambda i: (i, 0, 0))
_row_spec = pl.BlockSpec((_BLK, _D), lambda i: (i, 0))
_w_spec = pl.BlockSpec((_D, _D), lambda i: (0, 0))
_b_spec = pl.BlockSpec((1, _D), lambda i: (0, 0))
_out_sds = jax.ShapeDtypeStruct((_N, _D), jnp.float32)


def kernel(x, edge_index, W1, b1, W2, b2):
    src = edge_index[0].astype(jnp.int32)
    dst = edge_index[1].astype(jnp.int32)
    pad = _ES - _E // _NS
    eip = jnp.pad(
        (src | (dst << 14)).reshape(_NS, _E // _NS),
        ((0, 0), (0, pad)),
        constant_values=_N << 14,
    ).reshape(_NS, _CH, 128)

    _deg_kernel, _agg_kernel = _sc_kernels()
    degp = _deg_kernel(eip.reshape(_NS * _NC, _DCH, 128))

    m1 = pl.pallas_call(
        _mm1_body,
        grid=(_GRID,),
        in_specs=[_dp_spec, _row_spec, _w_spec],
        out_specs=_row_spec,
        out_shape=_out_sds,
    )(degp, x, W1)

    p = _agg_kernel(m1.reshape(_NC * _N, _HD), eip).reshape(_ACC, _D)

    m2 = pl.pallas_call(
        _mid_body,
        grid=(_GRID,),
        in_specs=[_dp_spec, _row_spec, _row_spec, _b_spec, _w_spec],
        out_specs=_row_spec,
        out_shape=_out_sds,
    )(degp, p, m1, b1.reshape(1, _D), W2)

    q = _agg_kernel(m2.reshape(_NC * _N, _HD), eip).reshape(_ACC, _D)

    return pl.pallas_call(
        _fin_body,
        grid=(_GRID,),
        in_specs=[_dp_spec, _row_spec, _row_spec, _b_spec],
        out_specs=_row_spec,
        out_shape=_out_sds,
    )(degp, q, m2, b2.reshape(1, _D))

# --- scband reference (transcript-rebuilt; emitter-appended) ---
"""Pipeline reference for scband-graph-direction-prediction-model-1073741824486 (READ-ONLY COPY).

The authoritative reference and input builder live on the scoring server;
editing this copy changes nothing except your own understanding.
"""

import jax, jax.numpy as jnp
import numpy as np

N_NODES = 10000
N_EDGES = 320000
D_IN = 128
D_HID = 128
D_OUT = 128


def setup_inputs(seed: int = 0) -> dict:
    key = jax.random.key(seed)
    k_x, k_ei, k_w1, k_b1, k_w2, k_b2 = jax.random.split(key, 6)
    x = jax.random.normal(k_x, (N_NODES, D_IN), dtype=jnp.float32)
    edge_index = jax.random.randint(k_ei, (2, N_EDGES), 0, N_NODES, dtype=jnp.int64)
    # GCNConv weights (glorot-like init) and biases
    s1 = 1.0 / np.sqrt(D_IN)
    s2 = 1.0 / np.sqrt(D_HID)
    W1 = jax.random.uniform(k_w1, (D_IN, D_HID), dtype=jnp.float32, minval=-s1, maxval=s1)
    b1 = jnp.zeros((D_HID,), dtype=jnp.float32)
    W2 = jax.random.uniform(k_w2, (D_HID, D_OUT), dtype=jnp.float32, minval=-s2, maxval=s2)
    b2 = jnp.zeros((D_OUT,), dtype=jnp.float32)
    return {"x": x, "edge_index": edge_index, "W1": W1, "b1": b1, "W2": W2, "b2": b2}


def _gcn_conv(x, src, dst, norm, W, b, num_nodes):
    # x' = D^{-1/2} (A + I) D^{-1/2} X W + b   (PyG GCNConv semantics)
    h = x @ W
    msgs = jnp.take(h, src, axis=0) * norm[:, None]
    out = jnp.zeros((num_nodes, h.shape[1]), dtype=h.dtype).at[dst].add(msgs)
    return out + b


def reference(x, edge_index, W1, b1, W2, b2):
    num_nodes = x.shape[0]
    # add self-loops
    loop = jnp.arange(num_nodes, dtype=edge_index.dtype)
    src = jnp.concatenate([edge_index[0], loop])
    dst = jnp.concatenate([edge_index[1], loop])
    # symmetric normalization (computed once; same edge_index for both convs)
    deg = jnp.zeros((num_nodes,), dtype=jnp.float32).at[dst].add(1.0)
    deg_inv_sqrt = jnp.where(deg > 0, jax.lax.rsqrt(deg), 0.0)
    norm = deg_inv_sqrt[src] * deg_inv_sqrt[dst]
    h = _gcn_conv(x, src, dst, norm, W1, b1, num_nodes)
    h = jax.nn.relu(h)
    # F.dropout(training=self.training): identity in eval mode
    out = _gcn_conv(h, src, dst, norm, W2, b2, num_nodes)
    return out

if __name__ == "__main__":
    import jax
    _d = setup_inputs()
    print(jax.jit(kernel)(*tuple(_d.values())))

</pallas_src>

<mosaic_0001>
#map = affine_map<(d0, d1) -> (0, 0, 0)>
module attributes {stable_mosaic.version = 14 : i64} {
  func.func @_deg_body(%arg0: i32, %arg1: i32, %arg2: memref<32x80x128xi32, #tpu.memory_space<hbm>>, %arg3: memref<10240x2x16xf32, #tpu.memory_space<hbm>>, %arg4: memref<80x128xi32, #tpu.memory_space<vmem>>, %arg5: memref<80x128xi32, #tpu.memory_space<vmem>>, %arg6: memref<128x16xf32, #tpu.memory_space<vmem>>, %arg7: memref<10240x16xf32, #tpu.memory_space<vmem_shared>>, %arg8: memref<!tpu.dma_semaphore, #tpu.memory_space<semaphore_mem>>) attributes {dimension_semantics = [#tpu.dimension_semantics<core_parallel>, #tpu.dimension_semantics<subcore_parallel>], iteration_bounds = array<i64: 2, 16>, scalar_prefetch = 0 : i64, scratch_operands = 5 : i64, tpu.core_type = #tpu.core_type<sc_vector_subcore>, window_params = [{transform_indices = #map}, {transform_indices = #map}]} {
    %mul3A = arith.constant 2 : i32
    %mul3A_0 = arith.muli %mul3A, %arg1 : i32
    %add3A = arith.addi %mul3A_0, %arg0 : i32
    %broadcast_in_dim3A = arith.constant 0.000000e+00 : f32
    %broadcast_in_dim3A_1 = vector.broadcast %broadcast_in_dim3A : f32 to vector<16xf32>
    %swap3A = arith.constant 0 : i32
    %swap3A_2 = arith.index_cast %swap3A : i32 to index
    %swap3A_3 = arith.constant 0 : index
    %swap3A_4 = tpu.vector_load %arg6[%swap3A_2, %swap3A_3] {strides = array<i32>} : memref<128x16xf32, #tpu.memory_space<vmem>>, vector<1x16xf32>,
    %swap3A_5 = vector.shape_cast %swap3A_4 : vector<1x16xf32> to vector<16xf32>
    %swap3A_6 = vector.shape_cast %broadcast_in_dim3A_1 : vector<16xf32> to vector<1x16xf32>
    tpu.vector_store %arg6[%swap3A_2, %swap3A_3], %swap3A_6 {strides = array<i32>} : memref<128x16xf32, #tpu.memory_space<vmem>>, vector<1x16xf32>,
    %broadcast_in_dim3A_7 = arith.constant 0.000000e+00 : f32
    %broadcast_in_dim3A_8 = vector.broadcast %broadcast_in_dim3A_7 : f32 to vector<16xf32>
    %swap3A_9 = arith.constant 1 : i32
    %swap3A_10 = arith.index_cast %swap3A_9 : i32 to index
    %swap3A_11 = arith.constant 0 : index
    %swap3A_12 = tpu.vector_load %arg6[%swap3A_10, %swap3A_11] {strides = array<i32>} : memref<128x16xf32, #tpu.memory_space<vmem>>, vector<1x16xf32>,
    %swap3A_13 = vector.shape_cast %swap3A_12 : vector<1x16xf32> to vector<16xf32>
    %swap3A_14 = vector.shape_cast %broadcast_in_dim3A_8 : vector<16xf32> to vector<1x16xf32>
    tpu.vector_store %arg6[%swap3A_10, %swap3A_11], %swap3A_14 {strides = array<i32>} : memref<128x16xf32, #tpu.memory_space<vmem>>, vector<1x16xf32>,
    %broadcast_in_dim3A_15 = arith.constant 0.000000e+00 : f32
    %broadcast_in_dim3A_16 = vector.broadcast %broadcast_in_dim3A_15 : f32 to vector<16xf32>
    %swap3A_17 = arith.constant 2 : i32
    %swap3A_18 = arith.index_cast %swap3A_17 : i32 to index
    %swap3A_19 = arith.constant 0 : index
    %swap3A_20 = tpu.vector_load %arg6[%swap3A_18, %swap3A_19] {strides = array<i32>} : memref<128x16xf32, #tpu.memory_space<vmem>>, vector<1x16xf32>,
    %swap3A_21 = vector.shape_cast %swap3A_20 : vector<1x16xf32> to vector<16xf32>
    %swap3A_22 = vector.shape_cast %broadcast_in_dim3A_16 : vector<16xf32> to vector<1x16xf32>
    tpu.vector_store %arg6[%swap3A_18, %swap3A_19], %swap3A_22 {strides = array<i32>} : memref<128x16xf32, #tpu.memory_space<vmem>>, vector<1x16xf32>,
    %broadcast_in_dim3A_23 = arith.constant 0.000000e+00 : f32
    %broadcast_in_dim3A_24 = vector.broadcast %broadcast_in_dim3A_23 : f32 to vector<16xf32>
    %swap3A_25 = arith.constant 3 : i32
    %swap3A_26 = arith.index_cast %swap3A_25 : i32 to index
    %swap3A_27 = arith.constant 0 : index
    %swap3A_28 = tpu.vector_load %arg6[%swap3A_26, %swap3A_27] {strides = array<i32>} : memref<128x16xf32, #tpu.memory_space<vmem>>, vector<1x16xf32>,
    %swap3A_29 = vector.shape_cast %swap3A_28 : vector<1x16xf32> to vector<16xf32>
    %swap3A_30 = vector.shape_cast %broadcast_in_dim3A_24 : vector<16xf32> to vector<1x16xf32>
    tpu.vector_store %arg6[%swap3A_26, %swap3A_27], %swap3A_30 {strides = array<i32>} : memref<128x16xf32, #tpu.memory_space<vmem>>, vector<1x16xf32>,
    %broadcast_in_dim3A_31 = arith.constant 0.000000e+00 : f32
    %broadcast_in_dim3A_32 = vector.broadcast %broadcast_in_dim3A_31 : f32 to vector<16xf32>
    %swap3A_33 = arith.constant 4 : i32
    %swap3A_34 = arith.index_cast %swap3A_33 : i32 to index
    %swap3A_35 = arith.constant 0 : index
    %swap3A_36 = tpu.vector_load %arg6[%swap3A_34, %swap3A_35] {strides = array<i32>} : memref<128x16xf32, #tpu.memory_space<vmem>>, vector<1x16xf32>,
    %swap3A_37 = vector.shape_cast %swap3A_36 : vector<1x16xf32> to vector<16xf32>
    %swap3A_38 = vector.shape_cast %broadcast_in_dim3A_32 : vector<16xf32> to vector<1x16xf32>
    tpu.vector_store %arg6[%swap3A_34, %swap3A_35], %swap3A_38 {strides = array<i32>} : memref<128x16xf32, #tpu.memory_space<vmem>>, vector<1x16xf32>,
    %broadcast_in_dim3A_39 = arith.constant 0.000000e+00 : f32
    %broadcast_in_dim3A_40 = vector.broadcast %broadcast_in_dim3A_39 : f32 to vector<16xf32>
    %swap3A_41 = arith.constant 5 : i32
    %swap3A_42 = arith.index_cast %swap3A_41 : i32 to index
    %swap3A_43 = arith.constant 0 : index
    %swap3A_44 = tpu.vector_load %arg6[%swap3A_42, %swap3A_43] {strides = array<i32>} : memref<128x16xf32, #tpu.memory_space<vmem>>, vector<1x16xf32>,
    %swap3A_45 = vector.shape_cast %swap3A_44 : vector<1x16xf32> to vector<16xf32>
    %swap3A_46 = vector.shape_cast %broadcast_in_dim3A_40 : vector<16xf32> to vector<1x16xf32>
    tpu.vector_store %arg6[%swap3A_42, %swap3A_43], %swap3A_46 {strides = array<i32>} : memref<128x16xf32, #tpu.memory_space<vmem>>, vector<1x16xf32>,
    %broadcast_in_dim3A_47 = arith.constant 0.000000e+00 : f32
    %broadcast_in_dim3A_48 = vector.broadcast %broadcast_in_dim3A_47 : f32 to vector<16xf32>
    %swap3A_49 = arith.constant 6 : i32
    %swap3A_50 = arith.index_cast %swap3A_49 : i32 to index
    %swap3A_51 = arith.constant 0 : index
    %swap3A_52 = tpu.vector_load %arg6[%swap3A_50, %swap3A_51] {strides = array<i32>} : memref<128x16xf32, #tpu.memory_space<vmem>>, vector<1x16xf32>,
    %swap3A_53 = vector.shape_cast %swap3A_52 : vector<1x16xf32> to vector<16xf32>
    %swap3A_54 = vector.shape_cast %broadcast_in_dim3A_48 : vector<16xf32> to vector<1x16xf32>
    tpu.vector_store %arg6[%swap3A_50, %swap3A_51], %swap3A_54 {strides = array<i32>} : memref<128x16xf32, #tpu.memory_space<vmem>>, vector<1x16xf32>,
    %broadcast_in_dim3A_55 = arith.constant 0.000000e+00 : f32
    %broadcast_in_dim3A_56 = vector.broadcast %broadcast_in_dim3A_55 : f32 to vector<16xf32>
    %swap3A_57 = arith.constant 7 : i32
    %swap3A_58 = arith.index_cast %swap3A_57 : i32 to index
    %swap3A_59 = arith.constant 0 : index
    %swap3A_60 = tpu.vector_load %arg6[%swap3A_58, %swap3A_59] {strides = array<i32>} : memref<128x16xf32, #tpu.memory_space<vmem>>, vector<1x16xf32>,
    %swap3A_61 = vector.shape_cast %swap3A_60 : vector<1x16xf32> to vector<16xf32>
    %swap3A_62 = vector.shape_cast %broadcast_in_dim3A_56 : vector<16xf32> to vector<1x16xf32>
    tpu.vector_store %arg6[%swap3A_58, %swap3A_59], %swap3A_62 {strides = array<i32>} : memref<128x16xf32, #tpu.memory_space<vmem>>, vector<1x16xf32>,
    %broadcast_in_dim3A_63 = arith.constant 0.000000e+00 : f32
    %broadcast_in_dim3A_64 = vector.broadcast %broadcast_in_dim3A_63 : f32 to vector<16xf32>
    %swap3A_65 = arith.constant 8 : i32
    %swap3A_66 = arith.index_cast %swap3A_65 : i32 to index
    %swap3A_67 = arith.constant 0 : index
    %swap3A_68 = tpu.vector_load %arg6[%swap3A_66, %swap3A_67] {strides = array<i32>} : memref<128x16xf32, #tpu.memory_space<vmem>>, vector<1x16xf32>,
    %swap3A_69 = vector.shape_cast %swap3A_68 : vector<1x16xf32> to vector<16xf32>
    %swap3A_70 = vector.shape_cast %broadcast_in_dim3A_64 : vector<16xf32> to vector<1x16xf32>
    tpu.vector_store %arg6[%swap3A_66, %swap3A_67], %swap3A_70 {strides = array<i32>} : memref<128x16xf32, #tpu.memory_space<vmem>>, vector<1x16xf32>,
    %broadcast_in_dim3A_71 = arith.constant 0.000000e+00 : f32
    %broadcast_in_dim3A_72 = vector.broadcast %broadcast_in_dim3A_71 : f32 to vector<16xf32>
    %swap3A_73 = arith.constant 9 : i32
    %swap3A_74 = arith.index_cast %swap3A_73 : i32 to index
    %swap3A_75 = arith.constant 0 : index
    %swap3A_76 = tpu.vector_load %arg6[%swap3A_74, %swap3A_75] {strides = array<i32>} : memref<128x16xf32, #tpu.memory_space<vmem>>, vector<1x16xf32>,
    %swap3A_77 = vector.shape_cast %swap3A_76 : vector<1x16xf32> to vector<16xf32>
    %swap3A_78 = vector.shape_cast %broadcast_in_dim3A_72 : vector<16xf32> to vector<1x16xf32>
    tpu.vector_store %arg6[%swap3A_74, %swap3A_75], %swap3A_78 {strides = array<i32>} : memref<128x16xf32, #tpu.memory_space<vmem>>, vector<1x16xf32>,
    %broadcast_in_dim3A_79 = arith.constant 0.000000e+00 : f32
    %broadcast_in_dim3A_80 = vector.broadcast %broadcast_in_dim3A_79 : f32 to vector<16xf32>
    %swap3A_81 = arith.constant 10 : i32
    %swap3A_82 = arith.index_cast %swap3A_81 : i32 to index
    %swap3A_83 = arith.constant 0 : index
    %swap3A_84 = tpu.vector_load %arg6[%swap3A_82, %swap3A_83] {strides = array<i32>} : memref<128x16xf32, #tpu.memory_space<vmem>>, vector<1x16xf32>,
    %swap3A_85 = vector.shape_cast %swap3A_84 : vector<1x16xf32> to vector<16xf32>
    %swap3A_86 = vector.shape_cast %broadcast_in_dim3A_80 : vector<16xf32> to vector<1x16xf32>
    tpu.vector_store %arg6[%swap3A_82, %swap3A_83], %swap3A_86 {strides = array<i32>} : memref<128x16xf32, #tpu.memory_space<vmem>>, vector<1x16xf32>,
    %broadcast_in_dim3A_87 = arith.constant 0.000000e+00 : f32
    %broadcast_in_dim3A_88 = vector.broadcast %broadcast_in_dim3A_87 : f32 to vector<16xf32>
    %swap3A_89 = arith.constant 11 : i32
    %swap3A_90 = arith.index_cast %swap3A_89 : i32 to index
    %swap3A_91 = arith.constant 0 : index
    %swap3A_92 = tpu.vector_load %arg6[%swap3A_90, %swap3A_91] {strides = array<i32>} : memref<128x16xf32, #tpu.memory_space<vmem>>, vector<1x16xf32>,
    %swap3A_93 = vector.shape_cast %swap3A_92 : vector<1x16xf32> to vector<16xf32>
    %swap3A_94 = vector.shape_cast %broadcast_in_dim3A_88 : vector<16xf32> to vector<1x16xf32>
    tpu.vector_store %arg6[%swap3A_90, %swap3A_91], %swap3A_94 {strides = array<i32>} : memref<128x16xf32, #tpu.memory_space<vmem>>, vector<1x16xf32>,
    %broadcast_in_dim3A_95 = arith.constant 0.000000e+00 : f32
    %broadcast_in_dim3A_96 = vector.broadcast %broadcast_in_dim3A_95 : f32 to vector<16xf32>
    %swap3A_97 = arith.constant 12 : i32
    %swap3A_98 = arith.index_cast %swap3A_97 : i32 to index
    %swap3A_99 = arith.constant 0 : index
    %swap3A_100 = tpu.vector_load %arg6[%swap3A_98, %swap3A_99] {strides = array<i32>} : memref<128x16xf32, #tpu.memory_space<vmem>>, vector<1x16xf32>,
    %swap3A_101 = vector.shape_cast %swap3A_100 : vector<1x16xf32> to vector<16xf32>
    %swap3A_102 = vector.shape_cast %broadcast_in_dim3A_96 : vector<16xf32> to vector<1x16xf32>
    tpu.vector_store %arg6[%swap3A_98, %swap3A_99], %swap3A_102 {strides = array<i32>} : memref<128x16xf32, #tpu.memory_space<vmem>>, vector<1x16xf32>,
    %broadcast_in_dim3A_103 = arith.constant 0.000000e+00 : f32
    %broadcast_in_dim3A_104 = vector.broadcast %broadcast_in_dim3A_103 : f32 to vector<16xf32>
    %swap3A_105 = arith.constant 13 : i32
    %swap3A_106 = arith.index_cast %swap3A_105 : i32 to index
    %swap3A_107 = arith.constant 0 : index
    %swap3A_108 = tpu.vector_load %arg6[%swap3A_106, %swap3A_107] {strides = array<i32>} : memref<128x16xf32, #tpu.memory_space<vmem>>, vector<1x16xf32>,
    %swap3A_109 = vector.shape_cast %swap3A_108 : vector<1x16xf32> to vector<16xf32>
    %swap3A_110 = vector.shape_cast %broadcast_in_dim3A_104 : vector<16xf32> to vector<1x16xf32>
    tpu.vector_store %arg6[%swap3A_106, %swap3A_107], %swap3A_110 {strides = array<i32>} : memref<128x16xf32, #tpu.memory_space<vmem>>, vector<1x16xf32>,
    %broadcast_in_dim3A_111 = arith.constant 0.000000e+00 : f32
    %broadcast_in_dim3A_112 = vector.broadcast %broadcast_in_dim3A_111 : f32 to vector<16xf32>
    %swap3A_113 = arith.constant 14 : i32
    %swap3A_114 = arith.index_cast %swap3A_113 : i32 to index
    %swap3A_115 = arith.constant 0 : index
    %swap3A_116 = tpu.vector_load %arg6[%swap3A_114, %swap3A_115] {strides = array<i32>} : memref<128x16xf32, #tpu.memory_space<vmem>>, vector<1x16xf32>,
    %swap3A_117 = vector.shape_cast %swap3A_116 : vector<1x16xf32> to vector<16xf32>
    %swap3A_118 = vector.shape_cast %broadcast_in_dim3A_112 : vector<16xf32> to vector<1x16xf32>
    tpu.vector_store %arg6[%swap3A_114, %swap3A_115], %swap3A_118 {strides = array<i32>} : memref<128x16xf32, #tpu.memory_space<vmem>>, vector<1x16xf32>,
    %broadcast_in_dim3A_119 = arith.constant 0.000000e+00 : f32
    %broadcast_in_dim3A_120 = vector.broadcast %broadcast_in_dim3A_119 : f32 to vector<16xf32>
    %swap3A_121 = arith.constant 15 : i32
    %swap3A_122 = arith.index_cast %swap3A_121 : i32 to index
    %swap3A_123 = arith.constant 0 : index
    %swap3A_124 = tpu.vector_load %arg6[%swap3A_122, %swap3A_123] {strides = array<i32>} : memref<128x16xf32, #tpu.memory_space<vmem>>, vector<1x16xf32>,
    %swap3A_125 = vector.shape_cast %swap3A_124 : vector<1x16xf32> to vector<16xf32>
    %swap3A_126 = vector.shape_cast %broadcast_in_dim3A_120 : vector<16xf32> to vector<1x16xf32>
    tpu.vector_store %arg6[%swap3A_122, %swap3A_123], %swap3A_126 {strides = array<i32>} : memref<128x16xf32, #tpu.memory_space<vmem>>, vector<1x16xf32>,
    %broadcast_in_dim3A_127 = arith.constant 0.000000e+00 : f32
    %broadcast_in_dim3A_128 = vector.broadcast %broadcast_in_dim3A_127 : f32 to vector<16xf32>
    %swap3A_129 = arith.constant 16 : i32
    %swap3A_130 = arith.index_cast %swap3A_129 : i32 to index
    %swap3A_131 = arith.constant 0 : index
    %swap3A_132 = tpu.vector_load %arg6[%swap3A_130, %swap3A_131] {strides = array<i32>} : memref<128x16xf32, #tpu.memory_space<vmem>>, vector<1x16xf32>,
    %swap3A_133 = vector.shape_cast %swap3A_132 : vector<1x16xf32> to vector<16xf32>
    %swap3A_134 = vector.shape_cast %broadcast_in_dim3A_128 : vector<16xf32> to vector<1x16xf32>
    tpu.vector_store %arg6[%swap3A_130, %swap3A_131], %swap3A_134 {strides = array<i32>} : memref<128x16xf32, #tpu.memory_space<vmem>>, vector<1x16xf32>,
    %broadcast_in_dim3A_135 = arith.constant 0.000000e+00 : f32
    %broadcast_in_dim3A_136 = vector.broadcast %broadcast_in_dim3A_135 : f32 to vector<16xf32>
    %swap3A_137 = arith.constant 17 : i32
    %swap3A_138 = arith.index_cast %swap3A_137 : i32 to index
    %swap3A_139 = arith.constant 0 : index
    %swap3A_140 = tpu.vector_load %arg6[%swap3A_138, %swap3A_139] {strides = array<i32>} : memref<128x16xf32, #tpu.memory_space<vmem>>, vector<1x16xf32>,
    %swap3A_141 = vector.shape_cast %swap3A_140 : vector<1x16xf32> to vector<16xf32>
    %swap3A_142 = vector.shape_cast %broadcast_in_dim3A_136 : vector<16xf32> to vector<1x16xf32>
    tpu.vector_store %arg6[%swap3A_138, %swap3A_139], %swap3A_142 {strides = array<i32>} : memref<128x16xf32, #tpu.memory_space<vmem>>, vector<1x16xf32>,
    %broadcast_in_dim3A_143 = arith.constant 0.000000e+00 : f32
    %broadcast_in_dim3A_144 = vector.broadcast %broadcast_in_dim3A_143 : f32 to vector<16xf32>
    %swap3A_145 = arith.constant 18 : i32
    %swap3A_146 = arith.index_cast %swap3A_145 : i32 to index
    %swap3A_147 = arith.constant 0 : index
    %swap3A_148 = tpu.vector_load %arg6[%swap3A_146, %swap3A_147] {strides = array<i32>} : memref<128x16xf32, #tpu.memory_space<vmem>>, vector<1x16xf32>,
    %swap3A_149 = vector.shape_cast %swap3A_148 : vector<1x16xf32> to vector<16xf32>
    %swap3A_150 = vector.shape_cast %broadcast_in_dim3A_144 : vector<16xf32> to vector<1x16xf32>
    tpu.vector_store %arg6[%swap3A_146, %swap3A_147], %swap3A_150 {strides = array<i32>} : memref<128x16xf32, #tpu.memory_space<vmem>>, vector<1x16xf32>,
    %broadcast_in_dim3A_151 = arith.constant 0.000000e+00 : f32
    %broadcast_in_dim3A_152 = vector.broadcast %broadcast_in_dim3A_151 : f32 to vector<16xf32>
    %swap3A_153 = arith.constant 19 : i32
    %swap3A_154 = arith.index_cast %swap3A_153 : i32 to index
    %swap3A_155 = arith.constant 0 : index
    %swap3A_156 = tpu.vector_load %arg6[%swap3A_154, %swap3A_155] {strides = array<i32>} : memref<128x16xf32, #tpu.memory_space<vmem>>, vector<1x16xf32>,
    %swap3A_157 = vector.shape_cast %swap3A_156 : vector<1x16xf32> to vector<16xf32>
    %swap3A_158 = vector.shape_cast %broadcast_in_dim3A_152 : vector<16xf32> to vector<1x16xf32>
    tpu.vector_store %arg6[%swap3A_154, %swap3A_155], %swap3A_158 {strides = array<i32>} : memref<128x16xf32, #tpu.memory_space<vmem>>, vector<1x16xf32>,
    %broadcast_in_dim3A_159 = arith.constant 0.000000e+00 : f32
    %broadcast_in_dim3A_160 = vector.broadcast %broadcast_in_dim3A_159 : f32 to vector<16xf32>
    %swap3A_161 = arith.constant 20 : i32
    %swap3A_162 = arith.index_cast %swap3A_161 : i32 to index
    %swap3A_163 = arith.constant 0 : index
    %swap3A_164 = tpu.vector_load %arg6[%swap3A_162, %swap3A_163] {strides = array<i32>} : memref<128x16xf32, #tpu.memory_space<vmem>>, vector<1x16xf32>,
    %swap3A_165 = vector.shape_cast %swap3A_164 : vector<1x16xf32> to vector<16xf32>
    %swap3A_166 = vector.shape_cast %broadcast_in_dim3A_160 : vector<16xf32> to vector<1x16xf32>
    tpu.vector_store %arg6[%swap3A_162, %swap3A_163], %swap3A_166 {strides = array<i32>} : memref<128x16xf32, #tpu.memory_space<vmem>>, vector<1x16xf32>,
    %broadcast_in_dim3A_167 = arith.constant 0.000000e+00 : f32
    %broadcast_in_dim3A_168 = vector.broadcast %broadcast_in_dim3A_167 : f32 to vector<16xf32>
    %swap3A_169 = arith.constant 21 : i32
    %swap3A_170 = arith.index_cast %swap3A_169 : i32 to index
    %swap3A_171 = arith.constant 0 : index
    %swap3A_172 = tpu.vector_load %arg6[%swap3A_170, %swap3A_171] {strides = array<i32>} : memref<128x16xf32, #tpu.memory_space<vmem>>, vector<1x16xf32>,
    %swap3A_173 = vector.shape_cast %swap3A_172 : vector<1x16xf32> to vector<16xf32>
    %swap3A_174 = vector.shape_cast %broadcast_in_dim3A_168 : vector<16xf32> to vector<1x16xf32>
    tpu.vector_store %arg6[%swap3A_170, %swap3A_171], %swap3A_174 {strides = array<i32>} : memref<128x16xf32, #tpu.memory_space<vmem>>, vector<1x16xf32>,
    %broadcast_in_dim3A_175 = arith.constant 0.000000e+00 : f32
    %broadcast_in_dim3A_176 = vector.broadcast %broadcast_in_dim3A_175 : f32 to vector<16xf32>
    %swap3A_177 = arith.constant 22 : i32
    %swap3A_178 = arith.index_cast %swap3A_177 : i32 to index
    %swap3A_179 = arith.constant 0 : index
    %swap3A_180 = tpu.vector_load %arg6[%swap3A_178, %swap3A_179] {strides = array<i32>} : memref<128x16xf32, #tpu.memory_space<vmem>>, vector<1x16xf32>,
    %swap3A_181 = vector.shape_cast %swap3A_180 : vector<1x16xf32> to vector<16xf32>
    %swap3A_182 = vector.shape_cast %broadcast_in_dim3A_176 : vector<16xf32> to vector<1x16xf32>
    tpu.vector_store %arg6[%swap3A_178, %swap3A_179], %swap3A_182 {strides = array<i32>} : memref<128x16xf32, #tpu.memory_space<vmem>>, vector<1x16xf32>,
    %broadcast_in_dim3A_183 = arith.constant 0.000000e+00 : f32
    %broadcast_in_dim3A_184 = vector.broadcast %broadcast_in_dim3A_183 : f32 to vector<16xf32>
    %swap3A_185 = arith.constant 23 : i32
    %swap3A_186 = arith.index_cast %swap3A_185 : i32 to index
    %swap3A_187 = arith.constant 0 : index
    %swap3A_188 = tpu.vector_load %arg6[%swap3A_186, %swap3A_187] {strides = array<i32>} : memref<128x16xf32, #tpu.memory_space<vmem>>, vector<1x16xf32>,
    %swap3A_189 = vector.shape_cast %swap3A_188 : vector<1x16xf32> to vector<16xf32>
    %swap3A_190 = vector.shape_cast %broadcast_in_dim3A_184 : vector<16xf32> to vector<1x16xf32>
    tpu.vector_store %arg6[%swap3A_186, %swap3A_187], %swap3A_190 {strides = array<i32>} : memref<128x16xf32, #tpu.memory_space<vmem>>, vector<1x16xf32>,
    %broadcast_in_dim3A_191 = arith.constant 0.000000e+00 : f32
    %broadcast_in_dim3A_192 = vector.broadcast %broadcast_in_dim3A_191 : f32 to vector<16xf32>
    %swap3A_193 = arith.constant 24 : i32
    %swap3A_194 = arith.index_cast %swap3A_193 : i32 to index
    %swap3A_195 = arith.constant 0 : index
    %swap3A_196 = tpu.vector_load %arg6[%swap3A_194, %swap3A_195] {strides = array<i32>} : memref<128x16xf32, #tpu.memory_space<vmem>>, vector<1x16xf32>,
    %swap3A_197 = vector.shape_cast %swap3A_196 : vector<1x16xf32> to vector<16xf32>
    %swap3A_198 = vector.shape_cast %broadcast_in_dim3A_192 : vector<16xf32> to vector<1x16xf32>
    tpu.vector_store %arg6[%swap3A_194, %swap3A_195], %swap3A_198 {strides = array<i32>} : memref<128x16xf32, #tpu.memory_space<vmem>>, vector<1x16xf32>,
    %broadcast_in_dim3A_199 = arith.constant 0.000000e+00 : f32
    %broadcast_in_dim3A_200 = vector.broadcast %broadcast_in_dim3A_199 : f32 to vector<16xf32>
    %swap3A_201 = arith.constant 25 : i32
    %swap3A_202 = arith.index_cast %swap3A_201 : i32 to index
    %swap3A_203 = arith.constant 0 : index
    %swap3A_204 = tpu.vector_load %arg6[%swap3A_202, %swap3A_203] {strides = array<i32>} : memref<128x16xf32, #tpu.memory_space<vmem>>, vector<1x16xf32>,
    %swap3A_205 = vector.shape_cast %swap3A_204 : vector<1x16xf32> to vector<16xf32>
    %swap3A_206 = vector.shape_cast %broadcast_in_dim3A_200 : vector<16xf32> to vector<1x16xf32>
    tpu.vector_store %arg6[%swap3A_202, %swap3A_203], %swap3A_206 {strides = array<i32>} : memref<128x16xf32, #tpu.memory_space<vmem>>, vector<1x16xf32>,
    %broadcast_in_dim3A_207 = arith.constant 0.000000e+00 : f32
    %broadcast_in_dim3A_208 = vector.broadcast %broadcast_in_dim3A_207 : f32 to vector<16xf32>
    %swap3A_209 = arith.constant 26 : i32
    %swap3A_210 = arith.index_cast %swap3A_209 : i32 to index
    %swap3A_211 = arith.constant 0 : index
    %swap3A_212 = tpu.vector_load %arg6[%swap3A_210, %swap3A_211] {strides = array<i32>} : memref<128x16xf32, #tpu.memory_space<vmem>>, vector<1x16xf32>,
    %swap3A_213 = vector.shape_cast %swap3A_212 : vector<1x16xf32> to vector<16xf32>
    %swap3A_214 = vector.shape_cast %broadcast_in_dim3A_208 : vector<16xf32> to vector<1x16xf32>
    tpu.vector_store %arg6[%swap3A_210, %swap3A_211], %swap3A_214 {strides = array<i32>} : memref<128x16xf32, #tpu.memory_space<vmem>>, vector<1x16xf32>,
    %broadcast_in_dim3A_215 = arith.constant 0.000000e+00 : f32
    %broadcast_in_dim3A_216 = vector.broadcast %broadcast_in_dim3A_215 : f32 to vector<16xf32>
    %swap3A_217 = arith.constant 27 : i32
    %swap3A_218 = arith.index_cast %swap3A_217 : i32 to index
    %swap3A_219 = arith.constant 0 : index
    %swap3A_220 = tpu.vector_load %arg6[%swap3A_218, %swap3A_219] {strides = array<i32>} : memref<128x16xf32, #tpu.memory_space<vmem>>, vector<1x16xf32>,
    %swap3A_221 = vector.shape_cast %swap3A_220 : vector<1x16xf32> to vector<16xf32>
    %swap3A_222 = vector.shape_cast %broadcast_in_dim3A_216 : vector<16xf32> to vector<1x16xf32>
    tpu.vector_store %arg6[%swap3A_218, %swap3A_219], %swap3A_222 {strides = array<i32>} : memref<128x16xf32, #tpu.memory_space<vmem>>, vector<1x16xf32>,
    %broadcast_in_dim3A_223 = arith.constant 0.000000e+00 : f32
    %broadcast_in_dim3A_224 = vector.broadcast %broadcast_in_dim3A_223 : f32 to vector<16xf32>
    %swap3A_225 = arith.constant 28 : i32
    %swap3A_226 = arith.index_cast %swap3A_225 : i32 to index
    %swap3A_227 = arith.constant 0 : index
    %swap3A_228 = tpu.vector_load %arg6[%swap3A_226, %swap3A_227] {strides = array<i32>} : memref<128x16xf32, #tpu.memory_space<vmem>>, vector<1x16xf32>,
    %swap3A_229 = vector.shape_cast %swap3A_228 : vector<1x16xf32> to vector<16xf32>
    %swap3A_230 = vector.shape_cast %broadcast_in_dim3A_224 : vector<16xf32> to vector<1x16xf32>
    tpu.vector_store %arg6[%swap3A_226, %swap3A_227], %swap3A_230 {strides = array<i32>} : memref<128x16xf32, #tpu.memory_space<vmem>>, vector<1x16xf32>,
    %broadcast_in_dim3A_231 = arith.constant 0.000000e+00 : f32
    %broadcast_in_dim3A_232 = vector.broadcast %broadcast_in_dim3A_231 : f32 to vector<16xf32>
    %swap3A_233 = arith.constant 29 : i32
    %swap3A_234 = arith.index_cast %swap3A_233 : i32 to index
    %swap3A_235 = arith.constant 0 : index
    %swap3A_236 = tpu.vector_load %arg6[%swap3A_234, %swap3A_235] {strides = array<i32>} : memref<128x16xf32, #tpu.memory_space<vmem>>, vector<1x16xf32>,
    %swap3A_237 = vector.shape_cast %swap3A_236 : vector<1x16xf32> to vector<16xf32>
    %swap3A_238 = vector.shape_cast %broadcast_in_dim3A_232 : vector<16xf32> to vector<1x16xf32>
    tpu.vector_store %arg6[%swap3A_234, %swap3A_235], %swap3A_238 {strides = array<i32>} : memref<128x16xf32, #tpu.memory_space<vmem>>, vector<1x16xf32>,
    %broadcast_in_dim3A_239 = arith.constant 0.000000e+00 : f32
    %broadcast_in_dim3A_240 = vector.broadcast %broadcast_in_dim3A_239 : f32 to vector<16xf32>
    %swap3A_241 = arith.constant 30 : i32
    %swap3A_242 = arith.index_cast %swap3A_241 : i32 to index
    %swap3A_243 = arith.constant 0 : index
    %swap3A_244 = tpu.vector_load %arg6[%swap3A_242, %swap3A_243] {strides = array<i32>} : memref<128x16xf32, #tpu.memory_space<vmem>>, vector<1x16xf32>,
    %swap3A_245 = vector.shape_cast %swap3A_244 : vector<1x16xf32> to vector<16xf32>
    %swap3A_246 = vector.shape_cast %broadcast_in_dim3A_240 : vector<16xf32> to vector<1x16xf32>
    tpu.vector_store %arg6[%swap3A_242, %swap3A_243], %swap3A_246 {strides = array<i32>} : memref<128x16xf32, #tpu.memory_space<vmem>>, vector<1x16xf32>,
    %broadcast_in_dim3A_247 = arith.constant 0.000000e+00 : f32
    %broadcast_in_dim3A_248 = vector.broadcast %broadcast_in_dim3A_247 : f32 to vector<16xf32>
    %swap3A_249 = arith.constant 31 : i32
    %swap3A_250 = arith.index_cast %swap3A_249 : i32 to index
    %swap3A_251 = arith.constant 0 : index
    %swap3A_252 = tpu.vector_load %arg6[%swap3A_250, %swap3A_251] {strides = array<i32>} : memref<128x16xf32, #tpu.memory_space<vmem>>, vector<1x16xf32>,
    %swap3A_253 = vector.shape_cast %swap3A_252 : vector<1x16xf32> to vector<16xf32>
    %swap3A_254 = vector.shape_cast %broadcast_in_dim3A_248 : vector<16xf32> to vector<1x16xf32>
    tpu.vector_store %arg6[%swap3A_250, %swap3A_251], %swap3A_254 {strides = array<i32>} : memref<128x16xf32, #tpu.memory_space<vmem>>, vector<1x16xf32>,
    %broadcast_in_dim3A_255 = arith.constant 0.000000e+00 : f32
    %broadcast_in_dim3A_256 = vector.broadcast %broadcast_in_dim3A_255 : f32 to vector<16xf32>
    %swap3A_257 = arith.constant 32 : i32
    %swap3A_258 = arith.index_cast %swap3A_257 : i32 to index
    %swap3A_259 = arith.constant 0 : index
    %swap3A_260 = tpu.vector_load %arg6[%swap3A_258, %swap3A_259] {strides = array<i32>} : memref<128x16xf32, #tpu.memory_space<vmem>>, vector<1x16xf32>,
    %swap3A_261 = vector.shape_cast %swap3A_260 : vector<1x16xf32> to vector<16xf32>
    %swap3A_262 = vector.shape_cast %broadcast_in_dim3A_256 : vector<16xf32> to vector<1x16xf32>
    tpu.vector_store %arg6[%swap3A_258, %swap3A_259], %swap3A_262 {strides = array<i32>} : memref<128x16xf32, #tpu.memory_space<vmem>>, vector<1x16xf32>,
    %broadcast_in_dim3A_263 = arith.constant 0.000000e+00 : f32
    %broadcast_in_dim3A_264 = vector.broadcast %broadcast_in_dim3A_263 : f32 to vector<16xf32>
    %swap3A_265 = arith.constant 33 : i32
    %swap3A_266 = arith.index_cast %swap3A_265 : i32 to index
    %swap3A_267 = arith.constant 0 : index
    %swap3A_268 = tpu.vector_load %arg6[%swap3A_266, %swap3A_267] {strides = array<i32>} : memref<128x16xf32, #tpu.memory_space<vmem>>, vector<1x16xf32>,
    %swap3A_269 = vector.shape_cast %swap3A_268 : vector<1x16xf32> to vector<16xf32>
    %swap3A_270 = vector.shape_cast %broadcast_in_dim3A_264 : vector<16xf32> to vector<1x16xf32>
    tpu.vector_store %arg6[%swap3A_266, %swap3A_267], %swap3A_270 {strides = array<i32>} : memref<128x16xf32, #tpu.memory_space<vmem>>, vector<1x16xf32>,
    %broadcast_in_dim3A_271 = arith.constant 0.000000e+00 : f32
    %broadcast_in_dim3A_272 = vector.broadcast %broadcast_in_dim3A_271 : f32 to vector<16xf32>
    %swap3A_273 = arith.constant 34 : i32
    %swap3A_274 = arith.index_cast %swap3A_273 : i32 to index
    %swap3A_275 = arith.constant 0 : index
    %swap3A_276 = tpu.vector_load %arg6[%swap3A_274, %swap3A_275] {strides = array<i32>} : memref<128x16xf32, #tpu.memory_space<vmem>>, vector<1x16xf32>,
    %swap3A_277 = vector.shape_cast %swap3A_276 : vector<1x16xf32> to vector<16xf32>
    %swap3A_278 = vector.shape_cast %broadcast_in_dim3A_272 : vector<16xf32> to vector<1x16xf32>
    tpu.vector_store %arg6[%swap3A_274, %swap3A_275], %swap3A_278 {strides = array<i32>} : memref<128x16xf32, #tpu.memory_space<vmem>>, vector<1x16xf32>,
    %broadcast_in_dim3A_279 = arith.constant 0.000000e+00 : f32
    %broadcast_in_dim3A_280 = vector.broadcast %broadcast_in_dim3A_279 : f32 to vector<16xf32>
    %swap3A_281 = arith.constant 35 : i32
    %swap3A_282 = arith.index_cast %swap3A_281 : i32 to index
    %swap3A_283 = arith.constant 0 : index
    %swap3A_284 = tpu.vector_load %arg6[%swap3A_282, %swap3A_283] {strides = array<i32>} : memref<128x16xf32, #tpu.memory_space<vmem>>, vector<1x16xf32>,
    %swap3A_285 = vector.shape_cast %swap3A_284 : vector<1x16xf32> to vector<16xf32>
    %swap3A_286 = vector.shape_cast %broadcast_in_dim3A_280 : vector<16xf32> to vector<1x16xf32>
    tpu.vector_store %arg6[%swap3A_282, %swap3A_283], %swap3A_286 {strides = array<i32>} : memref<128x16xf32, #tpu.memory_space<vmem>>, vector<1x16xf32>,
    %broadcast_in_dim3A_287 = arith.constant 0.000000e+00 : f32
    %broadcast_in_dim3A_288 = vector.broadcast %broadcast_in_dim3A_287 : f32 to vector<16xf32>
    %swap3A_289 = arith.constant 36 : i32
    %swap3A_290 = arith.index_cast %swap3A_289 : i32 to index
    %swap3A_291 = arith.constant 0 : index
    %swap3A_292 = tpu.vector_load %arg6[%swap3A_290, %swap3A_291] {strides = array<i32>} : memref<128x16xf32, #tpu.memory_space<vmem>>, vector<1x16xf32>,
    %swap3A_293 = vector.shape_cast %swap3A_292 : vector<1x16xf32> to vector<16xf32>
    %swap3A_294 = vector.shape_cast %broadcast_in_dim3A_288 : vector<16xf32> to vector<1x16xf32>
    tpu.vector_store %arg6[%swap3A_290, %swap3A_291], %swap3A_294 {strides = array<i32>} : memref<128x16xf32, #tpu.memory_space<vmem>>, vector<1x16xf32>,
    %broadcast_in_dim3A_295 = arith.constant 0.000000e+00 : f32
    %broadcast_in_dim3A_296 = vector.broadcast %broadcast_in_dim3A_295 : f32 to vector<16xf32>
    %swap3A_297 = arith.constant 37 : i32
    %swap3A_298 = arith.index_cast %swap3A_297 : i32 to index
    %swap3A_299 = arith.constant 0 : index
    %swap3A_300 = tpu.vector_load %arg6[%swap3A_298, %swap3A_299] {strides = array<i32>} : memref<128x16xf32, #tpu.memory_space<vmem>>, vector<1x16xf32>,
    %swap3A_301 = vector.shape_cast %swap3A_300 : vector<1x16xf32> to vector<16xf32>
    %swap3A_302 = vector.shape_cast %broadcast_in_dim3A_296 : vector<16xf32> to vector<1x16xf32>
    tpu.vector_store %arg6[%swap3A_298, %swap3A_299], %swap3A_302 {strides = array<i32>} : memref<128x16xf32, #tpu.memory_space<vmem>>, vector<1x16xf32>,
    %broadcast_in_dim3A_303 = arith.constant 0.000000e+00 : f32
    %broadcast_in_dim3A_304 = vector.broadcast %broadcast_in_dim3A_303 : f32 to vector<16xf32>
    %swap3A_305 = arith.constant 38 : i32
    %swap3A_306 = arith.index_cast %swap3A_305 : i32 to index
    %swap3A_307 = arith.constant 0 : index
    %swap3A_308 = tpu.vector_load %arg6[%swap3A_306, %swap3A_307] {strides = array<i32>} : memref<128x16xf32, #tpu.memory_space<vmem>>, vector<1x16xf32>,
    %swap3A_309 = vector.shape_cast %swap3A_308 : vector<1x16xf32> to vector<16xf32>
    %swap3A_310 = vector.shape_cast %broadcast_in_dim3A_304 : vector<16xf32> to vector<1x16xf32>
    tpu.vector_store %arg6[%swap3A_306, %swap3A_307], %swap3A_310 {strides = array<i32>} : memref<128x16xf32, #tpu.memory_space<vmem>>, vector<1x16xf32>,
    %broadcast_in_dim3A_311 = arith.constant 0.000000e+00 : f32
    %broadcast_in_dim3A_312 = vector.broadcast %broadcast_in_dim3A_311 : f32 to vector<16xf32>
    %swap3A_313 = arith.constant 39 : i32
    %swap3A_314 = arith.index_cast %swap3A_313 : i32 to index
    %swap3A_315 = arith.constant 0 : index
    %swap3A_316 = tpu.vector_load %arg6[%swap3A_314, %swap3A_315] {strides = array<i32>} : memref<128x16xf32, #tpu.memory_space<vmem>>, vector<1x16xf32>,
    %swap3A_317 = vector.shape_cast %swap3A_316 : vector<1x16xf32> to vector<16xf32>
    %swap3A_318 = vector.shape_cast %broadcast_in_dim3A_312 : vector<16xf32> to vector<1x16xf32>
    tpu.vector_store %arg6[%swap3A_314, %swap3A_315], %swap3A_318 {strides = array<i32>} : memref<128x16xf32, #tpu.memory_space<vmem>>, vector<1x16xf32>,
    %broadcast_in_dim3A_319 = arith.constant 0.000000e+00 : f32
    %broadcast_in_dim3A_320 = vector.broadcast %broadcast_in_dim3A_319 : f32 to vector<16xf32>
    %swap3A_321 = arith.constant 40 : i32
    %swap3A_322 = arith.index_cast %swap3A_321 : i32 to index
    %swap3A_323 = arith.constant 0 : index
    %swap3A_324 = tpu.vector_load %arg6[%swap3A_322, %swap3A_323] {strides = array<i32>} : memref<128x16xf32, #tpu.memory_space<vmem>>, vector<1x16xf32>,
    %swap3A_325 = vector.shape_cast %swap3A_324 : vector<1x16xf32> to vector<16xf32>
    %swap3A_326 = vector.shape_cast %broadcast_in_dim3A_320 : vector<16xf32> to vector<1x16xf32>
    tpu.vector_store %arg6[%swap3A_322, %swap3A_323], %swap3A_326 {strides = array<i32>} : memref<128x16xf32, #tpu.memory_space<vmem>>, vector<1x16xf32>,
    %broadcast_in_dim3A_327 = arith.constant 0.000000e+00 : f32
    %broadcast_in_dim3A_328 = vector.broadcast %broadcast_in_dim3A_327 : f32 to vector<16xf32>
    %swap3A_329 = arith.constant 41 : i32
    %swap3A_330 = arith.index_cast %swap3A_329 : i32 to index
    %swap3A_331 = arith.constant 0 : index
    %swap3A_332 = tpu.vector_load %arg6[%swap3A_330, %swap3A_331] {strides = array<i32>} : memref<128x16xf32, #tpu.memory_space<vmem>>, vector<1x16xf32>,
    %swap3A_333 = vector.shape_cast %swap3A_332 : vector<1x16xf32> to vector<16xf32>
    %swap3A_334 = vector.shape_cast %broadcast_in_dim3A_328 : vector<16xf32> to vector<1x16xf32>
    tpu.vector_store %arg6[%swap3A_330, %swap3A_331], %swap3A_334 {strides = array<i32>} : memref<128x16xf32, #tpu.memory_space<vmem>>, vector<1x16xf32>,
    %broadcast_in_dim3A_335 = arith.constant 0.000000e+00 : f32
    %broadcast_in_dim3A_336 = vector.broadcast %broadcast_in_dim3A_335 : f32 to vector<16xf32>
    %swap3A_337 = arith.constant 42 : i32
    %swap3A_338 = arith.index_cast %swap3A_337 : i32 to index
    %swap3A_339 = arith.constant 0 : index
    %swap3A_340 = tpu.vector_load %arg6[%swap3A_338, %swap3A_339] {strides = array<i32>} : memref<128x16xf32, #tpu.memory_space<vmem>>, vector<1x16xf32>,
    %swap3A_341 = vector.shape_cast %swap3A_340 : vector<1x16xf32> to vector<16xf32>
    %swap3A_342 = vector.shape_cast %broadcast_in_dim3A_336 : vector<16xf32> to vector<1x16xf32>
    tpu.vector_store %arg6[%swap3A_338, %swap3A_339], %swap3A_342 {strides = array<i32>} : memref<128x16xf32, #tpu.memory_space<vmem>>, vector<1x16xf32>,
    %broadcast_in_dim3A_343 = arith.constant 0.000000e+00 : f32
    %broadcast_in_dim3A_344 = vector.broadcast %broadcast_in_dim3A_343 : f32 to vector<16xf32>
    %swap3A_345 = arith.constant 43 : i32
    %swap3A_346 = arith.index_cast %swap3A_345 : i32 to index
    %swap3A_347 = arith.constant 0 : index
    %swap3A_348 = tpu.vector_load %arg6[%swap3A_346, %swap3A_347] {strides = array<i32>} : memref<128x16xf32, #tpu.memory_space<vmem>>, vector<1x16xf32>,
    %swap3A_349 = vector.shape_cast %swap3A_348 : vector<1x16xf32> to vector<16xf32>
    %swap3A_350 = vector.shape_cast %broadcast_in_dim3A_344 : vector<16xf32> to vector<1x16xf32>
    tpu.vector_store %arg6[%swap3A_346, %swap3A_347], %swap3A_350 {strides = array<i32>} : memref<128x16xf32, #tpu.memory_space<vmem>>, vector<1x16xf32>,
    %broadcast_in_dim3A_351 = arith.constant 0.000000e+00 : f32
    %broadcast_in_dim3A_352 = vector.broadcast %broadcast_in_dim3A_351 : f32 to vector<16xf32>
    %swap3A_353 = arith.constant 44 : i32
    %swap3A_354 = arith.index_cast %swap3A_353 : i32 to index
    %swap3A_355 = arith.constant 0 : index
    %swap3A_356 = tpu.vector_load %arg6[%swap3A_354, %swap3A_355] {strides = array<i32>} : memref<128x16xf32, #tpu.memory_space<vmem>>, vector<1x16xf32>,
    %swap3A_357 = vector.shape_cast %swap3A_356 : vector<1x16xf32> to vector<16xf32>
    %swap3A_358 = vector.shape_cast %broadcast_in_dim3A_352 : vector<16xf32> to vector<1x16xf32>
    tpu.vector_store %arg6[%swap3A_354, %swap3A_355], %swap3A_358 {strides = array<i32>} : memref<128x16xf32, #tpu.memory_space<vmem>>, vector<1x16xf32>,
    %broadcast_in_dim3A_359 = arith.constant 0.000000e+00 : f32
    %broadcast_in_dim3A_360 = vector.broadcast %broadcast_in_dim3A_359 : f32 to vector<16xf32>
    %swap3A_361 = arith.constant 45 : i32
    %swap3A_362 = arith.index_cast %swap3A_361 : i32 to index
    %swap3A_363 = arith.constant 0 : index
    %swap3A_364 = tpu.vector_load %arg6[%swap3A_362, %swap3A_363] {strides = array<i32>} : memref<128x16xf32, #tpu.memory_space<vmem>>, vector<1x16xf32>,
    %swap3A_365 = vector.shape_cast %swap3A_364 : vector<1x16xf32> to vector<16xf32>
    %swap3A_366 = vector.shape_cast %broadcast_in_dim3A_360 : vector<16xf32> to vector<1x16xf32>
    tpu.vector_store %arg6[%swap3A_362, %swap3A_363], %swap3A_366 {strides = array<i32>} : memref<128x16xf32, #tpu.memory_space<vmem>>, vector<1x16xf32>,
    %broadcast_in_dim3A_367 = arith.constant 0.000000e+00 : f32
    %broadcast_in_dim3A_368 = vector.broadcast %broadcast_in_dim3A_367 : f32 to vector<16xf32>
    %swap3A_369 = arith.constant 46 : i32
    %swap3A_370 = arith.index_cast %swap3A_369 : i32 to index
    %swap3A_371 = arith.constant 0 : index
    %swap3A_372 = tpu.vector_load %arg6[%swap3A_370, %swap3A_371] {strides = array<i32>} : memref<128x16xf32, #tpu.memory_space<vmem>>, vector<1x16xf32>,
    %swap3A_373 = vector.shape_cast %swap3A_372 : vector<1x16xf32> to vector<16xf32>
    %swap3A_374 = vector.shape_cast %broadcast_in_dim3A_368 : vector<16xf32> to vector<1x16xf32>
    tpu.vector_store %arg6[%swap3A_370, %swap3A_371], %swap3A_374 {strides = array<i32>} : memref<128x16xf32, #tpu.memory_space<vmem>>, vector<1x16xf32>,
    %broadcast_in_dim3A_375 = arith.constant 0.000000e+00 : f32
    %broadcast_in_dim3A_376 = vector.broadcast %broadcast_in_dim3A_375 : f32 to vector<16xf32>
    %swap3A_377 = arith.constant 47 : i32
    %swap3A_378 = arith.index_cast %swap3A_377 : i32 to index
    %swap3A_379 = arith.constant 0 : index
    %swap3A_380 = tpu.vector_load %arg6[%swap3A_378, %swap3A_379] {strides = array<i32>} : memref<128x16xf32, #tpu.memory_space<vmem>>, vector<1x16xf32>,
    %swap3A_381 = vector.shape_cast %swap3A_380 : vector<1x16xf32> to vector<16xf32>
    %swap3A_382 = vector.shape_cast %broadcast_in_dim3A_376 : vector<16xf32> to vector<1x16xf32>
    tpu.vector_store %arg6[%swap3A_378, %swap3A_379], %swap3A_382 {strides = array<i32>} : memref<128x16xf32, #tpu.memory_space<vmem>>, vector<1x16xf32>,
    %broadcast_in_dim3A_383 = arith.constant 0.000000e+00 : f32
    %broadcast_in_dim3A_384 = vector.broadcast %broadcast_in_dim3A_383 : f32 to vector<16xf32>
    %swap3A_385 = arith.constant 48 : i32
    %swap3A_386 = arith.index_cast %swap3A_385 : i32 to index
    %swap3A_387 = arith.constant 0 : index
    %swap3A_388 = tpu.vector_load %arg6[%swap3A_386, %swap3A_387] {strides = array<i32>} : memref<128x16xf32, #tpu.memory_space<vmem>>, vector<1x16xf32>,
    %swap3A_389 = vector.shape_cast %swap3A_388 : vector<1x16xf32> to vector<16xf32>
    %swap3A_390 = vector.shape_cast %broadcast_in_dim3A_384 : vector<16xf32> to vector<1x16xf32>
    tpu.vector_store %arg6[%swap3A_386, %swap3A_387], %swap3A_390 {strides = array<i32>} : memref<128x16xf32, #tpu.memory_space<vmem>>, vector<1x16xf32>,
    %broadcast_in_dim3A_391 = arith.constant 0.000000e+00 : f32
    %broadcast_in_dim3A_392 = vector.broadcast %broadcast_in_dim3A_391 : f32 to vector<16xf32>
    %swap3A_393 = arith.constant 49 : i32
    %swap3A_394 = arith.index_cast %swap3A_393 : i32 to index
    %swap3A_395 = arith.constant 0 : index
    %swap3A_396 = tpu.vector_load %arg6[%swap3A_394, %swap3A_395] {strides = array<i32>} : memref<128x16xf32, #tpu.memory_space<vmem>>, vector<1x16xf32>,
    %swap3A_397 = vector.shape_cast %swap3A_396 : vector<1x16xf32> to vector<16xf32>
    %swap3A_398 = vector.shape_cast %broadcast_in_dim3A_392 : vector<16xf32> to vector<1x16xf32>
    tpu.vector_store %arg6[%swap3A_394, %swap3A_395], %swap3A_398 {strides = array<i32>} : memref<128x16xf32, #tpu.memory_space<vmem>>, vector<1x16xf32>,
    %broadcast_in_dim3A_399 = arith.constant 0.000000e+00 : f32
    %broadcast_in_dim3A_400 = vector.broadcast %broadcast_in_dim3A_399 : f32 to vector<16xf32>
    %swap3A_401 = arith.constant 50 : i32
    %swap3A_402 = arith.index_cast %swap3A_401 : i32 to index
    %swap3A_403 = arith.constant 0 : index
    %swap3A_404 = tpu.vector_load %arg6[%swap3A_402, %swap3A_403] {strides = array<i32>} : memref<128x16xf32, #tpu.memory_space<vmem>>, vector<1x16xf32>,
    %swap3A_405 = vector.shape_cast %swap3A_404 : vector<1x16xf32> to vector<16xf32>
    %swap3A_406 = vector.shape_cast %broadcast_in_dim3A_400 : vector<16xf32> to vector<1x16xf32>
    tpu.vector_store %arg6[%swap3A_402, %swap3A_403], %swap3A_406 {strides = array<i32>} : memref<128x16xf32, #tpu.memory_space<vmem>>, vector<1x16xf32>,
    %broadcast_in_dim3A_407 = arith.constant 0.000000e+00 : f32
    %broadcast_in_dim3A_408 = vector.broadcast %broadcast_in_dim3A_407 : f32 to vector<16xf32>
    %swap3A_409 = arith.constant 51 : i32
    %swap3A_410 = arith.index_cast %swap3A_409 : i32 to index
    %swap3A_411 = arith.constant 0 : index
    %swap3A_412 = tpu.vector_load %arg6[%swap3A_410, %swap3A_411] {strides = array<i32>} : memref<128x16xf32, #tpu.memory_space<vmem>>, vector<1x16xf32>,
    %swap3A_413 = vector.shape_cast %swap3A_412 : vector<1x16xf32> to vector<16xf32>
    %swap3A_414 = vector.shape_cast %broadcast_in_dim3A_408 : vector<16xf32> to vector<1x16xf32>
    tpu.vector_store %arg6[%swap3A_410, %swap3A_411], %swap3A_414 {strides = array<i32>} : memref<128x16xf32, #tpu.memory_space<vmem>>, vector<1x16xf32>,
    %broadcast_in_dim3A_415 = arith.constant 0.000000e+00 : f32
    %broadcast_in_dim3A_416 = vector.broadcast %broadcast_in_dim3A_415 : f32 to vector<16xf32>
    %swap3A_417 = arith.constant 52 : i32
    %swap3A_418 = arith.index_cast %swap3A_417 : i32 to index
    %swap3A_419 = arith.constant 0 : index
    %swap3A_420 = tpu.vector_load %arg6[%swap3A_418, %swap3A_419] {strides = array<i32>} : memref<128x16xf32, #tpu.memory_space<vmem>>, vector<1x16xf32>,
    %swap3A_421 = vector.shape_cast %swap3A_420 : vector<1x16xf32> to vector<16xf32>
    %swap3A_422 = vector.shape_cast %broadcast_in_dim3A_416 : vector<16xf32> to vector<1x16xf32>
    tpu.vector_store %arg6[%swap3A_418, %swap3A_419], %swap3A_422 {strides = array<i32>} : memref<128x16xf32, #tpu.memory_space<vmem>>, vector<1x16xf32>,
    %broadcast_in_dim3A_423 = arith.constant 0.000000e+00 : f32
    %broadcast_in_dim3A_424 = vector.broadcast %broadcast_in_dim3A_423 : f32 to vector<16xf32>
    %swap3A_425 = arith.constant 53 : i32
    %swap3A_426 = arith.index_cast %swap3A_425 : i32 to index
    %swap3A_427 = arith.constant 0 : index
    %swap3A_428 = tpu.vector_load %arg6[%swap3A_426, %swap3A_427] {strides = array<i32>} : memref<128x16xf32, #tpu.memory_space<vmem>>, vector<1x16xf32>,
    %swap3A_429 = vector.shape_cast %swap3A_428 : vector<1x16xf32> to vector<16xf32>
    %swap3A_430 = vector.shape_cast %broadcast_in_dim3A_424 : vector<16xf32> to vector<1x16xf32>
    tpu.vector_store %arg6[%swap3A_426, %swap3A_427], %swap3A_430 {strides = array<i32>} : memref<128x16xf32, #tpu.memory_space<vmem>>, vector<1x16xf32>,
    %broadcast_in_dim3A_431 = arith.constant 0.000000e+00 : f32
    %broadcast_in_dim3A_432 = vector.broadcast %broadcast_in_dim3A_431 : f32 to vector<16xf32>
    %swap3A_433 = arith.constant 54 : i32
    %swap3A_434 = arith.index_cast %swap3A_433 : i32 to index
    %swap3A_435 = arith.constant 0 : index
    %swap3A_436 = tpu.vector_load %arg6[%swap3A_434, %swap3A_435] {strides = array<i32>} : memref<128x16xf32, #tpu.memory_space<vmem>>, vector<1x16xf32>,
    %swap3A_437 = vector.shape_cast %swap3A_436 : vector<1x16xf32> to vector<16xf32>
    %swap3A_438 = vector.shape_cast %broadcast_in_dim3A_432 : vector<16xf32> to vector<1x16xf32>
    tpu.vector_store %arg6[%swap3A_434, %swap3A_435], %swap3A_438 {strides = array<i32>} : memref<128x16xf32, #tpu.memory_space<vmem>>, vector<1x16xf32>,
    %broadcast_in_dim3A_439 = arith.constant 0.000000e+00 : f32
    %broadcast_in_dim3A_440 = vector.broadcast %broadcast_in_dim3A_439 : f32 to vector<16xf32>
    %swap3A_441 = arith.constant 55 : i32
    %swap3A_442 = arith.index_cast %swap3A_441 : i32 to index
    %swap3A_443 = arith.constant 0 : index
    %swap3A_444 = tpu.vector_load %arg6[%swap3A_442, %swap3A_443] {strides = array<i32>} : memref<128x16xf32, #tpu.memory_space<vmem>>, vector<1x16xf32>,
    %swap3A_445 = vector.shape_cast %swap3A_444 : vector<1x16xf32> to vector<16xf32>
    %swap3A_446 = vector.shape_cast %broadcast_in_dim3A_440 : vector<16xf32> to vector<1x16xf32>
    tpu.vector_store %arg6[%swap3A_442, %swap3A_443], %swap3A_446 {strides = array<i32>} : memref<128x16xf32, #tpu.memory_space<vmem>>, vector<1x16xf32>,
    %broadcast_in_dim3A_447 = arith.constant 0.000000e+00 : f32
    %broadcast_in_dim3A_448 = vector.broadcast %broadcast_in_dim3A_447 : f32 to vector<16xf32>
    %swap3A_449 = arith.constant 56 : i32
    %swap3A_450 = arith.index_cast %swap3A_449 : i32 to index
    %swap3A_451 = arith.constant 0 : index
    %swap3A_452 = tpu.vector_load %arg6[%swap3A_450, %swap3A_451] {strides = array<i32>} : memref<128x16xf32, #tpu.memory_space<vmem>>, vector<1x16xf32>,
    %swap3A_453 = vector.shape_cast %swap3A_452 : vector<1x16xf32> to vector<16xf32>
    %swap3A_454 = vector.shape_cast %broadcast_in_dim3A_448 : vector<16xf32> to vector<1x16xf32>
    tpu.vector_store %arg6[%swap3A_450, %swap3A_451], %swap3A_454 {strides = array<i32>} : memref<128x16xf32, #tpu.memory_space<vmem>>, vector<1x16xf32>,
    %broadcast_in_dim3A_455 = arith.constant 0.000000e+00 : f32
    %broadcast_in_dim3A_456 = vector.broadcast %broadcast_in_dim3A_455 : f32 to vector<16xf32>
    %swap3A_457 = arith.constant 57 : i32
    %swap3A_458 = arith.index_cast %swap3A_457 : i32 to index
    %swap3A_459 = arith.constant 0 : index
    %swap3A_460 = tpu.vector_load %arg6[%swap3A_458, %swap3A_459] {strides = array<i32>} : memref<128x16xf32, #tpu.memory_space<vmem>>, vector<1x16xf32>,
    %swap3A_461 = vector.shape_cast %swap3A_460 : vector<1x16xf32> to vector<16xf32>
    %swap3A_462 = vector.shape_cast %broadcast_in_dim3A_456 : vector<16xf32> to vector<1x16xf32>
    tpu.vector_store %arg6[%swap3A_458, %swap3A_459], %swap3A_462 {strides = array<i32>} : memref<128x16xf32, #tpu.memory_space<vmem>>, vector<1x16xf32>,
    %broadcast_in_dim3A_463 = arith.constant 0.000000e+00 : f32
    %broadcast_in_dim3A_464 = vector.broadcast %broadcast_in_dim3A_463 : f32 to vector<16xf32>
    %swap3A_465 = arith.constant 58 : i32
    %swap3A_466 = arith.index_cast %swap3A_465 : i32 to index
    %swap3A_467 = arith.constant 0 : index
    %swap3A_468 = tpu.vector_load %arg6[%swap3A_466, %swap3A_467] {strides = array<i32>} : memref<128x16xf32, #tpu.memory_space<vmem>>, vector<1x16xf32>,
    %swap3A_469 = vector.shape_cast %swap3A_468 : vector<1x16xf32> to vector<16xf32>
    %swap3A_470 = vector.shape_cast %broadcast_in_dim3A_464 : vector<16xf32> to vector<1x16xf32>
    tpu.vector_store %arg6[%swap3A_466, %swap3A_467], %swap3A_470 {strides = array<i32>} : memref<128x16xf32, #tpu.memory_space<vmem>>, vector<1x16xf32>,
    %broadcast_in_dim3A_471 = arith.constant 0.000000e+00 : f32
    %broadcast_in_dim3A_472 = vector.broadcast %broadcast_in_dim3A_471 : f32 to vector<16xf32>
    %swap3A_473 = arith.constant 59 : i32
    %swap3A_474 = arith.index_cast %swap3A_473 : i32 to index
    %swap3A_475 = arith.constant 0 : index
    %swap3A_476 = tpu.vector_load %arg6[%swap3A_474, %swap3A_475] {strides = array<i32>} : memref<128x16xf32, #tpu.memory_space<vmem>>, vector<1x16xf32>,
    %swap3A_477 = vector.shape_cast %swap3A_476 : vector<1x16xf32> to vector<16xf32>
    %swap3A_478 = vector.shape_cast %broadcast_in_dim3A_472 : vector<16xf32> to vector<1x16xf32>
    tpu.vector_store %arg6[%swap3A_474, %swap3A_475], %swap3A_478 {strides = array<i32>} : memref<128x16xf32, #tpu.memory_space<vmem>>, vector<1x16xf32>,
    %broadcast_in_dim3A_479 = arith.constant 0.000000e+00 : f32
    %broadcast_in_dim3A_480 = vector.broadcast %broadcast_in_dim3A_479 : f32 to vector<16xf32>
    %swap3A_481 = arith.constant 60 : i32
    %swap3A_482 = arith.index_cast %swap3A_481 : i32 to index
    %swap3A_483 = arith.constant 0 : index
    %swap3A_484 = tpu.vector_load %arg6[%swap3A_482, %swap3A_483] {strides = array<i32>} : memref<128x16xf32, #tpu.memory_space<vmem>>, vector<1x16xf32>,
    %swap3A_485 = vector.shape_cast %swap3A_484 : vector<1x16xf32> to vector<16xf32>
    %swap3A_486 = vector.shape_cast %broadcast_in_dim3A_480 : vector<16xf32> to vector<1x16xf32>
    tpu.vector_store %arg6[%swap3A_482, %swap3A_483], %swap3A_486 {strides = array<i32>} : memref<128x16xf32, #tpu.memory_space<vmem>>, vector<1x16xf32>,
    %broadcast_in_dim3A_487 = arith.constant 0.000000e+00 : f32
    %broadcast_in_dim3A_488 = vector.broadcast %broadcast_in_dim3A_487 : f32 to vector<16xf32>
    %swap3A_489 = arith.constant 61 : i32
    %swap3A_490 = arith.index_cast %swap3A_489 : i32 to index
    %swap3A_491 = arith.constant 0 : index
    %swap3A_492 = tpu.vector_load %arg6[%swap3A_490, %swap3A_491] {strides = array<i32>} : memref<128x16xf32, #tpu.memory_space<vmem>>, vector<1x16xf32>,
    %swap3A_493 = vector.shape_cast %swap3A_492 : vector<1x16xf32> to vector<16xf32>
    %swap3A_494 = vector.shape_cast %broadcast_in_dim3A_488 : vector<16xf32> to vector<1x16xf32>
    tpu.vector_store %arg6[%swap3A_490, %swap3A_491], %swap3A_494 {strides = array<i32>} : memref<128x16xf32, #tpu.memory_space<vmem>>, vector<1x16xf32>,
    %broadcast_in_dim3A_495 = arith.constant 0.000000e+00 : f32
    %broadcast_in_dim3A_496 = vector.broadcast %broadcast_in_dim3A_495 : f32 to vector<16xf32>
    %swap3A_497 = arith.constant 62 : i32
    %swap3A_498 = arith.index_cast %swap3A_497 : i32 to index
    %swap3A_499 = arith.constant 0 : index
    %swap3A_500 = tpu.vector_load %arg6[%swap3A_498, %swap3A_499] {strides = array<i32>} : memref<128x16xf32, #tpu.memory_space<vmem>>, vector<1x16xf32>,
    %swap3A_501 = vector.shape_cast %swap3A_500 : vector<1x16xf32> to vector<16xf32>
    %swap3A_502 = vector.shape_cast %broadcast_in_dim3A_496 : vector<16xf32> to vector<1x16xf32>
    tpu.vector_store %arg6[%swap3A_498, %swap3A_499], %swap3A_502 {strides = array<i32>} : memref<128x16xf32, #tpu.memory_space<vmem>>, vector<1x16xf32>,
    %broadcast_in_dim3A_503 = arith.constant 0.000000e+00 : f32
    %broadcast_in_dim3A_504 = vector.broadcast %broadcast_in_dim3A_503 : f32 to vector<16xf32>
    %swap3A_505 = arith.constant 63 : i32
    %swap3A_506 = arith.index_cast %swap3A_505 : i32 to index
    %swap3A_507 = arith.constant 0 : index
    %swap3A_508 = tpu.vector_load %arg6[%swap3A_506, %swap3A_507] {strides = array<i32>} : memref<128x16xf32, #tpu.memory_space<vmem>>, vector<1x16xf32>,
    %swap3A_509 = vector.shape_cast %swap3A_508 : vector<1x16xf32> to vector<16xf32>
    %swap3A_510 = vector.shape_cast %broadcast_in_dim3A_504 : vector<16xf32> to vector<1x16xf32>
    tpu.vector_store %arg6[%swap3A_506, %swap3A_507], %swap3A_510 {strides = array<i32>} : memref<128x16xf32, #tpu.memory_space<vmem>>, vector<1x16xf32>,
    %broadcast_in_dim3A_511 = arith.constant 0.000000e+00 : f32
    %broadcast_in_dim3A_512 = vector.broadcast %broadcast_in_dim3A_511 : f32 to vector<16xf32>
    %swap3A_513 = arith.constant 64 : i32
    %swap3A_514 = arith.index_cast %swap3A_513 : i32 to index
    %swap3A_515 = arith.constant 0 : index
    %swap3A_516 = tpu.vector_load %arg6[%swap3A_514, %swap3A_515] {strides = array<i32>} : memref<128x16xf32, #tpu.memory_space<vmem>>, vector<1x16xf32>,
    %swap3A_517 = vector.shape_cast %swap3A_516 : vector<1x16xf32> to vector<16xf32>
    %swap3A_518 = vector.shape_cast %broadcast_in_dim3A_512 : vector<16xf32> to vector<1x16xf32>
    tpu.vector_store %arg6[%swap3A_514, %swap3A_515], %swap3A_518 {strides = array<i32>} : memref<128x16xf32, #tpu.memory_space<vmem>>, vector<1x16xf32>,
    %broadcast_in_dim3A_519 = arith.constant 0.000000e+00 : f32
    %broadcast_in_dim3A_520 = vector.broadcast %broadcast_in_dim3A_519 : f32 to vector<16xf32>
    %swap3A_521 = arith.constant 65 : i32
    %swap3A_522 = arith.index_cast %swap3A_521 : i32 to index
    %swap3A_523 = arith.constant 0 : index
    %swap3A_524 = tpu.vector_load %arg6[%swap3A_522, %swap3A_523] {strides = array<i32>} : memref<128x16xf32, #tpu.memory_space<vmem>>, vector<1x16xf32>,
    %swap3A_525 = vector.shape_cast %swap3A_524 : vector<1x16xf32> to vector<16xf32>
    %swap3A_526 = vector.shape_cast %broadcast_in_dim3A_520 : vector<16xf32> to vector<1x16xf32>
    tpu.vector_store %arg6[%swap3A_522, %swap3A_523], %swap3A_526 {strides = array<i32>} : memref<128x16xf32, #tpu.memory_space<vmem>>, vector<1x16xf32>,
    %broadcast_in_dim3A_527 = arith.constant 0.000000e+00 : f32
    %broadcast_in_dim3A_528 = vector.broadcast %broadcast_in_dim3A_527 : f32 to vector<16xf32>
    %swap3A_529 = arith.constant 66 : i32
    %swap3A_530 = arith.index_cast %swap3A_529 : i32 to index
    %swap3A_531 = arith.constant 0 : index
    %swap3A_532 = tpu.vector_load %arg6[%swap3A_530, %swap3A_531] {strides = array<i32>} : memref<128x16xf32, #tpu.memory_space<vmem>>, vector<1x16xf32>,
    %swap3A_533 = vector.shape_cast %swap3A_532 : vector<1x16xf32> to vector<16xf32>
    %swap3A_534 = vector.shape_cast %broadcast_in_dim3A_528 : vector<16xf32> to vector<1x16xf32>
    tpu.vector_store %arg6[%swap3A_530, %swap3A_531], %swap3A_534 {strides = array<i32>} : memref<128x16xf32, #tpu.memory_space<vmem>>, vector<1x16xf32>,
    %broadcast_in_dim3A_535 = arith.constant 0.000000e+00 : f32
    %broadcast_in_dim3A_536 = vector.broadcast %broadcast_in_dim3A_535 : f32 to vector<16xf32>
    %swap3A_537 = arith.constant 67 : i32
    %swap3A_538 = arith.index_cast %swap3A_537 : i32 to index
    %swap3A_539 = arith.constant 0 : index
    %swap3A_540 = tpu.vector_load %arg6[%swap3A_538, %swap3A_539] {strides = array<i32>} : memref<128x16xf32, #tpu.memory_space<vmem>>, vector<1x16xf32>,
    %swap3A_541 = vector.shape_cast %swap3A_540 : vector<1x16xf32> to vector<16xf32>
    %swap3A_542 = vector.shape_cast %broadcast_in_dim3A_536 : vector<16xf32> to vector<1x16xf32>
    tpu.vector_store %arg6[%swap3A_538, %swap3A_539], %swap3A_542 {strides = array<i32>} : memref<128x16xf32, #tpu.memory_space<vmem>>, vector<1x16xf32>,
    %broadcast_in_dim3A_543 = arith.constant 0.000000e+00 : f32
    %broadcast_in_dim3A_544 = vector.broadcast %broadcast_in_dim3A_543 : f32 to vector<16xf32>
    %swap3A_545 = arith.constant 68 : i32
    %swap3A_546 = arith.index_cast %swap3A_545 : i32 to index
    %swap3A_547 = arith.constant 0 : index
    %swap3A_548 = tpu.vector_load %arg6[%swap3A_546, %swap3A_547] {strides = array<i32>} : memref<128x16xf32, #tpu.memory_space<vmem>>, vector<1x16xf32>,
    %swap3A_549 = vector.shape_cast %swap3A_548 : vector<1x16xf32> to vector<16xf32>
    %swap3A_550 = vector.shape_cast %broadcast_in_dim3A_544 : vector<16xf32> to vector<1x16xf32>
    tpu.vector_store %arg6[%swap3A_546, %swap3A_547], %swap3A_550 {strides = array<i32>} : memref<128x16xf32, #tpu.memory_space<vmem>>, vector<1x16xf32>,
    %broadcast_in_dim3A_551 = arith.constant 0.000000e+00 : f32
    %broadcast_in_dim3A_552 = vector.broadcast %broadcast_in_dim3A_551 : f32 to vector<16xf32>
    %swap3A_553 = arith.constant 69 : i32
    %swap3A_554 = arith.index_cast %swap3A_553 : i32 to index
    %swap3A_555 = arith.constant 0 : index
    %swap3A_556 = tpu.vector_load %arg6[%swap3A_554, %swap3A_555] {strides = array<i32>} : memref<128x16xf32, #tpu.memory_space<vmem>>, vector<1x16xf32>,
    %swap3A_557 = vector.shape_cast %swap3A_556 : vector<1x16xf32> to vector<16xf32>
    %swap3A_558 = vector.shape_cast %broadcast_in_dim3A_552 : vector<16xf32> to vector<1x16xf32>
    tpu.vector_store %arg6[%swap3A_554, %swap3A_555], %swap3A_558 {strides = array<i32>} : memref<128x16xf32, #tpu.memory_space<vmem>>, vector<1x16xf32>,
    %broadcast_in_dim3A_559 = arith.constant 0.000000e+00 : f32
    %broadcast_in_dim3A_560 = vector.broadcast %broadcast_in_dim3A_559 : f32 to vector<16xf32>
    %swap3A_561 = arith.constant 70 : i32
    %swap3A_562 = arith.index_cast %swap3A_561 : i32 to index
    %swap3A_563 = arith.constant 0 : index
    %swap3A_564 = tpu.vector_load %arg6[%swap3A_562, %swap3A_563] {strides = array<i32>} : memref<128x16xf32, #tpu.memory_space<vmem>>, vector<1x16xf32>,
    %swap3A_565 = vector.shape_cast %swap3A_564 : vector<1x16xf32> to vector<16xf32>
    %swap3A_566 = vector.shape_cast %broadcast_in_dim3A_560 : vector<16xf32> to vector<1x16xf32>
    tpu.vector_store %arg6[%swap3A_562, %swap3A_563], %swap3A_566 {strides = array<i32>} : memref<128x16xf32, #tpu.memory_space<vmem>>, vector<1x16xf32>,
    %broadcast_in_dim3A_567 = arith.constant 0.000000e+00 : f32
    %broadcast_in_dim3A_568 = vector.broadcast %broadcast_in_dim3A_567 : f32 to vector<16xf32>
    %swap3A_569 = arith.constant 71 : i32
    %swap3A_570 = arith.index_cast %swap3A_569 : i32 to index
    %swap3A_571 = arith.constant 0 : index
    %swap3A_572 = tpu.vector_load %arg6[%swap3A_570, %swap3A_571] {strides = array<i32>} : memref<128x16xf32, #tpu.memory_space<vmem>>, vector<1x16xf32>,
    %swap3A_573 = vector.shape_cast %swap3A_572 : vector<1x16xf32> to vector<16xf32>
    %swap3A_574 = vector.shape_cast %broadcast_in_dim3A_568 : vector<16xf32> to vector<1x16xf32>
    tpu.vector_store %arg6[%swap3A_570, %swap3A_571], %swap3A_574 {strides = array<i32>} : memref<128x16xf32, #tpu.memory_space<vmem>>, vector<1x16xf32>,
    %broadcast_in_dim3A_575 = arith.constant 0.000000e+00 : f32
    %broadcast_in_dim3A_576 = vector.broadcast %broadcast_in_dim3A_575 : f32 to vector<16xf32>
    %swap3A_577 = arith.constant 72 : i32
    %swap3A_578 = arith.index_cast %swap3A_577 : i32 to index
    %swap3A_579 = arith.constant 0 : index
    %swap3A_580 = tpu.vector_load %arg6[%swap3A_578, %swap3A_579] {strides = array<i32>} : memref<128x16xf32, #tpu.memory_space<vmem>>, vector<1x16xf32>,
    %swap3A_581 = vector.shape_cast %swap3A_580 : vector<1x16xf32> to vector<16xf32>
    %swap3A_582 = vector.shape_cast %broadcast_in_dim3A_576 : vector<16xf32> to vector<1x16xf32>
    tpu.vector_store %arg6[%swap3A_578, %swap3A_579], %swap3A_582 {strides = array<i32>} : memref<128x16xf32, #tpu.memory_space<vmem>>, vector<1x16xf32>,
    %broadcast_in_dim3A_583 = arith.constant 0.000000e+00 : f32
    %broadcast_in_dim3A_584 = vector.broadcast %broadcast_in_dim3A_583 : f32 to vector<16xf32>
    %swap3A_585 = arith.constant 73 : i32
    %swap3A_586 = arith.index_cast %swap3A_585 : i32 to index
    %swap3A_587 = arith.constant 0 : index
    %swap3A_588 = tpu.vector_load %arg6[%swap3A_586, %swap3A_587] {strides = array<i32>} : memref<128x16xf32, #tpu.memory_space<vmem>>, vector<1x16xf32>,
    %swap3A_589 = vector.shape_cast %swap3A_588 : vector<1x16xf32> to vector<16xf32>
    %swap3A_590 = vector.shape_cast %broadcast_in_dim3A_584 : vector<16xf32> to vector<1x16xf32>
    tpu.vector_store %arg6[%swap3A_586, %swap3A_587], %swap3A_590 {strides = array<i32>} : memref<128x16xf32, #tpu.memory_space<vmem>>, vector<1x16xf32>,
    %broadcast_in_dim3A_591 = arith.constant 0.000000e+00 : f32
    %broadcast_in_dim3A_592 = vector.broadcast %broadcast_in_dim3A_591 : f32 to vector<16xf32>
    %swap3A_593 = arith.constant 74 : i32
    %swap3A_594 = arith.index_cast %swap3A_593 : i32 to index
    %swap3A_595 = arith.constant 0 : index
    %swap3A_596 = tpu.vector_load %arg6[%swap3A_594, %swap3A_595] {strides = array<i32>} : memref<128x16xf32, #tpu.memory_space<vmem>>, vector<1x16xf32>,
    %swap3A_597 = vector.shape_cast %swap3A_596 : vector<1x16xf32> to vector<16xf32>
    %swap3A_598 = vector.shape_cast %broadcast_in_dim3A_592 : vector<16xf32> to vector<1x16xf32>
    tpu.vector_store %arg6[%swap3A_594, %swap3A_595], %swap3A_598 {strides = array<i32>} : memref<128x16xf32, #tpu.memory_space<vmem>>, vector<1x16xf32>,
    %broadcast_in_dim3A_599 = arith.constant 0.000000e+00 : f32
    %broadcast_in_dim3A_600 = vector.broadcast %broadcast_in_dim3A_599 : f32 to vector<16xf32>
    %swap3A_601 = arith.constant 75 : i32
    %swap3A_602 = arith.index_cast %swap3A_601 : i32 to index
    %swap3A_603 = arith.constant 0 : index
    %swap3A_604 = tpu.vector_load %arg6[%swap3A_602, %swap3A_603] {strides = array<i32>} : memref<128x16xf32, #tpu.memory_space<vmem>>, vector<1x16xf32>,
    %swap3A_605 = vector.shape_cast %swap3A_604 : vector<1x16xf32> to vector<16xf32>
    %swap3A_606 = vector.shape_cast %broadcast_in_dim3A_600 : vector<16xf32> to vector<1x16xf32>
    tpu.vector_store %arg6[%swap3A_602, %swap3A_603], %swap3A_606 {strides = array<i32>} : memref<128x16xf32, #tpu.memory_space<vmem>>, vector<1x16xf32>,
    %broadcast_in_dim3A_607 = arith.constant 0.000000e+00 : f32
    %broadcast_in_dim3A_608 = vector.broadcast %broadcast_in_dim3A_607 : f32 to vector<16xf32>
    %swap3A_609 = arith.constant 76 : i32
    %swap3A_610 = arith.index_cast %swap3A_609 : i32 to index
    %swap3A_611 = arith.constant 0 : index
    %swap3A_612 = tpu.vector_load %arg6[%swap3A_610, %swap3A_611] {strides = array<i32>} : memref<128x16xf32, #tpu.memory_space<vmem>>, vector<1x16xf32>,
    %swap3A_613 = vector.shape_cast %swap3A_612 : vector<1x16xf32> to vector<16xf32>
    %swap3A_614 = vector.shape_cast %broadcast_in_dim3A_608 : vector<16xf32> to vector<1x16xf32>
    tpu.vector_store %arg6[%swap3A_610, %swap3A_611], %swap3A_614 {strides = array<i32>} : memref<128x16xf32, #tpu.memory_space<vmem>>, vector<1x16xf32>,
    %broadcast_in_dim3A_615 = arith.constant 0.000000e+00 : f32
    %broadcast_in_dim3A_616 = vector.broadcast %broadcast_in_dim3A_615 : f32 to vector<16xf32>
    %swap3A_617 = arith.constant 77 : i32
    %swap3A_618 = arith.index_cast %swap3A_617 : i32 to index
    %swap3A_619 = arith.constant 0 : index
    %swap3A_620 = tpu.vector_load %arg6[%swap3A_618, %swap3A_619] {strides = array<i32>} : memref<128x16xf32, #tpu.memory_space<vmem>>, vector<1x16xf32>,
    %swap3A_621 = vector.shape_cast %swap3A_620 : vector<1x16xf32> to vector<16xf32>
    %swap3A_622 = vector.shape_cast %broadcast_in_dim3A_616 : vector<16xf32> to vector<1x16xf32>
    tpu.vector_store %arg6[%swap3A_618, %swap3A_619], %swap3A_622 {strides = array<i32>} : memref<128x16xf32, #tpu.memory_space<vmem>>, vector<1x16xf32>,
    %broadcast_in_dim3A_623 = arith.constant 0.000000e+00 : f32
    %broadcast_in_dim3A_624 = vector.broadcast %broadcast_in_dim3A_623 : f32 to vector<16xf32>
    %swap3A_625 = arith.constant 78 : i32
    %swap3A_626 = arith.index_cast %swap3A_625 : i32 to index
    %swap3A_627 = arith.constant 0 : index
    %swap3A_628 = tpu.vector_load %arg6[%swap3A_626, %swap3A_627] {strides = array<i32>} : memref<128x16xf32, #tpu.memory_space<vmem>>, vector<1x16xf32>,
    %swap3A_629 = vector.shape_cast %swap3A_628 : vector<1x16xf32> to vector<16xf32>
    %swap3A_630 = vector.shape_cast %broadcast_in_dim3A_624 : vector<16xf32> to vector<1x16xf32>
    tpu.vector_store %arg6[%swap3A_626, %swap3A_627], %swap3A_630 {strides = array<i32>} : memref<128x16xf32, #tpu.memory_space<vmem>>, vector<1x16xf32>,
    %broadcast_in_dim3A_631 = arith.constant 0.000000e+00 : f32
    %broadcast_in_dim3A_632 = vector.broadcast %broadcast_in_dim3A_631 : f32 to vector<16xf32>
    %swap3A_633 = arith.constant 79 : i32
    %swap3A_634 = arith.index_cast %swap3A_633 : i32 to index
    %swap3A_635 = arith.constant 0 : index
    %swap3A_636 = tpu.vector_load %arg6[%swap3A_634, %swap3A_635] {strides = array<i32>} : memref<128x16xf32, #tpu.memory_space<vmem>>, vector<1x16xf32>,
    %swap3A_637 = vector.shape_cast %swap3A_636 : vector<1x16xf32> to vector<16xf32>
    %swap3A_638 = vector.shape_cast %broadcast_in_dim3A_632 : vector<16xf32> to vector<1x16xf32>
    tpu.vector_store %arg6[%swap3A_634, %swap3A_635], %swap3A_638 {strides = array<i32>} : memref<128x16xf32, #tpu.memory_space<vmem>>, vector<1x16xf32>,
    %broadcast_in_dim3A_639 = arith.constant 0.000000e+00 : f32
    %broadcast_in_dim3A_640 = vector.broadcast %broadcast_in_dim3A_639 : f32 to vector<16xf32>
    %swap3A_641 = arith.constant 80 : i32
    %swap3A_642 = arith.index_cast %swap3A_641 : i32 to index
    %swap3A_643 = arith.constant 0 : index
    %swap3A_644 = tpu.vector_load %arg6[%swap3A_642, %swap3A_643] {strides = array<i32>} : memref<128x16xf32, #tpu.memory_space<vmem>>, vector<1x16xf32>,
    %swap3A_645 = vector.shape_cast %swap3A_644 : vector<1x16xf32> to vector<16xf32>
    %swap3A_646 = vector.shape_cast %broadcast_in_dim3A_640 : vector<16xf32> to vector<1x16xf32>
    tpu.vector_store %arg6[%swap3A_642, %swap3A_643], %swap3A_646 {strides = array<i32>} : memref<128x16xf32, #tpu.memory_space<vmem>>, vector<1x16xf32>,
    %broadcast_in_dim3A_647 = arith.constant 0.000000e+00 : f32
    %broadcast_in_dim3A_648 = vector.broadcast %broadcast_in_dim3A_647 : f32 to vector<16xf32>
    %swap3A_649 = arith.constant 81 : i32
    %swap3A_650 = arith.index_cast %swap3A_649 : i32 to index
    %swap3A_651 = arith.constant 0 : index
    %swap3A_652 = tpu.vector_load %arg6[%swap3A_650, %swap3A_651] {strides = array<i32>} : memref<128x16xf32, #tpu.memory_space<vmem>>, vector<1x16xf32>,
    %swap3A_653 = vector.shape_cast %swap3A_652 : vector<1x16xf32> to vector<16xf32>
    %swap3A_654 = vector.shape_cast %broadcast_in_dim3A_648 : vector<16xf32> to vector<1x16xf32>
    tpu.vector_store %arg6[%swap3A_650, %swap3A_651], %swap3A_654 {strides = array<i32>} : memref<128x16xf32, #tpu.memory_space<vmem>>, vector<1x16xf32>,
    %broadcast_in_dim3A_655 = arith.constant 0.000000e+00 : f32
    %broadcast_in_dim3A_656 = vector.broadcast %broadcast_in_dim3A_655 : f32 to vector<16xf32>
    %swap3A_657 = arith.constant 82 : i32
    %swap3A_658 = arith.index_cast %swap3A_657 : i32 to index
    %swap3A_659 = arith.constant 0 : index
    %swap3A_660 = tpu.vector_load %arg6[%swap3A_658, %swap3A_659] {strides = array<i32>} : memref<128x16xf32, #tpu.memory_space<vmem>>, vector<1x16xf32>,
    %swap3A_661 = vector.shape_cast %swap3A_660 : vector<1x16xf32> to vector<16xf32>
    %swap3A_662 = vector.shape_cast %broadcast_in_dim3A_656 : vector<16xf32> to vector<1x16xf32>
    tpu.vector_store %arg6[%swap3A_658, %swap3A_659], %swap3A_662 {strides = array<i32>} : memref<128x16xf32, #tpu.memory_space<vmem>>, vector<1x16xf32>,
    %broadcast_in_dim3A_663 = arith.constant 0.000000e+00 : f32
    %broadcast_in_dim3A_664 = vector.broadcast %broadcast_in_dim3A_663 : f32 to vector<16xf32>
    %swap3A_665 = arith.constant 83 : i32
    %swap3A_666 = arith.index_cast %swap3A_665 : i32 to index
    %swap3A_667 = arith.constant 0 : index
    %swap3A_668 = tpu.vector_load %arg6[%swap3A_666, %swap3A_667] {strides = array<i32>} : memref<128x16xf32, #tpu.memory_space<vmem>>, vector<1x16xf32>,
    %swap3A_669 = vector.shape_cast %swap3A_668 : vector<1x16xf32> to vector<16xf32>
    %swap3A_670 = vector.shape_cast %broadcast_in_dim3A_664 : vector<16xf32> to vector<1x16xf32>
    tpu.vector_store %arg6[%swap3A_666, %swap3A_667], %swap3A_670 {strides = array<i32>} : memref<128x16xf32, #tpu.memory_space<vmem>>, vector<1x16xf32>,
    %broadcast_in_dim3A_671 = arith.constant 0.000000e+00 : f32
    %broadcast_in_dim3A_672 = vector.broadcast %broadcast_in_dim3A_671 : f32 to vector<16xf32>
    %swap3A_673 = arith.constant 84 : i32
    %swap3A_674 = arith.index_cast %swap3A_673 : i32 to index
    %swap3A_675 = arith.constant 0 : index
    %swap3A_676 = tpu.vector_load %arg6[%swap3A_674, %swap3A_675] {strides = array<i32>} : memref<128x16xf32, #tpu.memory_space<vmem>>, vector<1x16xf32>,
    %swap3A_677 = vector.shape_cast %swap3A_676 : vector<1x16xf32> to vector<16xf32>
    %swap3A_678 = vector.shape_cast %broadcast_in_dim3A_672 : vector<16xf32> to vector<1x16xf32>
    tpu.vector_store %arg6[%swap3A_674, %swap3A_675], %swap3A_678 {strides = array<i32>} : memref<128x16xf32, #tpu.memory_space<vmem>>, vector<1x16xf32>,
    %broadcast_in_dim3A_679 = arith.constant 0.000000e+00 : f32
    %broadcast_in_dim3A_680 = vector.broadcast %broadcast_in_dim3A_679 : f32 to vector<16xf32>
    %swap3A_681 = arith.constant 85 : i32
    %swap3A_682 = arith.index_cast %swap3A_681 : i32 to index
    %swap3A_683 = arith.constant 0 : index
    %swap3A_684 = tpu.vector_load %arg6[%swap3A_682, %swap3A_683] {strides = array<i32>} : memref<128x16xf32, #tpu.memory_space<vmem>>, vector<1x16xf32>,
    %swap3A_685 = vector.shape_cast %swap3A_684 : vector<1x16xf32> to vector<16xf32>
    %swap3A_686 = vector.shape_cast %broadcast_in_dim3A_680 : vector<16xf32> to vector<1x16xf32>
    tpu.vector_store %arg6[%swap3A_682, %swap3A_683], %swap3A_686 {strides = array<i32>} : memref<128x16xf32, #tpu.memory_space<vmem>>, vector<1x16xf32>,
    %broadcast_in_dim3A_687 = arith.constant 0.000000e+00 : f32
    %broadcast_in_dim3A_688 = vector.broadcast %broadcast_in_dim3A_687 : f32 to vector<16xf32>
    %swap3A_689 = arith.constant 86 : i32
    %swap3A_690 = arith.index_cast %swap3A_689 : i32 to index
    %swap3A_691 = arith.constant 0 : index
    %swap3A_692 = tpu.vector_load %arg6[%swap3A_690, %swap3A_691] {strides = array<i32>} : memref<128x16xf32, #tpu.memory_space<vmem>>, vector<1x16xf32>,
    %swap3A_693 = vector.shape_cast %swap3A_692 : vector<1x16xf32> to vector<16xf32>
    %swap3A_694 = vector.shape_cast %broadcast_in_dim3A_688 : vector<16xf32> to vector<1x16xf32>
    tpu.vector_store %arg6[%swap3A_690, %swap3A_691], %swap3A_694 {strides = array<i32>} : memref<128x16xf32, #tpu.memory_space<vmem>>, vector<1x16xf32>,
    %broadcast_in_dim3A_695 = arith.constant 0.000000e+00 : f32
    %broadcast_in_dim3A_696 = vector.broadcast %broadcast_in_dim3A_695 : f32 to vector<16xf32>
    %swap3A_697 = arith.constant 87 : i32
    %swap3A_698 = arith.index_cast %swap3A_697 : i32 to index
    %swap3A_699 = arith.constant 0 : index
    %swap3A_700 = tpu.vector_load %arg6[%swap3A_698, %swap3A_699] {strides = array<i32>} : memref<128x16xf32, #tpu.memory_space<vmem>>, vector<1x16xf32>,
    %swap3A_701 = vector.shape_cast %swap3A_700 : vector<1x16xf32> to vector<16xf32>
    %swap3A_702 = vector.shape_cast %broadcast_in_dim3A_696 : vector<16xf32> to vector<1x16xf32>
    tpu.vector_store %arg6[%swap3A_698, %swap3A_699], %swap3A_702 {strides = array<i32>} : memref<128x16xf32, #tpu.memory_space<vmem>>, vector<1x16xf32>,
    %broadcast_in_dim3A_703 = arith.constant 0.000000e+00 : f32
    %broadcast_in_dim3A_704 = vector.broadcast %broadcast_in_dim3A_703 : f32 to vector<16xf32>
    %swap3A_705 = arith.constant 88 : i32
    %swap3A_706 = arith.index_cast %swap3A_705 : i32 to index
    %swap3A_707 = arith.constant 0 : index
    %swap3A_708 = tpu.vector_load %arg6[%swap3A_706, %swap3A_707] {strides = array<i32>} : memref<128x16xf32, #tpu.memory_space<vmem>>, vector<1x16xf32>,
    %swap3A_709 = vector.shape_cast %swap3A_708 : vector<1x16xf32> to vector<16xf32>
    %swap3A_710 = vector.shape_cast %broadcast_in_dim3A_704 : vector<16xf32> to vector<1x16xf32>
    tpu.vector_store %arg6[%swap3A_706, %swap3A_707], %swap3A_710 {strides = array<i32>} : memref<128x16xf32, #tpu.memory_space<vmem>>, vector<1x16xf32>,
    %broadcast_in_dim3A_711 = arith.constant 0.000000e+00 : f32
    %broadcast_in_dim3A_712 = vector.broadcast %broadcast_in_dim3A_711 : f32 to vector<16xf32>
    %swap3A_713 = arith.constant 89 : i32
    %swap3A_714 = arith.index_cast %swap3A_713 : i32 to index
    %swap3A_715 = arith.constant 0 : index
    %swap3A_716 = tpu.vector_load %arg6[%swap3A_714, %swap3A_715] {strides = array<i32>} : memref<128x16xf32, #tpu.memory_space<vmem>>, vector<1x16xf32>,
    %swap3A_717 = vector.shape_cast %swap3A_716 : vector<1x16xf32> to vector<16xf32>
    %swap3A_718 = vector.shape_cast %broadcast_in_dim3A_712 : vector<16xf32> to vector<1x16xf32>
    tpu.vector_store %arg6[%swap3A_714, %swap3A_715], %swap3A_718 {strides = array<i32>} : memref<128x16xf32, #tpu.memory_space<vmem>>, vector<1x16xf32>,
    %broadcast_in_dim3A_719 = arith.constant 0.000000e+00 : f32
    %broadcast_in_dim3A_720 = vector.broadcast %broadcast_in_dim3A_719 : f32 to vector<16xf32>
    %swap3A_721 = arith.constant 90 : i32
    %swap3A_722 = arith.index_cast %swap3A_721 : i32 to index
    %swap3A_723 = arith.constant 0 : index
    %swap3A_724 = tpu.vector_load %arg6[%swap3A_722, %swap3A_723] {strides = array<i32>} : memref<128x16xf32, #tpu.memory_space<vmem>>, vector<1x16xf32>,
    %swap3A_725 = vector.shape_cast %swap3A_724 : vector<1x16xf32> to vector<16xf32>
    %swap3A_726 = vector.shape_cast %broadcast_in_dim3A_720 : vector<16xf32> to vector<1x16xf32>
    tpu.vector_store %arg6[%swap3A_722, %swap3A_723], %swap3A_726 {strides = array<i32>} : memref<128x16xf32, #tpu.memory_space<vmem>>, vector<1x16xf32>,
    %broadcast_in_dim3A_727 = arith.constant 0.000000e+00 : f32
    %broadcast_in_dim3A_728 = vector.broadcast %broadcast_in_dim3A_727 : f32 to vector<16xf32>
    %swap3A_729 = arith.constant 91 : i32
    %swap3A_730 = arith.index_cast %swap3A_729 : i32 to index
    %swap3A_731 = arith.constant 0 : index
    %swap3A_732 = tpu.vector_load %arg6[%swap3A_730, %swap3A_731] {strides = array<i32>} : memref<128x16xf32, #tpu.memory_space<vmem>>, vector<1x16xf32>,
    %swap3A_733 = vector.shape_cast %swap3A_732 : vector<1x16xf32> to vector<16xf32>
    %swap3A_734 = vector.shape_cast %broadcast_in_dim3A_728 : vector<16xf32> to vector<1x16xf32>
    tpu.vector_store %arg6[%swap3A_730, %swap3A_731], %swap3A_734 {strides = array<i32>} : memref<128x16xf32, #tpu.memory_space<vmem>>, vector<1x16xf32>,
    %broadcast_in_dim3A_735 = arith.constant 0.000000e+00 : f32
    %broadcast_in_dim3A_736 = vector.broadcast %broadcast_in_dim3A_735 : f32 to vector<16xf32>
    %swap3A_737 = arith.constant 92 : i32
    %swap3A_738 = arith.index_cast %swap3A_737 : i32 to index
    %swap3A_739 = arith.constant 0 : index
    %swap3A_740 = tpu.vector_load %arg6[%swap3A_738, %swap3A_739] {strides = array<i32>} : memref<128x16xf32, #tpu.memory_space<vmem>>, vector<1x16xf32>,
    %swap3A_741 = vector.shape_cast %swap3A_740 : vector<1x16xf32> to vector<16xf32>
    %swap3A_742 = vector.shape_cast %broadcast_in_dim3A_736 : vector<16xf32> to vector<1x16xf32>
    tpu.vector_store %arg6[%swap3A_738, %swap3A_739], %swap3A_742 {strides = array<i32>} : memref<128x16xf32, #tpu.memory_space<vmem>>, vector<1x16xf32>,
    %broadcast_in_dim3A_743 = arith.constant 0.000000e+00 : f32
    %broadcast_in_dim3A_744 = vector.broadcast %broadcast_in_dim3A_743 : f32 to vector<16xf32>
    %swap3A_745 = arith.constant 93 : i32
    %swap3A_746 = arith.index_cast %swap3A_745 : i32 to index
    %swap3A_747 = arith.constant 0 : index
    %swap3A_748 = tpu.vector_load %arg6[%swap3A_746, %swap3A_747] {strides = array<i32>} : memref<128x16xf32, #tpu.memory_space<vmem>>, vector<1x16xf32>,
    %swap3A_749 = vector.shape_cast %swap3A_748 : vector<1x16xf32> to vector<16xf32>
    %swap3A_750 = vector.shape_cast %broadcast_in_dim3A_744 : vector<16xf32> to vector<1x16xf32>
    tpu.vector_store %arg6[%swap3A_746, %swap3A_747], %swap3A_750 {strides = array<i32>} : memref<128x16xf32, #tpu.memory_space<vmem>>, vector<1x16xf32>,
    %broadcast_in_dim3A_751 = arith.constant 0.000000e+00 : f32
    %broadcast_in_dim3A_752 = vector.broadcast %broadcast_in_dim3A_751 : f32 to vector<16xf32>
    %swap3A_753 = arith.constant 94 : i32
    %swap3A_754 = arith.index_cast %swap3A_753 : i32 to index
    %swap3A_755 = arith.constant 0 : index
    %swap3A_756 = tpu.vector_load %arg6[%swap3A_754, %swap3A_755] {strides = array<i32>} : memref<128x16xf32, #tpu.memory_space<vmem>>, vector<1x16xf32>,
    %swap3A_757 = vector.shape_cast %swap3A_756 : vector<1x16xf32> to vector<16xf32>
    %swap3A_758 = vector.shape_cast %broadcast_in_dim3A_752 : vector<16xf32> to vector<1x16xf32>
    tpu.vector_store %arg6[%swap3A_754, %swap3A_755], %swap3A_758 {strides = array<i32>} : memref<128x16xf32, #tpu.memory_space<vmem>>, vector<1x16xf32>,
    %broadcast_in_dim3A_759 = arith.constant 0.000000e+00 : f32
    %broadcast_in_dim3A_760 = vector.broadcast %broadcast_in_dim3A_759 : f32 to vector<16xf32>
    %swap3A_761 = arith.constant 95 : i32
    %swap3A_762 = arith.index_cast %swap3A_761 : i32 to index
    %swap3A_763 = arith.constant 0 : index
    %swap3A_764 = tpu.vector_load %arg6[%swap3A_762, %swap3A_763] {strides = array<i32>} : memref<128x16xf32, #tpu.memory_space<vmem>>, vector<1x16xf32>,
    %swap3A_765 = vector.shape_cast %swap3A_764 : vector<1x16xf32> to vector<16xf32>
    %swap3A_766 = vector.shape_cast %broadcast_in_dim3A_760 : vector<16xf32> to vector<1x16xf32>
    tpu.vector_store %arg6[%swap3A_762, %swap3A_763], %swap3A_766 {strides = array<i32>} : memref<128x16xf32, #tpu.memory_space<vmem>>, vector<1x16xf32>,
    %broadcast_in_dim3A_767 = arith.constant 0.000000e+00 : f32
    %broadcast_in_dim3A_768 = vector.broadcast %broadcast_in_dim3A_767 : f32 to vector<16xf32>
    %swap3A_769 = arith.constant 96 : i32
    %swap3A_770 = arith.index_cast %swap3A_769 : i32 to index
    %swap3A_771 = arith.constant 0 : index
    %swap3A_772 = tpu.vector_load %arg6[%swap3A_770, %swap3A_771] {strides = array<i32>} : memref<128x16xf32, #tpu.memory_space<vmem>>, vector<1x16xf32>,
    %swap3A_773 = vector.shape_cast %swap3A_772 : vector<1x16xf32> to vector<16xf32>
    %swap3A_774 = vector.shape_cast %broadcast_in_dim3A_768 : vector<16xf32> to vector<1x16xf32>
    tpu.vector_store %arg6[%swap3A_770, %swap3A_771], %swap3A_774 {strides = array<i32>} : memref<128x16xf32, #tpu.memory_space<vmem>>, vector<1x16xf32>,
    %broadcast_in_dim3A_775 = arith.constant 0.000000e+00 : f32
    %broadcast_in_dim3A_776 = vector.broadcast %broadcast_in_dim3A_775 : f32 to vector<16xf32>
    %swap3A_777 = arith.constant 97 : i32
    %swap3A_778 = arith.index_cast %swap3A_777 : i32 to index
    %swap3A_779 = arith.constant 0 : index
    %swap3A_780 = tpu.vector_load %arg6[%swap3A_778, %swap3A_779] {strides = array<i32>} : memref<128x16xf32, #tpu.memory_space<vmem>>, vector<1x16xf32>,
    %swap3A_781 = vector.shape_cast %swap3A_780 : vector<1x16xf32> to vector<16xf32>
    %swap3A_782 = vector.shape_cast %broadcast_in_dim3A_776 : vector<16xf32> to vector<1x16xf32>
    tpu.vector_store %arg6[%swap3A_778, %swap3A_779], %swap3A_782 {strides = array<i32>} : memref<128x16xf32, #tpu.memory_space<vmem>>, vector<1x16xf32>,
    %broadcast_in_dim3A_783 = arith.constant 0.000000e+00 : f32
    %broadcast_in_dim3A_784 = vector.broadcast %broadcast_in_dim3A_783 : f32 to vector<16xf32>
    %swap3A_785 = arith.constant 98 : i32
    %swap3A_786 = arith.index_cast %swap3A_785 : i32 to index
    %swap3A_787 = arith.constant 0 : index
    %swap3A_788 = tpu.vector_load %arg6[%swap3A_786, %swap3A_787] {strides = array<i32>} : memref<128x16xf32, #tpu.memory_space<vmem>>, vector<1x16xf32>,
    %swap3A_789 = vector.shape_cast %swap3A_788 : vector<1x16xf32> to vector<16xf32>
    %swap3A_790 = vector.shape_cast %broadcast_in_dim3A_784 : vector<16xf32> to vector<1x16xf32>
    tpu.vector_store %arg6[%swap3A_786, %swap3A_787], %swap3A_790 {strides = array<i32>} : memref<128x16xf32, #tpu.memory_space<vmem>>, vector<1x16xf32>,
    %broadcast_in_dim3A_791 = arith.constant 0.000000e+00 : f32
    %broadcast_in_dim3A_792 = vector.broadcast %broadcast_in_dim3A_791 : f32 to vector<16xf32>
    %swap3A_793 = arith.constant 99 : i32
    %swap3A_794 = arith.index_cast %swap3A_793 : i32 to index
    %swap3A_795 = arith.constant 0 : index
    %swap3A_796 = tpu.vector_load %arg6[%swap3A_794, %swap3A_795] {strides = array<i32>} : memref<128x16xf32, #tpu.memory_space<vmem>>, vector<1x16xf32>,
    %swap3A_797 = vector.shape_cast %swap3A_796 : vector<1x16xf32> to vector<16xf32>
    %swap3A_798 = vector.shape_cast %broadcast_in_dim3A_792 : vector<16xf32> to vector<1x16xf32>
    tpu.vector_store %arg6[%swap3A_794, %swap3A_795], %swap3A_798 {strides = array<i32>} : memref<128x16xf32, #tpu.memory_space<vmem>>, vector<1x16xf32>,
    %broadcast_in_dim3A_799 = arith.constant 0.000000e+00 : f32
    %broadcast_in_dim3A_800 = vector.broadcast %broadcast_in_dim3A_799 : f32 to vector<16xf32>
    %swap3A_801 = arith.constant 100 : i32
    %swap3A_802 = arith.index_cast %swap3A_801 : i32 to index
    %swap3A_803 = arith.constant 0 : index
    %swap3A_804 = tpu.vector_load %arg6[%swap3A_802, %swap3A_803] {strides = array<i32>} : memref<128x16xf32, #tpu.memory_space<vmem>>, vector<1x16xf32>,
    %swap3A_805 = vector.shape_cast %swap3A_804 : vector<1x16xf32> to vector<16xf32>
    %swap3A_806 = vector.shape_cast %broadcast_in_dim3A_800 : vector<16xf32> to vector<1x16xf32>
    tpu.vector_store %arg6[%swap3A_802, %swap3A_803], %swap3A_806 {strides = array<i32>} : memref<128x16xf32, #tpu.memory_space<vmem>>, vector<1x16xf32>,
    %broadcast_in_dim3A_807 = arith.constant 0.000000e+00 : f32
    %broadcast_in_dim3A_808 = vector.broadcast %broadcast_in_dim3A_807 : f32 to vector<16xf32>
    %swap3A_809 = arith.constant 101 : i32
    %swap3A_810 = arith.index_cast %swap3A_809 : i32 to index
    %swap3A_811 = arith.constant 0 : index
    %swap3A_812 = tpu.vector_load %arg6[%swap3A_810, %swap3A_811] {strides = array<i32>} : memref<128x16xf32, #tpu.memory_space<vmem>>, vector<1x16xf32>,
    %swap3A_813 = vector.shape_cast %swap3A_812 : vector<1x16xf32> to vector<16xf32>
    %swap3A_814 = vector.shape_cast %broadcast_in_dim3A_808 : vector<16xf32> to vector<1x16xf32>
    tpu.vector_store %arg6[%swap3A_810, %swap3A_811], %swap3A_814 {strides = array<i32>} : memref<128x16xf32, #tpu.memory_space<vmem>>, vector<1x16xf32>,
    %broadcast_in_dim3A_815 = arith.constant 0.000000e+00 : f32
    %broadcast_in_dim3A_816 = vector.broadcast %broadcast_in_dim3A_815 : f32 to vector<16xf32>
    %swap3A_817 = arith.constant 102 : i32
    %swap3A_818 = arith.index_cast %swap3A_817 : i32 to index
    %swap3A_819 = arith.constant 0 : index
    %swap3A_820 = tpu.vector_load %arg6[%swap3A_818, %swap3A_819] {strides = array<i32>} : memref<128x16xf32, #tpu.memory_space<vmem>>, vector<1x16xf32>,
    %swap3A_821 = vector.shape_cast %swap3A_820 : vector<1x16xf32> to vector<16xf32>
    %swap3A_822 = vector.shape_cast %broadcast_in_dim3A_816 : vector<16xf32> to vector<1x16xf32>
    tpu.vector_store %arg6[%swap3A_818, %swap3A_819], %swap3A_822 {strides = array<i32>} : memref<128x16xf32, #tpu.memory_space<vmem>>, vector<1x16xf32>,
    %broadcast_in_dim3A_823 = arith.constant 0.000000e+00 : f32
    %broadcast_in_dim3A_824 = vector.broadcast %broadcast_in_dim3A_823 : f32 to vector<16xf32>
    %swap3A_825 = arith.constant 103 : i32
    %swap3A_826 = arith.index_cast %swap3A_825 : i32 to index
    %swap3A_827 = arith.constant 0 : index
    %swap3A_828 = tpu.vector_load %arg6[%swap3A_826, %swap3A_827] {strides = array<i32>} : memref<128x16xf32, #tpu.memory_space<vmem>>, vector<1x16xf32>,
    %swap3A_829 = vector.shape_cast %swap3A_828 : vector<1x16xf32> to vector<16xf32>
    %swap3A_830 = vector.shape_cast %broadcast_in_dim3A_824 : vector<16xf32> to vector<1x16xf32>
    tpu.vector_store %arg6[%swap3A_826, %swap3A_827], %swap3A_830 {strides = array<i32>} : memref<128x16xf32, #tpu.memory_space<vmem>>, vector<1x16xf32>,
    %broadcast_in_dim3A_831 = arith.constant 0.000000e+00 : f32
    %broadcast_in_dim3A_832 = vector.broadcast %broadcast_in_dim3A_831 : f32 to vector<16xf32>
    %swap3A_833 = arith.constant 104 : i32
    %swap3A_834 = arith.index_cast %swap3A_833 : i32 to index
    %swap3A_835 = arith.constant 0 : index
    %swap3A_836 = tpu.vector_load %arg6[%swap3A_834, %swap3A_835] {strides = array<i32>} : memref<128x16xf32, #tpu.memory_space<vmem>>, vector<1x16xf32>,
    %swap3A_837 = vector.shape_cast %swap3A_836 : vector<1x16xf32> to vector<16xf32>
    %swap3A_838 = vector.shape_cast %broadcast_in_dim3A_832 : vector<16xf32> to vector<1x16xf32>
    tpu.vector_store %arg6[%swap3A_834, %swap3A_835], %swap3A_838 {strides = array<i32>} : memref<128x16xf32, #tpu.memory_space<vmem>>, vector<1x16xf32>,
    %broadcast_in_dim3A_839 = arith.constant 0.000000e+00 : f32
    %broadcast_in_dim3A_840 = vector.broadcast %broadcast_in_dim3A_839 : f32 to vector<16xf32>
    %swap3A_841 = arith.constant 105 : i32
    %swap3A_842 = arith.index_cast %swap3A_841 : i32 to index
    %swap3A_843 = arith.constant 0 : index
    %swap3A_844 = tpu.vector_load %arg6[%swap3A_842, %swap3A_843] {strides = array<i32>} : memref<128x16xf32, #tpu.memory_space<vmem>>, vector<1x16xf32>,
    %swap3A_845 = vector.shape_cast %swap3A_844 : vector<1x16xf32> to vector<16xf32>
    %swap3A_846 = vector.shape_cast %broadcast_in_dim3A_840 : vector<16xf32> to vector<1x16xf32>
    tpu.vector_store %arg6[%swap3A_842, %swap3A_843], %swap3A_846 {strides = array<i32>} : memref<128x16xf32, #tpu.memory_space<vmem>>, vector<1x16xf32>,
    %broadcast_in_dim3A_847 = arith.constant 0.000000e+00 : f32
    %broadcast_in_dim3A_848 = vector.broadcast %broadcast_in_dim3A_847 : f32 to vector<16xf32>
    %swap3A_849 = arith.constant 106 : i32
    %swap3A_850 = arith.index_cast %swap3A_849 : i32 to index
    %swap3A_851 = arith.constant 0 : index
    %swap3A_852 = tpu.vector_load %arg6[%swap3A_850, %swap3A_851] {strides = array<i32>} : memref<128x16xf32, #tpu.memory_space<vmem>>, vector<1x16xf32>,
    %swap3A_853 = vector.shape_cast %swap3A_852 : vector<1x16xf32> to vector<16xf32>
    %swap3A_854 = vector.shape_cast %broadcast_in_dim3A_848 : vector<16xf32> to vector<1x16xf32>
    tpu.vector_store %arg6[%swap3A_850, %swap3A_851], %swap3A_854 {strides = array<i32>} : memref<128x16xf32, #tpu.memory_space<vmem>>, vector<1x16xf32>,
    %broadcast_in_dim3A_855 = arith.constant 0.000000e+00 : f32
    %broadcast_in_dim3A_856 = vector.broadcast %broadcast_in_dim3A_855 : f32 to vector<16xf32>
    %swap3A_857 = arith.constant 107 : i32
    %swap3A_858 = arith.index_cast %swap3A_857 : i32 to index
    %swap3A_859 = arith.constant 0 : index
    %swap3A_860 = tpu.vector_load %arg6[%swap3A_858, %swap3A_859] {strides = array<i32>} : memref<128x16xf32, #tpu.memory_space<vmem>>, vector<1x16xf32>,
    %swap3A_861 = vector.shape_cast %swap3A_860 : vector<1x16xf32> to vector<16xf32>
    %swap3A_862 = vector.shape_cast %broadcast_in_dim3A_856 : vector<16xf32> to vector<1x16xf32>
    tpu.vector_store %arg6[%swap3A_858, %swap3A_859], %swap3A_862 {strides = array<i32>} : memref<128x16xf32, #tpu.memory_space<vmem>>, vector<1x16xf32>,
    %broadcast_in_dim3A_863 = arith.constant 0.000000e+00 : f32
    %broadcast_in_dim3A_864 = vector.broadcast %broadcast_in_dim3A_863 : f32 to vector<16xf32>
    %swap3A_865 = arith.constant 108 : i32
    %swap3A_866 = arith.index_cast %swap3A_865 : i32 to index
    %swap3A_867 = arith.constant 0 : index
    %swap3A_868 = tpu.vector_load %arg6[%swap3A_866, %swap3A_867] {strides = array<i32>} : memref<128x16xf32, #tpu.memory_space<vmem>>, vector<1x16xf32>,
    %swap3A_869 = vector.shape_cast %swap3A_868 : vector<1x16xf32> to vector<16xf32>
    %swap3A_870 = vector.shape_cast %broadcast_in_dim3A_864 : vector<16xf32> to vector<1x16xf32>
    tpu.vector_store %arg6[%swap3A_866, %swap3A_867], %swap3A_870 {strides = array<i32>} : memref<128x16xf32, #tpu.memory_space<vmem>>, vector<1x16xf32>,
    %broadcast_in_dim3A_871 = arith.constant 0.000000e+00 : f32
    %broadcast_in_dim3A_872 = vector.broadcast %broadcast_in_dim3A_871 : f32 to vector<16xf32>
    %swap3A_873 = arith.constant 109 : i32
    %swap3A_874 = arith.index_cast %swap3A_873 : i32 to index
    %swap3A_875 = arith.constant 0 : index
    %swap3A_876 = tpu.vector_load %arg6[%swap3A_874, %swap3A_875] {strides = array<i32>} : memref<128x16xf32, #tpu.memory_space<vmem>>, vector<1x16xf32>,
    %swap3A_877 = vector.shape_cast %swap3A_876 : vector<1x16xf32> to vector<16xf32>
    %swap3A_878 = vector.shape_cast %broadcast_in_dim3A_872 : vector<16xf32> to vector<1x16xf32>
    tpu.vector_store %arg6[%swap3A_874, %swap3A_875], %swap3A_878 {strides = array<i32>} : memref<128x16xf32, #tpu.memory_space<vmem>>, vector<1x16xf32>,
    %broadcast_in_dim3A_879 = arith.constant 0.000000e+00 : f32
    %broadcast_in_dim3A_880 = vector.broadcast %broadcast_in_dim3A_879 : f32 to vector<16xf32>
    %swap3A_881 = arith.constant 110 : i32
    %swap3A_882 = arith.index_cast %swap3A_881 : i32 to index
    %swap3A_883 = arith.constant 0 : index
    %swap3A_884 = tpu.vector_load %arg6[%swap3A_882, %swap3A_883] {strides = array<i32>} : memref<128x16xf32, #tpu.memory_space<vmem>>, vector<1x16xf32>,
    %swap3A_885 = vector.shape_cast %swap3A_884 : vector<1x16xf32> to vector<16xf32>
    %swap3A_886 = vector.shape_cast %broadcast_in_dim3A_880 : vector<16xf32> to vector<1x16xf32>
    tpu.vector_store %arg6[%swap3A_882, %swap3A_883], %swap3A_886 {strides = array<i32>} : memref<128x16xf32, #tpu.memory_space<vmem>>, vector<1x16xf32>,
    %broadcast_in_dim3A_887 = arith.constant 0.000000e+00 : f32
    %broadcast_in_dim3A_888 = vector.broadcast %broadcast_in_dim3A_887 : f32 to vector<16xf32>
    %swap3A_889 = arith.constant 111 : i32
    %swap3A_890 = arith.index_cast %swap3A_889 : i32 to index
    %swap3A_891 = arith.constant 0 : index
    %swap3A_892 = tpu.vector_load %arg6[%swap3A_890, %swap3A_891] {strides = array<i32>} : memref<128x16xf32, #tpu.memory_space<vmem>>, vector<1x16xf32>,
    %swap3A_893 = vector.shape_cast %swap3A_892 : vector<1x16xf32> to vector<16xf32>
    %swap3A_894 = vector.shape_cast %broadcast_in_dim3A_888 : vector<16xf32> to vector<1x16xf32>
    tpu.vector_store %arg6[%swap3A_890, %swap3A_891], %swap3A_894 {strides = array<i32>} : memref<128x16xf32, #tpu.memory_space<vmem>>, vector<1x16xf32>,
    %broadcast_in_dim3A_895 = arith.constant 0.000000e+00 : f32
    %broadcast_in_dim3A_896 = vector.broadcast %broadcast_in_dim3A_895 : f32 to vector<16xf32>
    %swap3A_897 = arith.constant 112 : i32
    %swap3A_898 = arith.index_cast %swap3A_897 : i32 to index
    %swap3A_899 = arith.constant 0 : index
    %swap3A_900 = tpu.vector_load %arg6[%swap3A_898, %swap3A_899] {strides = array<i32>} : memref<128x16xf32, #tpu.memory_space<vmem>>, vector<1x16xf32>,
    %swap3A_901 = vector.shape_cast %swap3A_900 : vector<1x16xf32> to vector<16xf32>
    %swap3A_902 = vector.shape_cast %broadcast_in_dim3A_896 : vector<16xf32> to vector<1x16xf32>
    tpu.vector_store %arg6[%swap3A_898, %swap3A_899], %swap3A_902 {strides = array<i32>} : memref<128x16xf32, #tpu.memory_space<vmem>>, vector<1x16xf32>,
    %broadcast_in_dim3A_903 = arith.constant 0.000000e+00 : f32
    %broadcast_in_dim3A_904 = vector.broadcast %broadcast_in_dim3A_903 : f32 to vector<16xf32>
    %swap3A_905 = arith.constant 113 : i32
    %swap3A_906 = arith.index_cast %swap3A_905 : i32 to index
    %swap3A_907 = arith.constant 0 : index
    %swap3A_908 = tpu.vector_load %arg6[%swap3A_906, %swap3A_907] {strides = array<i32>} : memref<128x16xf32, #tpu.memory_space<vmem>>, vector<1x16xf32>,
    %swap3A_909 = vector.shape_cast %swap3A_908 : vector<1x16xf32> to vector<16xf32>
    %swap3A_910 = vector.shape_cast %broadcast_in_dim3A_904 : vector<16xf32> to vector<1x16xf32>
    tpu.vector_store %arg6[%swap3A_906, %swap3A_907], %swap3A_910 {strides = array<i32>} : memref<128x16xf32, #tpu.memory_space<vmem>>, vector<1x16xf32>,
    %broadcast_in_dim3A_911 = arith.constant 0.000000e+00 : f32
    %broadcast_in_dim3A_912 = vector.broadcast %broadcast_in_dim3A_911 : f32 to vector<16xf32>
    %swap3A_913 = arith.constant 114 : i32
    %swap3A_914 = arith.index_cast %swap3A_913 : i32 to index
    %swap3A_915 = arith.constant 0 : index
    %swap3A_916 = tpu.vector_load %arg6[%swap3A_914, %swap3A_915] {strides = array<i32>} : memref<128x16xf32, #tpu.memory_space<vmem>>, vector<1x16xf32>,
    %swap3A_917 = vector.shape_cast %swap3A_916 : vector<1x16xf32> to vector<16xf32>
    %swap3A_918 = vector.shape_cast %broadcast_in_dim3A_912 : vector<16xf32> to vector<1x16xf32>
    tpu.vector_store %arg6[%swap3A_914, %swap3A_915], %swap3A_918 {strides = array<i32>} : memref<128x16xf32, #tpu.memory_space<vmem>>, vector<1x16xf32>,
    %broadcast_in_dim3A_919 = arith.constant 0.000000e+00 : f32
    %broadcast_in_dim3A_920 = vector.broadcast %broadcast_in_dim3A_919 : f32 to vector<16xf32>
    %swap3A_921 = arith.constant 115 : i32
    %swap3A_922 = arith.index_cast %swap3A_921 : i32 to index
    %swap3A_923 = arith.constant 0 : index
    %swap3A_924 = tpu.vector_load %arg6[%swap3A_922, %swap3A_923] {strides = array<i32>} : memref<128x16xf32, #tpu.memory_space<vmem>>, vector<1x16xf32>,
    %swap3A_925 = vector.shape_cast %swap3A_924 : vector<1x16xf32> to vector<16xf32>
    %swap3A_926 = vector.shape_cast %broadcast_in_dim3A_920 : vector<16xf32> to vector<1x16xf32>
    tpu.vector_store %arg6[%swap3A_922, %swap3A_923], %swap3A_926 {strides = array<i32>} : memref<128x16xf32, #tpu.memory_space<vmem>>, vector<1x16xf32>,
    %broadcast_in_dim3A_927 = arith.constant 0.000000e+00 : f32
    %broadcast_in_dim3A_928 = vector.broadcast %broadcast_in_dim3A_927 : f32 to vector<16xf32>
    %swap3A_929 = arith.constant 116 : i32
    %swap3A_930 = arith.index_cast %swap3A_929 : i32 to index
    %swap3A_931 = arith.constant 0 : index
    %swap3A_932 = tpu.vector_load %arg6[%swap3A_930, %swap3A_931] {strides = array<i32>} : memref<128x16xf32, #tpu.memory_space<vmem>>, vector<1x16xf32>,
    %swap3A_933 = vector.shape_cast %swap3A_932 : vector<1x16xf32> to vector<16xf32>
    %swap3A_934 = vector.shape_cast %broadcast_in_dim3A_928 : vector<16xf32> to vector<1x16xf32>
    tpu.vector_store %arg6[%swap3A_930, %swap3A_931], %swap3A_934 {strides = array<i32>} : memref<128x16xf32, #tpu.memory_space<vmem>>, vector<1x16xf32>,
    %broadcast_in_dim3A_935 = arith.constant 0.000000e+00 : f32
    %broadcast_in_dim3A_936 = vector.broadcast %broadcast_in_dim3A_935 : f32 to vector<16xf32>
    %swap3A_937 = arith.constant 117 : i32
    %swap3A_938 = arith.index_cast %swap3A_937 : i32 to index
    %swap3A_939 = arith.constant 0 : index
    %swap3A_940 = tpu.vector_load %arg6[%swap3A_938, %swap3A_939] {strides = array<i32>} : memref<128x16xf32, #tpu.memory_space<vmem>>, vector<1x16xf32>,
    %swap3A_941 = vector.shape_cast %swap3A_940 : vector<1x16xf32> to vector<16xf32>
    %swap3A_942 = vector.shape_cast %broadcast_in_dim3A_936 : vector<16xf32> to vector<1x16xf32>
    tpu.vector_store %arg6[%swap3A_938, %swap3A_939], %swap3A_942 {strides = array<i32>} : memref<128x16xf32, #tpu.memory_space<vmem>>, vector<1x16xf32>,
    %broadcast_in_dim3A_943 = arith.constant 0.000000e+00 : f32
    %broadcast_in_dim3A_944 = vector.broadcast %broadcast_in_dim3A_943 : f32 to vector<16xf32>
    %swap3A_945 = arith.constant 118 : i32
    %swap3A_946 = arith.index_cast %swap3A_945 : i32 to index
    %swap3A_947 = arith.constant 0 : index
    %swap3A_948 = tpu.vector_load %arg6[%swap3A_946, %swap3A_947] {strides = array<i32>} : memref<128x16xf32, #tpu.memory_space<vmem>>, vector<1x16xf32>,
    %swap3A_949 = vector.shape_cast %swap3A_948 : vector<1x16xf32> to vector<16xf32>
    %swap3A_950 = vector.shape_cast %broadcast_in_dim3A_944 : vector<16xf32> to vector<1x16xf32>
    tpu.vector_store %arg6[%swap3A_946, %swap3A_947], %swap3A_950 {strides = array<i32>} : memref<128x16xf32, #tpu.memory_space<vmem>>, vector<1x16xf32>,
    %broadcast_in_dim3A_951 = arith.constant 0.000000e+00 : f32
    %broadcast_in_dim3A_952 = vector.broadcast %broadcast_in_dim3A_951 : f32 to vector<16xf32>
    %swap3A_953 = arith.constant 119 : i32
    %swap3A_954 = arith.index_cast %swap3A_953 : i32 to index
    %swap3A_955 = arith.constant 0 : index
    %swap3A_956 = tpu.vector_load %arg6[%swap3A_954, %swap3A_955] {strides = array<i32>} : memref<128x16xf32, #tpu.memory_space<vmem>>, vector<1x16xf32>,
    %swap3A_957 = vector.shape_cast %swap3A_956 : vector<1x16xf32> to vector<16xf32>
    %swap3A_958 = vector.shape_cast %broadcast_in_dim3A_952 : vector<16xf32> to vector<1x16xf32>
    tpu.vector_store %arg6[%swap3A_954, %swap3A_955], %swap3A_958 {strides = array<i32>} : memref<128x16xf32, #tpu.memory_space<vmem>>, vector<1x16xf32>,
    %broadcast_in_dim3A_959 = arith.constant 0.000000e+00 : f32
    %broadcast_in_dim3A_960 = vector.broadcast %broadcast_in_dim3A_959 : f32 to vector<16xf32>
    %swap3A_961 = arith.constant 120 : i32
    %swap3A_962 = arith.index_cast %swap3A_961 : i32 to index
    %swap3A_963 = arith.constant 0 : index
    %swap3A_964 = tpu.vector_load %arg6[%swap3A_962, %swap3A_963] {strides = array<i32>} : memref<128x16xf32, #tpu.memory_space<vmem>>, vector<1x16xf32>,
    %swap3A_965 = vector.shape_cast %swap3A_964 : vector<1x16xf32> to vector<16xf32>
    %swap3A_966 = vector.shape_cast %broadcast_in_dim3A_960 : vector<16xf32> to vector<1x16xf32>
    tpu.vector_store %arg6[%swap3A_962, %swap3A_963], %swap3A_966 {strides = array<i32>} : memref<128x16xf32, #tpu.memory_space<vmem>>, vector<1x16xf32>,
    %broadcast_in_dim3A_967 = arith.constant 0.000000e+00 : f32
    %broadcast_in_dim3A_968 = vector.broadcast %broadcast_in_dim3A_967 : f32 to vector<16xf32>
    %swap3A_969 = arith.constant 121 : i32
    %swap3A_970 = arith.index_cast %swap3A_969 : i32 to index
    %swap3A_971 = arith.constant 0 : index
    %swap3A_972 = tpu.vector_load %arg6[%swap3A_970, %swap3A_971] {strides = array<i32>} : memref<128x16xf32, #tpu.memory_space<vmem>>, vector<1x16xf32>,
    %swap3A_973 = vector.shape_cast %swap3A_972 : vector<1x16xf32> to vector<16xf32>
    %swap3A_974 = vector.shape_cast %broadcast_in_dim3A_968 : vector<16xf32> to vector<1x16xf32>
    tpu.vector_store %arg6[%swap3A_970, %swap3A_971], %swap3A_974 {strides = array<i32>} : memref<128x16xf32, #tpu.memory_space<vmem>>, vector<1x16xf32>,
    %broadcast_in_dim3A_975 = arith.constant 0.000000e+00 : f32
    %broadcast_in_dim3A_976 = vector.broadcast %broadcast_in_dim3A_975 : f32 to vector<16xf32>
    %swap3A_977 = arith.constant 122 : i32
    %swap3A_978 = arith.index_cast %swap3A_977 : i32 to index
    %swap3A_979 = arith.constant 0 : index
    %swap3A_980 = tpu.vector_load %arg6[%swap3A_978, %swap3A_979] {strides = array<i32>} : memref<128x16xf32, #tpu.memory_space<vmem>>, vector<1x16xf32>,
    %swap3A_981 = vector.shape_cast %swap3A_980 : vector<1x16xf32> to vector<16xf32>
    %swap3A_982 = vector.shape_cast %broadcast_in_dim3A_976 : vector<16xf32> to vector<1x16xf32>
    tpu.vector_store %arg6[%swap3A_978, %swap3A_979], %swap3A_982 {strides = array<i32>} : memref<128x16xf32, #tpu.memory_space<vmem>>, vector<1x16xf32>,
    %broadcast_in_dim3A_983 = arith.constant 0.000000e+00 : f32
    %broadcast_in_dim3A_984 = vector.broadcast %broadcast_in_dim3A_983 : f32 to vector<16xf32>
    %swap3A_985 = arith.constant 123 : i32
    %swap3A_986 = arith.index_cast %swap3A_985 : i32 to index
    %swap3A_987 = arith.constant 0 : index
    %swap3A_988 = tpu.vector_load %arg6[%swap3A_986, %swap3A_987] {strides = array<i32>} : memref<128x16xf32, #tpu.memory_space<vmem>>, vector<1x16xf32>,
    %swap3A_989 = vector.shape_cast %swap3A_988 : vector<1x16xf32> to vector<16xf32>
    %swap3A_990 = vector.shape_cast %broadcast_in_dim3A_984 : vector<16xf32> to vector<1x16xf32>
    tpu.vector_store %arg6[%swap3A_986, %swap3A_987], %swap3A_990 {strides = array<i32>} : memref<128x16xf32, #tpu.memory_space<vmem>>, vector<1x16xf32>,
    %broadcast_in_dim3A_991 = arith.constant 0.000000e+00 : f32
    %broadcast_in_dim3A_992 = vector.broadcast %broadcast_in_dim3A_991 : f32 to vector<16xf32>
    %swap3A_993 = arith.constant 124 : i32
    %swap3A_994 = arith.index_cast %swap3A_993 : i32 to index
    %swap3A_995 = arith.constant 0 : index
    %swap3A_996 = tpu.vector_load %arg6[%swap3A_994, %swap3A_995] {strides = array<i32>} : memref<128x16xf32, #tpu.memory_space<vmem>>, vector<1x16xf32>,
    %swap3A_997 = vector.shape_cast %swap3A_996 : vector<1x16xf32> to vector<16xf32>
    %swap3A_998 = vector.shape_cast %broadcast_in_dim3A_992 : vector<16xf32> to vector<1x16xf32>
    tpu.vector_store %arg6[%swap3A_994, %swap3A_995], %swap3A_998 {strides = array<i32>} : memref<128x16xf32, #tpu.memory_space<vmem>>, vector<1x16xf32>,
    %broadcast_in_dim3A_999 = arith.constant 0.000000e+00 : f32
    %broadcast_in_dim3A_1000 = vector.broadcast %broadcast_in_dim3A_999 : f32 to vector<16xf32>
    %swap3A_1001 = arith.constant 125 : i32
    %swap3A_1002 = arith.index_cast %swap3A_1001 : i32 to index
    %swap3A_1003 = arith.constant 0 : index
    %swap3A_1004 = tpu.vector_load %arg6[%swap3A_1002, %swap3A_1003] {strides = array<i32>} : memref<128x16xf32, #tpu.memory_space<vmem>>, vector<1x16xf32>,
    %swap3A_1005 = vector.shape_cast %swap3A_1004 : vector<1x16xf32> to vector<16xf32>
    %swap3A_1006 = vector.shape_cast %broadcast_in_dim3A_1000 : vector<16xf32> to vector<1x16xf32>
    tpu.vector_store %arg6[%swap3A_1002, %swap3A_1003], %swap3A_1006 {strides = array<i32>} : memref<128x16xf32, #tpu.memory_space<vmem>>, vector<1x16xf32>,
    %broadcast_in_dim3A_1007 = arith.constant 0.000000e+00 : f32
    %broadcast_in_dim3A_1008 = vector.broadcast %broadcast_in_dim3A_1007 : f32 to vector<16xf32>
    %swap3A_1009 = arith.constant 126 : i32
    %swap3A_1010 = arith.index_cast %swap3A_1009 : i32 to index
    %swap3A_1011 = arith.constant 0 : index
    %swap3A_1012 = tpu.vector_load %arg6[%swap3A_1010, %swap3A_1011] {strides = array<i32>} : memref<128x16xf32, #tpu.memory_space<vmem>>, vector<1x16xf32>,
    %swap3A_1013 = vector.shape_cast %swap3A_1012 : vector<1x16xf32> to vector<16xf32>
    %swap3A_1014 = vector.shape_cast %broadcast_in_dim3A_1008 : vector<16xf32> to vector<1x16xf32>
    tpu.vector_store %arg6[%swap3A_1010, %swap3A_1011], %swap3A_1014 {strides = array<i32>} : memref<128x16xf32, #tpu.memory_space<vmem>>, vector<1x16xf32>,
    %broadcast_in_dim3A_1015 = arith.constant 0.000000e+00 : f32
    %broadcast_in_dim3A_1016 = vector.broadcast %broadcast_in_dim3A_1015 : f32 to vector<16xf32>
    %swap3A_1017 = arith.constant 127 : i32
    %swap3A_1018 = arith.index_cast %swap3A_1017 : i32 to index
    %swap3A_1019 = arith.constant 0 : index
    %swap3A_1020 = tpu.vector_load %arg6[%swap3A_1018, %swap3A_1019] {strides = array<i32>} : memref<128x16xf32, #tpu.memory_space<vmem>>, vector<1x16xf32>,
    %swap3A_1021 = vector.shape_cast %swap3A_1020 : vector<1x16xf32> to vector<16xf32>
    %swap3A_1022 = vector.shape_cast %broadcast_in_dim3A_1016 : vector<16xf32> to vector<1x16xf32>
    tpu.vector_store %arg6[%swap3A_1018, %swap3A_1019], %swap3A_1022 {strides = array<i32>} : memref<128x16xf32, #tpu.memory_space<vmem>>, vector<1x16xf32>,
    %mul3A_1023 = arith.constant 640 : i32
    %mul3A_1024 = arith.muli %arg1, %mul3A_1023 : i32
    %add3A_1025 = arith.constant 0 : i32
    %add3A_1026 = arith.addi %mul3A_1024, %add3A_1025 : i32
    "tpu.region"() ({
      %run_scoped3A = tpu.sem_alloc : memref<!tpu.dma_semaphore, #tpu.memory_space<semaphore_mem>>
      %dma_start3A = arith.constant 0 : i32
      %dma_start3A_1832 = tpu.memref_slice %arg7[%add3A_1026, %dma_start3A] : memref<10240x16xf32, #tpu.memory_space<vmem_shared>> -> memref<128x16xf32, #tpu.memory_space<vmem_shared>>
      %dma_start3A_1833 = arith.constant 0 : i32
      %dma_start3A_1834 = tpu.memref_slice %arg7[%add3A_1026, %dma_start3A_1833] : memref<10240x16xf32, #tpu.memory_space<vmem_shared>> -> memref<128x16xf32, #tpu.memory_space<vmem_shared>>
      tpu.enqueue_dma source(%arg6 : memref<128x16xf32, #tpu.memory_space<vmem>>) target(%dma_start3A_1834 : memref<128x16xf32, #tpu.memory_space<vmem_shared>>) target_semaphore(%run_scoped3A : memref<!tpu.dma_semaphore, #tpu.memory_space<semaphore_mem>>)
      %dma_wait3A = arith.constant 0 : i32
      %dma_wait3A_1835 = tpu.memref_slice %arg7[%add3A_1026, %dma_wait3A] : memref<10240x16xf32, #tpu.memory_space<vmem_shared>> -> memref<128x16xf32, #tpu.memory_space<vmem_shared>>
      %dma_wait3A_1836 = arith.constant 0 : i32
      %dma_wait3A_1837 = tpu.memref_slice %arg7[%add3A_1026, %dma_wait3A_1836] : memref<10240x16xf32, #tpu.memory_space<vmem_shared>> -> memref<128x16xf32, #tpu.memory_space<vmem_shared>>
      tpu.wait_dma2 semaphore(%run_scoped3A : memref<!tpu.dma_semaphore, #tpu.memory_space<semaphore_mem>>) src(%arg6 : memref<128x16xf32, #tpu.memory_space<vmem>>) dst(%dma_wait3A_1837 : memref<128x16xf32, #tpu.memory_space<vmem_shared>>)
      tpu.yield
    }) : () -> ()
    %mul3A_1027 = arith.constant 640 : i32
    %mul3A_1028 = arith.muli %arg1, %mul3A_1027 : i32
    %add3A_1029 = arith.constant 128 : i32
    %add3A_1030 = arith.addi %mul3A_1028, %add3A_1029 : i32
    "tpu.region"() ({
      %run_scoped3A = tpu.sem_alloc : memref<!tpu.dma_semaphore, #tpu.memory_space<semaphore_mem>>
      %dma_start3A = arith.constant 0 : i32
      %dma_start3A_1832 = tpu.memref_slice %arg7[%add3A_1030, %dma_start3A] : memref<10240x16xf32, #tpu.memory_space<vmem_shared>> -> memref<128x16xf32, #tpu.memory_space<vmem_shared>>
      %dma_start3A_1833 = arith.constant 0 : i32
      %dma_start3A_1834 = tpu.memref_slice %arg7[%add3A_1030, %dma_start3A_1833] : memref<10240x16xf32, #tpu.memory_space<vmem_shared>> -> memref<128x16xf32, #tpu.memory_space<vmem_shared>>
      tpu.enqueue_dma source(%arg6 : memref<128x16xf32, #tpu.memory_space<vmem>>) target(%dma_start3A_1834 : memref<128x16xf32, #tpu.memory_space<vmem_shared>>) target_semaphore(%run_scoped3A : memref<!tpu.dma_semaphore, #tpu.memory_space<semaphore_mem>>)
      %dma_wait3A = arith.constant 0 : i32
      %dma_wait3A_1835 = tpu.memref_slice %arg7[%add3A_1030, %dma_wait3A] : memref<10240x16xf32, #tpu.memory_space<vmem_shared>> -> memref<128x16xf32, #tpu.memory_space<vmem_shared>>
      %dma_wait3A_1836 = arith.constant 0 : i32
      %dma_wait3A_1837 = tpu.memref_slice %arg7[%add3A_1030, %dma_wait3A_1836] : memref<10240x16xf32, #tpu.memory_space<vmem_shared>> -> memref<128x16xf32, #tpu.memory_space<vmem_shared>>
      tpu.wait_dma2 semaphore(%run_scoped3A : memref<!tpu.dma_semaphore, #tpu.memory_space<semaphore_mem>>) src(%arg6 : memref<128x16xf32, #tpu.memory_space<vmem>>) dst(%dma_wait3A_1837 : memref<128x16xf32, #tpu.memory_space<vmem_shared>>)
      tpu.yield
    }) : () -> ()
    %mul3A_1031 = arith.constant 640 : i32
    %mul3A_1032 = arith.muli %arg1, %mul3A_1031 : i32
    %add3A_1033 = arith.constant 256 : i32
    %add3A_1034 = arith.addi %mul3A_1032, %add3A_1033 : i32
    "tpu.region"() ({
      %run_scoped3A = tpu.sem_alloc : memref<!tpu.dma_semaphore, #tpu.memory_space<semaphore_mem>>
      %dma_start3A = arith.constant 0 : i32
      %dma_start3A_1832 = tpu.memref_slice %arg7[%add3A_1034, %dma_start3A] : memref<10240x16xf32, #tpu.memory_space<vmem_shared>> -> memref<128x16xf32, #tpu.memory_space<vmem_shared>>
      %dma_start3A_1833 = arith.constant 0 : i32
      %dma_start3A_1834 = tpu.memref_slice %arg7[%add3A_1034, %dma_start3A_1833] : memref<10240x16xf32, #tpu.memory_space<vmem_shared>> -> memref<128x16xf32, #tpu.memory_space<vmem_shared>>
      tpu.enqueue_dma source(%arg6 : memref<128x16xf32, #tpu.memory_space<vmem>>) target(%dma_start3A_1834 : memref<128x16xf32, #tpu.memory_space<vmem_shared>>) target_semaphore(%run_scoped3A : memref<!tpu.dma_semaphore, #tpu.memory_space<semaphore_mem>>)
      %dma_wait3A = arith.constant 0 : i32
      %dma_wait3A_1835 = tpu.memref_slice %arg7[%add3A_1034, %dma_wait3A] : memref<10240x16xf32, #tpu.memory_space<vmem_shared>> -> memref<128x16xf32, #tpu.memory_space<vmem_shared>>
      %dma_wait3A_1836 = arith.constant 0 : i32
      %dma_wait3A_1837 = tpu.memref_slice %arg7[%add3A_1034, %dma_wait3A_1836] : memref<10240x16xf32, #tpu.memory_space<vmem_shared>> -> memref<128x16xf32, #tpu.memory_space<vmem_shared>>
      tpu.wait_dma2 semaphore(%run_scoped3A : memref<!tpu.dma_semaphore, #tpu.memory_space<semaphore_mem>>) src(%arg6 : memref<128x16xf32, #tpu.memory_space<vmem>>) dst(%dma_wait3A_1837 : memref<128x16xf32, #tpu.memory_space<vmem_shared>>)
      tpu.yield
    }) : () -> ()
    %mul3A_1035 = arith.constant 640 : i32
    %mul3A_1036 = arith.muli %arg1, %mul3A_1035 : i32
    %add3A_1037 = arith.constant 384 : i32
    %add3A_1038 = arith.addi %mul3A_1036, %add3A_1037 : i32
    "tpu.region"() ({
      %run_scoped3A = tpu.sem_alloc : memref<!tpu.dma_semaphore, #tpu.memory_space<semaphore_mem>>
      %dma_start3A = arith.constant 0 : i32
      %dma_start3A_1832 = tpu.memref_slice %arg7[%add3A_1038, %dma_start3A] : memref<10240x16xf32, #tpu.memory_space<vmem_shared>> -> memref<128x16xf32, #tpu.memory_space<vmem_shared>>
      %dma_start3A_1833 = arith.constant 0 : i32
      %dma_start3A_1834 = tpu.memref_slice %arg7[%add3A_1038, %dma_start3A_1833] : memref<10240x16xf32, #tpu.memory_space<vmem_shared>> -> memref<128x16xf32, #tpu.memory_space<vmem_shared>>
      tpu.enqueue_dma source(%arg6 : memref<128x16xf32, #tpu.memory_space<vmem>>) target(%dma_start3A_1834 : memref<128x16xf32, #tpu.memory_space<vmem_shared>>) target_semaphore(%run_scoped3A : memref<!tpu.dma_semaphore, #tpu.memory_space<semaphore_mem>>)
      %dma_wait3A = arith.constant 0 : i32
      %dma_wait3A_1835 = tpu.memref_slice %arg7[%add3A_1038, %dma_wait3A] : memref<10240x16xf32, #tpu.memory_space<vmem_shared>> -> memref<128x16xf32, #tpu.memory_space<vmem_shared>>
      %dma_wait3A_1836 = arith.constant 0 : i32
      %dma_wait3A_1837 = tpu.memref_slice %arg7[%add3A_1038, %dma_wait3A_1836] : memref<10240x16xf32, #tpu.memory_space<vmem_shared>> -> memref<128x16xf32, #tpu.memory_space<vmem_shared>>
      tpu.wait_dma2 semaphore(%run_scoped3A : memref<!tpu.dma_semaphore, #tpu.memory_space<semaphore_mem>>) src(%arg6 : memref<128x16xf32, #tpu.memory_space<vmem>>) dst(%dma_wait3A_1837 : memref<128x16xf32, #tpu.memory_space<vmem_shared>>)
      tpu.yield
    }) : () -> ()
    %mul3A_1039 = arith.constant 640 : i32
    %mul3A_1040 = arith.muli %arg1, %mul3A_1039 : i32
    %add3A_1041 = arith.constant 512 : i32
    %add3A_1042 = arith.addi %mul3A_1040, %add3A_1041 : i32
    "tpu.region"() ({
      %run_scoped3A = tpu.sem_alloc : memref<!tpu.dma_semaphore, #tpu.memory_space<semaphore_mem>>
      %dma_start3A = arith.constant 0 : i32
      %dma_start3A_1832 = tpu.memref_slice %arg7[%add3A_1042, %dma_start3A] : memref<10240x16xf32, #tpu.memory_space<vmem_shared>> -> memref<128x16xf32, #tpu.memory_space<vmem_shared>>
      %dma_start3A_1833 = arith.constant 0 : i32
      %dma_start3A_1834 = tpu.memref_slice %arg7[%add3A_1042, %dma_start3A_1833] : memref<10240x16xf32, #tpu.memory_space<vmem_shared>> -> memref<128x16xf32, #tpu.memory_space<vmem_shared>>
      tpu.enqueue_dma source(%arg6 : memref<128x16xf32, #tpu.memory_space<vmem>>) target(%dma_start3A_1834 : memref<128x16xf32, #tpu.memory_space<vmem_shared>>) target_semaphore(%run_scoped3A : memref<!tpu.dma_semaphore, #tpu.memory_space<semaphore_mem>>)
      %dma_wait3A = arith.constant 0 : i32
      %dma_wait3A_1835 = tpu.memref_slice %arg7[%add3A_1042, %dma_wait3A] : memref<10240x16xf32, #tpu.memory_space<vmem_shared>> -> memref<128x16xf32, #tpu.memory_space<vmem_shared>>
      %dma_wait3A_1836 = arith.constant 0 : i32
      %dma_wait3A_1837 = tpu.memref_slice %arg7[%add3A_1042, %dma_wait3A_1836] : memref<10240x16xf32, #tpu.memory_space<vmem_shared>> -> memref<128x16xf32, #tpu.memory_space<vmem_shared>>
      tpu.wait_dma2 semaphore(%run_scoped3A : memref<!tpu.dma_semaphore, #tpu.memory_space<semaphore_mem>>) src(%arg6 : memref<128x16xf32, #tpu.memory_space<vmem>>) dst(%dma_wait3A_1837 : memref<128x16xf32, #tpu.memory_space<vmem_shared>>)
      tpu.yield
    }) : () -> ()
    %iota3A = tpu.iota {dimensions = array<i32: 0>} : vector<16xi32>
    %lt3A = arith.constant 1 : i32
    %lt3A_1043 = vector.broadcast %lt3A : i32 to vector<16xi32>
    %lt3A_1044 = arith.cmpi slt, %iota3A, %lt3A_1043 : vector<16xi32>
    %jit3A = arith.constant 1.000000e+00 : f32
    %jit3A_1045 = arith.constant 0.000000e+00 : f32
    %broadcast_in_dim3A_1046 = vector.broadcast %jit3A : f32 to vector<16xf32>
    %broadcast_in_dim3A_1047 = vector.broadcast %jit3A_1045 : f32 to vector<16xf32>
    %select_n3A = arith.select %lt3A_1044, %broadcast_in_dim3A_1046, %broadcast_in_dim3A_1047 : vector<16xi1>, vector<16xf32>
    %swap3A_1048 = arith.constant 0 : i32
    %swap3A_1049 = arith.index_cast %swap3A_1048 : i32 to index
    %swap3A_1050 = arith.constant 0 : index
    %swap3A_1051 = tpu.vector_load %arg6[%swap3A_1049, %swap3A_1050] {strides = array<i32>} : memref<128x16xf32, #tpu.memory_space<vmem>>, vector<1x16xf32>,
    %swap3A_1052 = vector.shape_cast %swap3A_1051 : vector<1x16xf32> to vector<16xf32>
    %swap3A_1053 = vector.shape_cast %select_n3A : vector<16xf32> to vector<1x16xf32>
    tpu.vector_store %arg6[%swap3A_1049, %swap3A_1050], %swap3A_1053 {strides = array<i32>} : memref<128x16xf32, #tpu.memory_space<vmem>>, vector<1x16xf32>,
    %swap3A_1054 = arith.constant 1 : i32
    %swap3A_1055 = arith.index_cast %swap3A_1054 : i32 to index
    %swap3A_1056 = arith.constant 0 : index
    %swap3A_1057 = tpu.vector_load %arg6[%swap3A_1055, %swap3A_1056] {strides = array<i32>} : memref<128x16xf32, #tpu.memory_space<vmem>>, vector<1x16xf32>,
    %swap3A_1058 = vector.shape_cast %swap3A_1057 : vector<1x16xf32> to vector<16xf32>
    %swap3A_1059 = vector.shape_cast %select_n3A : vector<16xf32> to vector<1x16xf32>
    tpu.vector_store %arg6[%swap3A_1055, %swap3A_1056], %swap3A_1059 {strides = array<i32>} : memref<128x16xf32, #tpu.memory_space<vmem>>, vector<1x16xf32>,
    %swap3A_1060 = arith.constant 2 : i32
    %swap3A_1061 = arith.index_cast %swap3A_1060 : i32 to index
    %swap3A_1062 = arith.constant 0 : index
    %swap3A_1063 = tpu.vector_load %arg6[%swap3A_1061, %swap3A_1062] {strides = array<i32>} : memref<128x16xf32, #tpu.memory_space<vmem>>, vector<1x16xf32>,
    %swap3A_1064 = vector.shape_cast %swap3A_1063 : vector<1x16xf32> to vector<16xf32>
    %swap3A_1065 = vector.shape_cast %select_n3A : vector<16xf32> to vector<1x16xf32>
    tpu.vector_store %arg6[%swap3A_1061, %swap3A_1062], %swap3A_1065 {strides = array<i32>} : memref<128x16xf32, #tpu.memory_space<vmem>>, vector<1x16xf32>,
    %swap3A_1066 = arith.constant 3 : i32
    %swap3A_1067 = arith.index_cast %swap3A_1066 : i32 to index
    %swap3A_1068 = arith.constant 0 : index
    %swap3A_1069 = tpu.vector_load %arg6[%swap3A_1067, %swap3A_1068] {strides = array<i32>} : memref<128x16xf32, #tpu.memory_space<vmem>>, vector<1x16xf32>,
    %swap3A_1070 = vector.shape_cast %swap3A_1069 : vector<1x16xf32> to vector<16xf32>
    %swap3A_1071 = vector.shape_cast %select_n3A : vector<16xf32> to vector<1x16xf32>
    tpu.vector_store %arg6[%swap3A_1067, %swap3A_1068], %swap3A_1071 {strides = array<i32>} : memref<128x16xf32, #tpu.memory_space<vmem>>, vector<1x16xf32>,
    %swap3A_1072 = arith.constant 4 : i32
    %swap3A_1073 = arith.index_cast %swap3A_1072 : i32 to index
    %swap3A_1074 = arith.constant 0 : index
    %swap3A_1075 = tpu.vector_load %arg6[%swap3A_1073, %swap3A_1074] {strides = array<i32>} : memref<128x16xf32, #tpu.memory_space<vmem>>, vector<1x16xf32>,
    %swap3A_1076 = vector.shape_cast %swap3A_1075 : vector<1x16xf32> to vector<16xf32>
    %swap3A_1077 = vector.shape_cast %select_n3A : vector<16xf32> to vector<1x16xf32>
    tpu.vector_store %arg6[%swap3A_1073, %swap3A_1074], %swap3A_1077 {strides = array<i32>} : memref<128x16xf32, #tpu.memory_space<vmem>>, vector<1x16xf32>,
    %swap3A_1078 = arith.constant 5 : i32
    %swap3A_1079 = arith.index_cast %swap3A_1078 : i32 to index
    %swap3A_1080 = arith.constant 0 : index
    %swap3A_1081 = tpu.vector_load %arg6[%swap3A_1079, %swap3A_1080] {strides = array<i32>} : memref<128x16xf32, #tpu.memory_space<vmem>>, vector<1x16xf32>,
    %swap3A_1082 = vector.shape_cast %swap3A_1081 : vector<1x16xf32> to vector<16xf32>
    %swap3A_1083 = vector.shape_cast %select_n3A : vector<16xf32> to vector<1x16xf32>
    tpu.vector_store %arg6[%swap3A_1079, %swap3A_1080], %swap3A_1083 {strides = array<i32>} : memref<128x16xf32, #tpu.memory_space<vmem>>, vector<1x16xf32>,
    %swap3A_1084 = arith.constant 6 : i32
    %swap3A_1085 = arith.index_cast %swap3A_1084 : i32 to index
    %swap3A_1086 = arith.constant 0 : index
    %swap3A_1087 = tpu.vector_load %arg6[%swap3A_1085, %swap3A_1086] {strides = array<i32>} : memref<128x16xf32, #tpu.memory_space<vmem>>, vector<1x16xf32>,
    %swap3A_1088 = vector.shape_cast %swap3A_1087 : vector<1x16xf32> to vector<16xf32>
    %swap3A_1089 = vector.shape_cast %select_n3A : vector<16xf32> to vector<1x16xf32>
    tpu.vector_store %arg6[%swap3A_1085, %swap3A_1086], %swap3A_1089 {strides = array<i32>} : memref<128x16xf32, #tpu.memory_space<vmem>>, vector<1x16xf32>,
    %swap3A_1090 = arith.constant 7 : i32
    %swap3A_1091 = arith.index_cast %swap3A_1090 : i32 to index
    %swap3A_1092 = arith.constant 0 : index
    %swap3A_1093 = tpu.vector_load %arg6[%swap3A_1091, %swap3A_1092] {strides = array<i32>} : memref<128x16xf32, #tpu.memory_space<vmem>>, vector<1x16xf32>,
    %swap3A_1094 = vector.shape_cast %swap3A_1093 : vector<1x16xf32> to vector<16xf32>
    %swap3A_1095 = vector.shape_cast %select_n3A : vector<16xf32> to vector<1x16xf32>
    tpu.vector_store %arg6[%swap3A_1091, %swap3A_1092], %swap3A_1095 {strides = array<i32>} : memref<128x16xf32, #tpu.memory_space<vmem>>, vector<1x16xf32>,
    %swap3A_1096 = arith.constant 8 : i32
    %swap3A_1097 = arith.index_cast %swap3A_1096 : i32 to index
    %swap3A_1098 = arith.constant 0 : index
    %swap3A_1099 = tpu.vector_load %arg6[%swap3A_1097, %swap3A_1098] {strides = array<i32>} : memref<128x16xf32, #tpu.memory_space<vmem>>, vector<1x16xf32>,
    %swap3A_1100 = vector.shape_cast %swap3A_1099 : vector<1x16xf32> to vector<16xf32>
    %swap3A_1101 = vector.shape_cast %select_n3A : vector<16xf32> to vector<1x16xf32>
    tpu.vector_store %arg6[%swap3A_1097, %swap3A_1098], %swap3A_1101 {strides = array<i32>} : memref<128x16xf32, #tpu.memory_space<vmem>>, vector<1x16xf32>,
    %swap3A_1102 = arith.constant 9 : i32
    %swap3A_1103 = arith.index_cast %swap3A_1102 : i32 to index
    %swap3A_1104 = arith.constant 0 : index
    %swap3A_1105 = tpu.vector_load %arg6[%swap3A_1103, %swap3A_1104] {strides = array<i32>} : memref<128x16xf32, #tpu.memory_space<vmem>>, vector<1x16xf32>,
    %swap3A_1106 = vector.shape_cast %swap3A_1105 : vector<1x16xf32> to vector<16xf32>
    %swap3A_1107 = vector.shape_cast %select_n3A : vector<16xf32> to vector<1x16xf32>
    tpu.vector_store %arg6[%swap3A_1103, %swap3A_1104], %swap3A_1107 {strides = array<i32>} : memref<128x16xf32, #tpu.memory_space<vmem>>, vector<1x16xf32>,
    %swap3A_1108 = arith.constant 10 : i32
    %swap3A_1109 = arith.index_cast %swap3A_1108 : i32 to index
    %swap3A_1110 = arith.constant 0 : index
    %swap3A_1111 = tpu.vector_load %arg6[%swap3A_1109, %swap3A_1110] {strides = array<i32>} : memref<128x16xf32, #tpu.memory_space<vmem>>, vector<1x16xf32>,
    %swap3A_1112 = vector.shape_cast %swap3A_1111 : vector<1x16xf32> to vector<16xf32>
    %swap3A_1113 = vector.shape_cast %select_n3A : vector<16xf32> to vector<1x16xf32>
    tpu.vector_store %arg6[%swap3A_1109, %swap3A_1110], %swap3A_1113 {strides = array<i32>} : memref<128x16xf32, #tpu.memory_space<vmem>>, vector<1x16xf32>,
    %swap3A_1114 = arith.constant 11 : i32
    %swap3A_1115 = arith.index_cast %swap3A_1114 : i32 to index
    %swap3A_1116 = arith.constant 0 : index
    %swap3A_1117 = tpu.vector_load %arg6[%swap3A_1115, %swap3A_1116] {strides = array<i32>} : memref<128x16xf32, #tpu.memory_space<vmem>>, vector<1x16xf32>,
    %swap3A_1118 = vector.shape_cast %swap3A_1117 : vector<1x16xf32> to vector<16xf32>
    %swap3A_1119 = vector.shape_cast %select_n3A : vector<16xf32> to vector<1x16xf32>
    tpu.vector_store %arg6[%swap3A_1115, %swap3A_1116], %swap3A_1119 {strides = array<i32>} : memref<128x16xf32, #tpu.memory_space<vmem>>, vector<1x16xf32>,
    %swap3A_1120 = arith.constant 12 : i32
    %swap3A_1121 = arith.index_cast %swap3A_1120 : i32 to index
    %swap3A_1122 = arith.constant 0 : index
    %swap3A_1123 = tpu.vector_load %arg6[%swap3A_1121, %swap3A_1122] {strides = array<i32>} : memref<128x16xf32, #tpu.memory_space<vmem>>, vector<1x16xf32>,
    %swap3A_1124 = vector.shape_cast %swap3A_1123 : vector<1x16xf32> to vector<16xf32>
    %swap3A_1125 = vector.shape_cast %select_n3A : vector<16xf32> to vector<1x16xf32>
    tpu.vector_store %arg6[%swap3A_1121, %swap3A_1122], %swap3A_1125 {strides = array<i32>} : memref<128x16xf32, #tpu.memory_space<vmem>>, vector<1x16xf32>,
    %swap3A_1126 = arith.constant 13 : i32
    %swap3A_1127 = arith.index_cast %swap3A_1126 : i32 to index
    %swap3A_1128 = arith.constant 0 : index
    %swap3A_1129 = tpu.vector_load %arg6[%swap3A_1127, %swap3A_1128] {strides = array<i32>} : memref<128x16xf32, #tpu.memory_space<vmem>>, vector<1x16xf32>,
    %swap3A_1130 = vector.shape_cast %swap3A_1129 : vector<1x16xf32> to vector<16xf32>
    %swap3A_1131 = vector.shape_cast %select_n3A : vector<16xf32> to vector<1x16xf32>
    tpu.vector_store %arg6[%swap3A_1127, %swap3A_1128], %swap3A_1131 {strides = array<i32>} : memref<128x16xf32, #tpu.memory_space<vmem>>, vector<1x16xf32>,
    %swap3A_1132 = arith.constant 14 : i32
    %swap3A_1133 = arith.index_cast %swap3A_1132 : i32 to index
    %swap3A_1134 = arith.constant 0 : index
    %swap3A_1135 = tpu.vector_load %arg6[%swap3A_1133, %swap3A_1134] {strides = array<i32>} : memref<128x16xf32, #tpu.memory_space<vmem>>, vector<1x16xf32>,
    %swap3A_1136 = vector.shape_cast %swap3A_1135 : vector<1x16xf32> to vector<16xf32>
    %swap3A_1137 = vector.shape_cast %select_n3A : vector<16xf32> to vector<1x16xf32>
    tpu.vector_store %arg6[%swap3A_1133, %swap3A_1134], %swap3A_1137 {strides = array<i32>} : memref<128x16xf32, #tpu.memory_space<vmem>>, vector<1x16xf32>,
    %swap3A_1138 = arith.constant 15 : i32
    %swap3A_1139 = arith.index_cast %swap3A_1138 : i32 to index
    %swap3A_1140 = arith.constant 0 : index
    %swap3A_1141 = tpu.vector_load %arg6[%swap3A_1139, %swap3A_1140] {strides = array<i32>} : memref<128x16xf32, #tpu.memory_space<vmem>>, vector<1x16xf32>,
    %swap3A_1142 = vector.shape_cast %swap3A_1141 : vector<1x16xf32> to vector<16xf32>
    %swap3A_1143 = vector.shape_cast %select_n3A : vector<16xf32> to vector<1x16xf32>
    tpu.vector_store %arg6[%swap3A_1139, %swap3A_1140], %swap3A_1143 {strides = array<i32>} : memref<128x16xf32, #tpu.memory_space<vmem>>, vector<1x16xf32>,
    %swap3A_1144 = arith.constant 16 : i32
    %swap3A_1145 = arith.index_cast %swap3A_1144 : i32 to index
    %swap3A_1146 = arith.constant 0 : index
    %swap3A_1147 = tpu.vector_load %arg6[%swap3A_1145, %swap3A_1146] {strides = array<i32>} : memref<128x16xf32, #tpu.memory_space<vmem>>, vector<1x16xf32>,
    %swap3A_1148 = vector.shape_cast %swap3A_1147 : vector<1x16xf32> to vector<16xf32>
    %swap3A_1149 = vector.shape_cast %select_n3A : vector<16xf32> to vector<1x16xf32>
    tpu.vector_store %arg6[%swap3A_1145, %swap3A_1146], %swap3A_1149 {strides = array<i32>} : memref<128x16xf32, #tpu.memory_space<vmem>>, vector<1x16xf32>,
    %swap3A_1150 = arith.constant 17 : i32
    %swap3A_1151 = arith.index_cast %swap3A_1150 : i32 to index
    %swap3A_1152 = arith.constant 0 : index
    %swap3A_1153 = tpu.vector_load %arg6[%swap3A_1151, %swap3A_1152] {strides = array<i32>} : memref<128x16xf32, #tpu.memory_space<vmem>>, vector<1x16xf32>,
    %swap3A_1154 = vector.shape_cast %swap3A_1153 : vector<1x16xf32> to vector<16xf32>
    %swap3A_1155 = vector.shape_cast %select_n3A : vector<16xf32> to vector<1x16xf32>
    tpu.vector_store %arg6[%swap3A_1151, %swap3A_1152], %swap3A_1155 {strides = array<i32>} : memref<128x16xf32, #tpu.memory_space<vmem>>, vector<1x16xf32>,
    %swap3A_1156 = arith.constant 18 : i32
    %swap3A_1157 = arith.index_cast %swap3A_1156 : i32 to index
    %swap3A_1158 = arith.constant 0 : index
    %swap3A_1159 = tpu.vector_load %arg6[%swap3A_1157, %swap3A_1158] {strides = array<i32>} : memref<128x16xf32, #tpu.memory_space<vmem>>, vector<1x16xf32>,
    %swap3A_1160 = vector.shape_cast %swap3A_1159 : vector<1x16xf32> to vector<16xf32>
    %swap3A_1161 = vector.shape_cast %select_n3A : vector<16xf32> to vector<1x16xf32>
    tpu.vector_store %arg6[%swap3A_1157, %swap3A_1158], %swap3A_1161 {strides = array<i32>} : memref<128x16xf32, #tpu.memory_space<vmem>>, vector<1x16xf32>,
    %swap3A_1162 = arith.constant 19 : i32
    %swap3A_1163 = arith.index_cast %swap3A_1162 : i32 to index
    %swap3A_1164 = arith.constant 0 : index
    %swap3A_1165 = tpu.vector_load %arg6[%swap3A_1163, %swap3A_1164] {strides = array<i32>} : memref<128x16xf32, #tpu.memory_space<vmem>>, vector<1x16xf32>,
    %swap3A_1166 = vector.shape_cast %swap3A_1165 : vector<1x16xf32> to vector<16xf32>
    %swap3A_1167 = vector.shape_cast %select_n3A : vector<16xf32> to vector<1x16xf32>
    tpu.vector_store %arg6[%swap3A_1163, %swap3A_1164], %swap3A_1167 {strides = array<i32>} : memref<128x16xf32, #tpu.memory_space<vmem>>, vector<1x16xf32>,
    %swap3A_1168 = arith.constant 20 : i32
    %swap3A_1169 = arith.index_cast %swap3A_1168 : i32 to index
    %swap3A_1170 = arith.constant 0 : index
    %swap3A_1171 = tpu.vector_load %arg6[%swap3A_1169, %swap3A_1170] {strides = array<i32>} : memref<128x16xf32, #tpu.memory_space<vmem>>, vector<1x16xf32>,
    %swap3A_1172 = vector.shape_cast %swap3A_1171 : vector<1x16xf32> to vector<16xf32>
    %swap3A_1173 = vector.shape_cast %select_n3A : vector<16xf32> to vector<1x16xf32>
    tpu.vector_store %arg6[%swap3A_1169, %swap3A_1170], %swap3A_1173 {strides = array<i32>} : memref<128x16xf32, #tpu.memory_space<vmem>>, vector<1x16xf32>,
    %swap3A_1174 = arith.constant 21 : i32
    %swap3A_1175 = arith.index_cast %swap3A_1174 : i32 to index
    %swap3A_1176 = arith.constant 0 : index
    %swap3A_1177 = tpu.vector_load %arg6[%swap3A_1175, %swap3A_1176] {strides = array<i32>} : memref<128x16xf32, #tpu.memory_space<vmem>>, vector<1x16xf32>,
    %swap3A_1178 = vector.shape_cast %swap3A_1177 : vector<1x16xf32> to vector<16xf32>
    %swap3A_1179 = vector.shape_cast %select_n3A : vector<16xf32> to vector<1x16xf32>
    tpu.vector_store %arg6[%swap3A_1175, %swap3A_1176], %swap3A_1179 {strides = array<i32>} : memref<128x16xf32, #tpu.memory_space<vmem>>, vector<1x16xf32>,
    %swap3A_1180 = arith.constant 22 : i32
    %swap3A_1181 = arith.index_cast %swap3A_1180 : i32 to index
    %swap3A_1182 = arith.constant 0 : index
    %swap3A_1183 = tpu.vector_load %arg6[%swap3A_1181, %swap3A_1182] {strides = array<i32>} : memref<128x16xf32, #tpu.memory_space<vmem>>, vector<1x16xf32>,
    %swap3A_1184 = vector.shape_cast %swap3A_1183 : vector<1x16xf32> to vector<16xf32>
    %swap3A_1185 = vector.shape_cast %select_n3A : vector<16xf32> to vector<1x16xf32>
    tpu.vector_store %arg6[%swap3A_1181, %swap3A_1182], %swap3A_1185 {strides = array<i32>} : memref<128x16xf32, #tpu.memory_space<vmem>>, vector<1x16xf32>,
    %swap3A_1186 = arith.constant 23 : i32
    %swap3A_1187 = arith.index_cast %swap3A_1186 : i32 to index
    %swap3A_1188 = arith.constant 0 : index
    %swap3A_1189 = tpu.vector_load %arg6[%swap3A_1187, %swap3A_1188] {strides = array<i32>} : memref<128x16xf32, #tpu.memory_space<vmem>>, vector<1x16xf32>,
    %swap3A_1190 = vector.shape_cast %swap3A_1189 : vector<1x16xf32> to vector<16xf32>
    %swap3A_1191 = vector.shape_cast %select_n3A : vector<16xf32> to vector<1x16xf32>
    tpu.vector_store %arg6[%swap3A_1187, %swap3A_1188], %swap3A_1191 {strides = array<i32>} : memref<128x16xf32, #tpu.memory_space<vmem>>, vector<1x16xf32>,
    %swap3A_1192 = arith.constant 24 : i32
    %swap3A_1193 = arith.index_cast %swap3A_1192 : i32 to index
    %swap3A_1194 = arith.constant 0 : index
    %swap3A_1195 = tpu.vector_load %arg6[%swap3A_1193, %swap3A_1194] {strides = array<i32>} : memref<128x16xf32, #tpu.memory_space<vmem>>, vector<1x16xf32>,
    %swap3A_1196 = vector.shape_cast %swap3A_1195 : vector<1x16xf32> to vector<16xf32>
    %swap3A_1197 = vector.shape_cast %select_n3A : vector<16xf32> to vector<1x16xf32>
    tpu.vector_store %arg6[%swap3A_1193, %swap3A_1194], %swap3A_1197 {strides = array<i32>} : memref<128x16xf32, #tpu.memory_space<vmem>>, vector<1x16xf32>,
    %swap3A_1198 = arith.constant 25 : i32
    %swap3A_1199 = arith.index_cast %swap3A_1198 : i32 to index
    %swap3A_1200 = arith.constant 0 : index
    %swap3A_1201 = tpu.vector_load %arg6[%swap3A_1199, %swap3A_1200] {strides = array<i32>} : memref<128x16xf32, #tpu.memory_space<vmem>>, vector<1x16xf32>,
    %swap3A_1202 = vector.shape_cast %swap3A_1201 : vector<1x16xf32> to vector<16xf32>
    %swap3A_1203 = vector.shape_cast %select_n3A : vector<16xf32> to vector<1x16xf32>
    tpu.vector_store %arg6[%swap3A_1199, %swap3A_1200], %swap3A_1203 {strides = array<i32>} : memref<128x16xf32, #tpu.memory_space<vmem>>, vector<1x16xf32>,
    %swap3A_1204 = arith.constant 26 : i32
    %swap3A_1205 = arith.index_cast %swap3A_1204 : i32 to index
    %swap3A_1206 = arith.constant 0 : index
    %swap3A_1207 = tpu.vector_load %arg6[%swap3A_1205, %swap3A_1206] {strides = array<i32>} : memref<128x16xf32, #tpu.memory_space<vmem>>, vector<1x16xf32>,
    %swap3A_1208 = vector.shape_cast %swap3A_1207 : vector<1x16xf32> to vector<16xf32>
    %swap3A_1209 = vector.shape_cast %select_n3A : vector<16xf32> to vector<1x16xf32>
    tpu.vector_store %arg6[%swap3A_1205, %swap3A_1206], %swap3A_1209 {strides = array<i32>} : memref<128x16xf32, #tpu.memory_space<vmem>>, vector<1x16xf32>,
    %swap3A_1210 = arith.constant 27 : i32
    %swap3A_1211 = arith.index_cast %swap3A_1210 : i32 to index
    %swap3A_1212 = arith.constant 0 : index
    %swap3A_1213 = tpu.vector_load %arg6[%swap3A_1211, %swap3A_1212] {strides = array<i32>} : memref<128x16xf32, #tpu.memory_space<vmem>>, vector<1x16xf32>,
    %swap3A_1214 = vector.shape_cast %swap3A_1213 : vector<1x16xf32> to vector<16xf32>
    %swap3A_1215 = vector.shape_cast %select_n3A : vector<16xf32> to vector<1x16xf32>
    tpu.vector_store %arg6[%swap3A_1211, %swap3A_1212], %swap3A_1215 {strides = array<i32>} : memref<128x16xf32, #tpu.memory_space<vmem>>, vector<1x16xf32>,
    %swap3A_1216 = arith.constant 28 : i32
    %swap3A_1217 = arith.index_cast %swap3A_1216 : i32 to index
    %swap3A_1218 = arith.constant 0 : index
    %swap3A_1219 = tpu.vector_load %arg6[%swap3A_1217, %swap3A_1218] {strides = array<i32>} : memref<128x16xf32, #tpu.memory_space<vmem>>, vector<1x16xf32>,
    %swap3A_1220 = vector.shape_cast %swap3A_1219 : vector<1x16xf32> to vector<16xf32>
    %swap3A_1221 = vector.shape_cast %select_n3A : vector<16xf32> to vector<1x16xf32>
    tpu.vector_store %arg6[%swap3A_1217, %swap3A_1218], %swap3A_1221 {strides = array<i32>} : memref<128x16xf32, #tpu.memory_space<vmem>>, vector<1x16xf32>,
    %swap3A_1222 = arith.constant 29 : i32
    %swap3A_1223 = arith.index_cast %swap3A_1222 : i32 to index
    %swap3A_1224 = arith.constant 0 : index
    %swap3A_1225 = tpu.vector_load %arg6[%swap3A_1223, %swap3A_1224] {strides = array<i32>} : memref<128x16xf32, #tpu.memory_space<vmem>>, vector<1x16xf32>,
    %swap3A_1226 = vector.shape_cast %swap3A_1225 : vector<1x16xf32> to vector<16xf32>
    %swap3A_1227 = vector.shape_cast %select_n3A : vector<16xf32> to vector<1x16xf32>
    tpu.vector_store %arg6[%swap3A_1223, %swap3A_1224], %swap3A_1227 {strides = array<i32>} : memref<128x16xf32, #tpu.memory_space<vmem>>, vector<1x16xf32>,
    %swap3A_1228 = arith.constant 30 : i32
    %swap3A_1229 = arith.index_cast %swap3A_1228 : i32 to index
    %swap3A_1230 = arith.constant 0 : index
    %swap3A_1231 = tpu.vector_load %arg6[%swap3A_1229, %swap3A_1230] {strides = array<i32>} : memref<128x16xf32, #tpu.memory_space<vmem>>, vector<1x16xf32>,
    %swap3A_1232 = vector.shape_cast %swap3A_1231 : vector<1x16xf32> to vector<16xf32>
    %swap3A_1233 = vector.shape_cast %select_n3A : vector<16xf32> to vector<1x16xf32>
    tpu.vector_store %arg6[%swap3A_1229, %swap3A_1230], %swap3A_1233 {strides = array<i32>} : memref<128x16xf32, #tpu.memory_space<vmem>>, vector<1x16xf32>,
    %swap3A_1234 = arith.constant 31 : i32
    %swap3A_1235 = arith.index_cast %swap3A_1234 : i32 to index
    %swap3A_1236 = arith.constant 0 : index
    %swap3A_1237 = tpu.vector_load %arg6[%swap3A_1235, %swap3A_1236] {strides = array<i32>} : memref<128x16xf32, #tpu.memory_space<vmem>>, vector<1x16xf32>,
    %swap3A_1238 = vector.shape_cast %swap3A_1237 : vector<1x16xf32> to vector<16xf32>
    %swap3A_1239 = vector.shape_cast %select_n3A : vector<16xf32> to vector<1x16xf32>
    tpu.vector_store %arg6[%swap3A_1235, %swap3A_1236], %swap3A_1239 {strides = array<i32>} : memref<128x16xf32, #tpu.memory_space<vmem>>, vector<1x16xf32>,
    %swap3A_1240 = arith.constant 32 : i32
    %swap3A_1241 = arith.index_cast %swap3A_1240 : i32 to index
    %swap3A_1242 = arith.constant 0 : index
    %swap3A_1243 = tpu.vector_load %arg6[%swap3A_1241, %swap3A_1242] {strides = array<i32>} : memref<128x16xf32, #tpu.memory_space<vmem>>, vector<1x16xf32>,
    %swap3A_1244 = vector.shape_cast %swap3A_1243 : vector<1x16xf32> to vector<16xf32>
    %swap3A_1245 = vector.shape_cast %select_n3A : vector<16xf32> to vector<1x16xf32>
    tpu.vector_store %arg6[%swap3A_1241, %swap3A_1242], %swap3A_1245 {strides = array<i32>} : memref<128x16xf32, #tpu.memory_space<vmem>>, vector<1x16xf32>,
    %swap3A_1246 = arith.constant 33 : i32
    %swap3A_1247 = arith.index_cast %swap3A_1246 : i32 to index
    %swap3A_1248 = arith.constant 0 : index
    %swap3A_1249 = tpu.vector_load %arg6[%swap3A_1247, %swap3A_1248] {strides = array<i32>} : memref<128x16xf32, #tpu.memory_space<vmem>>, vector<1x16xf32>,
    %swap3A_1250 = vector.shape_cast %swap3A_1249 : vector<1x16xf32> to vector<16xf32>
    %swap3A_1251 = vector.shape_cast %select_n3A : vector<16xf32> to vector<1x16xf32>
    tpu.vector_store %arg6[%swap3A_1247, %swap3A_1248], %swap3A_1251 {strides = array<i32>} : memref<128x16xf32, #tpu.memory_space<vmem>>, vector<1x16xf32>,
    %swap3A_1252 = arith.constant 34 : i32
    %swap3A_1253 = arith.index_cast %swap3A_1252 : i32 to index
    %swap3A_1254 = arith.constant 0 : index
    %swap3A_1255 = tpu.vector_load %arg6[%swap3A_1253, %swap3A_1254] {strides = array<i32>} : memref<128x16xf32, #tpu.memory_space<vmem>>, vector<1x16xf32>,
    %swap3A_1256 = vector.shape_cast %swap3A_1255 : vector<1x16xf32> to vector<16xf32>
    %swap3A_1257 = vector.shape_cast %select_n3A : vector<16xf32> to vector<1x16xf32>
    tpu.vector_store %arg6[%swap3A_1253, %swap3A_1254], %swap3A_1257 {strides = array<i32>} : memref<128x16xf32, #tpu.memory_space<vmem>>, vector<1x16xf32>,
    %swap3A_1258 = arith.constant 35 : i32
    %swap3A_1259 = arith.index_cast %swap3A_1258 : i32 to index
    %swap3A_1260 = arith.constant 0 : index
    %swap3A_1261 = tpu.vector_load %arg6[%swap3A_1259, %swap3A_1260] {strides = array<i32>} : memref<128x16xf32, #tpu.memory_space<vmem>>, vector<1x16xf32>,
    %swap3A_1262 = vector.shape_cast %swap3A_1261 : vector<1x16xf32> to vector<16xf32>
    %swap3A_1263 = vector.shape_cast %select_n3A : vector<16xf32> to vector<1x16xf32>
    tpu.vector_store %arg6[%swap3A_1259, %swap3A_1260], %swap3A_1263 {strides = array<i32>} : memref<128x16xf32, #tpu.memory_space<vmem>>, vector<1x16xf32>,
    %swap3A_1264 = arith.constant 36 : i32
    %swap3A_1265 = arith.index_cast %swap3A_1264 : i32 to index
    %swap3A_1266 = arith.constant 0 : index
    %swap3A_1267 = tpu.vector_load %arg6[%swap3A_1265, %swap3A_1266] {strides = array<i32>} : memref<128x16xf32, #tpu.memory_space<vmem>>, vector<1x16xf32>,
    %swap3A_1268 = vector.shape_cast %swap3A_1267 : vector<1x16xf32> to vector<16xf32>
    %swap3A_1269 = vector.shape_cast %select_n3A : vector<16xf32> to vector<1x16xf32>
    tpu.vector_store %arg6[%swap3A_1265, %swap3A_1266], %swap3A_1269 {strides = array<i32>} : memref<128x16xf32, #tpu.memory_space<vmem>>, vector<1x16xf32>,
    %swap3A_1270 = arith.constant 37 : i32
    %swap3A_1271 = arith.index_cast %swap3A_1270 : i32 to index
    %swap3A_1272 = arith.constant 0 : index
    %swap3A_1273 = tpu.vector_load %arg6[%swap3A_1271, %swap3A_1272] {strides = array<i32>} : memref<128x16xf32, #tpu.memory_space<vmem>>, vector<1x16xf32>,
    %swap3A_1274 = vector.shape_cast %swap3A_1273 : vector<1x16xf32> to vector<16xf32>
    %swap3A_1275 = vector.shape_cast %select_n3A : vector<16xf32> to vector<1x16xf32>
    tpu.vector_store %arg6[%swap3A_1271, %swap3A_1272], %swap3A_1275 {strides = array<i32>} : memref<128x16xf32, #tpu.memory_space<vmem>>, vector<1x16xf32>,
    %swap3A_1276 = arith.constant 38 : i32
    %swap3A_1277 = arith.index_cast %swap3A_1276 : i32 to index
    %swap3A_1278 = arith.constant 0 : index
    %swap3A_1279 = tpu.vector_load %arg6[%swap3A_1277, %swap3A_1278] {strides = array<i32>} : memref<128x16xf32, #tpu.memory_space<vmem>>, vector<1x16xf32>,
    %swap3A_1280 = vector.shape_cast %swap3A_1279 : vector<1x16xf32> to vector<16xf32>
    %swap3A_1281 = vector.shape_cast %select_n3A : vector<16xf32> to vector<1x16xf32>
    tpu.vector_store %arg6[%swap3A_1277, %swap3A_1278], %swap3A_1281 {strides = array<i32>} : memref<128x16xf32, #tpu.memory_space<vmem>>, vector<1x16xf32>,
    %swap3A_1282 = arith.constant 39 : i32
    %swap3A_1283 = arith.index_cast %swap3A_1282 : i32 to index
    %swap3A_1284 = arith.constant 0 : index
    %swap3A_1285 = tpu.vector_load %arg6[%swap3A_1283, %swap3A_1284] {strides = array<i32>} : memref<128x16xf32, #tpu.memory_space<vmem>>, vector<1x16xf32>,
    %swap3A_1286 = vector.shape_cast %swap3A_1285 : vector<1x16xf32> to vector<16xf32>
    %swap3A_1287 = vector.shape_cast %select_n3A : vector<16xf32> to vector<1x16xf32>
    tpu.vector_store %arg6[%swap3A_1283, %swap3A_1284], %swap3A_1287 {strides = array<i32>} : memref<128x16xf32, #tpu.memory_space<vmem>>, vector<1x16xf32>,
    %swap3A_1288 = arith.constant 40 : i32
    %swap3A_1289 = arith.index_cast %swap3A_1288 : i32 to index
    %swap3A_1290 = arith.constant 0 : index
    %swap3A_1291 = tpu.vector_load %arg6[%swap3A_1289, %swap3A_1290] {strides = array<i32>} : memref<128x16xf32, #tpu.memory_space<vmem>>, vector<1x16xf32>,
    %swap3A_1292 = vector.shape_cast %swap3A_1291 : vector<1x16xf32> to vector<16xf32>
    %swap3A_1293 = vector.shape_cast %select_n3A : vector<16xf32> to vector<1x16xf32>
    tpu.vector_store %arg6[%swap3A_1289, %swap3A_1290], %swap3A_1293 {strides = array<i32>} : memref<128x16xf32, #tpu.memory_space<vmem>>, vector<1x16xf32>,
    %swap3A_1294 = arith.constant 41 : i32
    %swap3A_1295 = arith.index_cast %swap3A_1294 : i32 to index
    %swap3A_1296 = arith.constant 0 : index
    %swap3A_1297 = tpu.vector_load %arg6[%swap3A_1295, %swap3A_1296] {strides = array<i32>} : memref<128x16xf32, #tpu.memory_space<vmem>>, vector<1x16xf32>,
    %swap3A_1298 = vector.shape_cast %swap3A_1297 : vector<1x16xf32> to vector<16xf32>
    %swap3A_1299 = vector.shape_cast %select_n3A : vector<16xf32> to vector<1x16xf32>
    tpu.vector_store %arg6[%swap3A_1295, %swap3A_1296], %swap3A_1299 {strides = array<i32>} : memref<128x16xf32, #tpu.memory_space<vmem>>, vector<1x16xf32>,
    %swap3A_1300 = arith.constant 42 : i32
    %swap3A_1301 = arith.index_cast %swap3A_1300 : i32 to index
    %swap3A_1302 = arith.constant 0 : index
    %swap3A_1303 = tpu.vector_load %arg6[%swap3A_1301, %swap3A_1302] {strides = array<i32>} : memref<128x16xf32, #tpu.memory_space<vmem>>, vector<1x16xf32>,
    %swap3A_1304 = vector.shape_cast %swap3A_1303 : vector<1x16xf32> to vector<16xf32>
    %swap3A_1305 = vector.shape_cast %select_n3A : vector<16xf32> to vector<1x16xf32>
    tpu.vector_store %arg6[%swap3A_1301, %swap3A_1302], %swap3A_1305 {strides = array<i32>} : memref<128x16xf32, #tpu.memory_space<vmem>>, vector<1x16xf32>,
    %swap3A_1306 = arith.constant 43 : i32
    %swap3A_1307 = arith.index_cast %swap3A_1306 : i32 to index
    %swap3A_1308 = arith.constant 0 : index
    %swap3A_1309 = tpu.vector_load %arg6[%swap3A_1307, %swap3A_1308] {strides = array<i32>} : memref<128x16xf32, #tpu.memory_space<vmem>>, vector<1x16xf32>,
    %swap3A_1310 = vector.shape_cast %swap3A_1309 : vector<1x16xf32> to vector<16xf32>
    %swap3A_1311 = vector.shape_cast %select_n3A : vector<16xf32> to vector<1x16xf32>
    tpu.vector_store %arg6[%swap3A_1307, %swap3A_1308], %swap3A_1311 {strides = array<i32>} : memref<128x16xf32, #tpu.memory_space<vmem>>, vector<1x16xf32>,
    %swap3A_1312 = arith.constant 44 : i32
    %swap3A_1313 = arith.index_cast %swap3A_1312 : i32 to index
    %swap3A_1314 = arith.constant 0 : index
    %swap3A_1315 = tpu.vector_load %arg6[%swap3A_1313, %swap3A_1314] {strides = array<i32>} : memref<128x16xf32, #tpu.memory_space<vmem>>, vector<1x16xf32>,
    %swap3A_1316 = vector.shape_cast %swap3A_1315 : vector<1x16xf32> to vector<16xf32>
    %swap3A_1317 = vector.shape_cast %select_n3A : vector<16xf32> to vector<1x16xf32>
    tpu.vector_store %arg6[%swap3A_1313, %swap3A_1314], %swap3A_1317 {strides = array<i32>} : memref<128x16xf32, #tpu.memory_space<vmem>>, vector<1x16xf32>,
    %swap3A_1318 = arith.constant 45 : i32
    %swap3A_1319 = arith.index_cast %swap3A_1318 : i32 to index
    %swap3A_1320 = arith.constant 0 : index
    %swap3A_1321 = tpu.vector_load %arg6[%swap3A_1319, %swap3A_1320] {strides = array<i32>} : memref<128x16xf32, #tpu.memory_space<vmem>>, vector<1x16xf32>,
    %swap3A_1322 = vector.shape_cast %swap3A_1321 : vector<1x16xf32> to vector<16xf32>
    %swap3A_1323 = vector.shape_cast %select_n3A : vector<16xf32> to vector<1x16xf32>
    tpu.vector_store %arg6[%swap3A_1319, %swap3A_1320], %swap3A_1323 {strides = array<i32>} : memref<128x16xf32, #tpu.memory_space<vmem>>, vector<1x16xf32>,
    %swap3A_1324 = arith.constant 46 : i32
    %swap3A_1325 = arith.index_cast %swap3A_1324 : i32 to index
    %swap3A_1326 = arith.constant 0 : index
    %swap3A_1327 = tpu.vector_load %arg6[%swap3A_1325, %swap3A_1326] {strides = array<i32>} : memref<128x16xf32, #tpu.memory_space<vmem>>, vector<1x16xf32>,
    %swap3A_1328 = vector.shape_cast %swap3A_1327 : vector<1x16xf32> to vector<16xf32>
    %swap3A_1329 = vector.shape_cast %select_n3A : vector<16xf32> to vector<1x16xf32>
    tpu.vector_store %arg6[%swap3A_1325, %swap3A_1326], %swap3A_1329 {strides = array<i32>} : memref<128x16xf32, #tpu.memory_space<vmem>>, vector<1x16xf32>,
    %swap3A_1330 = arith.constant 47 : i32
    %swap3A_1331 = arith.index_cast %swap3A_1330 : i32 to index
    %swap3A_1332 = arith.constant 0 : index
    %swap3A_1333 = tpu.vector_load %arg6[%swap3A_1331, %swap3A_1332] {strides = array<i32>} : memref<128x16xf32, #tpu.memory_space<vmem>>, vector<1x16xf32>,
    %swap3A_1334 = vector.shape_cast %swap3A_1333 : vector<1x16xf32> to vector<16xf32>
    %swap3A_1335 = vector.shape_cast %select_n3A : vector<16xf32> to vector<1x16xf32>
    tpu.vector_store %arg6[%swap3A_1331, %swap3A_1332], %swap3A_1335 {strides = array<i32>} : memref<128x16xf32, #tpu.memory_space<vmem>>, vector<1x16xf32>,
    %swap3A_1336 = arith.constant 48 : i32
    %swap3A_1337 = arith.index_cast %swap3A_1336 : i32 to index
    %swap3A_1338 = arith.constant 0 : index
    %swap3A_1339 = tpu.vector_load %arg6[%swap3A_1337, %swap3A_1338] {strides = array<i32>} : memref<128x16xf32, #tpu.memory_space<vmem>>, vector<1x16xf32>,
    %swap3A_1340 = vector.shape_cast %swap3A_1339 : vector<1x16xf32> to vector<16xf32>
    %swap3A_1341 = vector.shape_cast %select_n3A : vector<16xf32> to vector<1x16xf32>
    tpu.vector_store %arg6[%swap3A_1337, %swap3A_1338], %swap3A_1341 {strides = array<i32>} : memref<128x16xf32, #tpu.memory_space<vmem>>, vector<1x16xf32>,
    %swap3A_1342 = arith.constant 49 : i32
    %swap3A_1343 = arith.index_cast %swap3A_1342 : i32 to index
    %swap3A_1344 = arith.constant 0 : index
    %swap3A_1345 = tpu.vector_load %arg6[%swap3A_1343, %swap3A_1344] {strides = array<i32>} : memref<128x16xf32, #tpu.memory_space<vmem>>, vector<1x16xf32>,
    %swap3A_1346 = vector.shape_cast %swap3A_1345 : vector<1x16xf32> to vector<16xf32>
    %swap3A_1347 = vector.shape_cast %select_n3A : vector<16xf32> to vector<1x16xf32>
    tpu.vector_store %arg6[%swap3A_1343, %swap3A_1344], %swap3A_1347 {strides = array<i32>} : memref<128x16xf32, #tpu.memory_space<vmem>>, vector<1x16xf32>,
    %swap3A_1348 = arith.constant 50 : i32
    %swap3A_1349 = arith.index_cast %swap3A_1348 : i32 to index
    %swap3A_1350 = arith.constant 0 : index
    %swap3A_1351 = tpu.vector_load %arg6[%swap3A_1349, %swap3A_1350] {strides = array<i32>} : memref<128x16xf32, #tpu.memory_space<vmem>>, vector<1x16xf32>,
    %swap3A_1352 = vector.shape_cast %swap3A_1351 : vector<1x16xf32> to vector<16xf32>
    %swap3A_1353 = vector.shape_cast %select_n3A : vector<16xf32> to vector<1x16xf32>
    tpu.vector_store %arg6[%swap3A_1349, %swap3A_1350], %swap3A_1353 {strides = array<i32>} : memref<128x16xf32, #tpu.memory_space<vmem>>, vector<1x16xf32>,
    %swap3A_1354 = arith.constant 51 : i32
    %swap3A_1355 = arith.index_cast %swap3A_1354 : i32 to index
    %swap3A_1356 = arith.constant 0 : index
    %swap3A_1357 = tpu.vector_load %arg6[%swap3A_1355, %swap3A_1356] {strides = array<i32>} : memref<128x16xf32, #tpu.memory_space<vmem>>, vector<1x16xf32>,
    %swap3A_1358 = vector.shape_cast %swap3A_1357 : vector<1x16xf32> to vector<16xf32>
    %swap3A_1359 = vector.shape_cast %select_n3A : vector<16xf32> to vector<1x16xf32>
    tpu.vector_store %arg6[%swap3A_1355, %swap3A_1356], %swap3A_1359 {strides = array<i32>} : memref<128x16xf32, #tpu.memory_space<vmem>>, vector<1x16xf32>,
    %swap3A_1360 = arith.constant 52 : i32
    %swap3A_1361 = arith.index_cast %swap3A_1360 : i32 to index
    %swap3A_1362 = arith.constant 0 : index
    %swap3A_1363 = tpu.vector_load %arg6[%swap3A_1361, %swap3A_1362] {strides = array<i32>} : memref<128x16xf32, #tpu.memory_space<vmem>>, vector<1x16xf32>,
    %swap3A_1364 = vector.shape_cast %swap3A_1363 : vector<1x16xf32> to vector<16xf32>
    %swap3A_1365 = vector.shape_cast %select_n3A : vector<16xf32> to vector<1x16xf32>
    tpu.vector_store %arg6[%swap3A_1361, %swap3A_1362], %swap3A_1365 {strides = array<i32>} : memref<128x16xf32, #tpu.memory_space<vmem>>, vector<1x16xf32>,
    %swap3A_1366 = arith.constant 53 : i32
    %swap3A_1367 = arith.index_cast %swap3A_1366 : i32 to index
    %swap3A_1368 = arith.constant 0 : index
    %swap3A_1369 = tpu.vector_load %arg6[%swap3A_1367, %swap3A_1368] {strides = array<i32>} : memref<128x16xf32, #tpu.memory_space<vmem>>, vector<1x16xf32>,
    %swap3A_1370 = vector.shape_cast %swap3A_1369 : vector<1x16xf32> to vector<16xf32>
    %swap3A_1371 = vector.shape_cast %select_n3A : vector<16xf32> to vector<1x16xf32>
    tpu.vector_store %arg6[%swap3A_1367, %swap3A_1368], %swap3A_1371 {strides = array<i32>} : memref<128x16xf32, #tpu.memory_space<vmem>>, vector<1x16xf32>,
    %swap3A_1372 = arith.constant 54 : i32
    %swap3A_1373 = arith.index_cast %swap3A_1372 : i32 to index
    %swap3A_1374 = arith.constant 0 : index
    %swap3A_1375 = tpu.vector_load %arg6[%swap3A_1373, %swap3A_1374] {strides = array<i32>} : memref<128x16xf32, #tpu.memory_space<vmem>>, vector<1x16xf32>,
    %swap3A_1376 = vector.shape_cast %swap3A_1375 : vector<1x16xf32> to vector<16xf32>
    %swap3A_1377 = vector.shape_cast %select_n3A : vector<16xf32> to vector<1x16xf32>
    tpu.vector_store %arg6[%swap3A_1373, %swap3A_1374], %swap3A_1377 {strides = array<i32>} : memref<128x16xf32, #tpu.memory_space<vmem>>, vector<1x16xf32>,
    %swap3A_1378 = arith.constant 55 : i32
    %swap3A_1379 = arith.index_cast %swap3A_1378 : i32 to index
    %swap3A_1380 = arith.constant 0 : index
    %swap3A_1381 = tpu.vector_load %arg6[%swap3A_1379, %swap3A_1380] {strides = array<i32>} : memref<128x16xf32, #tpu.memory_space<vmem>>, vector<1x16xf32>,
    %swap3A_1382 = vector.shape_cast %swap3A_1381 : vector<1x16xf32> to vector<16xf32>
    %swap3A_1383 = vector.shape_cast %select_n3A : vector<16xf32> to vector<1x16xf32>
    tpu.vector_store %arg6[%swap3A_1379, %swap3A_1380], %swap3A_1383 {strides = array<i32>} : memref<128x16xf32, #tpu.memory_space<vmem>>, vector<1x16xf32>,
    %swap3A_1384 = arith.constant 56 : i32
    %swap3A_1385 = arith.index_cast %swap3A_1384 : i32 to index
    %swap3A_1386 = arith.constant 0 : index
    %swap3A_1387 = tpu.vector_load %arg6[%swap3A_1385, %swap3A_1386] {strides = array<i32>} : memref<128x16xf32, #tpu.memory_space<vmem>>, vector<1x16xf32>,
    %swap3A_1388 = vector.shape_cast %swap3A_1387 : vector<1x16xf32> to vector<16xf32>
    %swap3A_1389 = vector.shape_cast %select_n3A : vector<16xf32> to vector<1x16xf32>
    tpu.vector_store %arg6[%swap3A_1385, %swap3A_1386], %swap3A_1389 {strides = array<i32>} : memref<128x16xf32, #tpu.memory_space<vmem>>, vector<1x16xf32>,
    %swap3A_1390 = arith.constant 57 : i32
    %swap3A_1391 = arith.index_cast %swap3A_1390 : i32 to index
    %swap3A_1392 = arith.constant 0 : index
    %swap3A_1393 = tpu.vector_load %arg6[%swap3A_1391, %swap3A_1392] {strides = array<i32>} : memref<128x16xf32, #tpu.memory_space<vmem>>, vector<1x16xf32>,
    %swap3A_1394 = vector.shape_cast %swap3A_1393 : vector<1x16xf32> to vector<16xf32>
    %swap3A_1395 = vector.shape_cast %select_n3A : vector<16xf32> to vector<1x16xf32>
    tpu.vector_store %arg6[%swap3A_1391, %swap3A_1392], %swap3A_1395 {strides = array<i32>} : memref<128x16xf32, #tpu.memory_space<vmem>>, vector<1x16xf32>,
    %swap3A_1396 = arith.constant 58 : i32
    %swap3A_1397 = arith.index_cast %swap3A_1396 : i32 to index
    %swap3A_1398 = arith.constant 0 : index
    %swap3A_1399 = tpu.vector_load %arg6[%swap3A_1397, %swap3A_1398] {strides = array<i32>} : memref<128x16xf32, #tpu.memory_space<vmem>>, vector<1x16xf32>,
    %swap3A_1400 = vector.shape_cast %swap3A_1399 : vector<1x16xf32> to vector<16xf32>
    %swap3A_1401 = vector.shape_cast %select_n3A : vector<16xf32> to vector<1x16xf32>
    tpu.vector_store %arg6[%swap3A_1397, %swap3A_1398], %swap3A_1401 {strides = array<i32>} : memref<128x16xf32, #tpu.memory_space<vmem>>, vector<1x16xf32>,
    %swap3A_1402 = arith.constant 59 : i32
    %swap3A_1403 = arith.index_cast %swap3A_1402 : i32 to index
    %swap3A_1404 = arith.constant 0 : index
    %swap3A_1405 = tpu.vector_load %arg6[%swap3A_1403, %swap3A_1404] {strides = array<i32>} : memref<128x16xf32, #tpu.memory_space<vmem>>, vector<1x16xf32>,
    %swap3A_1406 = vector.shape_cast %swap3A_1405 : vector<1x16xf32> to vector<16xf32>
    %swap3A_1407 = vector.shape_cast %select_n3A : vector<16xf32> to vector<1x16xf32>
    tpu.vector_store %arg6[%swap3A_1403, %swap3A_1404], %swap3A_1407 {strides = array<i32>} : memref<128x16xf32, #tpu.memory_space<vmem>>, vector<1x16xf32>,
    %swap3A_1408 = arith.constant 60 : i32
    %swap3A_1409 = arith.index_cast %swap3A_1408 : i32 to index
    %swap3A_1410 = arith.constant 0 : index
    %swap3A_1411 = tpu.vector_load %arg6[%swap3A_1409, %swap3A_1410] {strides = array<i32>} : memref<128x16xf32, #tpu.memory_space<vmem>>, vector<1x16xf32>,
    %swap3A_1412 = vector.shape_cast %swap3A_1411 : vector<1x16xf32> to vector<16xf32>
    %swap3A_1413 = vector.shape_cast %select_n3A : vector<16xf32> to vector<1x16xf32>
    tpu.vector_store %arg6[%swap3A_1409, %swap3A_1410], %swap3A_1413 {strides = array<i32>} : memref<128x16xf32, #tpu.memory_space<vmem>>, vector<1x16xf32>,
    %swap3A_1414 = arith.constant 61 : i32
    %swap3A_1415 = arith.index_cast %swap3A_1414 : i32 to index
    %swap3A_1416 = arith.constant 0 : index
    %swap3A_1417 = tpu.vector_load %arg6[%swap3A_1415, %swap3A_1416] {strides = array<i32>} : memref<128x16xf32, #tpu.memory_space<vmem>>, vector<1x16xf32>,
    %swap3A_1418 = vector.shape_cast %swap3A_1417 : vector<1x16xf32> to vector<16xf32>
    %swap3A_1419 = vector.shape_cast %select_n3A : vector<16xf32> to vector<1x16xf32>
    tpu.vector_store %arg6[%swap3A_1415, %swap3A_1416], %swap3A_1419 {strides = array<i32>} : memref<128x16xf32, #tpu.memory_space<vmem>>, vector<1x16xf32>,
    %swap3A_1420 = arith.constant 62 : i32
    %swap3A_1421 = arith.index_cast %swap3A_1420 : i32 to index
    %swap3A_1422 = arith.constant 0 : index
    %swap3A_1423 = tpu.vector_load %arg6[%swap3A_1421, %swap3A_1422] {strides = array<i32>} : memref<128x16xf32, #tpu.memory_space<vmem>>, vector<1x16xf32>,
    %swap3A_1424 = vector.shape_cast %swap3A_1423 : vector<1x16xf32> to vector<16xf32>
    %swap3A_1425 = vector.shape_cast %select_n3A : vector<16xf32> to vector<1x16xf32>
    tpu.vector_store %arg6[%swap3A_1421, %swap3A_1422], %swap3A_1425 {strides = array<i32>} : memref<128x16xf32, #tpu.memory_space<vmem>>, vector<1x16xf32>,
    %swap3A_1426 = arith.constant 63 : i32
    %swap3A_1427 = arith.index_cast %swap3A_1426 : i32 to index
    %swap3A_1428 = arith.constant 0 : index
    %swap3A_1429 = tpu.vector_load %arg6[%swap3A_1427, %swap3A_1428] {strides = array<i32>} : memref<128x16xf32, #tpu.memory_space<vmem>>, vector<1x16xf32>,
    %swap3A_1430 = vector.shape_cast %swap3A_1429 : vector<1x16xf32> to vector<16xf32>
    %swap3A_1431 = vector.shape_cast %select_n3A : vector<16xf32> to vector<1x16xf32>
    tpu.vector_store %arg6[%swap3A_1427, %swap3A_1428], %swap3A_1431 {strides = array<i32>} : memref<128x16xf32, #tpu.memory_space<vmem>>, vector<1x16xf32>,
    %swap3A_1432 = arith.constant 64 : i32
    %swap3A_1433 = arith.index_cast %swap3A_1432 : i32 to index
    %swap3A_1434 = arith.constant 0 : index
    %swap3A_1435 = tpu.vector_load %arg6[%swap3A_1433, %swap3A_1434] {strides = array<i32>} : memref<128x16xf32, #tpu.memory_space<vmem>>, vector<1x16xf32>,
    %swap3A_1436 = vector.shape_cast %swap3A_1435 : vector<1x16xf32> to vector<16xf32>
    %swap3A_1437 = vector.shape_cast %select_n3A : vector<16xf32> to vector<1x16xf32>
    tpu.vector_store %arg6[%swap3A_1433, %swap3A_1434], %swap3A_1437 {strides = array<i32>} : memref<128x16xf32, #tpu.memory_space<vmem>>, vector<1x16xf32>,
    %swap3A_1438 = arith.constant 65 : i32
    %swap3A_1439 = arith.index_cast %swap3A_1438 : i32 to index
    %swap3A_1440 = arith.constant 0 : index
    %swap3A_1441 = tpu.vector_load %arg6[%swap3A_1439, %swap3A_1440] {strides = array<i32>} : memref<128x16xf32, #tpu.memory_space<vmem>>, vector<1x16xf32>,
    %swap3A_1442 = vector.shape_cast %swap3A_1441 : vector<1x16xf32> to vector<16xf32>
    %swap3A_1443 = vector.shape_cast %select_n3A : vector<16xf32> to vector<1x16xf32>
    tpu.vector_store %arg6[%swap3A_1439, %swap3A_1440], %swap3A_1443 {strides = array<i32>} : memref<128x16xf32, #tpu.memory_space<vmem>>, vector<1x16xf32>,
    %swap3A_1444 = arith.constant 66 : i32
    %swap3A_1445 = arith.index_cast %swap3A_1444 : i32 to index
    %swap3A_1446 = arith.constant 0 : index
    %swap3A_1447 = tpu.vector_load %arg6[%swap3A_1445, %swap3A_1446] {strides = array<i32>} : memref<128x16xf32, #tpu.memory_space<vmem>>, vector<1x16xf32>,
    %swap3A_1448 = vector.shape_cast %swap3A_1447 : vector<1x16xf32> to vector<16xf32>
    %swap3A_1449 = vector.shape_cast %select_n3A : vector<16xf32> to vector<1x16xf32>
    tpu.vector_store %arg6[%swap3A_1445, %swap3A_1446], %swap3A_1449 {strides = array<i32>} : memref<128x16xf32, #tpu.memory_space<vmem>>, vector<1x16xf32>,
    %swap3A_1450 = arith.constant 67 : i32
    %swap3A_1451 = arith.index_cast %swap3A_1450 : i32 to index
    %swap3A_1452 = arith.constant 0 : index
    %swap3A_1453 = tpu.vector_load %arg6[%swap3A_1451, %swap3A_1452] {strides = array<i32>} : memref<128x16xf32, #tpu.memory_space<vmem>>, vector<1x16xf32>,
    %swap3A_1454 = vector.shape_cast %swap3A_1453 : vector<1x16xf32> to vector<16xf32>
    %swap3A_1455 = vector.shape_cast %select_n3A : vector<16xf32> to vector<1x16xf32>
    tpu.vector_store %arg6[%swap3A_1451, %swap3A_1452], %swap3A_1455 {strides = array<i32>} : memref<128x16xf32, #tpu.memory_space<vmem>>, vector<1x16xf32>,
    %swap3A_1456 = arith.constant 68 : i32
    %swap3A_1457 = arith.index_cast %swap3A_1456 : i32 to index
    %swap3A_1458 = arith.constant 0 : index
    %swap3A_1459 = tpu.vector_load %arg6[%swap3A_1457, %swap3A_1458] {strides = array<i32>} : memref<128x16xf32, #tpu.memory_space<vmem>>, vector<1x16xf32>,
    %swap3A_1460 = vector.shape_cast %swap3A_1459 : vector<1x16xf32> to vector<16xf32>
    %swap3A_1461 = vector.shape_cast %select_n3A : vector<16xf32> to vector<1x16xf32>
    tpu.vector_store %arg6[%swap3A_1457, %swap3A_1458], %swap3A_1461 {strides = array<i32>} : memref<128x16xf32, #tpu.memory_space<vmem>>, vector<1x16xf32>,
    %swap3A_1462 = arith.constant 69 : i32
    %swap3A_1463 = arith.index_cast %swap3A_1462 : i32 to index
    %swap3A_1464 = arith.constant 0 : index
    %swap3A_1465 = tpu.vector_load %arg6[%swap3A_1463, %swap3A_1464] {strides = array<i32>} : memref<128x16xf32, #tpu.memory_space<vmem>>, vector<1x16xf32>,
    %swap3A_1466 = vector.shape_cast %swap3A_1465 : vector<1x16xf32> to vector<16xf32>
    %swap3A_1467 = vector.shape_cast %select_n3A : vector<16xf32> to vector<1x16xf32>
    tpu.vector_store %arg6[%swap3A_1463, %swap3A_1464], %swap3A_1467 {strides = array<i32>} : memref<128x16xf32, #tpu.memory_space<vmem>>, vector<1x16xf32>,
    %swap3A_1468 = arith.constant 70 : i32
    %swap3A_1469 = arith.index_cast %swap3A_1468 : i32 to index
    %swap3A_1470 = arith.constant 0 : index
    %swap3A_1471 = tpu.vector_load %arg6[%swap3A_1469, %swap3A_1470] {strides = array<i32>} : memref<128x16xf32, #tpu.memory_space<vmem>>, vector<1x16xf32>,
    %swap3A_1472 = vector.shape_cast %swap3A_1471 : vector<1x16xf32> to vector<16xf32>
    %swap3A_1473 = vector.shape_cast %select_n3A : vector<16xf32> to vector<1x16xf32>
    tpu.vector_store %arg6[%swap3A_1469, %swap3A_1470], %swap3A_1473 {strides = array<i32>} : memref<128x16xf32, #tpu.memory_space<vmem>>, vector<1x16xf32>,
    %swap3A_1474 = arith.constant 71 : i32
    %swap3A_1475 = arith.index_cast %swap3A_1474 : i32 to index
    %swap3A_1476 = arith.constant 0 : index
    %swap3A_1477 = tpu.vector_load %arg6[%swap3A_1475, %swap3A_1476] {strides = array<i32>} : memref<128x16xf32, #tpu.memory_space<vmem>>, vector<1x16xf32>,
    %swap3A_1478 = vector.shape_cast %swap3A_1477 : vector<1x16xf32> to vector<16xf32>
    %swap3A_1479 = vector.shape_cast %select_n3A : vector<16xf32> to vector<1x16xf32>
    tpu.vector_store %arg6[%swap3A_1475, %swap3A_1476], %swap3A_1479 {strides = array<i32>} : memref<128x16xf32, #tpu.memory_space<vmem>>, vector<1x16xf32>,
    %swap3A_1480 = arith.constant 72 : i32
    %swap3A_1481 = arith.index_cast %swap3A_1480 : i32 to index
    %swap3A_1482 = arith.constant 0 : index
    %swap3A_1483 = tpu.vector_load %arg6[%swap3A_1481, %swap3A_1482] {strides = array<i32>} : memref<128x16xf32, #tpu.memory_space<vmem>>, vector<1x16xf32>,
    %swap3A_1484 = vector.shape_cast %swap3A_1483 : vector<1x16xf32> to vector<16xf32>
    %swap3A_1485 = vector.shape_cast %select_n3A : vector<16xf32> to vector<1x16xf32>
    tpu.vector_store %arg6[%swap3A_1481, %swap3A_1482], %swap3A_1485 {strides = array<i32>} : memref<128x16xf32, #tpu.memory_space<vmem>>, vector<1x16xf32>,
    %swap3A_1486 = arith.constant 73 : i32
    %swap3A_1487 = arith.index_cast %swap3A_1486 : i32 to index
    %swap3A_1488 = arith.constant 0 : index
    %swap3A_1489 = tpu.vector_load %arg6[%swap3A_1487, %swap3A_1488] {strides = array<i32>} : memref<128x16xf32, #tpu.memory_space<vmem>>, vector<1x16xf32>,
    %swap3A_1490 = vector.shape_cast %swap3A_1489 : vector<1x16xf32> to vector<16xf32>
    %swap3A_1491 = vector.shape_cast %select_n3A : vector<16xf32> to vector<1x16xf32>
    tpu.vector_store %arg6[%swap3A_1487, %swap3A_1488], %swap3A_1491 {strides = array<i32>} : memref<128x16xf32, #tpu.memory_space<vmem>>, vector<1x16xf32>,
    %swap3A_1492 = arith.constant 74 : i32
    %swap3A_1493 = arith.index_cast %swap3A_1492 : i32 to index
    %swap3A_1494 = arith.constant 0 : index
    %swap3A_1495 = tpu.vector_load %arg6[%swap3A_1493, %swap3A_1494] {strides = array<i32>} : memref<128x16xf32, #tpu.memory_space<vmem>>, vector<1x16xf32>,
    %swap3A_1496 = vector.shape_cast %swap3A_1495 : vector<1x16xf32> to vector<16xf32>
    %swap3A_1497 = vector.shape_cast %select_n3A : vector<16xf32> to vector<1x16xf32>
    tpu.vector_store %arg6[%swap3A_1493, %swap3A_1494], %swap3A_1497 {strides = array<i32>} : memref<128x16xf32, #tpu.memory_space<vmem>>, vector<1x16xf32>,
    %swap3A_1498 = arith.constant 75 : i32
    %swap3A_1499 = arith.index_cast %swap3A_1498 : i32 to index
    %swap3A_1500 = arith.constant 0 : index
    %swap3A_1501 = tpu.vector_load %arg6[%swap3A_1499, %swap3A_1500] {strides = array<i32>} : memref<128x16xf32, #tpu.memory_space<vmem>>, vector<1x16xf32>,
    %swap3A_1502 = vector.shape_cast %swap3A_1501 : vector<1x16xf32> to vector<16xf32>
    %swap3A_1503 = vector.shape_cast %select_n3A : vector<16xf32> to vector<1x16xf32>
    tpu.vector_store %arg6[%swap3A_1499, %swap3A_1500], %swap3A_1503 {strides = array<i32>} : memref<128x16xf32, #tpu.memory_space<vmem>>, vector<1x16xf32>,
    %swap3A_1504 = arith.constant 76 : i32
    %swap3A_1505 = arith.index_cast %swap3A_1504 : i32 to index
    %swap3A_1506 = arith.constant 0 : index
    %swap3A_1507 = tpu.vector_load %arg6[%swap3A_1505, %swap3A_1506] {strides = array<i32>} : memref<128x16xf32, #tpu.memory_space<vmem>>, vector<1x16xf32>,
    %swap3A_1508 = vector.shape_cast %swap3A_1507 : vector<1x16xf32> to vector<16xf32>
    %swap3A_1509 = vector.shape_cast %select_n3A : vector<16xf32> to vector<1x16xf32>
    tpu.vector_store %arg6[%swap3A_1505, %swap3A_1506], %swap3A_1509 {strides = array<i32>} : memref<128x16xf32, #tpu.memory_space<vmem>>, vector<1x16xf32>,
    %swap3A_1510 = arith.constant 77 : i32
    %swap3A_1511 = arith.index_cast %swap3A_1510 : i32 to index
    %swap3A_1512 = arith.constant 0 : index
    %swap3A_1513 = tpu.vector_load %arg6[%swap3A_1511, %swap3A_1512] {strides = array<i32>} : memref<128x16xf32, #tpu.memory_space<vmem>>, vector<1x16xf32>,
    %swap3A_1514 = vector.shape_cast %swap3A_1513 : vector<1x16xf32> to vector<16xf32>
    %swap3A_1515 = vector.shape_cast %select_n3A : vector<16xf32> to vector<1x16xf32>
    tpu.vector_store %arg6[%swap3A_1511, %swap3A_1512], %swap3A_1515 {strides = array<i32>} : memref<128x16xf32, #tpu.memory_space<vmem>>, vector<1x16xf32>,
    %swap3A_1516 = arith.constant 78 : i32
    %swap3A_1517 = arith.index_cast %swap3A_1516 : i32 to index
    %swap3A_1518 = arith.constant 0 : index
    %swap3A_1519 = tpu.vector_load %arg6[%swap3A_1517, %swap3A_1518] {strides = array<i32>} : memref<128x16xf32, #tpu.memory_space<vmem>>, vector<1x16xf32>,
    %swap3A_1520 = vector.shape_cast %swap3A_1519 : vector<1x16xf32> to vector<16xf32>
    %swap3A_1521 = vector.shape_cast %select_n3A : vector<16xf32> to vector<1x16xf32>
    tpu.vector_store %arg6[%swap3A_1517, %swap3A_1518], %swap3A_1521 {strides = array<i32>} : memref<128x16xf32, #tpu.memory_space<vmem>>, vector<1x16xf32>,
    %swap3A_1522 = arith.constant 79 : i32
    %swap3A_1523 = arith.index_cast %swap3A_1522 : i32 to index
    %swap3A_1524 = arith.constant 0 : index
    %swap3A_1525 = tpu.vector_load %arg6[%swap3A_1523, %swap3A_1524] {strides = array<i32>} : memref<128x16xf32, #tpu.memory_space<vmem>>, vector<1x16xf32>,
    %swap3A_1526 = vector.shape_cast %swap3A_1525 : vector<1x16xf32> to vector<16xf32>
    %swap3A_1527 = vector.shape_cast %select_n3A : vector<16xf32> to vector<1x16xf32>
    tpu.vector_store %arg6[%swap3A_1523, %swap3A_1524], %swap3A_1527 {strides = array<i32>} : memref<128x16xf32, #tpu.memory_space<vmem>>, vector<1x16xf32>,
    %swap3A_1528 = arith.constant 80 : i32
    %swap3A_1529 = arith.index_cast %swap3A_1528 : i32 to index
    %swap3A_1530 = arith.constant 0 : index
    %swap3A_1531 = tpu.vector_load %arg6[%swap3A_1529, %swap3A_1530] {strides = array<i32>} : memref<128x16xf32, #tpu.memory_space<vmem>>, vector<1x16xf32>,
    %swap3A_1532 = vector.shape_cast %swap3A_1531 : vector<1x16xf32> to vector<16xf32>
    %swap3A_1533 = vector.shape_cast %select_n3A : vector<16xf32> to vector<1x16xf32>
    tpu.vector_store %arg6[%swap3A_1529, %swap3A_1530], %swap3A_1533 {strides = array<i32>} : memref<128x16xf32, #tpu.memory_space<vmem>>, vector<1x16xf32>,
    %swap3A_1534 = arith.constant 81 : i32
    %swap3A_1535 = arith.index_cast %swap3A_1534 : i32 to index
    %swap3A_1536 = arith.constant 0 : index
    %swap3A_1537 = tpu.vector_load %arg6[%swap3A_1535, %swap3A_1536] {strides = array<i32>} : memref<128x16xf32, #tpu.memory_space<vmem>>, vector<1x16xf32>,
    %swap3A_1538 = vector.shape_cast %swap3A_1537 : vector<1x16xf32> to vector<16xf32>
    %swap3A_1539 = vector.shape_cast %select_n3A : vector<16xf32> to vector<1x16xf32>
    tpu.vector_store %arg6[%swap3A_1535, %swap3A_1536], %swap3A_1539 {strides = array<i32>} : memref<128x16xf32, #tpu.memory_space<vmem>>, vector<1x16xf32>,
    %swap3A_1540 = arith.constant 82 : i32
    %swap3A_1541 = arith.index_cast %swap3A_1540 : i32 to index
    %swap3A_1542 = arith.constant 0 : index
    %swap3A_1543 = tpu.vector_load %arg6[%swap3A_1541, %swap3A_1542] {strides = array<i32>} : memref<128x16xf32, #tpu.memory_space<vmem>>, vector<1x16xf32>,
    %swap3A_1544 = vector.shape_cast %swap3A_1543 : vector<1x16xf32> to vector<16xf32>
    %swap3A_1545 = vector.shape_cast %select_n3A : vector<16xf32> to vector<1x16xf32>
    tpu.vector_store %arg6[%swap3A_1541, %swap3A_1542], %swap3A_1545 {strides = array<i32>} : memref<128x16xf32, #tpu.memory_space<vmem>>, vector<1x16xf32>,
    %swap3A_1546 = arith.constant 83 : i32
    %swap3A_1547 = arith.index_cast %swap3A_1546 : i32 to index
    %swap3A_1548 = arith.constant 0 : index
    %swap3A_1549 = tpu.vector_load %arg6[%swap3A_1547, %swap3A_1548] {strides = array<i32>} : memref<128x16xf32, #tpu.memory_space<vmem>>, vector<1x16xf32>,
    %swap3A_1550 = vector.shape_cast %swap3A_1549 : vector<1x16xf32> to vector<16xf32>
    %swap3A_1551 = vector.shape_cast %select_n3A : vector<16xf32> to vector<1x16xf32>
    tpu.vector_store %arg6[%swap3A_1547, %swap3A_1548], %swap3A_1551 {strides = array<i32>} : memref<128x16xf32, #tpu.memory_space<vmem>>, vector<1x16xf32>,
    %swap3A_1552 = arith.constant 84 : i32
    %swap3A_1553 = arith.index_cast %swap3A_1552 : i32 to index
    %swap3A_1554 = arith.constant 0 : index
    %swap3A_1555 = tpu.vector_load %arg6[%swap3A_1553, %swap3A_1554] {strides = array<i32>} : memref<128x16xf32, #tpu.memory_space<vmem>>, vector<1x16xf32>,
    %swap3A_1556 = vector.shape_cast %swap3A_1555 : vector<1x16xf32> to vector<16xf32>
    %swap3A_1557 = vector.shape_cast %select_n3A : vector<16xf32> to vector<1x16xf32>
    tpu.vector_store %arg6[%swap3A_1553, %swap3A_1554], %swap3A_1557 {strides = array<i32>} : memref<128x16xf32, #tpu.memory_space<vmem>>, vector<1x16xf32>,
    %swap3A_1558 = arith.constant 85 : i32
    %swap3A_1559 = arith.index_cast %swap3A_1558 : i32 to index
    %swap3A_1560 = arith.constant 0 : index
    %swap3A_1561 = tpu.vector_load %arg6[%swap3A_1559, %swap3A_1560] {strides = array<i32>} : memref<128x16xf32, #tpu.memory_space<vmem>>, vector<1x16xf32>,
    %swap3A_1562 = vector.shape_cast %swap3A_1561 : vector<1x16xf32> to vector<16xf32>
    %swap3A_1563 = vector.shape_cast %select_n3A : vector<16xf32> to vector<1x16xf32>
    tpu.vector_store %arg6[%swap3A_1559, %swap3A_1560], %swap3A_1563 {strides = array<i32>} : memref<128x16xf32, #tpu.memory_space<vmem>>, vector<1x16xf32>,
    %swap3A_1564 = arith.constant 86 : i32
    %swap3A_1565 = arith.index_cast %swap3A_1564 : i32 to index
    %swap3A_1566 = arith.constant 0 : index
    %swap3A_1567 = tpu.vector_load %arg6[%swap3A_1565, %swap3A_1566] {strides = array<i32>} : memref<128x16xf32, #tpu.memory_space<vmem>>, vector<1x16xf32>,
    %swap3A_1568 = vector.shape_cast %swap3A_1567 : vector<1x16xf32> to vector<16xf32>
    %swap3A_1569 = vector.shape_cast %select_n3A : vector<16xf32> to vector<1x16xf32>
    tpu.vector_store %arg6[%swap3A_1565, %swap3A_1566], %swap3A_1569 {strides = array<i32>} : memref<128x16xf32, #tpu.memory_space<vmem>>, vector<1x16xf32>,
    %swap3A_1570 = arith.constant 87 : i32
    %swap3A_1571 = arith.index_cast %swap3A_1570 : i32 to index
    %swap3A_1572 = arith.constant 0 : index
    %swap3A_1573 = tpu.vector_load %arg6[%swap3A_1571, %swap3A_1572] {strides = array<i32>} : memref<128x16xf32, #tpu.memory_space<vmem>>, vector<1x16xf32>,
    %swap3A_1574 = vector.shape_cast %swap3A_1573 : vector<1x16xf32> to vector<16xf32>
    %swap3A_1575 = vector.shape_cast %select_n3A : vector<16xf32> to vector<1x16xf32>
    tpu.vector_store %arg6[%swap3A_1571, %swap3A_1572], %swap3A_1575 {strides = array<i32>} : memref<128x16xf32, #tpu.memory_space<vmem>>, vector<1x16xf32>,
    %swap3A_1576 = arith.constant 88 : i32
    %swap3A_1577 = arith.index_cast %swap3A_1576 : i32 to index
    %swap3A_1578 = arith.constant 0 : index
    %swap3A_1579 = tpu.vector_load %arg6[%swap3A_1577, %swap3A_1578] {strides = array<i32>} : memref<128x16xf32, #tpu.memory_space<vmem>>, vector<1x16xf32>,
    %swap3A_1580 = vector.shape_cast %swap3A_1579 : vector<1x16xf32> to vector<16xf32>
    %swap3A_1581 = vector.shape_cast %select_n3A : vector<16xf32> to vector<1x16xf32>
    tpu.vector_store %arg6[%swap3A_1577, %swap3A_1578], %swap3A_1581 {strides = array<i32>} : memref<128x16xf32, #tpu.memory_space<vmem>>, vector<1x16xf32>,
    %swap3A_1582 = arith.constant 89 : i32
    %swap3A_1583 = arith.index_cast %swap3A_1582 : i32 to index
    %swap3A_1584 = arith.constant 0 : index
    %swap3A_1585 = tpu.vector_load %arg6[%swap3A_1583, %swap3A_1584] {strides = array<i32>} : memref<128x16xf32, #tpu.memory_space<vmem>>, vector<1x16xf32>,
    %swap3A_1586 = vector.shape_cast %swap3A_1585 : vector<1x16xf32> to vector<16xf32>
    %swap3A_1587 = vector.shape_cast %select_n3A : vector<16xf32> to vector<1x16xf32>
    tpu.vector_store %arg6[%swap3A_1583, %swap3A_1584], %swap3A_1587 {strides = array<i32>} : memref<128x16xf32, #tpu.memory_space<vmem>>, vector<1x16xf32>,
    %swap3A_1588 = arith.constant 90 : i32
    %swap3A_1589 = arith.index_cast %swap3A_1588 : i32 to index
    %swap3A_1590 = arith.constant 0 : index
    %swap3A_1591 = tpu.vector_load %arg6[%swap3A_1589, %swap3A_1590] {strides = array<i32>} : memref<128x16xf32, #tpu.memory_space<vmem>>, vector<1x16xf32>,
    %swap3A_1592 = vector.shape_cast %swap3A_1591 : vector<1x16xf32> to vector<16xf32>
    %swap3A_1593 = vector.shape_cast %select_n3A : vector<16xf32> to vector<1x16xf32>
    tpu.vector_store %arg6[%swap3A_1589, %swap3A_1590], %swap3A_1593 {strides = array<i32>} : memref<128x16xf32, #tpu.memory_space<vmem>>, vector<1x16xf32>,
    %swap3A_1594 = arith.constant 91 : i32
    %swap3A_1595 = arith.index_cast %swap3A_1594 : i32 to index
    %swap3A_1596 = arith.constant 0 : index
    %swap3A_1597 = tpu.vector_load %arg6[%swap3A_1595, %swap3A_1596] {strides = array<i32>} : memref<128x16xf32, #tpu.memory_space<vmem>>, vector<1x16xf32>,
    %swap3A_1598 = vector.shape_cast %swap3A_1597 : vector<1x16xf32> to vector<16xf32>
    %swap3A_1599 = vector.shape_cast %select_n3A : vector<16xf32> to vector<1x16xf32>
    tpu.vector_store %arg6[%swap3A_1595, %swap3A_1596], %swap3A_1599 {strides = array<i32>} : memref<128x16xf32, #tpu.memory_space<vmem>>, vector<1x16xf32>,
    %swap3A_1600 = arith.constant 92 : i32
    %swap3A_1601 = arith.index_cast %swap3A_1600 : i32 to index
    %swap3A_1602 = arith.constant 0 : index
    %swap3A_1603 = tpu.vector_load %arg6[%swap3A_1601, %swap3A_1602] {strides = array<i32>} : memref<128x16xf32, #tpu.memory_space<vmem>>, vector<1x16xf32>,
    %swap3A_1604 = vector.shape_cast %swap3A_1603 : vector<1x16xf32> to vector<16xf32>
    %swap3A_1605 = vector.shape_cast %select_n3A : vector<16xf32> to vector<1x16xf32>
    tpu.vector_store %arg6[%swap3A_1601, %swap3A_1602], %swap3A_1605 {strides = array<i32>} : memref<128x16xf32, #tpu.memory_space<vmem>>, vector<1x16xf32>,
    %swap3A_1606 = arith.constant 93 : i32
    %swap3A_1607 = arith.index_cast %swap3A_1606 : i32 to index
    %swap3A_1608 = arith.constant 0 : index
    %swap3A_1609 = tpu.vector_load %arg6[%swap3A_1607, %swap3A_1608] {strides = array<i32>} : memref<128x16xf32, #tpu.memory_space<vmem>>, vector<1x16xf32>,
    %swap3A_1610 = vector.shape_cast %swap3A_1609 : vector<1x16xf32> to vector<16xf32>
    %swap3A_1611 = vector.shape_cast %select_n3A : vector<16xf32> to vector<1x16xf32>
    tpu.vector_store %arg6[%swap3A_1607, %swap3A_1608], %swap3A_1611 {strides = array<i32>} : memref<128x16xf32, #tpu.memory_space<vmem>>, vector<1x16xf32>,
    %swap3A_1612 = arith.constant 94 : i32
    %swap3A_1613 = arith.index_cast %swap3A_1612 : i32 to index
    %swap3A_1614 = arith.constant 0 : index
    %swap3A_1615 = tpu.vector_load %arg6[%swap3A_1613, %swap3A_1614] {strides = array<i32>} : memref<128x16xf32, #tpu.memory_space<vmem>>, vector<1x16xf32>,
    %swap3A_1616 = vector.shape_cast %swap3A_1615 : vector<1x16xf32> to vector<16xf32>
    %swap3A_1617 = vector.shape_cast %select_n3A : vector<16xf32> to vector<1x16xf32>
    tpu.vector_store %arg6[%swap3A_1613, %swap3A_1614], %swap3A_1617 {strides = array<i32>} : memref<128x16xf32, #tpu.memory_space<vmem>>, vector<1x16xf32>,
    %swap3A_1618 = arith.constant 95 : i32
    %swap3A_1619 = arith.index_cast %swap3A_1618 : i32 to index
    %swap3A_1620 = arith.constant 0 : index
    %swap3A_1621 = tpu.vector_load %arg6[%swap3A_1619, %swap3A_1620] {strides = array<i32>} : memref<128x16xf32, #tpu.memory_space<vmem>>, vector<1x16xf32>,
    %swap3A_1622 = vector.shape_cast %swap3A_1621 : vector<1x16xf32> to vector<16xf32>
    %swap3A_1623 = vector.shape_cast %select_n3A : vector<16xf32> to vector<1x16xf32>
    tpu.vector_store %arg6[%swap3A_1619, %swap3A_1620], %swap3A_1623 {strides = array<i32>} : memref<128x16xf32, #tpu.memory_space<vmem>>, vector<1x16xf32>,
    %swap3A_1624 = arith.constant 96 : i32
    %swap3A_1625 = arith.index_cast %swap3A_1624 : i32 to index
    %swap3A_1626 = arith.constant 0 : index
    %swap3A_1627 = tpu.vector_load %arg6[%swap3A_1625, %swap3A_1626] {strides = array<i32>} : memref<128x16xf32, #tpu.memory_space<vmem>>, vector<1x16xf32>,
    %swap3A_1628 = vector.shape_cast %swap3A_1627 : vector<1x16xf32> to vector<16xf32>
    %swap3A_1629 = vector.shape_cast %select_n3A : vector<16xf32> to vector<1x16xf32>
    tpu.vector_store %arg6[%swap3A_1625, %swap3A_1626], %swap3A_1629 {strides = array<i32>} : memref<128x16xf32, #tpu.memory_space<vmem>>, vector<1x16xf32>,
    %swap3A_1630 = arith.constant 97 : i32
    %swap3A_1631 = arith.index_cast %swap3A_1630 : i32 to index
    %swap3A_1632 = arith.constant 0 : index
    %swap3A_1633 = tpu.vector_load %arg6[%swap3A_1631, %swap3A_1632] {strides = array<i32>} : memref<128x16xf32, #tpu.memory_space<vmem>>, vector<1x16xf32>,
    %swap3A_1634 = vector.shape_cast %swap3A_1633 : vector<1x16xf32> to vector<16xf32>
    %swap3A_1635 = vector.shape_cast %select_n3A : vector<16xf32> to vector<1x16xf32>
    tpu.vector_store %arg6[%swap3A_1631, %swap3A_1632], %swap3A_1635 {strides = array<i32>} : memref<128x16xf32, #tpu.memory_space<vmem>>, vector<1x16xf32>,
    %swap3A_1636 = arith.constant 98 : i32
    %swap3A_1637 = arith.index_cast %swap3A_1636 : i32 to index
    %swap3A_1638 = arith.constant 0 : index
    %swap3A_1639 = tpu.vector_load %arg6[%swap3A_1637, %swap3A_1638] {strides = array<i32>} : memref<128x16xf32, #tpu.memory_space<vmem>>, vector<1x16xf32>,
    %swap3A_1640 = vector.shape_cast %swap3A_1639 : vector<1x16xf32> to vector<16xf32>
    %swap3A_1641 = vector.shape_cast %select_n3A : vector<16xf32> to vector<1x16xf32>
    tpu.vector_store %arg6[%swap3A_1637, %swap3A_1638], %swap3A_1641 {strides = array<i32>} : memref<128x16xf32, #tpu.memory_space<vmem>>, vector<1x16xf32>,
    %swap3A_1642 = arith.constant 99 : i32
    %swap3A_1643 = arith.index_cast %swap3A_1642 : i32 to index
    %swap3A_1644 = arith.constant 0 : index
    %swap3A_1645 = tpu.vector_load %arg6[%swap3A_1643, %swap3A_1644] {strides = array<i32>} : memref<128x16xf32, #tpu.memory_space<vmem>>, vector<1x16xf32>,
    %swap3A_1646 = vector.shape_cast %swap3A_1645 : vector<1x16xf32> to vector<16xf32>
    %swap3A_1647 = vector.shape_cast %select_n3A : vector<16xf32> to vector<1x16xf32>
    tpu.vector_store %arg6[%swap3A_1643, %swap3A_1644], %swap3A_1647 {strides = array<i32>} : memref<128x16xf32, #tpu.memory_space<vmem>>, vector<1x16xf32>,
    %swap3A_1648 = arith.constant 100 : i32
    %swap3A_1649 = arith.index_cast %swap3A_1648 : i32 to index
    %swap3A_1650 = arith.constant 0 : index
    %swap3A_1651 = tpu.vector_load %arg6[%swap3A_1649, %swap3A_1650] {strides = array<i32>} : memref<128x16xf32, #tpu.memory_space<vmem>>, vector<1x16xf32>,
    %swap3A_1652 = vector.shape_cast %swap3A_1651 : vector<1x16xf32> to vector<16xf32>
    %swap3A_1653 = vector.shape_cast %select_n3A : vector<16xf32> to vector<1x16xf32>
    tpu.vector_store %arg6[%swap3A_1649, %swap3A_1650], %swap3A_1653 {strides = array<i32>} : memref<128x16xf32, #tpu.memory_space<vmem>>, vector<1x16xf32>,
    %swap3A_1654 = arith.constant 101 : i32
    %swap3A_1655 = arith.index_cast %swap3A_1654 : i32 to index
    %swap3A_1656 = arith.constant 0 : index
    %swap3A_1657 = tpu.vector_load %arg6[%swap3A_1655, %swap3A_1656] {strides = array<i32>} : memref<128x16xf32, #tpu.memory_space<vmem>>, vector<1x16xf32>,
    %swap3A_1658 = vector.shape_cast %swap3A_1657 : vector<1x16xf32> to vector<16xf32>
    %swap3A_1659 = vector.shape_cast %select_n3A : vector<16xf32> to vector<1x16xf32>
    tpu.vector_store %arg6[%swap3A_1655, %swap3A_1656], %swap3A_1659 {strides = array<i32>} : memref<128x16xf32, #tpu.memory_space<vmem>>, vector<1x16xf32>,
    %swap3A_1660 = arith.constant 102 : i32
    %swap3A_1661 = arith.index_cast %swap3A_1660 : i32 to index
    %swap3A_1662 = arith.constant 0 : index
    %swap3A_1663 = tpu.vector_load %arg6[%swap3A_1661, %swap3A_1662] {strides = array<i32>} : memref<128x16xf32, #tpu.memory_space<vmem>>, vector<1x16xf32>,
    %swap3A_1664 = vector.shape_cast %swap3A_1663 : vector<1x16xf32> to vector<16xf32>
    %swap3A_1665 = vector.shape_cast %select_n3A : vector<16xf32> to vector<1x16xf32>
    tpu.vector_store %arg6[%swap3A_1661, %swap3A_1662], %swap3A_1665 {strides = array<i32>} : memref<128x16xf32, #tpu.memory_space<vmem>>, vector<1x16xf32>,
    %swap3A_1666 = arith.constant 103 : i32
    %swap3A_1667 = arith.index_cast %swap3A_1666 : i32 to index
    %swap3A_1668 = arith.constant 0 : index
    %swap3A_1669 = tpu.vector_load %arg6[%swap3A_1667, %swap3A_1668] {strides = array<i32>} : memref<128x16xf32, #tpu.memory_space<vmem>>, vector<1x16xf32>,
    %swap3A_1670 = vector.shape_cast %swap3A_1669 : vector<1x16xf32> to vector<16xf32>
    %swap3A_1671 = vector.shape_cast %select_n3A : vector<16xf32> to vector<1x16xf32>
    tpu.vector_store %arg6[%swap3A_1667, %swap3A_1668], %swap3A_1671 {strides = array<i32>} : memref<128x16xf32, #tpu.memory_space<vmem>>, vector<1x16xf32>,
    %swap3A_1672 = arith.constant 104 : i32
    %swap3A_1673 = arith.index_cast %swap3A_1672 : i32 to index
    %swap3A_1674 = arith.constant 0 : index
    %swap3A_1675 = tpu.vector_load %arg6[%swap3A_1673, %swap3A_1674] {strides = array<i32>} : memref<128x16xf32, #tpu.memory_space<vmem>>, vector<1x16xf32>,
    %swap3A_1676 = vector.shape_cast %swap3A_1675 : vector<1x16xf32> to vector<16xf32>
    %swap3A_1677 = vector.shape_cast %select_n3A : vector<16xf32> to vector<1x16xf32>
    tpu.vector_store %arg6[%swap3A_1673, %swap3A_1674], %swap3A_1677 {strides = array<i32>} : memref<128x16xf32, #tpu.memory_space<vmem>>, vector<1x16xf32>,
    %swap3A_1678 = arith.constant 105 : i32
    %swap3A_1679 = arith.index_cast %swap3A_1678 : i32 to index
    %swap3A_1680 = arith.constant 0 : index
    %swap3A_1681 = tpu.vector_load %arg6[%swap3A_1679, %swap3A_1680] {strides = array<i32>} : memref<128x16xf32, #tpu.memory_space<vmem>>, vector<1x16xf32>,
    %swap3A_1682 = vector.shape_cast %swap3A_1681 : vector<1x16xf32> to vector<16xf32>
    %swap3A_1683 = vector.shape_cast %select_n3A : vector<16xf32> to vector<1x16xf32>
    tpu.vector_store %arg6[%swap3A_1679, %swap3A_1680], %swap3A_1683 {strides = array<i32>} : memref<128x16xf32, #tpu.memory_space<vmem>>, vector<1x16xf32>,
    %swap3A_1684 = arith.constant 106 : i32
    %swap3A_1685 = arith.index_cast %swap3A_1684 : i32 to index
    %swap3A_1686 = arith.constant 0 : index
    %swap3A_1687 = tpu.vector_load %arg6[%swap3A_1685, %swap3A_1686] {strides = array<i32>} : memref<128x16xf32, #tpu.memory_space<vmem>>, vector<1x16xf32>,
    %swap3A_1688 = vector.shape_cast %swap3A_1687 : vector<1x16xf32> to vector<16xf32>
    %swap3A_1689 = vector.shape_cast %select_n3A : vector<16xf32> to vector<1x16xf32>
    tpu.vector_store %arg6[%swap3A_1685, %swap3A_1686], %swap3A_1689 {strides = array<i32>} : memref<128x16xf32, #tpu.memory_space<vmem>>, vector<1x16xf32>,
    %swap3A_1690 = arith.constant 107 : i32
    %swap3A_1691 = arith.index_cast %swap3A_1690 : i32 to index
    %swap3A_1692 = arith.constant 0 : index
    %swap3A_1693 = tpu.vector_load %arg6[%swap3A_1691, %swap3A_1692] {strides = array<i32>} : memref<128x16xf32, #tpu.memory_space<vmem>>, vector<1x16xf32>,
    %swap3A_1694 = vector.shape_cast %swap3A_1693 : vector<1x16xf32> to vector<16xf32>
    %swap3A_1695 = vector.shape_cast %select_n3A : vector<16xf32> to vector<1x16xf32>
    tpu.vector_store %arg6[%swap3A_1691, %swap3A_1692], %swap3A_1695 {strides = array<i32>} : memref<128x16xf32, #tpu.memory_space<vmem>>, vector<1x16xf32>,
    %swap3A_1696 = arith.constant 108 : i32
    %swap3A_1697 = arith.index_cast %swap3A_1696 : i32 to index
    %swap3A_1698 = arith.constant 0 : index
    %swap3A_1699 = tpu.vector_load %arg6[%swap3A_1697, %swap3A_1698] {strides = array<i32>} : memref<128x16xf32, #tpu.memory_space<vmem>>, vector<1x16xf32>,
    %swap3A_1700 = vector.shape_cast %swap3A_1699 : vector<1x16xf32> to vector<16xf32>
    %swap3A_1701 = vector.shape_cast %select_n3A : vector<16xf32> to vector<1x16xf32>
    tpu.vector_store %arg6[%swap3A_1697, %swap3A_1698], %swap3A_1701 {strides = array<i32>} : memref<128x16xf32, #tpu.memory_space<vmem>>, vector<1x16xf32>,
    %swap3A_1702 = arith.constant 109 : i32
    %swap3A_1703 = arith.index_cast %swap3A_1702 : i32 to index
    %swap3A_1704 = arith.constant 0 : index
    %swap3A_1705 = tpu.vector_load %arg6[%swap3A_1703, %swap3A_1704] {strides = array<i32>} : memref<128x16xf32, #tpu.memory_space<vmem>>, vector<1x16xf32>,
    %swap3A_1706 = vector.shape_cast %swap3A_1705 : vector<1x16xf32> to vector<16xf32>
    %swap3A_1707 = vector.shape_cast %select_n3A : vector<16xf32> to vector<1x16xf32>
    tpu.vector_store %arg6[%swap3A_1703, %swap3A_1704], %swap3A_1707 {strides = array<i32>} : memref<128x16xf32, #tpu.memory_space<vmem>>, vector<1x16xf32>,
    %swap3A_1708 = arith.constant 110 : i32
    %swap3A_1709 = arith.index_cast %swap3A_1708 : i32 to index
    %swap3A_1710 = arith.constant 0 : index
    %swap3A_1711 = tpu.vector_load %arg6[%swap3A_1709, %swap3A_1710] {strides = array<i32>} : memref<128x16xf32, #tpu.memory_space<vmem>>, vector<1x16xf32>,
    %swap3A_1712 = vector.shape_cast %swap3A_1711 : vector<1x16xf32> to vector<16xf32>
    %swap3A_1713 = vector.shape_cast %select_n3A : vector<16xf32> to vector<1x16xf32>
    tpu.vector_store %arg6[%swap3A_1709, %swap3A_1710], %swap3A_1713 {strides = array<i32>} : memref<128x16xf32, #tpu.memory_space<vmem>>, vector<1x16xf32>,
    %swap3A_1714 = arith.constant 111 : i32
    %swap3A_1715 = arith.index_cast %swap3A_1714 : i32 to index
    %swap3A_1716 = arith.constant 0 : index
    %swap3A_1717 = tpu.vector_load %arg6[%swap3A_1715, %swap3A_1716] {strides = array<i32>} : memref<128x16xf32, #tpu.memory_space<vmem>>, vector<1x16xf32>,
    %swap3A_1718 = vector.shape_cast %swap3A_1717 : vector<1x16xf32> to vector<16xf32>
    %swap3A_1719 = vector.shape_cast %select_n3A : vector<16xf32> to vector<1x16xf32>
    tpu.vector_store %arg6[%swap3A_1715, %swap3A_1716], %swap3A_1719 {strides = array<i32>} : memref<128x16xf32, #tpu.memory_space<vmem>>, vector<1x16xf32>,
    %swap3A_1720 = arith.constant 112 : i32
    %swap3A_1721 = arith.index_cast %swap3A_1720 : i32 to index
    %swap3A_1722 = arith.constant 0 : index
    %swap3A_1723 = tpu.vector_load %arg6[%swap3A_1721, %swap3A_1722] {strides = array<i32>} : memref<128x16xf32, #tpu.memory_space<vmem>>, vector<1x16xf32>,
    %swap3A_1724 = vector.shape_cast %swap3A_1723 : vector<1x16xf32> to vector<16xf32>
    %swap3A_1725 = vector.shape_cast %select_n3A : vector<16xf32> to vector<1x16xf32>
    tpu.vector_store %arg6[%swap3A_1721, %swap3A_1722], %swap3A_1725 {strides = array<i32>} : memref<128x16xf32, #tpu.memory_space<vmem>>, vector<1x16xf32>,
    %swap3A_1726 = arith.constant 113 : i32
    %swap3A_1727 = arith.index_cast %swap3A_1726 : i32 to index
    %swap3A_1728 = arith.constant 0 : index
    %swap3A_1729 = tpu.vector_load %arg6[%swap3A_1727, %swap3A_1728] {strides = array<i32>} : memref<128x16xf32, #tpu.memory_space<vmem>>, vector<1x16xf32>,
    %swap3A_1730 = vector.shape_cast %swap3A_1729 : vector<1x16xf32> to vector<16xf32>
    %swap3A_1731 = vector.shape_cast %select_n3A : vector<16xf32> to vector<1x16xf32>
    tpu.vector_store %arg6[%swap3A_1727, %swap3A_1728], %swap3A_1731 {strides = array<i32>} : memref<128x16xf32, #tpu.memory_space<vmem>>, vector<1x16xf32>,
    %swap3A_1732 = arith.constant 114 : i32
    %swap3A_1733 = arith.index_cast %swap3A_1732 : i32 to index
    %swap3A_1734 = arith.constant 0 : index
    %swap3A_1735 = tpu.vector_load %arg6[%swap3A_1733, %swap3A_1734] {strides = array<i32>} : memref<128x16xf32, #tpu.memory_space<vmem>>, vector<1x16xf32>,
    %swap3A_1736 = vector.shape_cast %swap3A_1735 : vector<1x16xf32> to vector<16xf32>
    %swap3A_1737 = vector.shape_cast %select_n3A : vector<16xf32> to vector<1x16xf32>
    tpu.vector_store %arg6[%swap3A_1733, %swap3A_1734], %swap3A_1737 {strides = array<i32>} : memref<128x16xf32, #tpu.memory_space<vmem>>, vector<1x16xf32>,
    %swap3A_1738 = arith.constant 115 : i32
    %swap3A_1739 = arith.index_cast %swap3A_1738 : i32 to index
    %swap3A_1740 = arith.constant 0 : index
    %swap3A_1741 = tpu.vector_load %arg6[%swap3A_1739, %swap3A_1740] {strides = array<i32>} : memref<128x16xf32, #tpu.memory_space<vmem>>, vector<1x16xf32>,
    %swap3A_1742 = vector.shape_cast %swap3A_1741 : vector<1x16xf32> to vector<16xf32>
    %swap3A_1743 = vector.shape_cast %select_n3A : vector<16xf32> to vector<1x16xf32>
    tpu.vector_store %arg6[%swap3A_1739, %swap3A_1740], %swap3A_1743 {strides = array<i32>} : memref<128x16xf32, #tpu.memory_space<vmem>>, vector<1x16xf32>,
    %swap3A_1744 = arith.constant 116 : i32
    %swap3A_1745 = arith.index_cast %swap3A_1744 : i32 to index
    %swap3A_1746 = arith.constant 0 : index
    %swap3A_1747 = tpu.vector_load %arg6[%swap3A_1745, %swap3A_1746] {strides = array<i32>} : memref<128x16xf32, #tpu.memory_space<vmem>>, vector<1x16xf32>,
    %swap3A_1748 = vector.shape_cast %swap3A_1747 : vector<1x16xf32> to vector<16xf32>
    %swap3A_1749 = vector.shape_cast %select_n3A : vector<16xf32> to vector<1x16xf32>
    tpu.vector_store %arg6[%swap3A_1745, %swap3A_1746], %swap3A_1749 {strides = array<i32>} : memref<128x16xf32, #tpu.memory_space<vmem>>, vector<1x16xf32>,
    %swap3A_1750 = arith.constant 117 : i32
    %swap3A_1751 = arith.index_cast %swap3A_1750 : i32 to index
    %swap3A_1752 = arith.constant 0 : index
    %swap3A_1753 = tpu.vector_load %arg6[%swap3A_1751, %swap3A_1752] {strides = array<i32>} : memref<128x16xf32, #tpu.memory_space<vmem>>, vector<1x16xf32>,
    %swap3A_1754 = vector.shape_cast %swap3A_1753 : vector<1x16xf32> to vector<16xf32>
    %swap3A_1755 = vector.shape_cast %select_n3A : vector<16xf32> to vector<1x16xf32>
    tpu.vector_store %arg6[%swap3A_1751, %swap3A_1752], %swap3A_1755 {strides = array<i32>} : memref<128x16xf32, #tpu.memory_space<vmem>>, vector<1x16xf32>,
    %swap3A_1756 = arith.constant 118 : i32
    %swap3A_1757 = arith.index_cast %swap3A_1756 : i32 to index
    %swap3A_1758 = arith.constant 0 : index
    %swap3A_1759 = tpu.vector_load %arg6[%swap3A_1757, %swap3A_1758] {strides = array<i32>} : memref<128x16xf32, #tpu.memory_space<vmem>>, vector<1x16xf32>,
    %swap3A_1760 = vector.shape_cast %swap3A_1759 : vector<1x16xf32> to vector<16xf32>
    %swap3A_1761 = vector.shape_cast %select_n3A : vector<16xf32> to vector<1x16xf32>
    tpu.vector_store %arg6[%swap3A_1757, %swap3A_1758], %swap3A_1761 {strides = array<i32>} : memref<128x16xf32, #tpu.memory_space<vmem>>, vector<1x16xf32>,
    %swap3A_1762 = arith.constant 119 : i32
    %swap3A_1763 = arith.index_cast %swap3A_1762 : i32 to index
    %swap3A_1764 = arith.constant 0 : index
    %swap3A_1765 = tpu.vector_load %arg6[%swap3A_1763, %swap3A_1764] {strides = array<i32>} : memref<128x16xf32, #tpu.memory_space<vmem>>, vector<1x16xf32>,
    %swap3A_1766 = vector.shape_cast %swap3A_1765 : vector<1x16xf32> to vector<16xf32>
    %swap3A_1767 = vector.shape_cast %select_n3A : vector<16xf32> to vector<1x16xf32>
    tpu.vector_store %arg6[%swap3A_1763, %swap3A_1764], %swap3A_1767 {strides = array<i32>} : memref<128x16xf32, #tpu.memory_space<vmem>>, vector<1x16xf32>,
    %swap3A_1768 = arith.constant 120 : i32
    %swap3A_1769 = arith.index_cast %swap3A_1768 : i32 to index
    %swap3A_1770 = arith.constant 0 : index
    %swap3A_1771 = tpu.vector_load %arg6[%swap3A_1769, %swap3A_1770] {strides = array<i32>} : memref<128x16xf32, #tpu.memory_space<vmem>>, vector<1x16xf32>,
    %swap3A_1772 = vector.shape_cast %swap3A_1771 : vector<1x16xf32> to vector<16xf32>
    %swap3A_1773 = vector.shape_cast %select_n3A : vector<16xf32> to vector<1x16xf32>
    tpu.vector_store %arg6[%swap3A_1769, %swap3A_1770], %swap3A_1773 {strides = array<i32>} : memref<128x16xf32, #tpu.memory_space<vmem>>, vector<1x16xf32>,
    %swap3A_1774 = arith.constant 121 : i32
    %swap3A_1775 = arith.index_cast %swap3A_1774 : i32 to index
    %swap3A_1776 = arith.constant 0 : index
    %swap3A_1777 = tpu.vector_load %arg6[%swap3A_1775, %swap3A_1776] {strides = array<i32>} : memref<128x16xf32, #tpu.memory_space<vmem>>, vector<1x16xf32>,
    %swap3A_1778 = vector.shape_cast %swap3A_1777 : vector<1x16xf32> to vector<16xf32>
    %swap3A_1779 = vector.shape_cast %select_n3A : vector<16xf32> to vector<1x16xf32>
    tpu.vector_store %arg6[%swap3A_1775, %swap3A_1776], %swap3A_1779 {strides = array<i32>} : memref<128x16xf32, #tpu.memory_space<vmem>>, vector<1x16xf32>,
    %swap3A_1780 = arith.constant 122 : i32
    %swap3A_1781 = arith.index_cast %swap3A_1780 : i32 to index
    %swap3A_1782 = arith.constant 0 : index
    %swap3A_1783 = tpu.vector_load %arg6[%swap3A_1781, %swap3A_1782] {strides = array<i32>} : memref<128x16xf32, #tpu.memory_space<vmem>>, vector<1x16xf32>,
    %swap3A_1784 = vector.shape_cast %swap3A_1783 : vector<1x16xf32> to vector<16xf32>
    %swap3A_1785 = vector.shape_cast %select_n3A : vector<16xf32> to vector<1x16xf32>
    tpu.vector_store %arg6[%swap3A_1781, %swap3A_1782], %swap3A_1785 {strides = array<i32>} : memref<128x16xf32, #tpu.memory_space<vmem>>, vector<1x16xf32>,
    %swap3A_1786 = arith.constant 123 : i32
    %swap3A_1787 = arith.index_cast %swap3A_1786 : i32 to index
    %swap3A_1788 = arith.constant 0 : index
    %swap3A_1789 = tpu.vector_load %arg6[%swap3A_1787, %swap3A_1788] {strides = array<i32>} : memref<128x16xf32, #tpu.memory_space<vmem>>, vector<1x16xf32>,
    %swap3A_1790 = vector.shape_cast %swap3A_1789 : vector<1x16xf32> to vector<16xf32>
    %swap3A_1791 = vector.shape_cast %select_n3A : vector<16xf32> to vector<1x16xf32>
    tpu.vector_store %arg6[%swap3A_1787, %swap3A_1788], %swap3A_1791 {strides = array<i32>} : memref<128x16xf32, #tpu.memory_space<vmem>>, vector<1x16xf32>,
    %swap3A_1792 = arith.constant 124 : i32
    %swap3A_1793 = arith.index_cast %swap3A_1792 : i32 to index
    %swap3A_1794 = arith.constant 0 : index
    %swap3A_1795 = tpu.vector_load %arg6[%swap3A_1793, %swap3A_1794] {strides = array<i32>} : memref<128x16xf32, #tpu.memory_space<vmem>>, vector<1x16xf32>,
    %swap3A_1796 = vector.shape_cast %swap3A_1795 : vector<1x16xf32> to vector<16xf32>
    %swap3A_1797 = vector.shape_cast %select_n3A : vector<16xf32> to vector<1x16xf32>
    tpu.vector_store %arg6[%swap3A_1793, %swap3A_1794], %swap3A_1797 {strides = array<i32>} : memref<128x16xf32, #tpu.memory_space<vmem>>, vector<1x16xf32>,
    %swap3A_1798 = arith.constant 125 : i32
    %swap3A_1799 = arith.index_cast %swap3A_1798 : i32 to index
    %swap3A_1800 = arith.constant 0 : index
    %swap3A_1801 = tpu.vector_load %arg6[%swap3A_1799, %swap3A_1800] {strides = array<i32>} : memref<128x16xf32, #tpu.memory_space<vmem>>, vector<1x16xf32>,
    %swap3A_1802 = vector.shape_cast %swap3A_1801 : vector<1x16xf32> to vector<16xf32>
    %swap3A_1803 = vector.shape_cast %select_n3A : vector<16xf32> to vector<1x16xf32>
    tpu.vector_store %arg6[%swap3A_1799, %swap3A_1800], %swap3A_1803 {strides = array<i32>} : memref<128x16xf32, #tpu.memory_space<vmem>>, vector<1x16xf32>,
    %swap3A_1804 = arith.constant 126 : i32
    %swap3A_1805 = arith.index_cast %swap3A_1804 : i32 to index
    %swap3A_1806 = arith.constant 0 : index
    %swap3A_1807 = tpu.vector_load %arg6[%swap3A_1805, %swap3A_1806] {strides = array<i32>} : memref<128x16xf32, #tpu.memory_space<vmem>>, vector<1x16xf32>,
    %swap3A_1808 = vector.shape_cast %swap3A_1807 : vector<1x16xf32> to vector<16xf32>
    %swap3A_1809 = vector.shape_cast %select_n3A : vector<16xf32> to vector<1x16xf32>
    tpu.vector_store %arg6[%swap3A_1805, %swap3A_1806], %swap3A_1809 {strides = array<i32>} : memref<128x16xf32, #tpu.memory_space<vmem>>, vector<1x16xf32>,
    %swap3A_1810 = arith.constant 127 : i32
    %swap3A_1811 = arith.index_cast %swap3A_1810 : i32 to index
    %swap3A_1812 = arith.constant 0 : index
    %swap3A_1813 = tpu.vector_load %arg6[%swap3A_1811, %swap3A_1812] {strides = array<i32>} : memref<128x16xf32, #tpu.memory_space<vmem>>, vector<1x16xf32>,
    %swap3A_1814 = vector.shape_cast %swap3A_1813 : vector<1x16xf32> to vector<16xf32>
    %swap3A_1815 = vector.shape_cast %select_n3A : vector<16xf32> to vector<1x16xf32>
    tpu.vector_store %arg6[%swap3A_1811, %swap3A_1812], %swap3A_1815 {strides = array<i32>} : memref<128x16xf32, #tpu.memory_space<vmem>>, vector<1x16xf32>,
    "tpu.region"() ({
      %run_scoped3A = tpu.sem_alloc : memref<!tpu.dma_semaphore, #tpu.memory_space<semaphore_mem>>
      %dma_start3A = arith.constant 0 : i32
      %dma_start3A_1832 = arith.constant 0 : i32
      %dma_start3A_1833 = tpu.memref_slice %arg2[%add3A, %dma_start3A, %dma_start3A_1832] : memref<32x80x128xi32, #tpu.memory_space<hbm>> -> memref<1x80x128xi32, #tpu.memory_space<hbm>>
      %dma_start3A_1834 = tpu.memref_squeeze %dma_start3A_1833 : memref<1x80x128xi32, #tpu.memory_space<hbm>> -> memref<80x128xi32, #tpu.memory_space<hbm>>
      %dma_start3A_1835 = arith.constant 0 : i32
      %dma_start3A_1836 = arith.constant 0 : i32
      %dma_start3A_1837 = tpu.memref_slice %arg2[%add3A, %dma_start3A_1835, %dma_start3A_1836] : memref<32x80x128xi32, #tpu.memory_space<hbm>> -> memref<1x80x128xi32, #tpu.memory_space<hbm>>
      %dma_start3A_1838 = tpu.memref_squeeze %dma_start3A_1837 : memref<1x80x128xi32, #tpu.memory_space<hbm>> -> memref<80x128xi32, #tpu.memory_space<hbm>>
      tpu.enqueue_dma source(%dma_start3A_1838 : memref<80x128xi32, #tpu.memory_space<hbm>>) target(%arg4 : memref<80x128xi32, #tpu.memory_space<vmem>>) target_semaphore(%run_scoped3A : memref<!tpu.dma_semaphore, #tpu.memory_space<semaphore_mem>>)
      %dma_wait3A = arith.constant 0 : i32
      %dma_wait3A_1839 = arith.constant 0 : i32
      %dma_wait3A_1840 = tpu.memref_slice %arg2[%add3A, %dma_wait3A, %dma_wait3A_1839] : memref<32x80x128xi32, #tpu.memory_space<hbm>> -> memref<1x80x128xi32, #tpu.memory_space<hbm>>
      %dma_wait3A_1841 = tpu.memref_squeeze %dma_wait3A_1840 : memref<1x80x128xi32, #tpu.memory_space<hbm>> -> memref<80x128xi32, #tpu.memory_space<hbm>>
      %dma_wait3A_1842 = arith.constant 0 : i32
      %dma_wait3A_1843 = arith.constant 0 : i32
      %dma_wait3A_1844 = tpu.memref_slice %arg2[%add3A, %dma_wait3A_1842, %dma_wait3A_1843] : memref<32x80x128xi32, #tpu.memory_space<hbm>> -> memref<1x80x128xi32, #tpu.memory_space<hbm>>
      %dma_wait3A_1845 = tpu.memref_squeeze %dma_wait3A_1844 : memref<1x80x128xi32, #tpu.memory_space<hbm>> -> memref<80x128xi32, #tpu.memory_space<hbm>>
      tpu.wait_dma2 semaphore(%run_scoped3A : memref<!tpu.dma_semaphore, #tpu.memory_space<semaphore_mem>>) src(%dma_wait3A_1845 : memref<80x128xi32, #tpu.memory_space<hbm>>) dst(%arg4 : memref<80x128xi32, #tpu.memory_space<vmem>>)
      tpu.yield
    }) : () -> ()
    %scan3A = arith.constant 0 : i32
    %scan3A_1816 = arith.constant 0 : i32
    %scan3A_1817 = arith.constant 80 : i32
    %scan3A_1818 = arith.addi %scan3A_1816, %scan3A_1817 : i32
    %scan3A_1819 = arith.constant 1 : i32
    scf.for %scan3A_1832 = %scan3A_1816 to %scan3A_1818 step %scan3A_1819  : i32 {
      %get3A = arith.index_cast %scan3A_1832 : i32 to index
      %get3A_1833 = arith.constant 0 : index
      %get3A_1834 = tpu.vector_load %arg4[%get3A, %get3A_1833] {strides = array<i32>} : memref<80x128xi32, #tpu.memory_space<vmem>>, vector<1x16xi32>,
      %get3A_1835 = vector.shape_cast %get3A_1834 : vector<1x16xi32> to vector<16xi32>
      %shift_right_arithmetic3A = arith.constant 14 : i32
      %shift_right_arithmetic3A_1836 = vector.broadcast %shift_right_arithmetic3A : i32 to vector<16xi32>
      %shift_right_arithmetic3A_1837 = arith.shrsi %get3A_1835, %shift_right_arithmetic3A_1836 : vector<16xi32>
      %swap3A_1838 = arith.index_cast %scan3A_1832 : i32 to index
      %swap3A_1839 = arith.constant 0 : index
      %swap3A_1840 = tpu.vector_load %arg5[%swap3A_1838, %swap3A_1839] {strides = array<i32>} : memref<80x128xi32, #tpu.memory_space<vmem>>, vector<1x16xi32>,
      %swap3A_1841 = vector.shape_cast %swap3A_1840 : vector<1x16xi32> to vector<16xi32>
      %swap3A_1842 = vector.shape_cast %shift_right_arithmetic3A_1837 : vector<16xi32> to vector<1x16xi32>
      tpu.vector_store %arg5[%swap3A_1838, %swap3A_1839], %swap3A_1842 {strides = array<i32>} : memref<80x128xi32, #tpu.memory_space<vmem>>, vector<1x16xi32>,
      %get3A_1843 = arith.index_cast %scan3A_1832 : i32 to index
      %get3A_1844 = arith.constant 16 : index
      %get3A_1845 = tpu.vector_load %arg4[%get3A_1843, %get3A_1844] {strides = array<i32>} : memref<80x128xi32, #tpu.memory_space<vmem>>, vector<1x16xi32>,
      %get3A_1846 = vector.shape_cast %get3A_1845 : vector<1x16xi32> to vector<16xi32>
      %shift_right_arithmetic3A_1847 = arith.constant 14 : i32
      %shift_right_arithmetic3A_1848 = vector.broadcast %shift_right_arithmetic3A_1847 : i32 to vector<16xi32>
      %shift_right_arithmetic3A_1849 = arith.shrsi %get3A_1846, %shift_right_arithmetic3A_1848 : vector<16xi32>
      %swap3A_1850 = arith.index_cast %scan3A_1832 : i32 to index
      %swap3A_1851 = arith.constant 16 : index
      %swap3A_1852 = tpu.vector_load %arg5[%swap3A_1850, %swap3A_1851] {strides = array<i32>} : memref<80x128xi32, #tpu.memory_space<vmem>>, vector<1x16xi32>,
      %swap3A_1853 = vector.shape_cast %swap3A_1852 : vector<1x16xi32> to vector<16xi32>
      %swap3A_1854 = vector.shape_cast %shift_right_arithmetic3A_1849 : vector<16xi32> to vector<1x16xi32>
      tpu.vector_store %arg5[%swap3A_1850, %swap3A_1851], %swap3A_1854 {strides = array<i32>} : memref<80x128xi32, #tpu.memory_space<vmem>>, vector<1x16xi32>,
      %get3A_1855 = arith.index_cast %scan3A_1832 : i32 to index
      %get3A_1856 = arith.constant 32 : index
      %get3A_1857 = tpu.vector_load %arg4[%get3A_1855, %get3A_1856] {strides = array<i32>} : memref<80x128xi32, #tpu.memory_space<vmem>>, vector<1x16xi32>,
      %get3A_1858 = vector.shape_cast %get3A_1857 : vector<1x16xi32> to vector<16xi32>
      %shift_right_arithmetic3A_1859 = arith.constant 14 : i32
      %shift_right_arithmetic3A_1860 = vector.broadcast %shift_right_arithmetic3A_1859 : i32 to vector<16xi32>
      %shift_right_arithmetic3A_1861 = arith.shrsi %get3A_1858, %shift_right_arithmetic3A_1860 : vector<16xi32>
      %swap3A_1862 = arith.index_cast %scan3A_1832 : i32 to index
      %swap3A_1863 = arith.constant 32 : index
      %swap3A_1864 = tpu.vector_load %arg5[%swap3A_1862, %swap3A_1863] {strides = array<i32>} : memref<80x128xi32, #tpu.memory_space<vmem>>, vector<1x16xi32>,
      %swap3A_1865 = vector.shape_cast %swap3A_1864 : vector<1x16xi32> to vector<16xi32>
      %swap3A_1866 = vector.shape_cast %shift_right_arithmetic3A_1861 : vector<16xi32> to vector<1x16xi32>
      tpu.vector_store %arg5[%swap3A_1862, %swap3A_1863], %swap3A_1866 {strides = array<i32>} : memref<80x128xi32, #tpu.memory_space<vmem>>, vector<1x16xi32>,
      %get3A_1867 = arith.index_cast %scan3A_1832 : i32 to index
      %get3A_1868 = arith.constant 48 : index
      %get3A_1869 = tpu.vector_load %arg4[%get3A_1867, %get3A_1868] {strides = array<i32>} : memref<80x128xi32, #tpu.memory_space<vmem>>, vector<1x16xi32>,
      %get3A_1870 = vector.shape_cast %get3A_1869 : vector<1x16xi32> to vector<16xi32>
      %shift_right_arithmetic3A_1871 = arith.constant 14 : i32
      %shift_right_arithmetic3A_1872 = vector.broadcast %shift_right_arithmetic3A_1871 : i32 to vector<16xi32>
      %shift_right_arithmetic3A_1873 = arith.shrsi %get3A_1870, %shift_right_arithmetic3A_1872 : vector<16xi32>
      %swap3A_1874 = arith.index_cast %scan3A_1832 : i32 to index
      %swap3A_1875 = arith.constant 48 : index
      %swap3A_1876 = tpu.vector_load %arg5[%swap3A_1874, %swap3A_1875] {strides = array<i32>} : memref<80x128xi32, #tpu.memory_space<vmem>>, vector<1x16xi32>,
      %swap3A_1877 = vector.shape_cast %swap3A_1876 : vector<1x16xi32> to vector<16xi32>
      %swap3A_1878 = vector.shape_cast %shift_right_arithmetic3A_1873 : vector<16xi32> to vector<1x16xi32>
      tpu.vector_store %arg5[%swap3A_1874, %swap3A_1875], %swap3A_1878 {strides = array<i32>} : memref<80x128xi32, #tpu.memory_space<vmem>>, vector<1x16xi32>,
      %get3A_1879 = arith.index_cast %scan3A_1832 : i32 to index
      %get3A_1880 = arith.constant 64 : index
      %get3A_1881 = tpu.vector_load %arg4[%get3A_1879, %get3A_1880] {strides = array<i32>} : memref<80x128xi32, #tpu.memory_space<vmem>>, vector<1x16xi32>,
      %get3A_1882 = vector.shape_cast %get3A_1881 : vector<1x16xi32> to vector<16xi32>
      %shift_right_arithmetic3A_1883 = arith.constant 14 : i32
      %shift_right_arithmetic3A_1884 = vector.broadcast %shift_right_arithmetic3A_1883 : i32 to vector<16xi32>
      %shift_right_arithmetic3A_1885 = arith.shrsi %get3A_1882, %shift_right_arithmetic3A_1884 : vector<16xi32>
      %swap3A_1886 = arith.index_cast %scan3A_1832 : i32 to index
      %swap3A_1887 = arith.constant 64 : index
      %swap3A_1888 = tpu.vector_load %arg5[%swap3A_1886, %swap3A_1887] {strides = array<i32>} : memref<80x128xi32, #tpu.memory_space<vmem>>, vector<1x16xi32>,
      %swap3A_1889 = vector.shape_cast %swap3A_1888 : vector<1x16xi32> to vector<16xi32>
      %swap3A_1890 = vector.shape_cast %shift_right_arithmetic3A_1885 : vector<16xi32> to vector<1x16xi32>
      tpu.vector_store %arg5[%swap3A_1886, %swap3A_1887], %swap3A_1890 {strides = array<i32>} : memref<80x128xi32, #tpu.memory_space<vmem>>, vector<1x16xi32>,
      %get3A_1891 = arith.index_cast %scan3A_1832 : i32 to index
      %get3A_1892 = arith.constant 80 : index
      %get3A_1893 = tpu.vector_load %arg4[%get3A_1891, %get3A_1892] {strides = array<i32>} : memref<80x128xi32, #tpu.memory_space<vmem>>, vector<1x16xi32>,
      %get3A_1894 = vector.shape_cast %get3A_1893 : vector<1x16xi32> to vector<16xi32>
      %shift_right_arithmetic3A_1895 = arith.constant 14 : i32
      %shift_right_arithmetic3A_1896 = vector.broadcast %shift_right_arithmetic3A_1895 : i32 to vector<16xi32>
      %shift_right_arithmetic3A_1897 = arith.shrsi %get3A_1894, %shift_right_arithmetic3A_1896 : vector<16xi32>
      %swap3A_1898 = arith.index_cast %scan3A_1832 : i32 to index
      %swap3A_1899 = arith.constant 80 : index
      %swap3A_1900 = tpu.vector_load %arg5[%swap3A_1898, %swap3A_1899] {strides = array<i32>} : memref<80x128xi32, #tpu.memory_space<vmem>>, vector<1x16xi32>,
      %swap3A_1901 = vector.shape_cast %swap3A_1900 : vector<1x16xi32> to vector<16xi32>
      %swap3A_1902 = vector.shape_cast %shift_right_arithmetic3A_1897 : vector<16xi32> to vector<1x16xi32>
      tpu.vector_store %arg5[%swap3A_1898, %swap3A_1899], %swap3A_1902 {strides = array<i32>} : memref<80x128xi32, #tpu.memory_space<vmem>>, vector<1x16xi32>,
      %get3A_1903 = arith.index_cast %scan3A_1832 : i32 to index
      %get3A_1904 = arith.constant 96 : index
      %get3A_1905 = tpu.vector_load %arg4[%get3A_1903, %get3A_1904] {strides = array<i32>} : memref<80x128xi32, #tpu.memory_space<vmem>>, vector<1x16xi32>,
      %get3A_1906 = vector.shape_cast %get3A_1905 : vector<1x16xi32> to vector<16xi32>
      %shift_right_arithmetic3A_1907 = arith.constant 14 : i32
      %shift_right_arithmetic3A_1908 = vector.broadcast %shift_right_arithmetic3A_1907 : i32 to vector<16xi32>
      %shift_right_arithmetic3A_1909 = arith.shrsi %get3A_1906, %shift_right_arithmetic3A_1908 : vector<16xi32>
      %swap3A_1910 = arith.index_cast %scan3A_1832 : i32 to index
      %swap3A_1911 = arith.constant 96 : index
      %swap3A_1912 = tpu.vector_load %arg5[%swap3A_1910, %swap3A_1911] {strides = array<i32>} : memref<80x128xi32, #tpu.memory_space<vmem>>, vector<1x16xi32>,
      %swap3A_1913 = vector.shape_cast %swap3A_1912 : vector<1x16xi32> to vector<16xi32>
      %swap3A_1914 = vector.shape_cast %shift_right_arithmetic3A_1909 : vector<16xi32> to vector<1x16xi32>
      tpu.vector_store %arg5[%swap3A_1910, %swap3A_1911], %swap3A_1914 {strides = array<i32>} : memref<80x128xi32, #tpu.memory_space<vmem>>, vector<1x16xi32>,
      %get3A_1915 = arith.index_cast %scan3A_1832 : i32 to index
      %get3A_1916 = arith.constant 112 : index
      %get3A_1917 = tpu.vector_load %arg4[%get3A_1915, %get3A_1916] {strides = array<i32>} : memref<80x128xi32, #tpu.memory_space<vmem>>, vector<1x16xi32>,
      %get3A_1918 = vector.shape_cast %get3A_1917 : vector<1x16xi32> to vector<16xi32>
      %shift_right_arithmetic3A_1919 = arith.constant 14 : i32
      %shift_right_arithmetic3A_1920 = vector.broadcast %shift_right_arithmetic3A_1919 : i32 to vector<16xi32>
      %shift_right_arithmetic3A_1921 = arith.shrsi %get3A_1918, %shift_right_arithmetic3A_1920 : vector<16xi32>
      %swap3A_1922 = arith.index_cast %scan3A_1832 : i32 to index
      %swap3A_1923 = arith.constant 112 : index
      %swap3A_1924 = tpu.vector_load %arg5[%swap3A_1922, %swap3A_1923] {strides = array<i32>} : memref<80x128xi32, #tpu.memory_space<vmem>>, vector<1x16xi32>,
      %swap3A_1925 = vector.shape_cast %swap3A_1924 : vector<1x16xi32> to vector<16xi32>
      %swap3A_1926 = vector.shape_cast %shift_right_arithmetic3A_1921 : vector<16xi32> to vector<1x16xi32>
      tpu.vector_store %arg5[%swap3A_1922, %swap3A_1923], %swap3A_1926 {strides = array<i32>} : memref<80x128xi32, #tpu.memory_space<vmem>>, vector<1x16xi32>,
    }
    %scan3A_1820 = arith.constant 80 : i32
    %barrier3A = arith.constant 0 : index
    tpu.barrier barrier_id(%barrier3A)
    %scan3A_1821 = arith.constant 0 : i32
    %scan3A_1822 = arith.constant 0 : i32
    %scan3A_1823 = arith.constant 80 : i32
    %scan3A_1824 = arith.addi %scan3A_1822, %scan3A_1823 : i32
    %scan3A_1825 = arith.constant 1 : i32
    scf.for %scan3A_1832 = %scan3A_1822 to %scan3A_1824 step %scan3A_1825  : i32 {
      "tpu.region"() ({
        %run_scoped3A = tpu.sem_alloc : memref<!tpu.dma_semaphore, #tpu.memory_space<semaphore_mem>>
        %dma_start3A = arith.constant 0 : i32
        %dma_start3A_1833 = tpu.memref_slice %arg5[%scan3A_1832, %dma_start3A] : memref<80x128xi32, #tpu.memory_space<vmem>> -> memref<1x128xi32, #tpu.memory_space<vmem>>
        %dma_start3A_1834 = tpu.memref_squeeze %dma_start3A_1833 : memref<1x128xi32, #tpu.memory_space<vmem>> -> memref<128xi32, #tpu.memory_space<vmem>>
        %dma_start3A_1835 = arith.constant 0 : i32
        %dma_start3A_1836 = arith.constant 0 : i32
        %dma_start3A_1837 = tpu.memref_slice %arg7[%dma_start3A_1835, %dma_start3A_1836] : memref<10240x16xf32, #tpu.memory_space<vmem_shared>> -> memref<10240x16xf32, #tpu.memory_space<vmem_shared>>
        tpu.enqueue_indirect_dma source(%arg6 : memref<128x16xf32, #tpu.memory_space<vmem>>) target(%dma_start3A_1837 : memref<10240x16xf32, #tpu.memory_space<vmem_shared>>) offsets(%dma_start3A_1834 : memref<128xi32, #tpu.memory_space<vmem>>) semaphore(%run_scoped3A : memref<!tpu.dma_semaphore, #tpu.memory_space<semaphore_mem>>) {add = true}
        %dma_wait3A = arith.constant 0 : i32
        %dma_wait3A_1838 = tpu.memref_slice %arg5[%scan3A_1832, %dma_wait3A] : memref<80x128xi32, #tpu.memory_space<vmem>> -> memref<1x128xi32, #tpu.memory_space<vmem>>
        %dma_wait3A_1839 = tpu.memref_squeeze %dma_wait3A_1838 : memref<1x128xi32, #tpu.memory_space<vmem>> -> memref<128xi32, #tpu.memory_space<vmem>>
        %dma_wait3A_1840 = arith.constant 0 : i32
        %dma_wait3A_1841 = arith.constant 0 : i32
        %dma_wait3A_1842 = tpu.memref_slice %arg7[%dma_wait3A_1840, %dma_wait3A_1841] : memref<10240x16xf32, #tpu.memory_space<vmem_shared>> -> memref<10240x16xf32, #tpu.memory_space<vmem_shared>>
        tpu.wait_indirect_dma semaphore(%run_scoped3A : memref<!tpu.dma_semaphore, #tpu.memory_space<semaphore_mem>>) src(%arg6 : memref<128x16xf32, #tpu.memory_space<vmem>>) dst(%dma_wait3A_1842 : memref<10240x16xf32, #tpu.memory_space<vmem_shared>>)
        tpu.yield
      }) : () -> ()
    }
    %scan3A_1826 = arith.constant 80 : i32
    %barrier3A_1827 = arith.constant 0 : index
    tpu.barrier barrier_id(%barrier3A_1827)
    %mul3A_1828 = arith.constant 640 : i32
    %mul3A_1829 = arith.muli %arg1, %mul3A_1828 : i32
    %mul3A_1830 = arith.constant 640 : i32
    %mul3A_1831 = arith.muli %arg1, %mul3A_1830 : i32
    "tpu.region"() ({
      %run_scoped3A = tpu.sem_alloc : memref<!tpu.dma_semaphore, #tpu.memory_space<semaphore_mem>>
      %dma_start3A = arith.constant 0 : i32
      %dma_start3A_1832 = tpu.memref_slice %arg3[%mul3A_1831, %arg0, %dma_start3A] : memref<10240x2x16xf32, #tpu.memory_space<hbm>> -> memref<640x1x16xf32, #tpu.memory_space<hbm>>
      %dma_start3A_1833 = tpu.memref_squeeze %dma_start3A_1832 : memref<640x1x16xf32, #tpu.memory_space<hbm>> -> memref<640x16xf32, #tpu.memory_space<hbm>>
      %dma_start3A_1834 = arith.constant 0 : i32
      %dma_start3A_1835 = tpu.memref_slice %arg7[%mul3A_1829, %dma_start3A_1834] : memref<10240x16xf32, #tpu.memory_space<vmem_shared>> -> memref<640x16xf32, #tpu.memory_space<vmem_shared>>
      tpu.enqueue_dma source(%dma_start3A_1835 : memref<640x16xf32, #tpu.memory_space<vmem_shared>>) target(%dma_start3A_1833 : memref<640x16xf32, #tpu.memory_space<hbm>>) target_semaphore(%run_scoped3A : memref<!tpu.dma_semaphore, #tpu.memory_space<semaphore_mem>>)
      %dma_wait3A = arith.constant 0 : i32
      %dma_wait3A_1836 = tpu.memref_slice %arg3[%mul3A_1831, %arg0, %dma_wait3A] : memref<10240x2x16xf32, #tpu.memory_space<hbm>> -> memref<640x1x16xf32, #tpu.memory_space<hbm>>
      %dma_wait3A_1837 = tpu.memref_squeeze %dma_wait3A_1836 : memref<640x1x16xf32, #tpu.memory_space<hbm>> -> memref<640x16xf32, #tpu.memory_space<hbm>>
      %dma_wait3A_1838 = arith.constant 0 : i32
      %dma_wait3A_1839 = tpu.memref_slice %arg7[%mul3A_1829, %dma_wait3A_1838] : memref<10240x16xf32, #tpu.memory_space<vmem_shared>> -> memref<640x16xf32, #tpu.memory_space<vmem_shared>>
      tpu.wait_dma2 semaphore(%run_scoped3A : memref<!tpu.dma_semaphore, #tpu.memory_space<semaphore_mem>>) src(%dma_wait3A_1839 : memref<640x16xf32, #tpu.memory_space<vmem_shared>>) dst(%dma_wait3A_1837 : memref<640x16xf32, #tpu.memory_space<hbm>>)
      tpu.yield
    }) : () -> ()
    return
  }
}

#map = affine_map<(d0, d1) -> (0, 0)>
#map1 = affine_map<(d0, d1) -> (0, 0, 0)>
module attributes {stable_mosaic.version = 14 : i64} {
  func.func @_agg_body(%arg0: i32, %arg1: i32, %arg2: memref<20000x64xf32, #tpu.memory_space<hbm>>, %arg3: memref<16x160x128xi32, #tpu.memory_space<hbm>>, %arg4: memref<10240x2x64xf32, #tpu.memory_space<hbm>>, %arg5: memref<160x128xi32, #tpu.memory_space<vmem>>, %arg6: memref<162x128xi32, #tpu.memory_space<vmem>>, %arg7: memref<160x128xi32, #tpu.memory_space<vmem>>, %arg8: memref<2x128x64xf32, #tpu.memory_space<vmem>>, %arg9: memref<10240x64xf32, #tpu.memory_space<vmem_shared>>, %arg10: memref<!tpu.dma_semaphore, #tpu.memory_space<semaphore_mem>>, %arg11: memref<!tpu.dma_semaphore, #tpu.memory_space<semaphore_mem>>, %arg12: memref<!tpu.dma_semaphore, #tpu.memory_space<semaphore_mem>>, %arg13: memref<!tpu.dma_semaphore, #tpu.memory_space<semaphore_mem>>) attributes {dimension_semantics = [#tpu.dimension_semantics<core_parallel>, #tpu.dimension_semantics<subcore_parallel>], iteration_bounds = array<i64: 2, 16>, scalar_prefetch = 0 : i64, scratch_operands = 9 : i64, tpu.core_type = #tpu.core_type<sc_vector_subcore>, window_params = [{transform_indices = #map}, {transform_indices = #map1}, {transform_indices = #map1}]} {
    %broadcast_in_dim3A = arith.constant 0.000000e+00 : f32
    %broadcast_in_dim3A_0 = vector.broadcast %broadcast_in_dim3A : f32 to vector<16xf32>
    %scan3A = arith.constant 0 : i32
    %scan3A_1 = arith.constant 0 : i32
    %scan3A_2 = arith.constant 128 : i32
    %scan3A_3 = arith.addi %scan3A_1, %scan3A_2 : i32
    %scan3A_4 = arith.constant 1 : i32
    scf.for %scan3A_194 = %scan3A_1 to %scan3A_3 step %scan3A_4  : i32 {
      %swap3A_195 = arith.constant 0 : i32
      %swap3A_196 = arith.index_cast %swap3A_195 : i32 to index
      %swap3A_197 = arith.index_cast %scan3A_194 : i32 to index
      %swap3A_198 = arith.constant 0 : index
      %swap3A_199 = tpu.vector_load %arg8[%swap3A_196, %swap3A_197, %swap3A_198] {strides = array<i32>} : memref<2x128x64xf32, #tpu.memory_space<vmem>>, vector<1x1x16xf32>,
      %swap3A_200 = vector.shape_cast %swap3A_199 : vector<1x1x16xf32> to vector<16xf32>
      %swap3A_201 = vector.shape_cast %broadcast_in_dim3A_0 : vector<16xf32> to vector<1x1x16xf32>
      tpu.vector_store %arg8[%swap3A_196, %swap3A_197, %swap3A_198], %swap3A_201 {strides = array<i32>} : memref<2x128x64xf32, #tpu.memory_space<vmem>>, vector<1x1x16xf32>,
      %swap3A_202 = arith.constant 0 : i32
      %swap3A_203 = arith.index_cast %swap3A_202 : i32 to index
      %swap3A_204 = arith.index_cast %scan3A_194 : i32 to index
      %swap3A_205 = arith.constant 16 : index
      %swap3A_206 = tpu.vector_load %arg8[%swap3A_203, %swap3A_204, %swap3A_205] {strides = array<i32>} : memref<2x128x64xf32, #tpu.memory_space<vmem>>, vector<1x1x16xf32>,
      %swap3A_207 = vector.shape_cast %swap3A_206 : vector<1x1x16xf32> to vector<16xf32>
      %swap3A_208 = vector.shape_cast %broadcast_in_dim3A_0 : vector<16xf32> to vector<1x1x16xf32>
      tpu.vector_store %arg8[%swap3A_203, %swap3A_204, %swap3A_205], %swap3A_208 {strides = array<i32>} : memref<2x128x64xf32, #tpu.memory_space<vmem>>, vector<1x1x16xf32>,
      %swap3A_209 = arith.constant 0 : i32
      %swap3A_210 = arith.index_cast %swap3A_209 : i32 to index
      %swap3A_211 = arith.index_cast %scan3A_194 : i32 to index
      %swap3A_212 = arith.constant 32 : index
      %swap3A_213 = tpu.vector_load %arg8[%swap3A_210, %swap3A_211, %swap3A_212] {strides = array<i32>} : memref<2x128x64xf32, #tpu.memory_space<vmem>>, vector<1x1x16xf32>,
      %swap3A_214 = vector.shape_cast %swap3A_213 : vector<1x1x16xf32> to vector<16xf32>
      %swap3A_215 = vector.shape_cast %broadcast_in_dim3A_0 : vector<16xf32> to vector<1x1x16xf32>
      tpu.vector_store %arg8[%swap3A_210, %swap3A_211, %swap3A_212], %swap3A_215 {strides = array<i32>} : memref<2x128x64xf32, #tpu.memory_space<vmem>>, vector<1x1x16xf32>,
      %swap3A_216 = arith.constant 0 : i32
      %swap3A_217 = arith.index_cast %swap3A_216 : i32 to index
      %swap3A_218 = arith.index_cast %scan3A_194 : i32 to index
      %swap3A_219 = arith.constant 48 : index
      %swap3A_220 = tpu.vector_load %arg8[%swap3A_217, %swap3A_218, %swap3A_219] {strides = array<i32>} : memref<2x128x64xf32, #tpu.memory_space<vmem>>, vector<1x1x16xf32>,
      %swap3A_221 = vector.shape_cast %swap3A_220 : vector<1x1x16xf32> to vector<16xf32>
      %swap3A_222 = vector.shape_cast %broadcast_in_dim3A_0 : vector<16xf32> to vector<1x1x16xf32>
      tpu.vector_store %arg8[%swap3A_217, %swap3A_218, %swap3A_219], %swap3A_222 {strides = array<i32>} : memref<2x128x64xf32, #tpu.memory_space<vmem>>, vector<1x1x16xf32>,
    }
    %scan3A_5 = arith.constant 128 : i32
    %mul3A = arith.constant 640 : i32
    %mul3A_6 = arith.muli %arg1, %mul3A : i32
    %add3A = arith.constant 0 : i32
    %add3A_7 = arith.addi %mul3A_6, %add3A : i32
    %run_scoped3A = arith.constant 0 : i32
    "tpu.region"() ({
      %run_scoped3A_194 = tpu.sem_alloc : memref<!tpu.dma_semaphore, #tpu.memory_space<semaphore_mem>>
      %dma_start3A_195 = arith.constant 0 : i32
      %dma_start3A_196 = arith.constant 0 : i32
      %dma_start3A_197 = tpu.memref_slice %arg8[%run_scoped3A, %dma_start3A_195, %dma_start3A_196] : memref<2x128x64xf32, #tpu.memory_space<vmem>> -> memref<1x128x64xf32, #tpu.memory_space<vmem>>
      %dma_start3A_198 = tpu.memref_squeeze %dma_start3A_197 : memref<1x128x64xf32, #tpu.memory_space<vmem>> -> memref<128x64xf32, #tpu.memory_space<vmem>>
      %dma_start3A_199 = arith.constant 0 : i32
      %dma_start3A_200 = tpu.memref_slice %arg9[%add3A_7, %dma_start3A_199] : memref<10240x64xf32, #tpu.memory_space<vmem_shared>> -> memref<128x64xf32, #tpu.memory_space<vmem_shared>>
      %dma_start3A_201 = arith.constant 0 : i32
      %dma_start3A_202 = tpu.memref_slice %arg9[%add3A_7, %dma_start3A_201] : memref<10240x64xf32, #tpu.memory_space<vmem_shared>> -> memref<128x64xf32, #tpu.memory_space<vmem_shared>>
      %dma_start3A_203 = arith.constant 0 : i32
      %dma_start3A_204 = arith.constant 0 : i32
      %dma_start3A_205 = tpu.memref_slice %arg8[%run_scoped3A, %dma_start3A_203, %dma_start3A_204] : memref<2x128x64xf32, #tpu.memory_space<vmem>> -> memref<1x128x64xf32, #tpu.memory_space<vmem>>
      %dma_start3A_206 = tpu.memref_squeeze %dma_start3A_205 : memref<1x128x64xf32, #tpu.memory_space<vmem>> -> memref<128x64xf32, #tpu.memory_space<vmem>>
      tpu.enqueue_dma source(%dma_start3A_206 : memref<128x64xf32, #tpu.memory_space<vmem>>) target(%dma_start3A_202 : memref<128x64xf32, #tpu.memory_space<vmem_shared>>) target_semaphore(%run_scoped3A_194 : memref<!tpu.dma_semaphore, #tpu.memory_space<semaphore_mem>>)
      %dma_wait3A_207 = arith.constant 0 : i32
      %dma_wait3A_208 = arith.constant 0 : i32
      %dma_wait3A_209 = tpu.memref_slice %arg8[%run_scoped3A, %dma_wait3A_207, %dma_wait3A_208] : memref<2x128x64xf32, #tpu.memory_space<vmem>> -> memref<1x128x64xf32, #tpu.memory_space<vmem>>
      %dma_wait3A_210 = tpu.memref_squeeze %dma_wait3A_209 : memref<1x128x64xf32, #tpu.memory_space<vmem>> -> memref<128x64xf32, #tpu.memory_space<vmem>>
      %dma_wait3A_211 = arith.constant 0 : i32
      %dma_wait3A_212 = tpu.memref_slice %arg9[%add3A_7, %dma_wait3A_211] : memref<10240x64xf32, #tpu.memory_space<vmem_shared>> -> memref<128x64xf32, #tpu.memory_space<vmem_shared>>
      %dma_wait3A_213 = arith.constant 0 : i32
      %dma_wait3A_214 = tpu.memref_slice %arg9[%add3A_7, %dma_wait3A_213] : memref<10240x64xf32, #tpu.memory_space<vmem_shared>> -> memref<128x64xf32, #tpu.memory_space<vmem_shared>>
      %dma_wait3A_215 = arith.constant 0 : i32
      %dma_wait3A_216 = arith.constant 0 : i32
      %dma_wait3A_217 = tpu.memref_slice %arg8[%run_scoped3A, %dma_wait3A_215, %dma_wait3A_216] : memref<2x128x64xf32, #tpu.memory_space<vmem>> -> memref<1x128x64xf32, #tpu.memory_space<vmem>>
      %dma_wait3A_218 = tpu.memref_squeeze %dma_wait3A_217 : memref<1x128x64xf32, #tpu.memory_space<vmem>> -> memref<128x64xf32, #tpu.memory_space<vmem>>
      tpu.wait_dma2 semaphore(%run_scoped3A_194 : memref<!tpu.dma_semaphore, #tpu.memory_space<semaphore_mem>>) src(%dma_wait3A_218 : memref<128x64xf32, #tpu.memory_space<vmem>>) dst(%dma_wait3A_214 : memref<128x64xf32, #tpu.memory_space<vmem_shared>>)
      tpu.yield
    }) : () -> ()
    %mul3A_8 = arith.constant 640 : i32
    %mul3A_9 = arith.muli %arg1, %mul3A_8 : i32
    %add3A_10 = arith.constant 128 : i32
    %add3A_11 = arith.addi %mul3A_9, %add3A_10 : i32
    %run_scoped3A_12 = arith.constant 0 : i32
    "tpu.region"() ({
      %run_scoped3A_194 = tpu.sem_alloc : memref<!tpu.dma_semaphore, #tpu.memory_space<semaphore_mem>>
      %dma_start3A_195 = arith.constant 0 : i32
      %dma_start3A_196 = arith.constant 0 : i32
      %dma_start3A_197 = tpu.memref_slice %arg8[%run_scoped3A_12, %dma_start3A_195, %dma_start3A_196] : memref<2x128x64xf32, #tpu.memory_space<vmem>> -> memref<1x128x64xf32, #tpu.memory_space<vmem>>
      %dma_start3A_198 = tpu.memref_squeeze %dma_start3A_197 : memref<1x128x64xf32, #tpu.memory_space<vmem>> -> memref<128x64xf32, #tpu.memory_space<vmem>>
      %dma_start3A_199 = arith.constant 0 : i32
      %dma_start3A_200 = tpu.memref_slice %arg9[%add3A_11, %dma_start3A_199] : memref<10240x64xf32, #tpu.memory_space<vmem_shared>> -> memref<128x64xf32, #tpu.memory_space<vmem_shared>>
      %dma_start3A_201 = arith.constant 0 : i32
      %dma_start3A_202 = tpu.memref_slice %arg9[%add3A_11, %dma_start3A_201] : memref<10240x64xf32, #tpu.memory_space<vmem_shared>> -> memref<128x64xf32, #tpu.memory_space<vmem_shared>>
      %dma_start3A_203 = arith.constant 0 : i32
      %dma_start3A_204 = arith.constant 0 : i32
      %dma_start3A_205 = tpu.memref_slice %arg8[%run_scoped3A_12, %dma_start3A_203, %dma_start3A_204] : memref<2x128x64xf32, #tpu.memory_space<vmem>> -> memref<1x128x64xf32, #tpu.memory_space<vmem>>
      %dma_start3A_206 = tpu.memref_squeeze %dma_start3A_205 : memref<1x128x64xf32, #tpu.memory_space<vmem>> -> memref<128x64xf32, #tpu.memory_space<vmem>>
      tpu.enqueue_dma source(%dma_start3A_206 : memref<128x64xf32, #tpu.memory_space<vmem>>) target(%dma_start3A_202 : memref<128x64xf32, #tpu.memory_space<vmem_shared>>) target_semaphore(%run_scoped3A_194 : memref<!tpu.dma_semaphore, #tpu.memory_space<semaphore_mem>>)
      %dma_wait3A_207 = arith.constant 0 : i32
      %dma_wait3A_208 = arith.constant 0 : i32
      %dma_wait3A_209 = tpu.memref_slice %arg8[%run_scoped3A_12, %dma_wait3A_207, %dma_wait3A_208] : memref<2x128x64xf32, #tpu.memory_space<vmem>> -> memref<1x128x64xf32, #tpu.memory_space<vmem>>
      %dma_wait3A_210 = tpu.memref_squeeze %dma_wait3A_209 : memref<1x128x64xf32, #tpu.memory_space<vmem>> -> memref<128x64xf32, #tpu.memory_space<vmem>>
      %dma_wait3A_211 = arith.constant 0 : i32
      %dma_wait3A_212 = tpu.memref_slice %arg9[%add3A_11, %dma_wait3A_211] : memref<10240x64xf32, #tpu.memory_space<vmem_shared>> -> memref<128x64xf32, #tpu.memory_space<vmem_shared>>
      %dma_wait3A_213 = arith.constant 0 : i32
      %dma_wait3A_214 = tpu.memref_slice %arg9[%add3A_11, %dma_wait3A_213] : memref<10240x64xf32, #tpu.memory_space<vmem_shared>> -> memref<128x64xf32, #tpu.memory_space<vmem_shared>>
      %dma_wait3A_215 = arith.constant 0 : i32
      %dma_wait3A_216 = arith.constant 0 : i32
      %dma_wait3A_217 = tpu.memref_slice %arg8[%run_scoped3A_12, %dma_wait3A_215, %dma_wait3A_216] : memref<2x128x64xf32, #tpu.memory_space<vmem>> -> memref<1x128x64xf32, #tpu.memory_space<vmem>>
      %dma_wait3A_218 = tpu.memref_squeeze %dma_wait3A_217 : memref<1x128x64xf32, #tpu.memory_space<vmem>> -> memref<128x64xf32, #tpu.memory_space<vmem>>
      tpu.wait_dma2 semaphore(%run_scoped3A_194 : memref<!tpu.dma_semaphore, #tpu.memory_space<semaphore_mem>>) src(%dma_wait3A_218 : memref<128x64xf32, #tpu.memory_space<vmem>>) dst(%dma_wait3A_214 : memref<128x64xf32, #tpu.memory_space<vmem_shared>>)
      tpu.yield
    }) : () -> ()
    %mul3A_13 = arith.constant 640 : i32
    %mul3A_14 = arith.muli %arg1, %mul3A_13 : i32
    %add3A_15 = arith.constant 256 : i32
    %add3A_16 = arith.addi %mul3A_14, %add3A_15 : i32
    %run_scoped3A_17 = arith.constant 0 : i32
    "tpu.region"() ({
      %run_scoped3A_194 = tpu.sem_alloc : memref<!tpu.dma_semaphore, #tpu.memory_space<semaphore_mem>>
      %dma_start3A_195 = arith.constant 0 : i32
      %dma_start3A_196 = arith.constant 0 : i32
      %dma_start3A_197 = tpu.memref_slice %arg8[%run_scoped3A_17, %dma_start3A_195, %dma_start3A_196] : memref<2x128x64xf32, #tpu.memory_space<vmem>> -> memref<1x128x64xf32, #tpu.memory_space<vmem>>
      %dma_start3A_198 = tpu.memref_squeeze %dma_start3A_197 : memref<1x128x64xf32, #tpu.memory_space<vmem>> -> memref<128x64xf32, #tpu.memory_space<vmem>>
      %dma_start3A_199 = arith.constant 0 : i32
      %dma_start3A_200 = tpu.memref_slice %arg9[%add3A_16, %dma_start3A_199] : memref<10240x64xf32, #tpu.memory_space<vmem_shared>> -> memref<128x64xf32, #tpu.memory_space<vmem_shared>>
      %dma_start3A_201 = arith.constant 0 : i32
      %dma_start3A_202 = tpu.memref_slice %arg9[%add3A_16, %dma_start3A_201] : memref<10240x64xf32, #tpu.memory_space<vmem_shared>> -> memref<128x64xf32, #tpu.memory_space<vmem_shared>>
      %dma_start3A_203 = arith.constant 0 : i32
      %dma_start3A_204 = arith.constant 0 : i32
      %dma_start3A_205 = tpu.memref_slice %arg8[%run_scoped3A_17, %dma_start3A_203, %dma_start3A_204] : memref<2x128x64xf32, #tpu.memory_space<vmem>> -> memref<1x128x64xf32, #tpu.memory_space<vmem>>
      %dma_start3A_206 = tpu.memref_squeeze %dma_start3A_205 : memref<1x128x64xf32, #tpu.memory_space<vmem>> -> memref<128x64xf32, #tpu.memory_space<vmem>>
      tpu.enqueue_dma source(%dma_start3A_206 : memref<128x64xf32, #tpu.memory_space<vmem>>) target(%dma_start3A_202 : memref<128x64xf32, #tpu.memory_space<vmem_shared>>) target_semaphore(%run_scoped3A_194 : memref<!tpu.dma_semaphore, #tpu.memory_space<semaphore_mem>>)
      %dma_wait3A_207 = arith.constant 0 : i32
      %dma_wait3A_208 = arith.constant 0 : i32
      %dma_wait3A_209 = tpu.memref_slice %arg8[%run_scoped3A_17, %dma_wait3A_207, %dma_wait3A_208] : memref<2x128x64xf32, #tpu.memory_space<vmem>> -> memref<1x128x64xf32, #tpu.memory_space<vmem>>
      %dma_wait3A_210 = tpu.memref_squeeze %dma_wait3A_209 : memref<1x128x64xf32, #tpu.memory_space<vmem>> -> memref<128x64xf32, #tpu.memory_space<vmem>>
      %dma_wait3A_211 = arith.constant 0 : i32
      %dma_wait3A_212 = tpu.memref_slice %arg9[%add3A_16, %dma_wait3A_211] : memref<10240x64xf32, #tpu.memory_space<vmem_shared>> -> memref<128x64xf32, #tpu.memory_space<vmem_shared>>
      %dma_wait3A_213 = arith.constant 0 : i32
      %dma_wait3A_214 = tpu.memref_slice %arg9[%add3A_16, %dma_wait3A_213] : memref<10240x64xf32, #tpu.memory_space<vmem_shared>> -> memref<128x64xf32, #tpu.memory_space<vmem_shared>>
      %dma_wait3A_215 = arith.constant 0 : i32
      %dma_wait3A_216 = arith.constant 0 : i32
      %dma_wait3A_217 = tpu.memref_slice %arg8[%run_scoped3A_17, %dma_wait3A_215, %dma_wait3A_216] : memref<2x128x64xf32, #tpu.memory_space<vmem>> -> memref<1x128x64xf32, #tpu.memory_space<vmem>>
      %dma_wait3A_218 = tpu.memref_squeeze %dma_wait3A_217 : memref<1x128x64xf32, #tpu.memory_space<vmem>> -> memref<128x64xf32, #tpu.memory_space<vmem>>
      tpu.wait_dma2 semaphore(%run_scoped3A_194 : memref<!tpu.dma_semaphore, #tpu.memory_space<semaphore_mem>>) src(%dma_wait3A_218 : memref<128x64xf32, #tpu.memory_space<vmem>>) dst(%dma_wait3A_214 : memref<128x64xf32, #tpu.memory_space<vmem_shared>>)
      tpu.yield
    }) : () -> ()
    %mul3A_18 = arith.constant 640 : i32
    %mul3A_19 = arith.muli %arg1, %mul3A_18 : i32
    %add3A_20 = arith.constant 384 : i32
    %add3A_21 = arith.addi %mul3A_19, %add3A_20 : i32
    %run_scoped3A_22 = arith.constant 0 : i32
    "tpu.region"() ({
      %run_scoped3A_194 = tpu.sem_alloc : memref<!tpu.dma_semaphore, #tpu.memory_space<semaphore_mem>>
      %dma_start3A_195 = arith.constant 0 : i32
      %dma_start3A_196 = arith.constant 0 : i32
      %dma_start3A_197 = tpu.memref_slice %arg8[%run_scoped3A_22, %dma_start3A_195, %dma_start3A_196] : memref<2x128x64xf32, #tpu.memory_space<vmem>> -> memref<1x128x64xf32, #tpu.memory_space<vmem>>
      %dma_start3A_198 = tpu.memref_squeeze %dma_start3A_197 : memref<1x128x64xf32, #tpu.memory_space<vmem>> -> memref<128x64xf32, #tpu.memory_space<vmem>>
      %dma_start3A_199 = arith.constant 0 : i32
      %dma_start3A_200 = tpu.memref_slice %arg9[%add3A_21, %dma_start3A_199] : memref<10240x64xf32, #tpu.memory_space<vmem_shared>> -> memref<128x64xf32, #tpu.memory_space<vmem_shared>>
      %dma_start3A_201 = arith.constant 0 : i32
      %dma_start3A_202 = tpu.memref_slice %arg9[%add3A_21, %dma_start3A_201] : memref<10240x64xf32, #tpu.memory_space<vmem_shared>> -> memref<128x64xf32, #tpu.memory_space<vmem_shared>>
      %dma_start3A_203 = arith.constant 0 : i32
      %dma_start3A_204 = arith.constant 0 : i32
      %dma_start3A_205 = tpu.memref_slice %arg8[%run_scoped3A_22, %dma_start3A_203, %dma_start3A_204] : memref<2x128x64xf32, #tpu.memory_space<vmem>> -> memref<1x128x64xf32, #tpu.memory_space<vmem>>
      %dma_start3A_206 = tpu.memref_squeeze %dma_start3A_205 : memref<1x128x64xf32, #tpu.memory_space<vmem>> -> memref<128x64xf32, #tpu.memory_space<vmem>>
      tpu.enqueue_dma source(%dma_start3A_206 : memref<128x64xf32, #tpu.memory_space<vmem>>) target(%dma_start3A_202 : memref<128x64xf32, #tpu.memory_space<vmem_shared>>) target_semaphore(%run_scoped3A_194 : memref<!tpu.dma_semaphore, #tpu.memory_space<semaphore_mem>>)
      %dma_wait3A_207 = arith.constant 0 : i32
      %dma_wait3A_208 = arith.constant 0 : i32
      %dma_wait3A_209 = tpu.memref_slice %arg8[%run_scoped3A_22, %dma_wait3A_207, %dma_wait3A_208] : memref<2x128x64xf32, #tpu.memory_space<vmem>> -> memref<1x128x64xf32, #tpu.memory_space<vmem>>
      %dma_wait3A_210 = tpu.memref_squeeze %dma_wait3A_209 : memref<1x128x64xf32, #tpu.memory_space<vmem>> -> memref<128x64xf32, #tpu.memory_space<vmem>>
      %dma_wait3A_211 = arith.constant 0 : i32
      %dma_wait3A_212 = tpu.memref_slice %arg9[%add3A_21, %dma_wait3A_211] : memref<10240x64xf32, #tpu.memory_space<vmem_shared>> -> memref<128x64xf32, #tpu.memory_space<vmem_shared>>
      %dma_wait3A_213 = arith.constant 0 : i32
      %dma_wait3A_214 = tpu.memref_slice %arg9[%add3A_21, %dma_wait3A_213] : memref<10240x64xf32, #tpu.memory_space<vmem_shared>> -> memref<128x64xf32, #tpu.memory_space<vmem_shared>>
      %dma_wait3A_215 = arith.constant 0 : i32
      %dma_wait3A_216 = arith.constant 0 : i32
      %dma_wait3A_217 = tpu.memref_slice %arg8[%run_scoped3A_22, %dma_wait3A_215, %dma_wait3A_216] : memref<2x128x64xf32, #tpu.memory_space<vmem>> -> memref<1x128x64xf32, #tpu.memory_space<vmem>>
      %dma_wait3A_218 = tpu.memref_squeeze %dma_wait3A_217 : memref<1x128x64xf32, #tpu.memory_space<vmem>> -> memref<128x64xf32, #tpu.memory_space<vmem>>
      tpu.wait_dma2 semaphore(%run_scoped3A_194 : memref<!tpu.dma_semaphore, #tpu.memory_space<semaphore_mem>>) src(%dma_wait3A_218 : memref<128x64xf32, #tpu.memory_space<vmem>>) dst(%dma_wait3A_214 : memref<128x64xf32, #tpu.memory_space<vmem_shared>>)
      tpu.yield
    }) : () -> ()
    %mul3A_23 = arith.constant 640 : i32
    %mul3A_24 = arith.muli %arg1, %mul3A_23 : i32
    %add3A_25 = arith.constant 512 : i32
    %add3A_26 = arith.addi %mul3A_24, %add3A_25 : i32
    %run_scoped3A_27 = arith.constant 0 : i32
    "tpu.region"() ({
      %run_scoped3A_194 = tpu.sem_alloc : memref<!tpu.dma_semaphore, #tpu.memory_space<semaphore_mem>>
      %dma_start3A_195 = arith.constant 0 : i32
      %dma_start3A_196 = arith.constant 0 : i32
      %dma_start3A_197 = tpu.memref_slice %arg8[%run_scoped3A_27, %dma_start3A_195, %dma_start3A_196] : memref<2x128x64xf32, #tpu.memory_space<vmem>> -> memref<1x128x64xf32, #tpu.memory_space<vmem>>
      %dma_start3A_198 = tpu.memref_squeeze %dma_start3A_197 : memref<1x128x64xf32, #tpu.memory_space<vmem>> -> memref<128x64xf32, #tpu.memory_space<vmem>>
      %dma_start3A_199 = arith.constant 0 : i32
      %dma_start3A_200 = tpu.memref_slice %arg9[%add3A_26, %dma_start3A_199] : memref<10240x64xf32, #tpu.memory_space<vmem_shared>> -> memref<128x64xf32, #tpu.memory_space<vmem_shared>>
      %dma_start3A_201 = arith.constant 0 : i32
      %dma_start3A_202 = tpu.memref_slice %arg9[%add3A_26, %dma_start3A_201] : memref<10240x64xf32, #tpu.memory_space<vmem_shared>> -> memref<128x64xf32, #tpu.memory_space<vmem_shared>>
      %dma_start3A_203 = arith.constant 0 : i32
      %dma_start3A_204 = arith.constant 0 : i32
      %dma_start3A_205 = tpu.memref_slice %arg8[%run_scoped3A_27, %dma_start3A_203, %dma_start3A_204] : memref<2x128x64xf32, #tpu.memory_space<vmem>> -> memref<1x128x64xf32, #tpu.memory_space<vmem>>
      %dma_start3A_206 = tpu.memref_squeeze %dma_start3A_205 : memref<1x128x64xf32, #tpu.memory_space<vmem>> -> memref<128x64xf32, #tpu.memory_space<vmem>>
      tpu.enqueue_dma source(%dma_start3A_206 : memref<128x64xf32, #tpu.memory_space<vmem>>) target(%dma_start3A_202 : memref<128x64xf32, #tpu.memory_space<vmem_shared>>) target_semaphore(%run_scoped3A_194 : memref<!tpu.dma_semaphore, #tpu.memory_space<semaphore_mem>>)
      %dma_wait3A_207 = arith.constant 0 : i32
      %dma_wait3A_208 = arith.constant 0 : i32
      %dma_wait3A_209 = tpu.memref_slice %arg8[%run_scoped3A_27, %dma_wait3A_207, %dma_wait3A_208] : memref<2x128x64xf32, #tpu.memory_space<vmem>> -> memref<1x128x64xf32, #tpu.memory_space<vmem>>
      %dma_wait3A_210 = tpu.memref_squeeze %dma_wait3A_209 : memref<1x128x64xf32, #tpu.memory_space<vmem>> -> memref<128x64xf32, #tpu.memory_space<vmem>>
      %dma_wait3A_211 = arith.constant 0 : i32
      %dma_wait3A_212 = tpu.memref_slice %arg9[%add3A_26, %dma_wait3A_211] : memref<10240x64xf32, #tpu.memory_space<vmem_shared>> -> memref<128x64xf32, #tpu.memory_space<vmem_shared>>
      %dma_wait3A_213 = arith.constant 0 : i32
      %dma_wait3A_214 = tpu.memref_slice %arg9[%add3A_26, %dma_wait3A_213] : memref<10240x64xf32, #tpu.memory_space<vmem_shared>> -> memref<128x64xf32, #tpu.memory_space<vmem_shared>>
      %dma_wait3A_215 = arith.constant 0 : i32
      %dma_wait3A_216 = arith.constant 0 : i32
      %dma_wait3A_217 = tpu.memref_slice %arg8[%run_scoped3A_27, %dma_wait3A_215, %dma_wait3A_216] : memref<2x128x64xf32, #tpu.memory_space<vmem>> -> memref<1x128x64xf32, #tpu.memory_space<vmem>>
      %dma_wait3A_218 = tpu.memref_squeeze %dma_wait3A_217 : memref<1x128x64xf32, #tpu.memory_space<vmem>> -> memref<128x64xf32, #tpu.memory_space<vmem>>
      tpu.wait_dma2 semaphore(%run_scoped3A_194 : memref<!tpu.dma_semaphore, #tpu.memory_space<semaphore_mem>>) src(%dma_wait3A_218 : memref<128x64xf32, #tpu.memory_space<vmem>>) dst(%dma_wait3A_214 : memref<128x64xf32, #tpu.memory_space<vmem_shared>>)
      tpu.yield
    }) : () -> ()
    %barrier3A = arith.constant 0 : index
    tpu.barrier barrier_id(%barrier3A)
    "tpu.region"() ({
      %run_scoped3A_194 = tpu.sem_alloc : memref<!tpu.dma_semaphore, #tpu.memory_space<semaphore_mem>>
      %dma_start3A_195 = arith.constant 0 : i32
      %dma_start3A_196 = arith.constant 0 : i32
      %dma_start3A_197 = tpu.memref_slice %arg3[%arg1, %dma_start3A_195, %dma_start3A_196] : memref<16x160x128xi32, #tpu.memory_space<hbm>> -> memref<1x160x128xi32, #tpu.memory_space<hbm>>
      %dma_start3A_198 = tpu.memref_squeeze %dma_start3A_197 : memref<1x160x128xi32, #tpu.memory_space<hbm>> -> memref<160x128xi32, #tpu.memory_space<hbm>>
      %dma_start3A_199 = arith.constant 0 : i32
      %dma_start3A_200 = arith.constant 0 : i32
      %dma_start3A_201 = tpu.memref_slice %arg3[%arg1, %dma_start3A_199, %dma_start3A_200] : memref<16x160x128xi32, #tpu.memory_space<hbm>> -> memref<1x160x128xi32, #tpu.memory_space<hbm>>
      %dma_start3A_202 = tpu.memref_squeeze %dma_start3A_201 : memref<1x160x128xi32, #tpu.memory_space<hbm>> -> memref<160x128xi32, #tpu.memory_space<hbm>>
      tpu.enqueue_dma source(%dma_start3A_202 : memref<160x128xi32, #tpu.memory_space<hbm>>) target(%arg5 : memref<160x128xi32, #tpu.memory_space<vmem>>) target_semaphore(%run_scoped3A_194 : memref<!tpu.dma_semaphore, #tpu.memory_space<semaphore_mem>>)
      %dma_wait3A_203 = arith.constant 0 : i32
      %dma_wait3A_204 = arith.constant 0 : i32
      %dma_wait3A_205 = tpu.memref_slice %arg3[%arg1, %dma_wait3A_203, %dma_wait3A_204] : memref<16x160x128xi32, #tpu.memory_space<hbm>> -> memref<1x160x128xi32, #tpu.memory_space<hbm>>
      %dma_wait3A_206 = tpu.memref_squeeze %dma_wait3A_205 : memref<1x160x128xi32, #tpu.memory_space<hbm>> -> memref<160x128xi32, #tpu.memory_space<hbm>>
      %dma_wait3A_207 = arith.constant 0 : i32
      %dma_wait3A_208 = arith.constant 0 : i32
      %dma_wait3A_209 = tpu.memref_slice %arg3[%arg1, %dma_wait3A_207, %dma_wait3A_208] : memref<16x160x128xi32, #tpu.memory_space<hbm>> -> memref<1x160x128xi32, #tpu.memory_space<hbm>>
      %dma_wait3A_210 = tpu.memref_squeeze %dma_wait3A_209 : memref<1x160x128xi32, #tpu.memory_space<hbm>> -> memref<160x128xi32, #tpu.memory_space<hbm>>
      tpu.wait_dma2 semaphore(%run_scoped3A_194 : memref<!tpu.dma_semaphore, #tpu.memory_space<semaphore_mem>>) src(%dma_wait3A_210 : memref<160x128xi32, #tpu.memory_space<hbm>>) dst(%arg5 : memref<160x128xi32, #tpu.memory_space<vmem>>)
      tpu.yield
    }) : () -> ()
    %scan3A_28 = arith.constant 0 : i32
    %scan3A_29 = arith.constant 0 : i32
    %scan3A_30 = arith.constant 160 : i32
    %scan3A_31 = arith.addi %scan3A_29, %scan3A_30 : i32
    %scan3A_32 = arith.constant 1 : i32
    scf.for %scan3A_194 = %scan3A_29 to %scan3A_31 step %scan3A_32  : i32 {
      %get3A = arith.index_cast %scan3A_194 : i32 to index
      %get3A_195 = arith.constant 0 : index
      %get3A_196 = tpu.vector_load %arg5[%get3A, %get3A_195] {strides = array<i32>} : memref<160x128xi32, #tpu.memory_space<vmem>>, vector<1x16xi32>,
      %get3A_197 = vector.shape_cast %get3A_196 : vector<1x16xi32> to vector<16xi32>
      %and3A = arith.constant 16383 : i32
      %and3A_198 = vector.broadcast %and3A : i32 to vector<16xi32>
      %and3A_199 = arith.andi %get3A_197, %and3A_198 : vector<16xi32>
      %shift_left3A = arith.constant 1 : i32
      %shift_left3A_200 = vector.broadcast %shift_left3A : i32 to vector<16xi32>
      %shift_left3A_201 = arith.shli %and3A_199, %shift_left3A_200 : vector<16xi32>
      %or3A = vector.broadcast %arg0 : i32 to vector<16xi32>
      %or3A_202 = arith.ori %shift_left3A_201, %or3A : vector<16xi32>
      %swap3A_203 = arith.index_cast %scan3A_194 : i32 to index
      %swap3A_204 = arith.constant 0 : index
      %swap3A_205 = tpu.vector_load %arg6[%swap3A_203, %swap3A_204] {strides = array<i32>} : memref<162x128xi32, #tpu.memory_space<vmem>>, vector<1x16xi32>,
      %swap3A_206 = vector.shape_cast %swap3A_205 : vector<1x16xi32> to vector<16xi32>
      %swap3A_207 = vector.shape_cast %or3A_202 : vector<16xi32> to vector<1x16xi32>
      tpu.vector_store %arg6[%swap3A_203, %swap3A_204], %swap3A_207 {strides = array<i32>} : memref<162x128xi32, #tpu.memory_space<vmem>>, vector<1x16xi32>,
      %shift_right_arithmetic3A = arith.constant 14 : i32
      %shift_right_arithmetic3A_208 = vector.broadcast %shift_right_arithmetic3A : i32 to vector<16xi32>
      %shift_right_arithmetic3A_209 = arith.shrsi %get3A_197, %shift_right_arithmetic3A_208 : vector<16xi32>
      %swap3A_210 = arith.index_cast %scan3A_194 : i32 to index
      %swap3A_211 = arith.constant 0 : index
      %swap3A_212 = tpu.vector_load %arg7[%swap3A_210, %swap3A_211] {strides = array<i32>} : memref<160x128xi32, #tpu.memory_space<vmem>>, vector<1x16xi32>,
      %swap3A_213 = vector.shape_cast %swap3A_212 : vector<1x16xi32> to vector<16xi32>
      %swap3A_214 = vector.shape_cast %shift_right_arithmetic3A_209 : vector<16xi32> to vector<1x16xi32>
      tpu.vector_store %arg7[%swap3A_210, %swap3A_211], %swap3A_214 {strides = array<i32>} : memref<160x128xi32, #tpu.memory_space<vmem>>, vector<1x16xi32>,
      %get3A_215 = arith.index_cast %scan3A_194 : i32 to index
      %get3A_216 = arith.constant 16 : index
      %get3A_217 = tpu.vector_load %arg5[%get3A_215, %get3A_216] {strides = array<i32>} : memref<160x128xi32, #tpu.memory_space<vmem>>, vector<1x16xi32>,
      %get3A_218 = vector.shape_cast %get3A_217 : vector<1x16xi32> to vector<16xi32>
      %and3A_219 = arith.constant 16383 : i32
      %and3A_220 = vector.broadcast %and3A_219 : i32 to vector<16xi32>
      %and3A_221 = arith.andi %get3A_218, %and3A_220 : vector<16xi32>
      %shift_left3A_222 = arith.constant 1 : i32
      %shift_left3A_223 = vector.broadcast %shift_left3A_222 : i32 to vector<16xi32>
      %shift_left3A_224 = arith.shli %and3A_221, %shift_left3A_223 : vector<16xi32>
      %or3A_225 = vector.broadcast %arg0 : i32 to vector<16xi32>
      %or3A_226 = arith.ori %shift_left3A_224, %or3A_225 : vector<16xi32>
      %swap3A_227 = arith.index_cast %scan3A_194 : i32 to index
      %swap3A_228 = arith.constant 16 : index
      %swap3A_229 = tpu.vector_load %arg6[%swap3A_227, %swap3A_228] {strides = array<i32>} : memref<162x128xi32, #tpu.memory_space<vmem>>, vector<1x16xi32>,
      %swap3A_230 = vector.shape_cast %swap3A_229 : vector<1x16xi32> to vector<16xi32>
      %swap3A_231 = vector.shape_cast %or3A_226 : vector<16xi32> to vector<1x16xi32>
      tpu.vector_store %arg6[%swap3A_227, %swap3A_228], %swap3A_231 {strides = array<i32>} : memref<162x128xi32, #tpu.memory_space<vmem>>, vector<1x16xi32>,
      %shift_right_arithmetic3A_232 = arith.constant 14 : i32
      %shift_right_arithmetic3A_233 = vector.broadcast %shift_right_arithmetic3A_232 : i32 to vector<16xi32>
      %shift_right_arithmetic3A_234 = arith.shrsi %get3A_218, %shift_right_arithmetic3A_233 : vector<16xi32>
      %swap3A_235 = arith.index_cast %scan3A_194 : i32 to index
      %swap3A_236 = arith.constant 16 : index
      %swap3A_237 = tpu.vector_load %arg7[%swap3A_235, %swap3A_236] {strides = array<i32>} : memref<160x128xi32, #tpu.memory_space<vmem>>, vector<1x16xi32>,
      %swap3A_238 = vector.shape_cast %swap3A_237 : vector<1x16xi32> to vector<16xi32>
      %swap3A_239 = vector.shape_cast %shift_right_arithmetic3A_234 : vector<16xi32> to vector<1x16xi32>
      tpu.vector_store %arg7[%swap3A_235, %swap3A_236], %swap3A_239 {strides = array<i32>} : memref<160x128xi32, #tpu.memory_space<vmem>>, vector<1x16xi32>,
      %get3A_240 = arith.index_cast %scan3A_194 : i32 to index
      %get3A_241 = arith.constant 32 : index
      %get3A_242 = tpu.vector_load %arg5[%get3A_240, %get3A_241] {strides = array<i32>} : memref<160x128xi32, #tpu.memory_space<vmem>>, vector<1x16xi32>,
      %get3A_243 = vector.shape_cast %get3A_242 : vector<1x16xi32> to vector<16xi32>
      %and3A_244 = arith.constant 16383 : i32
      %and3A_245 = vector.broadcast %and3A_244 : i32 to vector<16xi32>
      %and3A_246 = arith.andi %get3A_243, %and3A_245 : vector<16xi32>
      %shift_left3A_247 = arith.constant 1 : i32
      %shift_left3A_248 = vector.broadcast %shift_left3A_247 : i32 to vector<16xi32>
      %shift_left3A_249 = arith.shli %and3A_246, %shift_left3A_248 : vector<16xi32>
      %or3A_250 = vector.broadcast %arg0 : i32 to vector<16xi32>
      %or3A_251 = arith.ori %shift_left3A_249, %or3A_250 : vector<16xi32>
      %swap3A_252 = arith.index_cast %scan3A_194 : i32 to index
      %swap3A_253 = arith.constant 32 : index
      %swap3A_254 = tpu.vector_load %arg6[%swap3A_252, %swap3A_253] {strides = array<i32>} : memref<162x128xi32, #tpu.memory_space<vmem>>, vector<1x16xi32>,
      %swap3A_255 = vector.shape_cast %swap3A_254 : vector<1x16xi32> to vector<16xi32>
      %swap3A_256 = vector.shape_cast %or3A_251 : vector<16xi32> to vector<1x16xi32>
      tpu.vector_store %arg6[%swap3A_252, %swap3A_253], %swap3A_256 {strides = array<i32>} : memref<162x128xi32, #tpu.memory_space<vmem>>, vector<1x16xi32>,
      %shift_right_arithmetic3A_257 = arith.constant 14 : i32
      %shift_right_arithmetic3A_258 = vector.broadcast %shift_right_arithmetic3A_257 : i32 to vector<16xi32>
      %shift_right_arithmetic3A_259 = arith.shrsi %get3A_243, %shift_right_arithmetic3A_258 : vector<16xi32>
      %swap3A_260 = arith.index_cast %scan3A_194 : i32 to index
      %swap3A_261 = arith.constant 32 : index
      %swap3A_262 = tpu.vector_load %arg7[%swap3A_260, %swap3A_261] {strides = array<i32>} : memref<160x128xi32, #tpu.memory_space<vmem>>, vector<1x16xi32>,
      %swap3A_263 = vector.shape_cast %swap3A_262 : vector<1x16xi32> to vector<16xi32>
      %swap3A_264 = vector.shape_cast %shift_right_arithmetic3A_259 : vector<16xi32> to vector<1x16xi32>
      tpu.vector_store %arg7[%swap3A_260, %swap3A_261], %swap3A_264 {strides = array<i32>} : memref<160x128xi32, #tpu.memory_space<vmem>>, vector<1x16xi32>,
      %get3A_265 = arith.index_cast %scan3A_194 : i32 to index
      %get3A_266 = arith.constant 48 : index
      %get3A_267 = tpu.vector_load %arg5[%get3A_265, %get3A_266] {strides = array<i32>} : memref<160x128xi32, #tpu.memory_space<vmem>>, vector<1x16xi32>,
      %get3A_268 = vector.shape_cast %get3A_267 : vector<1x16xi32> to vector<16xi32>
      %and3A_269 = arith.constant 16383 : i32
      %and3A_270 = vector.broadcast %and3A_269 : i32 to vector<16xi32>
      %and3A_271 = arith.andi %get3A_268, %and3A_270 : vector<16xi32>
      %shift_left3A_272 = arith.constant 1 : i32
      %shift_left3A_273 = vector.broadcast %shift_left3A_272 : i32 to vector<16xi32>
      %shift_left3A_274 = arith.shli %and3A_271, %shift_left3A_273 : vector<16xi32>
      %or3A_275 = vector.broadcast %arg0 : i32 to vector<16xi32>
      %or3A_276 = arith.ori %shift_left3A_274, %or3A_275 : vector<16xi32>
      %swap3A_277 = arith.index_cast %scan3A_194 : i32 to index
      %swap3A_278 = arith.constant 48 : index
      %swap3A_279 = tpu.vector_load %arg6[%swap3A_277, %swap3A_278] {strides = array<i32>} : memref<162x128xi32, #tpu.memory_space<vmem>>, vector<1x16xi32>,
      %swap3A_280 = vector.shape_cast %swap3A_279 : vector<1x16xi32> to vector<16xi32>
      %swap3A_281 = vector.shape_cast %or3A_276 : vector<16xi32> to vector<1x16xi32>
      tpu.vector_store %arg6[%swap3A_277, %swap3A_278], %swap3A_281 {strides = array<i32>} : memref<162x128xi32, #tpu.memory_space<vmem>>, vector<1x16xi32>,
      %shift_right_arithmetic3A_282 = arith.constant 14 : i32
      %shift_right_arithmetic3A_283 = vector.broadcast %shift_right_arithmetic3A_282 : i32 to vector<16xi32>
      %shift_right_arithmetic3A_284 = arith.shrsi %get3A_268, %shift_right_arithmetic3A_283 : vector<16xi32>
      %swap3A_285 = arith.index_cast %scan3A_194 : i32 to index
      %swap3A_286 = arith.constant 48 : index
      %swap3A_287 = tpu.vector_load %arg7[%swap3A_285, %swap3A_286] {strides = array<i32>} : memref<160x128xi32, #tpu.memory_space<vmem>>, vector<1x16xi32>,
      %swap3A_288 = vector.shape_cast %swap3A_287 : vector<1x16xi32> to vector<16xi32>
      %swap3A_289 = vector.shape_cast %shift_right_arithmetic3A_284 : vector<16xi32> to vector<1x16xi32>
      tpu.vector_store %arg7[%swap3A_285, %swap3A_286], %swap3A_289 {strides = array<i32>} : memref<160x128xi32, #tpu.memory_space<vmem>>, vector<1x16xi32>,
      %get3A_290 = arith.index_cast %scan3A_194 : i32 to index
      %get3A_291 = arith.constant 64 : index
      %get3A_292 = tpu.vector_load %arg5[%get3A_290, %get3A_291] {strides = array<i32>} : memref<160x128xi32, #tpu.memory_space<vmem>>, vector<1x16xi32>,
      %get3A_293 = vector.shape_cast %get3A_292 : vector<1x16xi32> to vector<16xi32>
      %and3A_294 = arith.constant 16383 : i32
      %and3A_295 = vector.broadcast %and3A_294 : i32 to vector<16xi32>
      %and3A_296 = arith.andi %get3A_293, %and3A_295 : vector<16xi32>
      %shift_left3A_297 = arith.constant 1 : i32
      %shift_left3A_298 = vector.broadcast %shift_left3A_297 : i32 to vector<16xi32>
      %shift_left3A_299 = arith.shli %and3A_296, %shift_left3A_298 : vector<16xi32>
      %or3A_300 = vector.broadcast %arg0 : i32 to vector<16xi32>
      %or3A_301 = arith.ori %shift_left3A_299, %or3A_300 : vector<16xi32>
      %swap3A_302 = arith.index_cast %scan3A_194 : i32 to index
      %swap3A_303 = arith.constant 64 : index
      %swap3A_304 = tpu.vector_load %arg6[%swap3A_302, %swap3A_303] {strides = array<i32>} : memref<162x128xi32, #tpu.memory_space<vmem>>, vector<1x16xi32>,
      %swap3A_305 = vector.shape_cast %swap3A_304 : vector<1x16xi32> to vector<16xi32>
      %swap3A_306 = vector.shape_cast %or3A_301 : vector<16xi32> to vector<1x16xi32>
      tpu.vector_store %arg6[%swap3A_302, %swap3A_303], %swap3A_306 {strides = array<i32>} : memref<162x128xi32, #tpu.memory_space<vmem>>, vector<1x16xi32>,
      %shift_right_arithmetic3A_307 = arith.constant 14 : i32
      %shift_right_arithmetic3A_308 = vector.broadcast %shift_right_arithmetic3A_307 : i32 to vector<16xi32>
      %shift_right_arithmetic3A_309 = arith.shrsi %get3A_293, %shift_right_arithmetic3A_308 : vector<16xi32>
      %swap3A_310 = arith.index_cast %scan3A_194 : i32 to index
      %swap3A_311 = arith.constant 64 : index
      %swap3A_312 = tpu.vector_load %arg7[%swap3A_310, %swap3A_311] {strides = array<i32>} : memref<160x128xi32, #tpu.memory_space<vmem>>, vector<1x16xi32>,
      %swap3A_313 = vector.shape_cast %swap3A_312 : vector<1x16xi32> to vector<16xi32>
      %swap3A_314 = vector.shape_cast %shift_right_arithmetic3A_309 : vector<16xi32> to vector<1x16xi32>
      tpu.vector_store %arg7[%swap3A_310, %swap3A_311], %swap3A_314 {strides = array<i32>} : memref<160x128xi32, #tpu.memory_space<vmem>>, vector<1x16xi32>,
      %get3A_315 = arith.index_cast %scan3A_194 : i32 to index
      %get3A_316 = arith.constant 80 : index
      %get3A_317 = tpu.vector_load %arg5[%get3A_315, %get3A_316] {strides = array<i32>} : memref<160x128xi32, #tpu.memory_space<vmem>>, vector<1x16xi32>,
      %get3A_318 = vector.shape_cast %get3A_317 : vector<1x16xi32> to vector<16xi32>
      %and3A_319 = arith.constant 16383 : i32
      %and3A_320 = vector.broadcast %and3A_319 : i32 to vector<16xi32>
      %and3A_321 = arith.andi %get3A_318, %and3A_320 : vector<16xi32>
      %shift_left3A_322 = arith.constant 1 : i32
      %shift_left3A_323 = vector.broadcast %shift_left3A_322 : i32 to vector<16xi32>
      %shift_left3A_324 = arith.shli %and3A_321, %shift_left3A_323 : vector<16xi32>
      %or3A_325 = vector.broadcast %arg0 : i32 to vector<16xi32>
      %or3A_326 = arith.ori %shift_left3A_324, %or3A_325 : vector<16xi32>
      %swap3A_327 = arith.index_cast %scan3A_194 : i32 to index
      %swap3A_328 = arith.constant 80 : index
      %swap3A_329 = tpu.vector_load %arg6[%swap3A_327, %swap3A_328] {strides = array<i32>} : memref<162x128xi32, #tpu.memory_space<vmem>>, vector<1x16xi32>,
      %swap3A_330 = vector.shape_cast %swap3A_329 : vector<1x16xi32> to vector<16xi32>
      %swap3A_331 = vector.shape_cast %or3A_326 : vector<16xi32> to vector<1x16xi32>
      tpu.vector_store %arg6[%swap3A_327, %swap3A_328], %swap3A_331 {strides = array<i32>} : memref<162x128xi32, #tpu.memory_space<vmem>>, vector<1x16xi32>,
      %shift_right_arithmetic3A_332 = arith.constant 14 : i32
      %shift_right_arithmetic3A_333 = vector.broadcast %shift_right_arithmetic3A_332 : i32 to vector<16xi32>
      %shift_right_arithmetic3A_334 = arith.shrsi %get3A_318, %shift_right_arithmetic3A_333 : vector<16xi32>
      %swap3A_335 = arith.index_cast %scan3A_194 : i32 to index
      %swap3A_336 = arith.constant 80 : index
      %swap3A_337 = tpu.vector_load %arg7[%swap3A_335, %swap3A_336] {strides = array<i32>} : memref<160x128xi32, #tpu.memory_space<vmem>>, vector<1x16xi32>,
      %swap3A_338 = vector.shape_cast %swap3A_337 : vector<1x16xi32> to vector<16xi32>
      %swap3A_339 = vector.shape_cast %shift_right_arithmetic3A_334 : vector<16xi32> to vector<1x16xi32>
      tpu.vector_store %arg7[%swap3A_335, %swap3A_336], %swap3A_339 {strides = array<i32>} : memref<160x128xi32, #tpu.memory_space<vmem>>, vector<1x16xi32>,
      %get3A_340 = arith.index_cast %scan3A_194 : i32 to index
      %get3A_341 = arith.constant 96 : index
      %get3A_342 = tpu.vector_load %arg5[%get3A_340, %get3A_341] {strides = array<i32>} : memref<160x128xi32, #tpu.memory_space<vmem>>, vector<1x16xi32>,
      %get3A_343 = vector.shape_cast %get3A_342 : vector<1x16xi32> to vector<16xi32>
      %and3A_344 = arith.constant 16383 : i32
      %and3A_345 = vector.broadcast %and3A_344 : i32 to vector<16xi32>
      %and3A_346 = arith.andi %get3A_343, %and3A_345 : vector<16xi32>
      %shift_left3A_347 = arith.constant 1 : i32
      %shift_left3A_348 = vector.broadcast %shift_left3A_347 : i32 to vector<16xi32>
      %shift_left3A_349 = arith.shli %and3A_346, %shift_left3A_348 : vector<16xi32>
      %or3A_350 = vector.broadcast %arg0 : i32 to vector<16xi32>
      %or3A_351 = arith.ori %shift_left3A_349, %or3A_350 : vector<16xi32>
      %swap3A_352 = arith.index_cast %scan3A_194 : i32 to index
      %swap3A_353 = arith.constant 96 : index
      %swap3A_354 = tpu.vector_load %arg6[%swap3A_352, %swap3A_353] {strides = array<i32>} : memref<162x128xi32, #tpu.memory_space<vmem>>, vector<1x16xi32>,
      %swap3A_355 = vector.shape_cast %swap3A_354 : vector<1x16xi32> to vector<16xi32>
      %swap3A_356 = vector.shape_cast %or3A_351 : vector<16xi32> to vector<1x16xi32>
      tpu.vector_store %arg6[%swap3A_352, %swap3A_353], %swap3A_356 {strides = array<i32>} : memref<162x128xi32, #tpu.memory_space<vmem>>, vector<1x16xi32>,
      %shift_right_arithmetic3A_357 = arith.constant 14 : i32
      %shift_right_arithmetic3A_358 = vector.broadcast %shift_right_arithmetic3A_357 : i32 to vector<16xi32>
      %shift_right_arithmetic3A_359 = arith.shrsi %get3A_343, %shift_right_arithmetic3A_358 : vector<16xi32>
      %swap3A_360 = arith.index_cast %scan3A_194 : i32 to index
      %swap3A_361 = arith.constant 96 : index
      %swap3A_362 = tpu.vector_load %arg7[%swap3A_360, %swap3A_361] {strides = array<i32>} : memref<160x128xi32, #tpu.memory_space<vmem>>, vector<1x16xi32>,
      %swap3A_363 = vector.shape_cast %swap3A_362 : vector<1x16xi32> to vector<16xi32>
      %swap3A_364 = vector.shape_cast %shift_right_arithmetic3A_359 : vector<16xi32> to vector<1x16xi32>
      tpu.vector_store %arg7[%swap3A_360, %swap3A_361], %swap3A_364 {strides = array<i32>} : memref<160x128xi32, #tpu.memory_space<vmem>>, vector<1x16xi32>,
      %get3A_365 = arith.index_cast %scan3A_194 : i32 to index
      %get3A_366 = arith.constant 112 : index
      %get3A_367 = tpu.vector_load %arg5[%get3A_365, %get3A_366] {strides = array<i32>} : memref<160x128xi32, #tpu.memory_space<vmem>>, vector<1x16xi32>,
      %get3A_368 = vector.shape_cast %get3A_367 : vector<1x16xi32> to vector<16xi32>
      %and3A_369 = arith.constant 16383 : i32
      %and3A_370 = vector.broadcast %and3A_369 : i32 to vector<16xi32>
      %and3A_371 = arith.andi %get3A_368, %and3A_370 : vector<16xi32>
      %shift_left3A_372 = arith.constant 1 : i32
      %shift_left3A_373 = vector.broadcast %shift_left3A_372 : i32 to vector<16xi32>
      %shift_left3A_374 = arith.shli %and3A_371, %shift_left3A_373 : vector<16xi32>
      %or3A_375 = vector.broadcast %arg0 : i32 to vector<16xi32>
      %or3A_376 = arith.ori %shift_left3A_374, %or3A_375 : vector<16xi32>
      %swap3A_377 = arith.index_cast %scan3A_194 : i32 to index
      %swap3A_378 = arith.constant 112 : index
      %swap3A_379 = tpu.vector_load %arg6[%swap3A_377, %swap3A_378] {strides = array<i32>} : memref<162x128xi32, #tpu.memory_space<vmem>>, vector<1x16xi32>,
      %swap3A_380 = vector.shape_cast %swap3A_379 : vector<1x16xi32> to vector<16xi32>
      %swap3A_381 = vector.shape_cast %or3A_376 : vector<16xi32> to vector<1x16xi32>
      tpu.vector_store %arg6[%swap3A_377, %swap3A_378], %swap3A_381 {strides = array<i32>} : memref<162x128xi32, #tpu.memory_space<vmem>>, vector<1x16xi32>,
      %shift_right_arithmetic3A_382 = arith.constant 14 : i32
      %shift_right_arithmetic3A_383 = vector.broadcast %shift_right_arithmetic3A_382 : i32 to vector<16xi32>
      %shift_right_arithmetic3A_384 = arith.shrsi %get3A_368, %shift_right_arithmetic3A_383 : vector<16xi32>
      %swap3A_385 = arith.index_cast %scan3A_194 : i32 to index
      %swap3A_386 = arith.constant 112 : index
      %swap3A_387 = tpu.vector_load %arg7[%swap3A_385, %swap3A_386] {strides = array<i32>} : memref<160x128xi32, #tpu.memory_space<vmem>>, vector<1x16xi32>,
      %swap3A_388 = vector.shape_cast %swap3A_387 : vector<1x16xi32> to vector<16xi32>
      %swap3A_389 = vector.shape_cast %shift_right_arithmetic3A_384 : vector<16xi32> to vector<1x16xi32>
      tpu.vector_store %arg7[%swap3A_385, %swap3A_386], %swap3A_389 {strides = array<i32>} : memref<160x128xi32, #tpu.memory_space<vmem>>, vector<1x16xi32>,
    }
    %scan3A_33 = arith.constant 160 : i32
    %broadcast_in_dim3A_34 = arith.constant 0 : i32
    %broadcast_in_dim3A_35 = vector.broadcast %broadcast_in_dim3A_34 : i32 to vector<16xi32>
    %swap3A = arith.constant 160 : i32
    %swap3A_36 = arith.index_cast %swap3A : i32 to index
    %swap3A_37 = arith.constant 0 : index
    %swap3A_38 = tpu.vector_load %arg6[%swap3A_36, %swap3A_37] {strides = array<i32>} : memref<162x128xi32, #tpu.memory_space<vmem>>, vector<1x16xi32>,
    %swap3A_39 = vector.shape_cast %swap3A_38 : vector<1x16xi32> to vector<16xi32>
    %swap3A_40 = vector.shape_cast %broadcast_in_dim3A_35 : vector<16xi32> to vector<1x16xi32>
    tpu.vector_store %arg6[%swap3A_36, %swap3A_37], %swap3A_40 {strides = array<i32>} : memref<162x128xi32, #tpu.memory_space<vmem>>, vector<1x16xi32>,
    %broadcast_in_dim3A_41 = arith.constant 0 : i32
    %broadcast_in_dim3A_42 = vector.broadcast %broadcast_in_dim3A_41 : i32 to vector<16xi32>
    %swap3A_43 = arith.constant 160 : i32
    %swap3A_44 = arith.index_cast %swap3A_43 : i32 to index
    %swap3A_45 = arith.constant 16 : index
    %swap3A_46 = tpu.vector_load %arg6[%swap3A_44, %swap3A_45] {strides = array<i32>} : memref<162x128xi32, #tpu.memory_space<vmem>>, vector<1x16xi32>,
    %swap3A_47 = vector.shape_cast %swap3A_46 : vector<1x16xi32> to vector<16xi32>
    %swap3A_48 = vector.shape_cast %broadcast_in_dim3A_42 : vector<16xi32> to vector<1x16xi32>
    tpu.vector_store %arg6[%swap3A_44, %swap3A_45], %swap3A_48 {strides = array<i32>} : memref<162x128xi32, #tpu.memory_space<vmem>>, vector<1x16xi32>,
    %broadcast_in_dim3A_49 = arith.constant 0 : i32
    %broadcast_in_dim3A_50 = vector.broadcast %broadcast_in_dim3A_49 : i32 to vector<16xi32>
    %swap3A_51 = arith.constant 160 : i32
    %swap3A_52 = arith.index_cast %swap3A_51 : i32 to index
    %swap3A_53 = arith.constant 32 : index
    %swap3A_54 = tpu.vector_load %arg6[%swap3A_52, %swap3A_53] {strides = array<i32>} : memref<162x128xi32, #tpu.memory_space<vmem>>, vector<1x16xi32>,
    %swap3A_55 = vector.shape_cast %swap3A_54 : vector<1x16xi32> to vector<16xi32>
    %swap3A_56 = vector.shape_cast %broadcast_in_dim3A_50 : vector<16xi32> to vector<1x16xi32>
    tpu.vector_store %arg6[%swap3A_52, %swap3A_53], %swap3A_56 {strides = array<i32>} : memref<162x128xi32, #tpu.memory_space<vmem>>, vector<1x16xi32>,
    %broadcast_in_dim3A_57 = arith.constant 0 : i32
    %broadcast_in_dim3A_58 = vector.broadcast %broadcast_in_dim3A_57 : i32 to vector<16xi32>
    %swap3A_59 = arith.constant 160 : i32
    %swap3A_60 = arith.index_cast %swap3A_59 : i32 to index
    %swap3A_61 = arith.constant 48 : index
    %swap3A_62 = tpu.vector_load %arg6[%swap3A_60, %swap3A_61] {strides = array<i32>} : memref<162x128xi32, #tpu.memory_space<vmem>>, vector<1x16xi32>,
    %swap3A_63 = vector.shape_cast %swap3A_62 : vector<1x16xi32> to vector<16xi32>
    %swap3A_64 = vector.shape_cast %broadcast_in_dim3A_58 : vector<16xi32> to vector<1x16xi32>
    tpu.vector_store %arg6[%swap3A_60, %swap3A_61], %swap3A_64 {strides = array<i32>} : memref<162x128xi32, #tpu.memory_space<vmem>>, vector<1x16xi32>,
    %broadcast_in_dim3A_65 = arith.constant 0 : i32
    %broadcast_in_dim3A_66 = vector.broadcast %broadcast_in_dim3A_65 : i32 to vector<16xi32>
    %swap3A_67 = arith.constant 160 : i32
    %swap3A_68 = arith.index_cast %swap3A_67 : i32 to index
    %swap3A_69 = arith.constant 64 : index
    %swap3A_70 = tpu.vector_load %arg6[%swap3A_68, %swap3A_69] {strides = array<i32>} : memref<162x128xi32, #tpu.memory_space<vmem>>, vector<1x16xi32>,
    %swap3A_71 = vector.shape_cast %swap3A_70 : vector<1x16xi32> to vector<16xi32>
    %swap3A_72 = vector.shape_cast %broadcast_in_dim3A_66 : vector<16xi32> to vector<1x16xi32>
    tpu.vector_store %arg6[%swap3A_68, %swap3A_69], %swap3A_72 {strides = array<i32>} : memref<162x128xi32, #tpu.memory_space<vmem>>, vector<1x16xi32>,
    %broadcast_in_dim3A_73 = arith.constant 0 : i32
    %broadcast_in_dim3A_74 = vector.broadcast %broadcast_in_dim3A_73 : i32 to vector<16xi32>
    %swap3A_75 = arith.constant 160 : i32
    %swap3A_76 = arith.index_cast %swap3A_75 : i32 to index
    %swap3A_77 = arith.constant 80 : index
    %swap3A_78 = tpu.vector_load %arg6[%swap3A_76, %swap3A_77] {strides = array<i32>} : memref<162x128xi32, #tpu.memory_space<vmem>>, vector<1x16xi32>,
    %swap3A_79 = vector.shape_cast %swap3A_78 : vector<1x16xi32> to vector<16xi32>
    %swap3A_80 = vector.shape_cast %broadcast_in_dim3A_74 : vector<16xi32> to vector<1x16xi32>
    tpu.vector_store %arg6[%swap3A_76, %swap3A_77], %swap3A_80 {strides = array<i32>} : memref<162x128xi32, #tpu.memory_space<vmem>>, vector<1x16xi32>,
    %broadcast_in_dim3A_81 = arith.constant 0 : i32
    %broadcast_in_dim3A_82 = vector.broadcast %broadcast_in_dim3A_81 : i32 to vector<16xi32>
    %swap3A_83 = arith.constant 160 : i32
    %swap3A_84 = arith.index_cast %swap3A_83 : i32 to index
    %swap3A_85 = arith.constant 96 : index
    %swap3A_86 = tpu.vector_load %arg6[%swap3A_84, %swap3A_85] {strides = array<i32>} : memref<162x128xi32, #tpu.memory_space<vmem>>, vector<1x16xi32>,
    %swap3A_87 = vector.shape_cast %swap3A_86 : vector<1x16xi32> to vector<16xi32>
    %swap3A_88 = vector.shape_cast %broadcast_in_dim3A_82 : vector<16xi32> to vector<1x16xi32>
    tpu.vector_store %arg6[%swap3A_84, %swap3A_85], %swap3A_88 {strides = array<i32>} : memref<162x128xi32, #tpu.memory_space<vmem>>, vector<1x16xi32>,
    %broadcast_in_dim3A_89 = arith.constant 0 : i32
    %broadcast_in_dim3A_90 = vector.broadcast %broadcast_in_dim3A_89 : i32 to vector<16xi32>
    %swap3A_91 = arith.constant 160 : i32
    %swap3A_92 = arith.index_cast %swap3A_91 : i32 to index
    %swap3A_93 = arith.constant 112 : index
    %swap3A_94 = tpu.vector_load %arg6[%swap3A_92, %swap3A_93] {strides = array<i32>} : memref<162x128xi32, #tpu.memory_space<vmem>>, vector<1x16xi32>,
    %swap3A_95 = vector.shape_cast %swap3A_94 : vector<1x16xi32> to vector<16xi32>
    %swap3A_96 = vector.shape_cast %broadcast_in_dim3A_90 : vector<16xi32> to vector<1x16xi32>
    tpu.vector_store %arg6[%swap3A_92, %swap3A_93], %swap3A_96 {strides = array<i32>} : memref<162x128xi32, #tpu.memory_space<vmem>>, vector<1x16xi32>,
    %broadcast_in_dim3A_97 = arith.constant 0 : i32
    %broadcast_in_dim3A_98 = vector.broadcast %broadcast_in_dim3A_97 : i32 to vector<16xi32>
    %swap3A_99 = arith.constant 161 : i32
    %swap3A_100 = arith.index_cast %swap3A_99 : i32 to index
    %swap3A_101 = arith.constant 0 : index
    %swap3A_102 = tpu.vector_load %arg6[%swap3A_100, %swap3A_101] {strides = array<i32>} : memref<162x128xi32, #tpu.memory_space<vmem>>, vector<1x16xi32>,
    %swap3A_103 = vector.shape_cast %swap3A_102 : vector<1x16xi32> to vector<16xi32>
    %swap3A_104 = vector.shape_cast %broadcast_in_dim3A_98 : vector<16xi32> to vector<1x16xi32>
    tpu.vector_store %arg6[%swap3A_100, %swap3A_101], %swap3A_104 {strides = array<i32>} : memref<162x128xi32, #tpu.memory_space<vmem>>, vector<1x16xi32>,
    %broadcast_in_dim3A_105 = arith.constant 0 : i32
    %broadcast_in_dim3A_106 = vector.broadcast %broadcast_in_dim3A_105 : i32 to vector<16xi32>
    %swap3A_107 = arith.constant 161 : i32
    %swap3A_108 = arith.index_cast %swap3A_107 : i32 to index
    %swap3A_109 = arith.constant 16 : index
    %swap3A_110 = tpu.vector_load %arg6[%swap3A_108, %swap3A_109] {strides = array<i32>} : memref<162x128xi32, #tpu.memory_space<vmem>>, vector<1x16xi32>,
    %swap3A_111 = vector.shape_cast %swap3A_110 : vector<1x16xi32> to vector<16xi32>
    %swap3A_112 = vector.shape_cast %broadcast_in_dim3A_106 : vector<16xi32> to vector<1x16xi32>
    tpu.vector_store %arg6[%swap3A_108, %swap3A_109], %swap3A_112 {strides = array<i32>} : memref<162x128xi32, #tpu.memory_space<vmem>>, vector<1x16xi32>,
    %broadcast_in_dim3A_113 = arith.constant 0 : i32
    %broadcast_in_dim3A_114 = vector.broadcast %broadcast_in_dim3A_113 : i32 to vector<16xi32>
    %swap3A_115 = arith.constant 161 : i32
    %swap3A_116 = arith.index_cast %swap3A_115 : i32 to index
    %swap3A_117 = arith.constant 32 : index
    %swap3A_118 = tpu.vector_load %arg6[%swap3A_116, %swap3A_117] {strides = array<i32>} : memref<162x128xi32, #tpu.memory_space<vmem>>, vector<1x16xi32>,
    %swap3A_119 = vector.shape_cast %swap3A_118 : vector<1x16xi32> to vector<16xi32>
    %swap3A_120 = vector.shape_cast %broadcast_in_dim3A_114 : vector<16xi32> to vector<1x16xi32>
    tpu.vector_store %arg6[%swap3A_116, %swap3A_117], %swap3A_120 {strides = array<i32>} : memref<162x128xi32, #tpu.memory_space<vmem>>, vector<1x16xi32>,
    %broadcast_in_dim3A_121 = arith.constant 0 : i32
    %broadcast_in_dim3A_122 = vector.broadcast %broadcast_in_dim3A_121 : i32 to vector<16xi32>
    %swap3A_123 = arith.constant 161 : i32
    %swap3A_124 = arith.index_cast %swap3A_123 : i32 to index
    %swap3A_125 = arith.constant 48 : index
    %swap3A_126 = tpu.vector_load %arg6[%swap3A_124, %swap3A_125] {strides = array<i32>} : memref<162x128xi32, #tpu.memory_space<vmem>>, vector<1x16xi32>,
    %swap3A_127 = vector.shape_cast %swap3A_126 : vector<1x16xi32> to vector<16xi32>
    %swap3A_128 = vector.shape_cast %broadcast_in_dim3A_122 : vector<16xi32> to vector<1x16xi32>
    tpu.vector_store %arg6[%swap3A_124, %swap3A_125], %swap3A_128 {strides = array<i32>} : memref<162x128xi32, #tpu.memory_space<vmem>>, vector<1x16xi32>,
    %broadcast_in_dim3A_129 = arith.constant 0 : i32
    %broadcast_in_dim3A_130 = vector.broadcast %broadcast_in_dim3A_129 : i32 to vector<16xi32>
    %swap3A_131 = arith.constant 161 : i32
    %swap3A_132 = arith.index_cast %swap3A_131 : i32 to index
    %swap3A_133 = arith.constant 64 : index
    %swap3A_134 = tpu.vector_load %arg6[%swap3A_132, %swap3A_133] {strides = array<i32>} : memref<162x128xi32, #tpu.memory_space<vmem>>, vector<1x16xi32>,
    %swap3A_135 = vector.shape_cast %swap3A_134 : vector<1x16xi32> to vector<16xi32>
    %swap3A_136 = vector.shape_cast %broadcast_in_dim3A_130 : vector<16xi32> to vector<1x16xi32>
    tpu.vector_store %arg6[%swap3A_132, %swap3A_133], %swap3A_136 {strides = array<i32>} : memref<162x128xi32, #tpu.memory_space<vmem>>, vector<1x16xi32>,
    %broadcast_in_dim3A_137 = arith.constant 0 : i32
    %broadcast_in_dim3A_138 = vector.broadcast %broadcast_in_dim3A_137 : i32 to vector<16xi32>
    %swap3A_139 = arith.constant 161 : i32
    %swap3A_140 = arith.index_cast %swap3A_139 : i32 to index
    %swap3A_141 = arith.constant 80 : index
    %swap3A_142 = tpu.vector_load %arg6[%swap3A_140, %swap3A_141] {strides = array<i32>} : memref<162x128xi32, #tpu.memory_space<vmem>>, vector<1x16xi32>,
    %swap3A_143 = vector.shape_cast %swap3A_142 : vector<1x16xi32> to vector<16xi32>
    %swap3A_144 = vector.shape_cast %broadcast_in_dim3A_138 : vector<16xi32> to vector<1x16xi32>
    tpu.vector_store %arg6[%swap3A_140, %swap3A_141], %swap3A_144 {strides = array<i32>} : memref<162x128xi32, #tpu.memory_space<vmem>>, vector<1x16xi32>,
    %broadcast_in_dim3A_145 = arith.constant 0 : i32
    %broadcast_in_dim3A_146 = vector.broadcast %broadcast_in_dim3A_145 : i32 to vector<16xi32>
    %swap3A_147 = arith.constant 161 : i32
    %swap3A_148 = arith.index_cast %swap3A_147 : i32 to index
    %swap3A_149 = arith.constant 96 : index
    %swap3A_150 = tpu.vector_load %arg6[%swap3A_148, %swap3A_149] {strides = array<i32>} : memref<162x128xi32, #tpu.memory_space<vmem>>, vector<1x16xi32>,
    %swap3A_151 = vector.shape_cast %swap3A_150 : vector<1x16xi32> to vector<16xi32>
    %swap3A_152 = vector.shape_cast %broadcast_in_dim3A_146 : vector<16xi32> to vector<1x16xi32>
    tpu.vector_store %arg6[%swap3A_148, %swap3A_149], %swap3A_152 {strides = array<i32>} : memref<162x128xi32, #tpu.memory_space<vmem>>, vector<1x16xi32>,
    %broadcast_in_dim3A_153 = arith.constant 0 : i32
    %broadcast_in_dim3A_154 = vector.broadcast %broadcast_in_dim3A_153 : i32 to vector<16xi32>
    %swap3A_155 = arith.constant 161 : i32
    %swap3A_156 = arith.index_cast %swap3A_155 : i32 to index
    %swap3A_157 = arith.constant 112 : index
    %swap3A_158 = tpu.vector_load %arg6[%swap3A_156, %swap3A_157] {strides = array<i32>} : memref<162x128xi32, #tpu.memory_space<vmem>>, vector<1x16xi32>,
    %swap3A_159 = vector.shape_cast %swap3A_158 : vector<1x16xi32> to vector<16xi32>
    %swap3A_160 = vector.shape_cast %broadcast_in_dim3A_154 : vector<16xi32> to vector<1x16xi32>
    tpu.vector_store %arg6[%swap3A_156, %swap3A_157], %swap3A_160 {strides = array<i32>} : memref<162x128xi32, #tpu.memory_space<vmem>>, vector<1x16xi32>,
    %dma_start3A = arith.constant 0 : i32
    %dma_start3A_161 = arith.constant 0 : i32
    %dma_start3A_162 = arith.constant 0 : i32
    %dma_start3A_163 = arith.constant 0 : i32
    %dma_start3A_164 = tpu.memref_slice %arg8[%dma_start3A_161, %dma_start3A_162, %dma_start3A_163] : memref<2x128x64xf32, #tpu.memory_space<vmem>> -> memref<1x128x64xf32, #tpu.memory_space<vmem>>
    %dma_start3A_165 = tpu.memref_squeeze %dma_start3A_164 : memref<1x128x64xf32, #tpu.memory_space<vmem>> -> memref<128x64xf32, #tpu.memory_space<vmem>>
    %dma_start3A_166 = arith.constant 0 : i32
    %dma_start3A_167 = tpu.memref_slice %arg6[%dma_start3A, %dma_start3A_166] : memref<162x128xi32, #tpu.memory_space<vmem>> -> memref<1x128xi32, #tpu.memory_space<vmem>>
    %dma_start3A_168 = tpu.memref_squeeze %dma_start3A_167 : memref<1x128xi32, #tpu.memory_space<vmem>> -> memref<128xi32, #tpu.memory_space<vmem>>
    %dma_start3A_169 = arith.constant 0 : i32
    %dma_start3A_170 = arith.constant 0 : i32
    %dma_start3A_171 = tpu.memref_slice %arg2[%dma_start3A_169, %dma_start3A_170] : memref<20000x64xf32, #tpu.memory_space<hbm>> -> memref<20000x64xf32, #tpu.memory_space<hbm>>
    tpu.enqueue_indirect_dma source(%dma_start3A_171 : memref<20000x64xf32, #tpu.memory_space<hbm>>) target(%dma_start3A_165 : memref<128x64xf32, #tpu.memory_space<vmem>>) offsets(%dma_start3A_168 : memref<128xi32, #tpu.memory_space<vmem>>) semaphore(%arg10 : memref<!tpu.dma_semaphore, #tpu.memory_space<semaphore_mem>>)
    %scan3A_172 = arith.constant 0 : i32
    %scan3A_173 = arith.constant 0 : i32
    %scan3A_174 = arith.constant 80 : i32
    %scan3A_175 = arith.addi %scan3A_173, %scan3A_174 : i32
    %scan3A_176 = arith.constant 1 : i32
    scf.for %scan3A_194 = %scan3A_173 to %scan3A_175 step %scan3A_176  : i32 {
      %mul3A_195 = arith.constant 2 : i32
      %mul3A_196 = arith.muli %mul3A_195, %scan3A_194 : i32
      %add3A_197 = arith.constant 1 : i32
      %add3A_198 = arith.addi %mul3A_196, %add3A_197 : i32
      %dma_start3A_199 = arith.constant 1 : i32
      %dma_start3A_200 = arith.constant 0 : i32
      %dma_start3A_201 = arith.constant 0 : i32
      %dma_start3A_202 = tpu.memref_slice %arg8[%dma_start3A_199, %dma_start3A_200, %dma_start3A_201] : memref<2x128x64xf32, #tpu.memory_space<vmem>> -> memref<1x128x64xf32, #tpu.memory_space<vmem>>
      %dma_start3A_203 = tpu.memref_squeeze %dma_start3A_202 : memref<1x128x64xf32, #tpu.memory_space<vmem>> -> memref<128x64xf32, #tpu.memory_space<vmem>>
      %dma_start3A_204 = arith.constant 0 : i32
      %dma_start3A_205 = tpu.memref_slice %arg6[%add3A_198, %dma_start3A_204] : memref<162x128xi32, #tpu.memory_space<vmem>> -> memref<1x128xi32, #tpu.memory_space<vmem>>
      %dma_start3A_206 = tpu.memref_squeeze %dma_start3A_205 : memref<1x128xi32, #tpu.memory_space<vmem>> -> memref<128xi32, #tpu.memory_space<vmem>>
      %dma_start3A_207 = arith.constant 0 : i32
      %dma_start3A_208 = arith.constant 0 : i32
      %dma_start3A_209 = tpu.memref_slice %arg2[%dma_start3A_207, %dma_start3A_208] : memref<20000x64xf32, #tpu.memory_space<hbm>> -> memref<20000x64xf32, #tpu.memory_space<hbm>>
      tpu.enqueue_indirect_dma source(%dma_start3A_209 : memref<20000x64xf32, #tpu.memory_space<hbm>>) target(%dma_start3A_203 : memref<128x64xf32, #tpu.memory_space<vmem>>) offsets(%dma_start3A_206 : memref<128xi32, #tpu.memory_space<vmem>>) semaphore(%arg11 : memref<!tpu.dma_semaphore, #tpu.memory_space<semaphore_mem>>)
      %dma_wait3A_210 = arith.constant 0 : i32
      %dma_wait3A_211 = arith.constant 0 : i32
      %dma_wait3A_212 = arith.constant 0 : i32
      %dma_wait3A_213 = tpu.memref_slice %arg8[%dma_wait3A_210, %dma_wait3A_211, %dma_wait3A_212] : memref<2x128x64xf32, #tpu.memory_space<vmem>> -> memref<1x128x64xf32, #tpu.memory_space<vmem>>
      %dma_wait3A_214 = tpu.memref_squeeze %dma_wait3A_213 : memref<1x128x64xf32, #tpu.memory_space<vmem>> -> memref<128x64xf32, #tpu.memory_space<vmem>>
      %dma_wait3A_215 = arith.constant 0 : i32
      %dma_wait3A_216 = tpu.memref_slice %arg6[%mul3A_196, %dma_wait3A_215] : memref<162x128xi32, #tpu.memory_space<vmem>> -> memref<1x128xi32, #tpu.memory_space<vmem>>
      %dma_wait3A_217 = tpu.memref_squeeze %dma_wait3A_216 : memref<1x128xi32, #tpu.memory_space<vmem>> -> memref<128xi32, #tpu.memory_space<vmem>>
      %dma_wait3A_218 = arith.constant 0 : i32
      %dma_wait3A_219 = arith.constant 0 : i32
      %dma_wait3A_220 = tpu.memref_slice %arg2[%dma_wait3A_218, %dma_wait3A_219] : memref<20000x64xf32, #tpu.memory_space<hbm>> -> memref<20000x64xf32, #tpu.memory_space<hbm>>
      tpu.wait_indirect_dma semaphore(%arg10 : memref<!tpu.dma_semaphore, #tpu.memory_space<semaphore_mem>>) src(%dma_wait3A_220 : memref<20000x64xf32, #tpu.memory_space<hbm>>) dst(%dma_wait3A_214 : memref<128x64xf32, #tpu.memory_space<vmem>>)
      %dma_start3A_221 = arith.constant 0 : i32
      %dma_start3A_222 = arith.constant 0 : i32
      %dma_start3A_223 = arith.constant 0 : i32
      %dma_start3A_224 = tpu.memref_slice %arg8[%dma_start3A_221, %dma_start3A_222, %dma_start3A_223] : memref<2x128x64xf32, #tpu.memory_space<vmem>> -> memref<1x128x64xf32, #tpu.memory_space<vmem>>
      %dma_start3A_225 = tpu.memref_squeeze %dma_start3A_224 : memref<1x128x64xf32, #tpu.memory_space<vmem>> -> memref<128x64xf32, #tpu.memory_space<vmem>>
      %dma_start3A_226 = arith.constant 0 : i32
      %dma_start3A_227 = tpu.memref_slice %arg7[%mul3A_196, %dma_start3A_226] : memref<160x128xi32, #tpu.memory_space<vmem>> -> memref<1x128xi32, #tpu.memory_space<vmem>>
      %dma_start3A_228 = tpu.memref_squeeze %dma_start3A_227 : memref<1x128xi32, #tpu.memory_space<vmem>> -> memref<128xi32, #tpu.memory_space<vmem>>
      %dma_start3A_229 = arith.constant 0 : i32
      %dma_start3A_230 = arith.constant 0 : i32
      %dma_start3A_231 = tpu.memref_slice %arg9[%dma_start3A_229, %dma_start3A_230] : memref<10240x64xf32, #tpu.memory_space<vmem_shared>> -> memref<10240x64xf32, #tpu.memory_space<vmem_shared>>
      tpu.enqueue_indirect_dma source(%dma_start3A_225 : memref<128x64xf32, #tpu.memory_space<vmem>>) target(%dma_start3A_231 : memref<10240x64xf32, #tpu.memory_space<vmem_shared>>) offsets(%dma_start3A_228 : memref<128xi32, #tpu.memory_space<vmem>>) semaphore(%arg12 : memref<!tpu.dma_semaphore, #tpu.memory_space<semaphore_mem>>) {add = true}
      %dma_wait3A_232 = arith.constant 0 : i32
      %dma_wait3A_233 = arith.constant 0 : i32
      %dma_wait3A_234 = arith.constant 0 : i32
      %dma_wait3A_235 = tpu.memref_slice %arg8[%dma_wait3A_232, %dma_wait3A_233, %dma_wait3A_234] : memref<2x128x64xf32, #tpu.memory_space<vmem>> -> memref<1x128x64xf32, #tpu.memory_space<vmem>>
      %dma_wait3A_236 = tpu.memref_squeeze %dma_wait3A_235 : memref<1x128x64xf32, #tpu.memory_space<vmem>> -> memref<128x64xf32, #tpu.memory_space<vmem>>
      %dma_wait3A_237 = arith.constant 0 : i32
      %dma_wait3A_238 = tpu.memref_slice %arg7[%mul3A_196, %dma_wait3A_237] : memref<160x128xi32, #tpu.memory_space<vmem>> -> memref<1x128xi32, #tpu.memory_space<vmem>>
      %dma_wait3A_239 = tpu.memref_squeeze %dma_wait3A_238 : memref<1x128xi32, #tpu.memory_space<vmem>> -> memref<128xi32, #tpu.memory_space<vmem>>
      %dma_wait3A_240 = arith.constant 0 : i32
      %dma_wait3A_241 = arith.constant 0 : i32
      %dma_wait3A_242 = tpu.memref_slice %arg9[%dma_wait3A_240, %dma_wait3A_241] : memref<10240x64xf32, #tpu.memory_space<vmem_shared>> -> memref<10240x64xf32, #tpu.memory_space<vmem_shared>>
      tpu.wait_indirect_dma semaphore(%arg12 : memref<!tpu.dma_semaphore, #tpu.memory_space<semaphore_mem>>) src(%dma_wait3A_236 : memref<128x64xf32, #tpu.memory_space<vmem>>) dst(%dma_wait3A_242 : memref<10240x64xf32, #tpu.memory_space<vmem_shared>>)
      %add3A_243 = arith.constant 2 : i32
      %add3A_244 = arith.addi %mul3A_196, %add3A_243 : i32
      %dma_start3A_245 = arith.constant 0 : i32
      %dma_start3A_246 = arith.constant 0 : i32
      %dma_start3A_247 = arith.constant 0 : i32
      %dma_start3A_248 = tpu.memref_slice %arg8[%dma_start3A_245, %dma_start3A_246, %dma_start3A_247] : memref<2x128x64xf32, #tpu.memory_space<vmem>> -> memref<1x128x64xf32, #tpu.memory_space<vmem>>
      %dma_start3A_249 = tpu.memref_squeeze %dma_start3A_248 : memref<1x128x64xf32, #tpu.memory_space<vmem>> -> memref<128x64xf32, #tpu.memory_space<vmem>>
      %dma_start3A_250 = arith.constant 0 : i32
      %dma_start3A_251 = tpu.memref_slice %arg6[%add3A_244, %dma_start3A_250] : memref<162x128xi32, #tpu.memory_space<vmem>> -> memref<1x128xi32, #tpu.memory_space<vmem>>
      %dma_start3A_252 = tpu.memref_squeeze %dma_start3A_251 : memref<1x128xi32, #tpu.memory_space<vmem>> -> memref<128xi32, #tpu.memory_space<vmem>>
      %dma_start3A_253 = arith.constant 0 : i32
      %dma_start3A_254 = arith.constant 0 : i32
      %dma_start3A_255 = tpu.memref_slice %arg2[%dma_start3A_253, %dma_start3A_254] : memref<20000x64xf32, #tpu.memory_space<hbm>> -> memref<20000x64xf32, #tpu.memory_space<hbm>>
      tpu.enqueue_indirect_dma source(%dma_start3A_255 : memref<20000x64xf32, #tpu.memory_space<hbm>>) target(%dma_start3A_249 : memref<128x64xf32, #tpu.memory_space<vmem>>) offsets(%dma_start3A_252 : memref<128xi32, #tpu.memory_space<vmem>>) semaphore(%arg10 : memref<!tpu.dma_semaphore, #tpu.memory_space<semaphore_mem>>)
      %add3A_256 = arith.constant 1 : i32
      %add3A_257 = arith.addi %mul3A_196, %add3A_256 : i32
      %dma_wait3A_258 = arith.constant 1 : i32
      %dma_wait3A_259 = arith.constant 0 : i32
      %dma_wait3A_260 = arith.constant 0 : i32
      %dma_wait3A_261 = tpu.memref_slice %arg8[%dma_wait3A_258, %dma_wait3A_259, %dma_wait3A_260] : memref<2x128x64xf32, #tpu.memory_space<vmem>> -> memref<1x128x64xf32, #tpu.memory_space<vmem>>
      %dma_wait3A_262 = tpu.memref_squeeze %dma_wait3A_261 : memref<1x128x64xf32, #tpu.memory_space<vmem>> -> memref<128x64xf32, #tpu.memory_space<vmem>>
      %dma_wait3A_263 = arith.constant 0 : i32
      %dma_wait3A_264 = tpu.memref_slice %arg6[%add3A_257, %dma_wait3A_263] : memref<162x128xi32, #tpu.memory_space<vmem>> -> memref<1x128xi32, #tpu.memory_space<vmem>>
      %dma_wait3A_265 = tpu.memref_squeeze %dma_wait3A_264 : memref<1x128xi32, #tpu.memory_space<vmem>> -> memref<128xi32, #tpu.memory_space<vmem>>
      %dma_wait3A_266 = arith.constant 0 : i32
      %dma_wait3A_267 = arith.constant 0 : i32
      %dma_wait3A_268 = tpu.memref_slice %arg2[%dma_wait3A_266, %dma_wait3A_267] : memref<20000x64xf32, #tpu.memory_space<hbm>> -> memref<20000x64xf32, #tpu.memory_space<hbm>>
      tpu.wait_indirect_dma semaphore(%arg11 : memref<!tpu.dma_semaphore, #tpu.memory_space<semaphore_mem>>) src(%dma_wait3A_268 : memref<20000x64xf32, #tpu.memory_space<hbm>>) dst(%dma_wait3A_262 : memref<128x64xf32, #tpu.memory_space<vmem>>)
      %add3A_269 = arith.constant 1 : i32
      %add3A_270 = arith.addi %mul3A_196, %add3A_269 : i32
      %dma_start3A_271 = arith.constant 1 : i32
      %dma_start3A_272 = arith.constant 0 : i32
      %dma_start3A_273 = arith.constant 0 : i32
      %dma_start3A_274 = tpu.memref_slice %arg8[%dma_start3A_271, %dma_start3A_272, %dma_start3A_273] : memref<2x128x64xf32, #tpu.memory_space<vmem>> -> memref<1x128x64xf32, #tpu.memory_space<vmem>>
      %dma_start3A_275 = tpu.memref_squeeze %dma_start3A_274 : memref<1x128x64xf32, #tpu.memory_space<vmem>> -> memref<128x64xf32, #tpu.memory_space<vmem>>
      %dma_start3A_276 = arith.constant 0 : i32
      %dma_start3A_277 = tpu.memref_slice %arg7[%add3A_270, %dma_start3A_276] : memref<160x128xi32, #tpu.memory_space<vmem>> -> memref<1x128xi32, #tpu.memory_space<vmem>>
      %dma_start3A_278 = tpu.memref_squeeze %dma_start3A_277 : memref<1x128xi32, #tpu.memory_space<vmem>> -> memref<128xi32, #tpu.memory_space<vmem>>
      %dma_start3A_279 = arith.constant 0 : i32
      %dma_start3A_280 = arith.constant 0 : i32
      %dma_start3A_281 = tpu.memref_slice %arg9[%dma_start3A_279, %dma_start3A_280] : memref<10240x64xf32, #tpu.memory_space<vmem_shared>> -> memref<10240x64xf32, #tpu.memory_space<vmem_shared>>
      tpu.enqueue_indirect_dma source(%dma_start3A_275 : memref<128x64xf32, #tpu.memory_space<vmem>>) target(%dma_start3A_281 : memref<10240x64xf32, #tpu.memory_space<vmem_shared>>) offsets(%dma_start3A_278 : memref<128xi32, #tpu.memory_space<vmem>>) semaphore(%arg13 : memref<!tpu.dma_semaphore, #tpu.memory_space<semaphore_mem>>) {add = true}
      %dma_wait3A_282 = arith.constant 1 : i32
      %dma_wait3A_283 = arith.constant 0 : i32
      %dma_wait3A_284 = arith.constant 0 : i32
      %dma_wait3A_285 = tpu.memref_slice %arg8[%dma_wait3A_282, %dma_wait3A_283, %dma_wait3A_284] : memref<2x128x64xf32, #tpu.memory_space<vmem>> -> memref<1x128x64xf32, #tpu.memory_space<vmem>>
      %dma_wait3A_286 = tpu.memref_squeeze %dma_wait3A_285 : memref<1x128x64xf32, #tpu.memory_space<vmem>> -> memref<128x64xf32, #tpu.memory_space<vmem>>
      %dma_wait3A_287 = arith.constant 0 : i32
      %dma_wait3A_288 = tpu.memref_slice %arg7[%add3A_270, %dma_wait3A_287] : memref<160x128xi32, #tpu.memory_space<vmem>> -> memref<1x128xi32, #tpu.memory_space<vmem>>
      %dma_wait3A_289 = tpu.memref_squeeze %dma_wait3A_288 : memref<1x128xi32, #tpu.memory_space<vmem>> -> memref<128xi32, #tpu.memory_space<vmem>>
      %dma_wait3A_290 = arith.constant 0 : i32
      %dma_wait3A_291 = arith.constant 0 : i32
      %dma_wait3A_292 = tpu.memref_slice %arg9[%dma_wait3A_290, %dma_wait3A_291] : memref<10240x64xf32, #tpu.memory_space<vmem_shared>> -> memref<10240x64xf32, #tpu.memory_space<vmem_shared>>
      tpu.wait_indirect_dma semaphore(%arg13 : memref<!tpu.dma_semaphore, #tpu.memory_space<semaphore_mem>>) src(%dma_wait3A_286 : memref<128x64xf32, #tpu.memory_space<vmem>>) dst(%dma_wait3A_292 : memref<10240x64xf32, #tpu.memory_space<vmem_shared>>)
    }
    %scan3A_177 = arith.constant 80 : i32
    %dma_wait3A = arith.constant 0 : i32
    %dma_wait3A_178 = arith.constant 0 : i32
    %dma_wait3A_179 = arith.constant 0 : i32
    %dma_wait3A_180 = arith.constant 0 : i32
    %dma_wait3A_181 = tpu.memref_slice %arg8[%dma_wait3A_178, %dma_wait3A_179, %dma_wait3A_180] : memref<2x128x64xf32, #tpu.memory_space<vmem>> -> memref<1x128x64xf32, #tpu.memory_space<vmem>>
    %dma_wait3A_182 = tpu.memref_squeeze %dma_wait3A_181 : memref<1x128x64xf32, #tpu.memory_space<vmem>> -> memref<128x64xf32, #tpu.memory_space<vmem>>
    %dma_wait3A_183 = arith.constant 0 : i32
    %dma_wait3A_184 = tpu.memref_slice %arg6[%dma_wait3A, %dma_wait3A_183] : memref<162x128xi32, #tpu.memory_space<vmem>> -> memref<1x128xi32, #tpu.memory_space<vmem>>
    %dma_wait3A_185 = tpu.memref_squeeze %dma_wait3A_184 : memref<1x128xi32, #tpu.memory_space<vmem>> -> memref<128xi32, #tpu.memory_space<vmem>>
    %dma_wait3A_186 = arith.constant 0 : i32
    %dma_wait3A_187 = arith.constant 0 : i32
    %dma_wait3A_188 = tpu.memref_slice %arg2[%dma_wait3A_186, %dma_wait3A_187] : memref<20000x64xf32, #tpu.memory_space<hbm>> -> memref<20000x64xf32, #tpu.memory_space<hbm>>
    tpu.wait_indirect_dma semaphore(%arg10 : memref<!tpu.dma_semaphore, #tpu.memory_space<semaphore_mem>>) src(%dma_wait3A_188 : memref<20000x64xf32, #tpu.memory_space<hbm>>) dst(%dma_wait3A_182 : memref<128x64xf32, #tpu.memory_space<vmem>>)
    %barrier3A_189 = arith.constant 0 : index
    tpu.barrier barrier_id(%barrier3A_189)
    %mul3A_190 = arith.constant 640 : i32
    %mul3A_191 = arith.muli %arg1, %mul3A_190 : i32
    %mul3A_192 = arith.constant 640 : i32
    %mul3A_193 = arith.muli %arg1, %mul3A_192 : i32
    "tpu.region"() ({
      %run_scoped3A_194 = tpu.sem_alloc : memref<!tpu.dma_semaphore, #tpu.memory_space<semaphore_mem>>
      %dma_start3A_195 = arith.constant 0 : i32
      %dma_start3A_196 = tpu.memref_slice %arg4[%mul3A_193, %arg0, %dma_start3A_195] : memref<10240x2x64xf32, #tpu.memory_space<hbm>> -> memref<640x1x64xf32, #tpu.memory_space<hbm>>
      %dma_start3A_197 = tpu.memref_squeeze %dma_start3A_196 : memref<640x1x64xf32, #tpu.memory_space<hbm>> -> memref<640x64xf32, #tpu.memory_space<hbm>>
      %dma_start3A_198 = arith.constant 0 : i32
      %dma_start3A_199 = tpu.memref_slice %arg9[%mul3A_191, %dma_start3A_198] : memref<10240x64xf32, #tpu.memory_space<vmem_shared>> -> memref<640x64xf32, #tpu.memory_space<vmem_shared>>
      tpu.enqueue_dma source(%dma_start3A_199 : memref<640x64xf32, #tpu.memory_space<vmem_shared>>) target(%dma_start3A_197 : memref<640x64xf32, #tpu.memory_space<hbm>>) target_semaphore(%run_scoped3A_194 : memref<!tpu.dma_semaphore, #tpu.memory_space<semaphore_mem>>)
      %dma_wait3A_200 = arith.constant 0 : i32
      %dma_wait3A_201 = tpu.memref_slice %arg4[%mul3A_193, %arg0, %dma_wait3A_200] : memref<10240x2x64xf32, #tpu.memory_space<hbm>> -> memref<640x1x64xf32, #tpu.memory_space<hbm>>
      %dma_wait3A_202 = tpu.memref_squeeze %dma_wait3A_201 : memref<640x1x64xf32, #tpu.memory_space<hbm>> -> memref<640x64xf32, #tpu.memory_space<hbm>>
      %dma_wait3A_203 = arith.constant 0 : i32
      %dma_wait3A_204 = tpu.memref_slice %arg9[%mul3A_191, %dma_wait3A_203] : memref<10240x64xf32, #tpu.memory_space<vmem_shared>> -> memref<640x64xf32, #tpu.memory_space<vmem_shared>>
      tpu.wait_dma2 semaphore(%run_scoped3A_194 : memref<!tpu.dma_semaphore, #tpu.memory_space<semaphore_mem>>) src(%dma_wait3A_204 : memref<640x64xf32, #tpu.memory_space<vmem_shared>>) dst(%dma_wait3A_202 : memref<640x64xf32, #tpu.memory_space<hbm>>)
      tpu.yield
    }) : () -> ()
    return
  }
}

#map = affine_map<(d0, d1) -> (0, 0)>
#map1 = affine_map<(d0, d1) -> (0, 0, 0)>
module attributes {stable_mosaic.version = 14 : i64} {
  func.func @_agg_body(%arg0: i32, %arg1: i32, %arg2: memref<20000x64xf32, #tpu.memory_space<hbm>>, %arg3: memref<16x160x128xi32, #tpu.memory_space<hbm>>, %arg4: memref<10240x2x64xf32, #tpu.memory_space<hbm>>, %arg5: memref<160x128xi32, #tpu.memory_space<vmem>>, %arg6: memref<162x128xi32, #tpu.memory_space<vmem>>, %arg7: memref<160x128xi32, #tpu.memory_space<vmem>>, %arg8: memref<2x128x64xf32, #tpu.memory_space<vmem>>, %arg9: memref<10240x64xf32, #tpu.memory_space<vmem_shared>>, %arg10: memref<!tpu.dma_semaphore, #tpu.memory_space<semaphore_mem>>, %arg11: memref<!tpu.dma_semaphore, #tpu.memory_space<semaphore_mem>>, %arg12: memref<!tpu.dma_semaphore, #tpu.memory_space<semaphore_mem>>, %arg13: memref<!tpu.dma_semaphore, #tpu.memory_space<semaphore_mem>>) attributes {dimension_semantics = [#tpu.dimension_semantics<core_parallel>, #tpu.dimension_semantics<subcore_parallel>], iteration_bounds = array<i64: 2, 16>, scalar_prefetch = 0 : i64, scratch_operands = 9 : i64, tpu.core_type = #tpu.core_type<sc_vector_subcore>, window_params = [{transform_indices = #map}, {transform_indices = #map1}, {transform_indices = #map1}]} {
    %broadcast_in_dim3A = arith.constant 0.000000e+00 : f32
    %broadcast_in_dim3A_0 = vector.broadcast %broadcast_in_dim3A : f32 to vector<16xf32>
    %scan3A = arith.constant 0 : i32
    %scan3A_1 = arith.constant 0 : i32
    %scan3A_2 = arith.constant 128 : i32
    %scan3A_3 = arith.addi %scan3A_1, %scan3A_2 : i32
    %scan3A_4 = arith.constant 1 : i32
    scf.for %scan3A_194 = %scan3A_1 to %scan3A_3 step %scan3A_4  : i32 {
      %swap3A_195 = arith.constant 0 : i32
      %swap3A_196 = arith.index_cast %swap3A_195 : i32 to index
      %swap3A_197 = arith.index_cast %scan3A_194 : i32 to index
      %swap3A_198 = arith.constant 0 : index
      %swap3A_199 = tpu.vector_load %arg8[%swap3A_196, %swap3A_197, %swap3A_198] {strides = array<i32>} : memref<2x128x64xf32, #tpu.memory_space<vmem>>, vector<1x1x16xf32>,
      %swap3A_200 = vector.shape_cast %swap3A_199 : vector<1x1x16xf32> to vector<16xf32>
      %swap3A_201 = vector.shape_cast %broadcast_in_dim3A_0 : vector<16xf32> to vector<1x1x16xf32>
      tpu.vector_store %arg8[%swap3A_196, %swap3A_197, %swap3A_198], %swap3A_201 {strides = array<i32>} : memref<2x128x64xf32, #tpu.memory_space<vmem>>, vector<1x1x16xf32>,
      %swap3A_202 = arith.constant 0 : i32
      %swap3A_203 = arith.index_cast %swap3A_202 : i32 to index
      %swap3A_204 = arith.index_cast %scan3A_194 : i32 to index
      %swap3A_205 = arith.constant 16 : index
      %swap3A_206 = tpu.vector_load %arg8[%swap3A_203, %swap3A_204, %swap3A_205] {strides = array<i32>} : memref<2x128x64xf32, #tpu.memory_space<vmem>>, vector<1x1x16xf32>,
      %swap3A_207 = vector.shape_cast %swap3A_206 : vector<1x1x16xf32> to vector<16xf32>
      %swap3A_208 = vector.shape_cast %broadcast_in_dim3A_0 : vector<16xf32> to vector<1x1x16xf32>
      tpu.vector_store %arg8[%swap3A_203, %swap3A_204, %swap3A_205], %swap3A_208 {strides = array<i32>} : memref<2x128x64xf32, #tpu.memory_space<vmem>>, vector<1x1x16xf32>,
      %swap3A_209 = arith.constant 0 : i32
      %swap3A_210 = arith.index_cast %swap3A_209 : i32 to index
      %swap3A_211 = arith.index_cast %scan3A_194 : i32 to index
      %swap3A_212 = arith.constant 32 : index
      %swap3A_213 = tpu.vector_load %arg8[%swap3A_210, %swap3A_211, %swap3A_212] {strides = array<i32>} : memref<2x128x64xf32, #tpu.memory_space<vmem>>, vector<1x1x16xf32>,
      %swap3A_214 = vector.shape_cast %swap3A_213 : vector<1x1x16xf32> to vector<16xf32>
      %swap3A_215 = vector.shape_cast %broadcast_in_dim3A_0 : vector<16xf32> to vector<1x1x16xf32>
      tpu.vector_store %arg8[%swap3A_210, %swap3A_211, %swap3A_212], %swap3A_215 {strides = array<i32>} : memref<2x128x64xf32, #tpu.memory_space<vmem>>, vector<1x1x16xf32>,
      %swap3A_216 = arith.constant 0 : i32
      %swap3A_217 = arith.index_cast %swap3A_216 : i32 to index
      %swap3A_218 = arith.index_cast %scan3A_194 : i32 to index
      %swap3A_219 = arith.constant 48 : index
      %swap3A_220 = tpu.vector_load %arg8[%swap3A_217, %swap3A_218, %swap3A_219] {strides = array<i32>} : memref<2x128x64xf32, #tpu.memory_space<vmem>>, vector<1x1x16xf32>,
      %swap3A_221 = vector.shape_cast %swap3A_220 : vector<1x1x16xf32> to vector<16xf32>
      %swap3A_222 = vector.shape_cast %broadcast_in_dim3A_0 : vector<16xf32> to vector<1x1x16xf32>
      tpu.vector_store %arg8[%swap3A_217, %swap3A_218, %swap3A_219], %swap3A_222 {strides = array<i32>} : memref<2x128x64xf32, #tpu.memory_space<vmem>>, vector<1x1x16xf32>,
    }
    %scan3A_5 = arith.constant 128 : i32
    %mul3A = arith.constant 640 : i32
    %mul3A_6 = arith.muli %arg1, %mul3A : i32
    %add3A = arith.constant 0 : i32
    %add3A_7 = arith.addi %mul3A_6, %add3A : i32
    %run_scoped3A = arith.constant 0 : i32
    "tpu.region"() ({
      %run_scoped3A_194 = tpu.sem_alloc : memref<!tpu.dma_semaphore, #tpu.memory_space<semaphore_mem>>
      %dma_start3A_195 = arith.constant 0 : i32
      %dma_start3A_196 = arith.constant 0 : i32
      %dma_start3A_197 = tpu.memref_slice %arg8[%run_scoped3A, %dma_start3A_195, %dma_start3A_196] : memref<2x128x64xf32, #tpu.memory_space<vmem>> -> memref<1x128x64xf32, #tpu.memory_space<vmem>>
      %dma_start3A_198 = tpu.memref_squeeze %dma_start3A_197 : memref<1x128x64xf32, #tpu.memory_space<vmem>> -> memref<128x64xf32, #tpu.memory_space<vmem>>
      %dma_start3A_199 = arith.constant 0 : i32
      %dma_start3A_200 = tpu.memref_slice %arg9[%add3A_7, %dma_start3A_199] : memref<10240x64xf32, #tpu.memory_space<vmem_shared>> -> memref<128x64xf32, #tpu.memory_space<vmem_shared>>
      %dma_start3A_201 = arith.constant 0 : i32
      %dma_start3A_202 = tpu.memref_slice %arg9[%add3A_7, %dma_start3A_201] : memref<10240x64xf32, #tpu.memory_space<vmem_shared>> -> memref<128x64xf32, #tpu.memory_space<vmem_shared>>
      %dma_start3A_203 = arith.constant 0 : i32
      %dma_start3A_204 = arith.constant 0 : i32
      %dma_start3A_205 = tpu.memref_slice %arg8[%run_scoped3A, %dma_start3A_203, %dma_start3A_204] : memref<2x128x64xf32, #tpu.memory_space<vmem>> -> memref<1x128x64xf32, #tpu.memory_space<vmem>>
      %dma_start3A_206 = tpu.memref_squeeze %dma_start3A_205 : memref<1x128x64xf32, #tpu.memory_space<vmem>> -> memref<128x64xf32, #tpu.memory_space<vmem>>
      tpu.enqueue_dma source(%dma_start3A_206 : memref<128x64xf32, #tpu.memory_space<vmem>>) target(%dma_start3A_202 : memref<128x64xf32, #tpu.memory_space<vmem_shared>>) target_semaphore(%run_scoped3A_194 : memref<!tpu.dma_semaphore, #tpu.memory_space<semaphore_mem>>)
      %dma_wait3A_207 = arith.constant 0 : i32
      %dma_wait3A_208 = arith.constant 0 : i32
      %dma_wait3A_209 = tpu.memref_slice %arg8[%run_scoped3A, %dma_wait3A_207, %dma_wait3A_208] : memref<2x128x64xf32, #tpu.memory_space<vmem>> -> memref<1x128x64xf32, #tpu.memory_space<vmem>>
      %dma_wait3A_210 = tpu.memref_squeeze %dma_wait3A_209 : memref<1x128x64xf32, #tpu.memory_space<vmem>> -> memref<128x64xf32, #tpu.memory_space<vmem>>
      %dma_wait3A_211 = arith.constant 0 : i32
      %dma_wait3A_212 = tpu.memref_slice %arg9[%add3A_7, %dma_wait3A_211] : memref<10240x64xf32, #tpu.memory_space<vmem_shared>> -> memref<128x64xf32, #tpu.memory_space<vmem_shared>>
      %dma_wait3A_213 = arith.constant 0 : i32
      %dma_wait3A_214 = tpu.memref_slice %arg9[%add3A_7, %dma_wait3A_213] : memref<10240x64xf32, #tpu.memory_space<vmem_shared>> -> memref<128x64xf32, #tpu.memory_space<vmem_shared>>
      %dma_wait3A_215 = arith.constant 0 : i32
      %dma_wait3A_216 = arith.constant 0 : i32
      %dma_wait3A_217 = tpu.memref_slice %arg8[%run_scoped3A, %dma_wait3A_215, %dma_wait3A_216] : memref<2x128x64xf32, #tpu.memory_space<vmem>> -> memref<1x128x64xf32, #tpu.memory_space<vmem>>
      %dma_wait3A_218 = tpu.memref_squeeze %dma_wait3A_217 : memref<1x128x64xf32, #tpu.memory_space<vmem>> -> memref<128x64xf32, #tpu.memory_space<vmem>>
      tpu.wait_dma2 semaphore(%run_scoped3A_194 : memref<!tpu.dma_semaphore, #tpu.memory_space<semaphore_mem>>) src(%dma_wait3A_218 : memref<128x64xf32, #tpu.memory_space<vmem>>) dst(%dma_wait3A_214 : memref<128x64xf32, #tpu.memory_space<vmem_shared>>)
      tpu.yield
    }) : () -> ()
    %mul3A_8 = arith.constant 640 : i32
    %mul3A_9 = arith.muli %arg1, %mul3A_8 : i32
    %add3A_10 = arith.constant 128 : i32
    %add3A_11 = arith.addi %mul3A_9, %add3A_10 : i32
    %run_scoped3A_12 = arith.constant 0 : i32
    "tpu.region"() ({
      %run_scoped3A_194 = tpu.sem_alloc : memref<!tpu.dma_semaphore, #tpu.memory_space<semaphore_mem>>
      %dma_start3A_195 = arith.constant 0 : i32
      %dma_start3A_196 = arith.constant 0 : i32
      %dma_start3A_197 = tpu.memref_slice %arg8[%run_scoped3A_12, %dma_start3A_195, %dma_start3A_196] : memref<2x128x64xf32, #tpu.memory_space<vmem>> -> memref<1x128x64xf32, #tpu.memory_space<vmem>>
      %dma_start3A_198 = tpu.memref_squeeze %dma_start3A_197 : memref<1x128x64xf32, #tpu.memory_space<vmem>> -> memref<128x64xf32, #tpu.memory_space<vmem>>
      %dma_start3A_199 = arith.constant 0 : i32
      %dma_start3A_200 = tpu.memref_slice %arg9[%add3A_11, %dma_start3A_199] : memref<10240x64xf32, #tpu.memory_space<vmem_shared>> -> memref<128x64xf32, #tpu.memory_space<vmem_shared>>
      %dma_start3A_201 = arith.constant 0 : i32
      %dma_start3A_202 = tpu.memref_slice %arg9[%add3A_11, %dma_start3A_201] : memref<10240x64xf32, #tpu.memory_space<vmem_shared>> -> memref<128x64xf32, #tpu.memory_space<vmem_shared>>
      %dma_start3A_203 = arith.constant 0 : i32
      %dma_start3A_204 = arith.constant 0 : i32
      %dma_start3A_205 = tpu.memref_slice %arg8[%run_scoped3A_12, %dma_start3A_203, %dma_start3A_204] : memref<2x128x64xf32, #tpu.memory_space<vmem>> -> memref<1x128x64xf32, #tpu.memory_space<vmem>>
      %dma_start3A_206 = tpu.memref_squeeze %dma_start3A_205 : memref<1x128x64xf32, #tpu.memory_space<vmem>> -> memref<128x64xf32, #tpu.memory_space<vmem>>
      tpu.enqueue_dma source(%dma_start3A_206 : memref<128x64xf32, #tpu.memory_space<vmem>>) target(%dma_start3A_202 : memref<128x64xf32, #tpu.memory_space<vmem_shared>>) target_semaphore(%run_scoped3A_194 : memref<!tpu.dma_semaphore, #tpu.memory_space<semaphore_mem>>)
      %dma_wait3A_207 = arith.constant 0 : i32
      %dma_wait3A_208 = arith.constant 0 : i32
      %dma_wait3A_209 = tpu.memref_slice %arg8[%run_scoped3A_12, %dma_wait3A_207, %dma_wait3A_208] : memref<2x128x64xf32, #tpu.memory_space<vmem>> -> memref<1x128x64xf32, #tpu.memory_space<vmem>>
      %dma_wait3A_210 = tpu.memref_squeeze %dma_wait3A_209 : memref<1x128x64xf32, #tpu.memory_space<vmem>> -> memref<128x64xf32, #tpu.memory_space<vmem>>
      %dma_wait3A_211 = arith.constant 0 : i32
      %dma_wait3A_212 = tpu.memref_slice %arg9[%add3A_11, %dma_wait3A_211] : memref<10240x64xf32, #tpu.memory_space<vmem_shared>> -> memref<128x64xf32, #tpu.memory_space<vmem_shared>>
      %dma_wait3A_213 = arith.constant 0 : i32
      %dma_wait3A_214 = tpu.memref_slice %arg9[%add3A_11, %dma_wait3A_213] : memref<10240x64xf32, #tpu.memory_space<vmem_shared>> -> memref<128x64xf32, #tpu.memory_space<vmem_shared>>
      %dma_wait3A_215 = arith.constant 0 : i32
      %dma_wait3A_216 = arith.constant 0 : i32
      %dma_wait3A_217 = tpu.memref_slice %arg8[%run_scoped3A_12, %dma_wait3A_215, %dma_wait3A_216] : memref<2x128x64xf32, #tpu.memory_space<vmem>> -> memref<1x128x64xf32, #tpu.memory_space<vmem>>
      %dma_wait3A_218 = tpu.memref_squeeze %dma_wait3A_217 : memref<1x128x64xf32, #tpu.memory_space<vmem>> -> memref<128x64xf32, #tpu.memory_space<vmem>>
      tpu.wait_dma2 semaphore(%run_scoped3A_194 : memref<!tpu.dma_semaphore, #tpu.memory_space<semaphore_mem>>) src(%dma_wait3A_218 : memref<128x64xf32, #tpu.memory_space<vmem>>) dst(%dma_wait3A_214 : memref<128x64xf32, #tpu.memory_space<vmem_shared>>)
      tpu.yield
    }) : () -> ()
    %mul3A_13 = arith.constant 640 : i32
    %mul3A_14 = arith.muli %arg1, %mul3A_13 : i32
    %add3A_15 = arith.constant 256 : i32
    %add3A_16 = arith.addi %mul3A_14, %add3A_15 : i32
    %run_scoped3A_17 = arith.constant 0 : i32
    "tpu.region"() ({
      %run_scoped3A_194 = tpu.sem_alloc : memref<!tpu.dma_semaphore, #tpu.memory_space<semaphore_mem>>
      %dma_start3A_195 = arith.constant 0 : i32
      %dma_start3A_196 = arith.constant 0 : i32
      %dma_start3A_197 = tpu.memref_slice %arg8[%run_scoped3A_17, %dma_start3A_195, %dma_start3A_196] : memref<2x128x64xf32, #tpu.memory_space<vmem>> -> memref<1x128x64xf32, #tpu.memory_space<vmem>>
      %dma_start3A_198 = tpu.memref_squeeze %dma_start3A_197 : memref<1x128x64xf32, #tpu.memory_space<vmem>> -> memref<128x64xf32, #tpu.memory_space<vmem>>
      %dma_start3A_199 = arith.constant 0 : i32
      %dma_start3A_200 = tpu.memref_slice %arg9[%add3A_16, %dma_start3A_199] : memref<10240x64xf32, #tpu.memory_space<vmem_shared>> -> memref<128x64xf32, #tpu.memory_space<vmem_shared>>
      %dma_start3A_201 = arith.constant 0 : i32
      %dma_start3A_202 = tpu.memref_slice %arg9[%add3A_16, %dma_start3A_201] : memref<10240x64xf32, #tpu.memory_space<vmem_shared>> -> memref<128x64xf32, #tpu.memory_space<vmem_shared>>
      %dma_start3A_203 = arith.constant 0 : i32
      %dma_start3A_204 = arith.constant 0 : i32
      %dma_start3A_205 = tpu.memref_slice %arg8[%run_scoped3A_17, %dma_start3A_203, %dma_start3A_204] : memref<2x128x64xf32, #tpu.memory_space<vmem>> -> memref<1x128x64xf32, #tpu.memory_space<vmem>>
      %dma_start3A_206 = tpu.memref_squeeze %dma_start3A_205 : memref<1x128x64xf32, #tpu.memory_space<vmem>> -> memref<128x64xf32, #tpu.memory_space<vmem>>
      tpu.enqueue_dma source(%dma_start3A_206 : memref<128x64xf32, #tpu.memory_space<vmem>>) target(%dma_start3A_202 : memref<128x64xf32, #tpu.memory_space<vmem_shared>>) target_semaphore(%run_scoped3A_194 : memref<!tpu.dma_semaphore, #tpu.memory_space<semaphore_mem>>)
      %dma_wait3A_207 = arith.constant 0 : i32
      %dma_wait3A_208 = arith.constant 0 : i32
      %dma_wait3A_209 = tpu.memref_slice %arg8[%run_scoped3A_17, %dma_wait3A_207, %dma_wait3A_208] : memref<2x128x64xf32, #tpu.memory_space<vmem>> -> memref<1x128x64xf32, #tpu.memory_space<vmem>>
      %dma_wait3A_210 = tpu.memref_squeeze %dma_wait3A_209 : memref<1x128x64xf32, #tpu.memory_space<vmem>> -> memref<128x64xf32, #tpu.memory_space<vmem>>
      %dma_wait3A_211 = arith.constant 0 : i32
      %dma_wait3A_212 = tpu.memref_slice %arg9[%add3A_16, %dma_wait3A_211] : memref<10240x64xf32, #tpu.memory_space<vmem_shared>> -> memref<128x64xf32, #tpu.memory_space<vmem_shared>>
      %dma_wait3A_213 = arith.constant 0 : i32
      %dma_wait3A_214 = tpu.memref_slice %arg9[%add3A_16, %dma_wait3A_213] : memref<10240x64xf32, #tpu.memory_space<vmem_shared>> -> memref<128x64xf32, #tpu.memory_space<vmem_shared>>
      %dma_wait3A_215 = arith.constant 0 : i32
      %dma_wait3A_216 = arith.constant 0 : i32
      %dma_wait3A_217 = tpu.memref_slice %arg8[%run_scoped3A_17, %dma_wait3A_215, %dma_wait3A_216] : memref<2x128x64xf32, #tpu.memory_space<vmem>> -> memref<1x128x64xf32, #tpu.memory_space<vmem>>
      %dma_wait3A_218 = tpu.memref_squeeze %dma_wait3A_217 : memref<1x128x64xf32, #tpu.memory_space<vmem>> -> memref<128x64xf32, #tpu.memory_space<vmem>>
      tpu.wait_dma2 semaphore(%run_scoped3A_194 : memref<!tpu.dma_semaphore, #tpu.memory_space<semaphore_mem>>) src(%dma_wait3A_218 : memref<128x64xf32, #tpu.memory_space<vmem>>) dst(%dma_wait3A_214 : memref<128x64xf32, #tpu.memory_space<vmem_shared>>)
      tpu.yield
    }) : () -> ()
    %mul3A_18 = arith.constant 640 : i32
    %mul3A_19 = arith.muli %arg1, %mul3A_18 : i32
    %add3A_20 = arith.constant 384 : i32
    %add3A_21 = arith.addi %mul3A_19, %add3A_20 : i32
    %run_scoped3A_22 = arith.constant 0 : i32
    "tpu.region"() ({
      %run_scoped3A_194 = tpu.sem_alloc : memref<!tpu.dma_semaphore, #tpu.memory_space<semaphore_mem>>
      %dma_start3A_195 = arith.constant 0 : i32
      %dma_start3A_196 = arith.constant 0 : i32
      %dma_start3A_197 = tpu.memref_slice %arg8[%run_scoped3A_22, %dma_start3A_195, %dma_start3A_196] : memref<2x128x64xf32, #tpu.memory_space<vmem>> -> memref<1x128x64xf32, #tpu.memory_space<vmem>>
      %dma_start3A_198 = tpu.memref_squeeze %dma_start3A_197 : memref<1x128x64xf32, #tpu.memory_space<vmem>> -> memref<128x64xf32, #tpu.memory_space<vmem>>
      %dma_start3A_199 = arith.constant 0 : i32
      %dma_start3A_200 = tpu.memref_slice %arg9[%add3A_21, %dma_start3A_199] : memref<10240x64xf32, #tpu.memory_space<vmem_shared>> -> memref<128x64xf32, #tpu.memory_space<vmem_shared>>
      %dma_start3A_201 = arith.constant 0 : i32
      %dma_start3A_202 = tpu.memref_slice %arg9[%add3A_21, %dma_start3A_201] : memref<10240x64xf32, #tpu.memory_space<vmem_shared>> -> memref<128x64xf32, #tpu.memory_space<vmem_shared>>
      %dma_start3A_203 = arith.constant 0 : i32
      %dma_start3A_204 = arith.constant 0 : i32
      %dma_start3A_205 = tpu.memref_slice %arg8[%run_scoped3A_22, %dma_start3A_203, %dma_start3A_204] : memref<2x128x64xf32, #tpu.memory_space<vmem>> -> memref<1x128x64xf32, #tpu.memory_space<vmem>>
      %dma_start3A_206 = tpu.memref_squeeze %dma_start3A_205 : memref<1x128x64xf32, #tpu.memory_space<vmem>> -> memref<128x64xf32, #tpu.memory_space<vmem>>
      tpu.enqueue_dma source(%dma_start3A_206 : memref<128x64xf32, #tpu.memory_space<vmem>>) target(%dma_start3A_202 : memref<128x64xf32, #tpu.memory_space<vmem_shared>>) target_semaphore(%run_scoped3A_194 : memref<!tpu.dma_semaphore, #tpu.memory_space<semaphore_mem>>)
      %dma_wait3A_207 = arith.constant 0 : i32
      %dma_wait3A_208 = arith.constant 0 : i32
      %dma_wait3A_209 = tpu.memref_slice %arg8[%run_scoped3A_22, %dma_wait3A_207, %dma_wait3A_208] : memref<2x128x64xf32, #tpu.memory_space<vmem>> -> memref<1x128x64xf32, #tpu.memory_space<vmem>>
      %dma_wait3A_210 = tpu.memref_squeeze %dma_wait3A_209 : memref<1x128x64xf32, #tpu.memory_space<vmem>> -> memref<128x64xf32, #tpu.memory_space<vmem>>
      %dma_wait3A_211 = arith.constant 0 : i32
      %dma_wait3A_212 = tpu.memref_slice %arg9[%add3A_21, %dma_wait3A_211] : memref<10240x64xf32, #tpu.memory_space<vmem_shared>> -> memref<128x64xf32, #tpu.memory_space<vmem_shared>>
      %dma_wait3A_213 = arith.constant 0 : i32
      %dma_wait3A_214 = tpu.memref_slice %arg9[%add3A_21, %dma_wait3A_213] : memref<10240x64xf32, #tpu.memory_space<vmem_shared>> -> memref<128x64xf32, #tpu.memory_space<vmem_shared>>
      %dma_wait3A_215 = arith.constant 0 : i32
      %dma_wait3A_216 = arith.constant 0 : i32
      %dma_wait3A_217 = tpu.memref_slice %arg8[%run_scoped3A_22, %dma_wait3A_215, %dma_wait3A_216] : memref<2x128x64xf32, #tpu.memory_space<vmem>> -> memref<1x128x64xf32, #tpu.memory_space<vmem>>
      %dma_wait3A_218 = tpu.memref_squeeze %dma_wait3A_217 : memref<1x128x64xf32, #tpu.memory_space<vmem>> -> memref<128x64xf32, #tpu.memory_space<vmem>>
      tpu.wait_dma2 semaphore(%run_scoped3A_194 : memref<!tpu.dma_semaphore, #tpu.memory_space<semaphore_mem>>) src(%dma_wait3A_218 : memref<128x64xf32, #tpu.memory_space<vmem>>) dst(%dma_wait3A_214 : memref<128x64xf32, #tpu.memory_space<vmem_shared>>)
      tpu.yield
    }) : () -> ()
    %mul3A_23 = arith.constant 640 : i32
    %mul3A_24 = arith.muli %arg1, %mul3A_23 : i32
    %add3A_25 = arith.constant 512 : i32
    %add3A_26 = arith.addi %mul3A_24, %add3A_25 : i32
    %run_scoped3A_27 = arith.constant 0 : i32
    "tpu.region"() ({
      %run_scoped3A_194 = tpu.sem_alloc : memref<!tpu.dma_semaphore, #tpu.memory_space<semaphore_mem>>
      %dma_start3A_195 = arith.constant 0 : i32
      %dma_start3A_196 = arith.constant 0 : i32
      %dma_start3A_197 = tpu.memref_slice %arg8[%run_scoped3A_27, %dma_start3A_195, %dma_start3A_196] : memref<2x128x64xf32, #tpu.memory_space<vmem>> -> memref<1x128x64xf32, #tpu.memory_space<vmem>>
      %dma_start3A_198 = tpu.memref_squeeze %dma_start3A_197 : memref<1x128x64xf32, #tpu.memory_space<vmem>> -> memref<128x64xf32, #tpu.memory_space<vmem>>
      %dma_start3A_199 = arith.constant 0 : i32
      %dma_start3A_200 = tpu.memref_slice %arg9[%add3A_26, %dma_start3A_199] : memref<10240x64xf32, #tpu.memory_space<vmem_shared>> -> memref<128x64xf32, #tpu.memory_space<vmem_shared>>
      %dma_start3A_201 = arith.constant 0 : i32
      %dma_start3A_202 = tpu.memref_slice %arg9[%add3A_26, %dma_start3A_201] : memref<10240x64xf32, #tpu.memory_space<vmem_shared>> -> memref<128x64xf32, #tpu.memory_space<vmem_shared>>
      %dma_start3A_203 = arith.constant 0 : i32
      %dma_start3A_204 = arith.constant 0 : i32
      %dma_start3A_205 = tpu.memref_slice %arg8[%run_scoped3A_27, %dma_start3A_203, %dma_start3A_204] : memref<2x128x64xf32, #tpu.memory_space<vmem>> -> memref<1x128x64xf32, #tpu.memory_space<vmem>>
      %dma_start3A_206 = tpu.memref_squeeze %dma_start3A_205 : memref<1x128x64xf32, #tpu.memory_space<vmem>> -> memref<128x64xf32, #tpu.memory_space<vmem>>
      tpu.enqueue_dma source(%dma_start3A_206 : memref<128x64xf32, #tpu.memory_space<vmem>>) target(%dma_start3A_202 : memref<128x64xf32, #tpu.memory_space<vmem_shared>>) target_semaphore(%run_scoped3A_194 : memref<!tpu.dma_semaphore, #tpu.memory_space<semaphore_mem>>)
      %dma_wait3A_207 = arith.constant 0 : i32
      %dma_wait3A_208 = arith.constant 0 : i32
      %dma_wait3A_209 = tpu.memref_slice %arg8[%run_scoped3A_27, %dma_wait3A_207, %dma_wait3A_208] : memref<2x128x64xf32, #tpu.memory_space<vmem>> -> memref<1x128x64xf32, #tpu.memory_space<vmem>>
      %dma_wait3A_210 = tpu.memref_squeeze %dma_wait3A_209 : memref<1x128x64xf32, #tpu.memory_space<vmem>> -> memref<128x64xf32, #tpu.memory_space<vmem>>
      %dma_wait3A_211 = arith.constant 0 : i32
      %dma_wait3A_212 = tpu.memref_slice %arg9[%add3A_26, %dma_wait3A_211] : memref<10240x64xf32, #tpu.memory_space<vmem_shared>> -> memref<128x64xf32, #tpu.memory_space<vmem_shared>>
      %dma_wait3A_213 = arith.constant 0 : i32
      %dma_wait3A_214 = tpu.memref_slice %arg9[%add3A_26, %dma_wait3A_213] : memref<10240x64xf32, #tpu.memory_space<vmem_shared>> -> memref<128x64xf32, #tpu.memory_space<vmem_shared>>
      %dma_wait3A_215 = arith.constant 0 : i32
      %dma_wait3A_216 = arith.constant 0 : i32
      %dma_wait3A_217 = tpu.memref_slice %arg8[%run_scoped3A_27, %dma_wait3A_215, %dma_wait3A_216] : memref<2x128x64xf32, #tpu.memory_space<vmem>> -> memref<1x128x64xf32, #tpu.memory_space<vmem>>
      %dma_wait3A_218 = tpu.memref_squeeze %dma_wait3A_217 : memref<1x128x64xf32, #tpu.memory_space<vmem>> -> memref<128x64xf32, #tpu.memory_space<vmem>>
      tpu.wait_dma2 semaphore(%run_scoped3A_194 : memref<!tpu.dma_semaphore, #tpu.memory_space<semaphore_mem>>) src(%dma_wait3A_218 : memref<128x64xf32, #tpu.memory_space<vmem>>) dst(%dma_wait3A_214 : memref<128x64xf32, #tpu.memory_space<vmem_shared>>)
      tpu.yield
    }) : () -> ()
    %barrier3A = arith.constant 0 : index
    tpu.barrier barrier_id(%barrier3A)
    "tpu.region"() ({
      %run_scoped3A_194 = tpu.sem_alloc : memref<!tpu.dma_semaphore, #tpu.memory_space<semaphore_mem>>
      %dma_start3A_195 = arith.constant 0 : i32
      %dma_start3A_196 = arith.constant 0 : i32
      %dma_start3A_197 = tpu.memref_slice %arg3[%arg1, %dma_start3A_195, %dma_start3A_196] : memref<16x160x128xi32, #tpu.memory_space<hbm>> -> memref<1x160x128xi32, #tpu.memory_space<hbm>>
      %dma_start3A_198 = tpu.memref_squeeze %dma_start3A_197 : memref<1x160x128xi32, #tpu.memory_space<hbm>> -> memref<160x128xi32, #tpu.memory_space<hbm>>
      %dma_start3A_199 = arith.constant 0 : i32
      %dma_start3A_200 = arith.constant 0 : i32
      %dma_start3A_201 = tpu.memref_slice %arg3[%arg1, %dma_start3A_199, %dma_start3A_200] : memref<16x160x128xi32, #tpu.memory_space<hbm>> -> memref<1x160x128xi32, #tpu.memory_space<hbm>>
      %dma_start3A_202 = tpu.memref_squeeze %dma_start3A_201 : memref<1x160x128xi32, #tpu.memory_space<hbm>> -> memref<160x128xi32, #tpu.memory_space<hbm>>
      tpu.enqueue_dma source(%dma_start3A_202 : memref<160x128xi32, #tpu.memory_space<hbm>>) target(%arg5 : memref<160x128xi32, #tpu.memory_space<vmem>>) target_semaphore(%run_scoped3A_194 : memref<!tpu.dma_semaphore, #tpu.memory_space<semaphore_mem>>)
      %dma_wait3A_203 = arith.constant 0 : i32
      %dma_wait3A_204 = arith.constant 0 : i32
      %dma_wait3A_205 = tpu.memref_slice %arg3[%arg1, %dma_wait3A_203, %dma_wait3A_204] : memref<16x160x128xi32, #tpu.memory_space<hbm>> -> memref<1x160x128xi32, #tpu.memory_space<hbm>>
      %dma_wait3A_206 = tpu.memref_squeeze %dma_wait3A_205 : memref<1x160x128xi32, #tpu.memory_space<hbm>> -> memref<160x128xi32, #tpu.memory_space<hbm>>
      %dma_wait3A_207 = arith.constant 0 : i32
      %dma_wait3A_208 = arith.constant 0 : i32
      %dma_wait3A_209 = tpu.memref_slice %arg3[%arg1, %dma_wait3A_207, %dma_wait3A_208] : memref<16x160x128xi32, #tpu.memory_space<hbm>> -> memref<1x160x128xi32, #tpu.memory_space<hbm>>
      %dma_wait3A_210 = tpu.memref_squeeze %dma_wait3A_209 : memref<1x160x128xi32, #tpu.memory_space<hbm>> -> memref<160x128xi32, #tpu.memory_space<hbm>>
      tpu.wait_dma2 semaphore(%run_scoped3A_194 : memref<!tpu.dma_semaphore, #tpu.memory_space<semaphore_mem>>) src(%dma_wait3A_210 : memref<160x128xi32, #tpu.memory_space<hbm>>) dst(%arg5 : memref<160x128xi32, #tpu.memory_space<vmem>>)
      tpu.yield
    }) : () -> ()
    %scan3A_28 = arith.constant 0 : i32
    %scan3A_29 = arith.constant 0 : i32
    %scan3A_30 = arith.constant 160 : i32
    %scan3A_31 = arith.addi %scan3A_29, %scan3A_30 : i32
    %scan3A_32 = arith.constant 1 : i32
    scf.for %scan3A_194 = %scan3A_29 to %scan3A_31 step %scan3A_32  : i32 {
      %get3A = arith.index_cast %scan3A_194 : i32 to index
      %get3A_195 = arith.constant 0 : index
      %get3A_196 = tpu.vector_load %arg5[%get3A, %get3A_195] {strides = array<i32>} : memref<160x128xi32, #tpu.memory_space<vmem>>, vector<1x16xi32>,
      %get3A_197 = vector.shape_cast %get3A_196 : vector<1x16xi32> to vector<16xi32>
      %and3A = arith.constant 16383 : i32
      %and3A_198 = vector.broadcast %and3A : i32 to vector<16xi32>
      %and3A_199 = arith.andi %get3A_197, %and3A_198 : vector<16xi32>
      %shift_left3A = arith.constant 1 : i32
      %shift_left3A_200 = vector.broadcast %shift_left3A : i32 to vector<16xi32>
      %shift_left3A_201 = arith.shli %and3A_199, %shift_left3A_200 : vector<16xi32>
      %or3A = vector.broadcast %arg0 : i32 to vector<16xi32>
      %or3A_202 = arith.ori %shift_left3A_201, %or3A : vector<16xi32>
      %swap3A_203 = arith.index_cast %scan3A_194 : i32 to index
      %swap3A_204 = arith.constant 0 : index
      %swap3A_205 = tpu.vector_load %arg6[%swap3A_203, %swap3A_204] {strides = array<i32>} : memref<162x128xi32, #tpu.memory_space<vmem>>, vector<1x16xi32>,
      %swap3A_206 = vector.shape_cast %swap3A_205 : vector<1x16xi32> to vector<16xi32>
      %swap3A_207 = vector.shape_cast %or3A_202 : vector<16xi32> to vector<1x16xi32>
      tpu.vector_store %arg6[%swap3A_203, %swap3A_204], %swap3A_207 {strides = array<i32>} : memref<162x128xi32, #tpu.memory_space<vmem>>, vector<1x16xi32>,
      %shift_right_arithmetic3A = arith.constant 14 : i32
      %shift_right_arithmetic3A_208 = vector.broadcast %shift_right_arithmetic3A : i32 to vector<16xi32>
      %shift_right_arithmetic3A_209 = arith.shrsi %get3A_197, %shift_right_arithmetic3A_208 : vector<16xi32>
      %swap3A_210 = arith.index_cast %scan3A_194 : i32 to index
      %swap3A_211 = arith.constant 0 : index
      %swap3A_212 = tpu.vector_load %arg7[%swap3A_210, %swap3A_211] {strides = array<i32>} : memref<160x128xi32, #tpu.memory_space<vmem>>, vector<1x16xi32>,
      %swap3A_213 = vector.shape_cast %swap3A_212 : vector<1x16xi32> to vector<16xi32>
      %swap3A_214 = vector.shape_cast %shift_right_arithmetic3A_209 : vector<16xi32> to vector<1x16xi32>
      tpu.vector_store %arg7[%swap3A_210, %swap3A_211], %swap3A_214 {strides = array<i32>} : memref<160x128xi32, #tpu.memory_space<vmem>>, vector<1x16xi32>,
      %get3A_215 = arith.index_cast %scan3A_194 : i32 to index
      %get3A_216 = arith.constant 16 : index
      %get3A_217 = tpu.vector_load %arg5[%get3A_215, %get3A_216] {strides = array<i32>} : memref<160x128xi32, #tpu.memory_space<vmem>>, vector<1x16xi32>,
      %get3A_218 = vector.shape_cast %get3A_217 : vector<1x16xi32> to vector<16xi32>
      %and3A_219 = arith.constant 16383 : i32
      %and3A_220 = vector.broadcast %and3A_219 : i32 to vector<16xi32>
      %and3A_221 = arith.andi %get3A_218, %and3A_220 : vector<16xi32>
      %shift_left3A_222 = arith.constant 1 : i32
      %shift_left3A_223 = vector.broadcast %shift_left3A_222 : i32 to vector<16xi32>
      %shift_left3A_224 = arith.shli %and3A_221, %shift_left3A_223 : vector<16xi32>
      %or3A_225 = vector.broadcast %arg0 : i32 to vector<16xi32>
      %or3A_226 = arith.ori %shift_left3A_224, %or3A_225 : vector<16xi32>
      %swap3A_227 = arith.index_cast %scan3A_194 : i32 to index
      %swap3A_228 = arith.constant 16 : index
      %swap3A_229 = tpu.vector_load %arg6[%swap3A_227, %swap3A_228] {strides = array<i32>} : memref<162x128xi32, #tpu.memory_space<vmem>>, vector<1x16xi32>,
      %swap3A_230 = vector.shape_cast %swap3A_229 : vector<1x16xi32> to vector<16xi32>
      %swap3A_231 = vector.shape_cast %or3A_226 : vector<16xi32> to vector<1x16xi32>
      tpu.vector_store %arg6[%swap3A_227, %swap3A_228], %swap3A_231 {strides = array<i32>} : memref<162x128xi32, #tpu.memory_space<vmem>>, vector<1x16xi32>,
      %shift_right_arithmetic3A_232 = arith.constant 14 : i32
      %shift_right_arithmetic3A_233 = vector.broadcast %shift_right_arithmetic3A_232 : i32 to vector<16xi32>
      %shift_right_arithmetic3A_234 = arith.shrsi %get3A_218, %shift_right_arithmetic3A_233 : vector<16xi32>
      %swap3A_235 = arith.index_cast %scan3A_194 : i32 to index
      %swap3A_236 = arith.constant 16 : index
      %swap3A_237 = tpu.vector_load %arg7[%swap3A_235, %swap3A_236] {strides = array<i32>} : memref<160x128xi32, #tpu.memory_space<vmem>>, vector<1x16xi32>,
      %swap3A_238 = vector.shape_cast %swap3A_237 : vector<1x16xi32> to vector<16xi32>
      %swap3A_239 = vector.shape_cast %shift_right_arithmetic3A_234 : vector<16xi32> to vector<1x16xi32>
      tpu.vector_store %arg7[%swap3A_235, %swap3A_236], %swap3A_239 {strides = array<i32>} : memref<160x128xi32, #tpu.memory_space<vmem>>, vector<1x16xi32>,
      %get3A_240 = arith.index_cast %scan3A_194 : i32 to index
      %get3A_241 = arith.constant 32 : index
      %get3A_242 = tpu.vector_load %arg5[%get3A_240, %get3A_241] {strides = array<i32>} : memref<160x128xi32, #tpu.memory_space<vmem>>, vector<1x16xi32>,
      %get3A_243 = vector.shape_cast %get3A_242 : vector<1x16xi32> to vector<16xi32>
      %and3A_244 = arith.constant 16383 : i32
      %and3A_245 = vector.broadcast %and3A_244 : i32 to vector<16xi32>
      %and3A_246 = arith.andi %get3A_243, %and3A_245 : vector<16xi32>
      %shift_left3A_247 = arith.constant 1 : i32
      %shift_left3A_248 = vector.broadcast %shift_left3A_247 : i32 to vector<16xi32>
      %shift_left3A_249 = arith.shli %and3A_246, %shift_left3A_248 : vector<16xi32>
      %or3A_250 = vector.broadcast %arg0 : i32 to vector<16xi32>
      %or3A_251 = arith.ori %shift_left3A_249, %or3A_250 : vector<16xi32>
      %swap3A_252 = arith.index_cast %scan3A_194 : i32 to index
      %swap3A_253 = arith.constant 32 : index
      %swap3A_254 = tpu.vector_load %arg6[%swap3A_252, %swap3A_253] {strides = array<i32>} : memref<162x128xi32, #tpu.memory_space<vmem>>, vector<1x16xi32>,
      %swap3A_255 = vector.shape_cast %swap3A_254 : vector<1x16xi32> to vector<16xi32>
      %swap3A_256 = vector.shape_cast %or3A_251 : vector<16xi32> to vector<1x16xi32>
      tpu.vector_store %arg6[%swap3A_252, %swap3A_253], %swap3A_256 {strides = array<i32>} : memref<162x128xi32, #tpu.memory_space<vmem>>, vector<1x16xi32>,
      %shift_right_arithmetic3A_257 = arith.constant 14 : i32
      %shift_right_arithmetic3A_258 = vector.broadcast %shift_right_arithmetic3A_257 : i32 to vector<16xi32>
      %shift_right_arithmetic3A_259 = arith.shrsi %get3A_243, %shift_right_arithmetic3A_258 : vector<16xi32>
      %swap3A_260 = arith.index_cast %scan3A_194 : i32 to index
      %swap3A_261 = arith.constant 32 : index
      %swap3A_262 = tpu.vector_load %arg7[%swap3A_260, %swap3A_261] {strides = array<i32>} : memref<160x128xi32, #tpu.memory_space<vmem>>, vector<1x16xi32>,
      %swap3A_263 = vector.shape_cast %swap3A_262 : vector<1x16xi32> to vector<16xi32>
      %swap3A_264 = vector.shape_cast %shift_right_arithmetic3A_259 : vector<16xi32> to vector<1x16xi32>
      tpu.vector_store %arg7[%swap3A_260, %swap3A_261], %swap3A_264 {strides = array<i32>} : memref<160x128xi32, #tpu.memory_space<vmem>>, vector<1x16xi32>,
      %get3A_265 = arith.index_cast %scan3A_194 : i32 to index
      %get3A_266 = arith.constant 48 : index
      %get3A_267 = tpu.vector_load %arg5[%get3A_265, %get3A_266] {strides = array<i32>} : memref<160x128xi32, #tpu.memory_space<vmem>>, vector<1x16xi32>,
      %get3A_268 = vector.shape_cast %get3A_267 : vector<1x16xi32> to vector<16xi32>
      %and3A_269 = arith.constant 16383 : i32
      %and3A_270 = vector.broadcast %and3A_269 : i32 to vector<16xi32>
      %and3A_271 = arith.andi %get3A_268, %and3A_270 : vector<16xi32>
      %shift_left3A_272 = arith.constant 1 : i32
      %shift_left3A_273 = vector.broadcast %shift_left3A_272 : i32 to vector<16xi32>
      %shift_left3A_274 = arith.shli %and3A_271, %shift_left3A_273 : vector<16xi32>
      %or3A_275 = vector.broadcast %arg0 : i32 to vector<16xi32>
      %or3A_276 = arith.ori %shift_left3A_274, %or3A_275 : vector<16xi32>
      %swap3A_277 = arith.index_cast %scan3A_194 : i32 to index
      %swap3A_278 = arith.constant 48 : index
      %swap3A_279 = tpu.vector_load %arg6[%swap3A_277, %swap3A_278] {strides = array<i32>} : memref<162x128xi32, #tpu.memory_space<vmem>>, vector<1x16xi32>,
      %swap3A_280 = vector.shape_cast %swap3A_279 : vector<1x16xi32> to vector<16xi32>
      %swap3A_281 = vector.shape_cast %or3A_276 : vector<16xi32> to vector<1x16xi32>
      tpu.vector_store %arg6[%swap3A_277, %swap3A_278], %swap3A_281 {strides = array<i32>} : memref<162x128xi32, #tpu.memory_space<vmem>>, vector<1x16xi32>,
      %shift_right_arithmetic3A_282 = arith.constant 14 : i32
      %shift_right_arithmetic3A_283 = vector.broadcast %shift_right_arithmetic3A_282 : i32 to vector<16xi32>
      %shift_right_arithmetic3A_284 = arith.shrsi %get3A_268, %shift_right_arithmetic3A_283 : vector<16xi32>
      %swap3A_285 = arith.index_cast %scan3A_194 : i32 to index
      %swap3A_286 = arith.constant 48 : index
      %swap3A_287 = tpu.vector_load %arg7[%swap3A_285, %swap3A_286] {strides = array<i32>} : memref<160x128xi32, #tpu.memory_space<vmem>>, vector<1x16xi32>,
      %swap3A_288 = vector.shape_cast %swap3A_287 : vector<1x16xi32> to vector<16xi32>
      %swap3A_289 = vector.shape_cast %shift_right_arithmetic3A_284 : vector<16xi32> to vector<1x16xi32>
      tpu.vector_store %arg7[%swap3A_285, %swap3A_286], %swap3A_289 {strides = array<i32>} : memref<160x128xi32, #tpu.memory_space<vmem>>, vector<1x16xi32>,
      %get3A_290 = arith.index_cast %scan3A_194 : i32 to index
      %get3A_291 = arith.constant 64 : index
      %get3A_292 = tpu.vector_load %arg5[%get3A_290, %get3A_291] {strides = array<i32>} : memref<160x128xi32, #tpu.memory_space<vmem>>, vector<1x16xi32>,
      %get3A_293 = vector.shape_cast %get3A_292 : vector<1x16xi32> to vector<16xi32>
      %and3A_294 = arith.constant 16383 : i32
      %and3A_295 = vector.broadcast %and3A_294 : i32 to vector<16xi32>
      %and3A_296 = arith.andi %get3A_293, %and3A_295 : vector<16xi32>
      %shift_left3A_297 = arith.constant 1 : i32
      %shift_left3A_298 = vector.broadcast %shift_left3A_297 : i32 to vector<16xi32>
      %shift_left3A_299 = arith.shli %and3A_296, %shift_left3A_298 : vector<16xi32>
      %or3A_300 = vector.broadcast %arg0 : i32 to vector<16xi32>
      %or3A_301 = arith.ori %shift_left3A_299, %or3A_300 : vector<16xi32>
      %swap3A_302 = arith.index_cast %scan3A_194 : i32 to index
      %swap3A_303 = arith.constant 64 : index
      %swap3A_304 = tpu.vector_load %arg6[%swap3A_302, %swap3A_303] {strides = array<i32>} : memref<162x128xi32, #tpu.memory_space<vmem>>, vector<1x16xi32>,
      %swap3A_305 = vector.shape_cast %swap3A_304 : vector<1x16xi32> to vector<16xi32>
      %swap3A_306 = vector.shape_cast %or3A_301 : vector<16xi32> to vector<1x16xi32>
      tpu.vector_store %arg6[%swap3A_302, %swap3A_303], %swap3A_306 {strides = array<i32>} : memref<162x128xi32, #tpu.memory_space<vmem>>, vector<1x16xi32>,
      %shift_right_arithmetic3A_307 = arith.constant 14 : i32
      %shift_right_arithmetic3A_308 = vector.broadcast %shift_right_arithmetic3A_307 : i32 to vector<16xi32>
      %shift_right_arithmetic3A_309 = arith.shrsi %get3A_293, %shift_right_arithmetic3A_308 : vector<16xi32>
      %swap3A_310 = arith.index_cast %scan3A_194 : i32 to index
      %swap3A_311 = arith.constant 64 : index
      %swap3A_312 = tpu.vector_load %arg7[%swap3A_310, %swap3A_311] {strides = array<i32>} : memref<160x128xi32, #tpu.memory_space<vmem>>, vector<1x16xi32>,
      %swap3A_313 = vector.shape_cast %swap3A_312 : vector<1x16xi32> to vector<16xi32>
      %swap3A_314 = vector.shape_cast %shift_right_arithmetic3A_309 : vector<16xi32> to vector<1x16xi32>
      tpu.vector_store %arg7[%swap3A_310, %swap3A_311], %swap3A_314 {strides = array<i32>} : memref<160x128xi32, #tpu.memory_space<vmem>>, vector<1x16xi32>,
      %get3A_315 = arith.index_cast %scan3A_194 : i32 to index
      %get3A_316 = arith.constant 80 : index
      %get3A_317 = tpu.vector_load %arg5[%get3A_315, %get3A_316] {strides = array<i32>} : memref<160x128xi32, #tpu.memory_space<vmem>>, vector<1x16xi32>,
      %get3A_318 = vector.shape_cast %get3A_317 : vector<1x16xi32> to vector<16xi32>
      %and3A_319 = arith.constant 16383 : i32
      %and3A_320 = vector.broadcast %and3A_319 : i32 to vector<16xi32>
      %and3A_321 = arith.andi %get3A_318, %and3A_320 : vector<16xi32>
      %shift_left3A_322 = arith.constant 1 : i32
      %shift_left3A_323 = vector.broadcast %shift_left3A_322 : i32 to vector<16xi32>
      %shift_left3A_324 = arith.shli %and3A_321, %shift_left3A_323 : vector<16xi32>
      %or3A_325 = vector.broadcast %arg0 : i32 to vector<16xi32>
      %or3A_326 = arith.ori %shift_left3A_324, %or3A_325 : vector<16xi32>
      %swap3A_327 = arith.index_cast %scan3A_194 : i32 to index
      %swap3A_328 = arith.constant 80 : index
      %swap3A_329 = tpu.vector_load %arg6[%swap3A_327, %swap3A_328] {strides = array<i32>} : memref<162x128xi32, #tpu.memory_space<vmem>>, vector<1x16xi32>,
      %swap3A_330 = vector.shape_cast %swap3A_329 : vector<1x16xi32> to vector<16xi32>
      %swap3A_331 = vector.shape_cast %or3A_326 : vector<16xi32> to vector<1x16xi32>
      tpu.vector_store %arg6[%swap3A_327, %swap3A_328], %swap3A_331 {strides = array<i32>} : memref<162x128xi32, #tpu.memory_space<vmem>>, vector<1x16xi32>,
      %shift_right_arithmetic3A_332 = arith.constant 14 : i32
      %shift_right_arithmetic3A_333 = vector.broadcast %shift_right_arithmetic3A_332 : i32 to vector<16xi32>
      %shift_right_arithmetic3A_334 = arith.shrsi %get3A_318, %shift_right_arithmetic3A_333 : vector<16xi32>
      %swap3A_335 = arith.index_cast %scan3A_194 : i32 to index
      %swap3A_336 = arith.constant 80 : index
      %swap3A_337 = tpu.vector_load %arg7[%swap3A_335, %swap3A_336] {strides = array<i32>} : memref<160x128xi32, #tpu.memory_space<vmem>>, vector<1x16xi32>,
      %swap3A_338 = vector.shape_cast %swap3A_337 : vector<1x16xi32> to vector<16xi32>
      %swap3A_339 = vector.shape_cast %shift_right_arithmetic3A_334 : vector<16xi32> to vector<1x16xi32>
      tpu.vector_store %arg7[%swap3A_335, %swap3A_336], %swap3A_339 {strides = array<i32>} : memref<160x128xi32, #tpu.memory_space<vmem>>, vector<1x16xi32>,
      %get3A_340 = arith.index_cast %scan3A_194 : i32 to index
      %get3A_341 = arith.constant 96 : index
      %get3A_342 = tpu.vector_load %arg5[%get3A_340, %get3A_341] {strides = array<i32>} : memref<160x128xi32, #tpu.memory_space<vmem>>, vector<1x16xi32>,
      %get3A_343 = vector.shape_cast %get3A_342 : vector<1x16xi32> to vector<16xi32>
      %and3A_344 = arith.constant 16383 : i32
      %and3A_345 = vector.broadcast %and3A_344 : i32 to vector<16xi32>
      %and3A_346 = arith.andi %get3A_343, %and3A_345 : vector<16xi32>
      %shift_left3A_347 = arith.constant 1 : i32
      %shift_left3A_348 = vector.broadcast %shift_left3A_347 : i32 to vector<16xi32>
      %shift_left3A_349 = arith.shli %and3A_346, %shift_left3A_348 : vector<16xi32>
      %or3A_350 = vector.broadcast %arg0 : i32 to vector<16xi32>
      %or3A_351 = arith.ori %shift_left3A_349, %or3A_350 : vector<16xi32>
      %swap3A_352 = arith.index_cast %scan3A_194 : i32 to index
      %swap3A_353 = arith.constant 96 : index
      %swap3A_354 = tpu.vector_load %arg6[%swap3A_352, %swap3A_353] {strides = array<i32>} : memref<162x128xi32, #tpu.memory_space<vmem>>, vector<1x16xi32>,
      %swap3A_355 = vector.shape_cast %swap3A_354 : vector<1x16xi32> to vector<16xi32>
      %swap3A_356 = vector.shape_cast %or3A_351 : vector<16xi32> to vector<1x16xi32>
      tpu.vector_store %arg6[%swap3A_352, %swap3A_353], %swap3A_356 {strides = array<i32>} : memref<162x128xi32, #tpu.memory_space<vmem>>, vector<1x16xi32>,
      %shift_right_arithmetic3A_357 = arith.constant 14 : i32
      %shift_right_arithmetic3A_358 = vector.broadcast %shift_right_arithmetic3A_357 : i32 to vector<16xi32>
      %shift_right_arithmetic3A_359 = arith.shrsi %get3A_343, %shift_right_arithmetic3A_358 : vector<16xi32>
      %swap3A_360 = arith.index_cast %scan3A_194 : i32 to index
      %swap3A_361 = arith.constant 96 : index
      %swap3A_362 = tpu.vector_load %arg7[%swap3A_360, %swap3A_361] {strides = array<i32>} : memref<160x128xi32, #tpu.memory_space<vmem>>, vector<1x16xi32>,
      %swap3A_363 = vector.shape_cast %swap3A_362 : vector<1x16xi32> to vector<16xi32>
      %swap3A_364 = vector.shape_cast %shift_right_arithmetic3A_359 : vector<16xi32> to vector<1x16xi32>
      tpu.vector_store %arg7[%swap3A_360, %swap3A_361], %swap3A_364 {strides = array<i32>} : memref<160x128xi32, #tpu.memory_space<vmem>>, vector<1x16xi32>,
      %get3A_365 = arith.index_cast %scan3A_194 : i32 to index
      %get3A_366 = arith.constant 112 : index
      %get3A_367 = tpu.vector_load %arg5[%get3A_365, %get3A_366] {strides = array<i32>} : memref<160x128xi32, #tpu.memory_space<vmem>>, vector<1x16xi32>,
      %get3A_368 = vector.shape_cast %get3A_367 : vector<1x16xi32> to vector<16xi32>
      %and3A_369 = arith.constant 16383 : i32
      %and3A_370 = vector.broadcast %and3A_369 : i32 to vector<16xi32>
      %and3A_371 = arith.andi %get3A_368, %and3A_370 : vector<16xi32>
      %shift_left3A_372 = arith.constant 1 : i32
      %shift_left3A_373 = vector.broadcast %shift_left3A_372 : i32 to vector<16xi32>
      %shift_left3A_374 = arith.shli %and3A_371, %shift_left3A_373 : vector<16xi32>
      %or3A_375 = vector.broadcast %arg0 : i32 to vector<16xi32>
      %or3A_376 = arith.ori %shift_left3A_374, %or3A_375 : vector<16xi32>
      %swap3A_377 = arith.index_cast %scan3A_194 : i32 to index
      %swap3A_378 = arith.constant 112 : index
      %swap3A_379 = tpu.vector_load %arg6[%swap3A_377, %swap3A_378] {strides = array<i32>} : memref<162x128xi32, #tpu.memory_space<vmem>>, vector<1x16xi32>,
      %swap3A_380 = vector.shape_cast %swap3A_379 : vector<1x16xi32> to vector<16xi32>
      %swap3A_381 = vector.shape_cast %or3A_376 : vector<16xi32> to vector<1x16xi32>
      tpu.vector_store %arg6[%swap3A_377, %swap3A_378], %swap3A_381 {strides = array<i32>} : memref<162x128xi32, #tpu.memory_space<vmem>>, vector<1x16xi32>,
      %shift_right_arithmetic3A_382 = arith.constant 14 : i32
      %shift_right_arithmetic3A_383 = vector.broadcast %shift_right_arithmetic3A_382 : i32 to vector<16xi32>
      %shift_right_arithmetic3A_384 = arith.shrsi %get3A_368, %shift_right_arithmetic3A_383 : vector<16xi32>
      %swap3A_385 = arith.index_cast %scan3A_194 : i32 to index
      %swap3A_386 = arith.constant 112 : index
      %swap3A_387 = tpu.vector_load %arg7[%swap3A_385, %swap3A_386] {strides = array<i32>} : memref<160x128xi32, #tpu.memory_space<vmem>>, vector<1x16xi32>,
      %swap3A_388 = vector.shape_cast %swap3A_387 : vector<1x16xi32> to vector<16xi32>
      %swap3A_389 = vector.shape_cast %shift_right_arithmetic3A_384 : vector<16xi32> to vector<1x16xi32>
      tpu.vector_store %arg7[%swap3A_385, %swap3A_386], %swap3A_389 {strides = array<i32>} : memref<160x128xi32, #tpu.memory_space<vmem>>, vector<1x16xi32>,
    }
    %scan3A_33 = arith.constant 160 : i32
    %broadcast_in_dim3A_34 = arith.constant 0 : i32
    %broadcast_in_dim3A_35 = vector.broadcast %broadcast_in_dim3A_34 : i32 to vector<16xi32>
    %swap3A = arith.constant 160 : i32
    %swap3A_36 = arith.index_cast %swap3A : i32 to index
    %swap3A_37 = arith.constant 0 : index
    %swap3A_38 = tpu.vector_load %arg6[%swap3A_36, %swap3A_37] {strides = array<i32>} : memref<162x128xi32, #tpu.memory_space<vmem>>, vector<1x16xi32>,
    %swap3A_39 = vector.shape_cast %swap3A_38 : vector<1x16xi32> to vector<16xi32>
    %swap3A_40 = vector.shape_cast %broadcast_in_dim3A_35 : vector<16xi32> to vector<1x16xi32>
    tpu.vector_store %arg6[%swap3A_36, %swap3A_37], %swap3A_40 {strides = array<i32>} : memref<162x128xi32, #tpu.memory_space<vmem>>, vector<1x16xi32>,
    %broadcast_in_dim3A_41 = arith.constant 0 : i32
    %broadcast_in_dim3A_42 = vector.broadcast %broadcast_in_dim3A_41 : i32 to vector<16xi32>
    %swap3A_43 = arith.constant 160 : i32
    %swap3A_44 = arith.index_cast %swap3A_43 : i32 to index
    %swap3A_45 = arith.constant 16 : index
    %swap3A_46 = tpu.vector_load %arg6[%swap3A_44, %swap3A_45] {strides = array<i32>} : memref<162x128xi32, #tpu.memory_space<vmem>>, vector<1x16xi32>,
    %swap3A_47 = vector.shape_cast %swap3A_46 : vector<1x16xi32> to vector<16xi32>
    %swap3A_48 = vector.shape_cast %broadcast_in_dim3A_42 : vector<16xi32> to vector<1x16xi32>
    tpu.vector_store %arg6[%swap3A_44, %swap3A_45], %swap3A_48 {strides = array<i32>} : memref<162x128xi32, #tpu.memory_space<vmem>>, vector<1x16xi32>,
    %broadcast_in_dim3A_49 = arith.constant 0 : i32
    %broadcast_in_dim3A_50 = vector.broadcast %broadcast_in_dim3A_49 : i32 to vector<16xi32>
    %swap3A_51 = arith.constant 160 : i32
    %swap3A_52 = arith.index_cast %swap3A_51 : i32 to index
    %swap3A_53 = arith.constant 32 : index
    %swap3A_54 = tpu.vector_load %arg6[%swap3A_52, %swap3A_53] {strides = array<i32>} : memref<162x128xi32, #tpu.memory_space<vmem>>, vector<1x16xi32>,
    %swap3A_55 = vector.shape_cast %swap3A_54 : vector<1x16xi32> to vector<16xi32>
    %swap3A_56 = vector.shape_cast %broadcast_in_dim3A_50 : vector<16xi32> to vector<1x16xi32>
    tpu.vector_store %arg6[%swap3A_52, %swap3A_53], %swap3A_56 {strides = array<i32>} : memref<162x128xi32, #tpu.memory_space<vmem>>, vector<1x16xi32>,
    %broadcast_in_dim3A_57 = arith.constant 0 : i32
    %broadcast_in_dim3A_58 = vector.broadcast %broadcast_in_dim3A_57 : i32 to vector<16xi32>
    %swap3A_59 = arith.constant 160 : i32
    %swap3A_60 = arith.index_cast %swap3A_59 : i32 to index
    %swap3A_61 = arith.constant 48 : index
    %swap3A_62 = tpu.vector_load %arg6[%swap3A_60, %swap3A_61] {strides = array<i32>} : memref<162x128xi32, #tpu.memory_space<vmem>>, vector<1x16xi32>,
    %swap3A_63 = vector.shape_cast %swap3A_62 : vector<1x16xi32> to vector<16xi32>
    %swap3A_64 = vector.shape_cast %broadcast_in_dim3A_58 : vector<16xi32> to vector<1x16xi32>
    tpu.vector_store %arg6[%swap3A_60, %swap3A_61], %swap3A_64 {strides = array<i32>} : memref<162x128xi32, #tpu.memory_space<vmem>>, vector<1x16xi32>,
    %broadcast_in_dim3A_65 = arith.constant 0 : i32
    %broadcast_in_dim3A_66 = vector.broadcast %broadcast_in_dim3A_65 : i32 to vector<16xi32>
    %swap3A_67 = arith.constant 160 : i32
    %swap3A_68 = arith.index_cast %swap3A_67 : i32 to index
    %swap3A_69 = arith.constant 64 : index
    %swap3A_70 = tpu.vector_load %arg6[%swap3A_68, %swap3A_69] {strides = array<i32>} : memref<162x128xi32, #tpu.memory_space<vmem>>, vector<1x16xi32>,
    %swap3A_71 = vector.shape_cast %swap3A_70 : vector<1x16xi32> to vector<16xi32>
    %swap3A_72 = vector.shape_cast %broadcast_in_dim3A_66 : vector<16xi32> to vector<1x16xi32>
    tpu.vector_store %arg6[%swap3A_68, %swap3A_69], %swap3A_72 {strides = array<i32>} : memref<162x128xi32, #tpu.memory_space<vmem>>, vector<1x16xi32>,
    %broadcast_in_dim3A_73 = arith.constant 0 : i32
    %broadcast_in_dim3A_74 = vector.broadcast %broadcast_in_dim3A_73 : i32 to vector<16xi32>
    %swap3A_75 = arith.constant 160 : i32
    %swap3A_76 = arith.index_cast %swap3A_75 : i32 to index
    %swap3A_77 = arith.constant 80 : index
    %swap3A_78 = tpu.vector_load %arg6[%swap3A_76, %swap3A_77] {strides = array<i32>} : memref<162x128xi32, #tpu.memory_space<vmem>>, vector<1x16xi32>,
    %swap3A_79 = vector.shape_cast %swap3A_78 : vector<1x16xi32> to vector<16xi32>
    %swap3A_80 = vector.shape_cast %broadcast_in_dim3A_74 : vector<16xi32> to vector<1x16xi32>
    tpu.vector_store %arg6[%swap3A_76, %swap3A_77], %swap3A_80 {strides = array<i32>} : memref<162x128xi32, #tpu.memory_space<vmem>>, vector<1x16xi32>,
    %broadcast_in_dim3A_81 = arith.constant 0 : i32
    %broadcast_in_dim3A_82 = vector.broadcast %broadcast_in_dim3A_81 : i32 to vector<16xi32>
    %swap3A_83 = arith.constant 160 : i32
    %swap3A_84 = arith.index_cast %swap3A_83 : i32 to index
    %swap3A_85 = arith.constant 96 : index
    %swap3A_86 = tpu.vector_load %arg6[%swap3A_84, %swap3A_85] {strides = array<i32>} : memref<162x128xi32, #tpu.memory_space<vmem>>, vector<1x16xi32>,
    %swap3A_87 = vector.shape_cast %swap3A_86 : vector<1x16xi32> to vector<16xi32>
    %swap3A_88 = vector.shape_cast %broadcast_in_dim3A_82 : vector<16xi32> to vector<1x16xi32>
    tpu.vector_store %arg6[%swap3A_84, %swap3A_85], %swap3A_88 {strides = array<i32>} : memref<162x128xi32, #tpu.memory_space<vmem>>, vector<1x16xi32>,
    %broadcast_in_dim3A_89 = arith.constant 0 : i32
    %broadcast_in_dim3A_90 = vector.broadcast %broadcast_in_dim3A_89 : i32 to vector<16xi32>
    %swap3A_91 = arith.constant 160 : i32
    %swap3A_92 = arith.index_cast %swap3A_91 : i32 to index
    %swap3A_93 = arith.constant 112 : index
    %swap3A_94 = tpu.vector_load %arg6[%swap3A_92, %swap3A_93] {strides = array<i32>} : memref<162x128xi32, #tpu.memory_space<vmem>>, vector<1x16xi32>,
    %swap3A_95 = vector.shape_cast %swap3A_94 : vector<1x16xi32> to vector<16xi32>
    %swap3A_96 = vector.shape_cast %broadcast_in_dim3A_90 : vector<16xi32> to vector<1x16xi32>
    tpu.vector_store %arg6[%swap3A_92, %swap3A_93], %swap3A_96 {strides = array<i32>} : memref<162x128xi32, #tpu.memory_space<vmem>>, vector<1x16xi32>,
    %broadcast_in_dim3A_97 = arith.constant 0 : i32
    %broadcast_in_dim3A_98 = vector.broadcast %broadcast_in_dim3A_97 : i32 to vector<16xi32>
    %swap3A_99 = arith.constant 161 : i32
    %swap3A_100 = arith.index_cast %swap3A_99 : i32 to index
    %swap3A_101 = arith.constant 0 : index
    %swap3A_102 = tpu.vector_load %arg6[%swap3A_100, %swap3A_101] {strides = array<i32>} : memref<162x128xi32, #tpu.memory_space<vmem>>, vector<1x16xi32>,
    %swap3A_103 = vector.shape_cast %swap3A_102 : vector<1x16xi32> to vector<16xi32>
    %swap3A_104 = vector.shape_cast %broadcast_in_dim3A_98 : vector<16xi32> to vector<1x16xi32>
    tpu.vector_store %arg6[%swap3A_100, %swap3A_101], %swap3A_104 {strides = array<i32>} : memref<162x128xi32, #tpu.memory_space<vmem>>, vector<1x16xi32>,
    %broadcast_in_dim3A_105 = arith.constant 0 : i32
    %broadcast_in_dim3A_106 = vector.broadcast %broadcast_in_dim3A_105 : i32 to vector<16xi32>
    %swap3A_107 = arith.constant 161 : i32
    %swap3A_108 = arith.index_cast %swap3A_107 : i32 to index
    %swap3A_109 = arith.constant 16 : index
    %swap3A_110 = tpu.vector_load %arg6[%swap3A_108, %swap3A_109] {strides = array<i32>} : memref<162x128xi32, #tpu.memory_space<vmem>>, vector<1x16xi32>,
    %swap3A_111 = vector.shape_cast %swap3A_110 : vector<1x16xi32> to vector<16xi32>
    %swap3A_112 = vector.shape_cast %broadcast_in_dim3A_106 : vector<16xi32> to vector<1x16xi32>
    tpu.vector_store %arg6[%swap3A_108, %swap3A_109], %swap3A_112 {strides = array<i32>} : memref<162x128xi32, #tpu.memory_space<vmem>>, vector<1x16xi32>,
    %broadcast_in_dim3A_113 = arith.constant 0 : i32
    %broadcast_in_dim3A_114 = vector.broadcast %broadcast_in_dim3A_113 : i32 to vector<16xi32>
    %swap3A_115 = arith.constant 161 : i32
    %swap3A_116 = arith.index_cast %swap3A_115 : i32 to index
    %swap3A_117 = arith.constant 32 : index
    %swap3A_118 = tpu.vector_load %arg6[%swap3A_116, %swap3A_117] {strides = array<i32>} : memref<162x128xi32, #tpu.memory_space<vmem>>, vector<1x16xi32>,
    %swap3A_119 = vector.shape_cast %swap3A_118 : vector<1x16xi32> to vector<16xi32>
    %swap3A_120 = vector.shape_cast %broadcast_in_dim3A_114 : vector<16xi32> to vector<1x16xi32>
    tpu.vector_store %arg6[%swap3A_116, %swap3A_117], %swap3A_120 {strides = array<i32>} : memref<162x128xi32, #tpu.memory_space<vmem>>, vector<1x16xi32>,
    %broadcast_in_dim3A_121 = arith.constant 0 : i32
    %broadcast_in_dim3A_122 = vector.broadcast %broadcast_in_dim3A_121 : i32 to vector<16xi32>
    %swap3A_123 = arith.constant 161 : i32
    %swap3A_124 = arith.index_cast %swap3A_123 : i32 to index
    %swap3A_125 = arith.constant 48 : index
    %swap3A_126 = tpu.vector_load %arg6[%swap3A_124, %swap3A_125] {strides = array<i32>} : memref<162x128xi32, #tpu.memory_space<vmem>>, vector<1x16xi32>,
    %swap3A_127 = vector.shape_cast %swap3A_126 : vector<1x16xi32> to vector<16xi32>
    %swap3A_128 = vector.shape_cast %broadcast_in_dim3A_122 : vector<16xi32> to vector<1x16xi32>
    tpu.vector_store %arg6[%swap3A_124, %swap3A_125], %swap3A_128 {strides = array<i32>} : memref<162x128xi32, #tpu.memory_space<vmem>>, vector<1x16xi32>,
    %broadcast_in_dim3A_129 = arith.constant 0 : i32
    %broadcast_in_dim3A_130 = vector.broadcast %broadcast_in_dim3A_129 : i32 to vector<16xi32>
    %swap3A_131 = arith.constant 161 : i32
    %swap3A_132 = arith.index_cast %swap3A_131 : i32 to index
    %swap3A_133 = arith.constant 64 : index
    %swap3A_134 = tpu.vector_load %arg6[%swap3A_132, %swap3A_133] {strides = array<i32>} : memref<162x128xi32, #tpu.memory_space<vmem>>, vector<1x16xi32>,
    %swap3A_135 = vector.shape_cast %swap3A_134 : vector<1x16xi32> to vector<16xi32>
    %swap3A_136 = vector.shape_cast %broadcast_in_dim3A_130 : vector<16xi32> to vector<1x16xi32>
    tpu.vector_store %arg6[%swap3A_132, %swap3A_133], %swap3A_136 {strides = array<i32>} : memref<162x128xi32, #tpu.memory_space<vmem>>, vector<1x16xi32>,
    %broadcast_in_dim3A_137 = arith.constant 0 : i32
    %broadcast_in_dim3A_138 = vector.broadcast %broadcast_in_dim3A_137 : i32 to vector<16xi32>
    %swap3A_139 = arith.constant 161 : i32
    %swap3A_140 = arith.index_cast %swap3A_139 : i32 to index
    %swap3A_141 = arith.constant 80 : index
    %swap3A_142 = tpu.vector_load %arg6[%swap3A_140, %swap3A_141] {strides = array<i32>} : memref<162x128xi32, #tpu.memory_space<vmem>>, vector<1x16xi32>,
    %swap3A_143 = vector.shape_cast %swap3A_142 : vector<1x16xi32> to vector<16xi32>
    %swap3A_144 = vector.shape_cast %broadcast_in_dim3A_138 : vector<16xi32> to vector<1x16xi32>
    tpu.vector_store %arg6[%swap3A_140, %swap3A_141], %swap3A_144 {strides = array<i32>} : memref<162x128xi32, #tpu.memory_space<vmem>>, vector<1x16xi32>,
    %broadcast_in_dim3A_145 = arith.constant 0 : i32
    %broadcast_in_dim3A_146 = vector.broadcast %broadcast_in_dim3A_145 : i32 to vector<16xi32>
    %swap3A_147 = arith.constant 161 : i32
    %swap3A_148 = arith.index_cast %swap3A_147 : i32 to index
    %swap3A_149 = arith.constant 96 : index
    %swap3A_150 = tpu.vector_load %arg6[%swap3A_148, %swap3A_149] {strides = array<i32>} : memref<162x128xi32, #tpu.memory_space<vmem>>, vector<1x16xi32>,
    %swap3A_151 = vector.shape_cast %swap3A_150 : vector<1x16xi32> to vector<16xi32>
    %swap3A_152 = vector.shape_cast %broadcast_in_dim3A_146 : vector<16xi32> to vector<1x16xi32>
    tpu.vector_store %arg6[%swap3A_148, %swap3A_149], %swap3A_152 {strides = array<i32>} : memref<162x128xi32, #tpu.memory_space<vmem>>, vector<1x16xi32>,
    %broadcast_in_dim3A_153 = arith.constant 0 : i32
    %broadcast_in_dim3A_154 = vector.broadcast %broadcast_in_dim3A_153 : i32 to vector<16xi32>
    %swap3A_155 = arith.constant 161 : i32
    %swap3A_156 = arith.index_cast %swap3A_155 : i32 to index
    %swap3A_157 = arith.constant 112 : index
    %swap3A_158 = tpu.vector_load %arg6[%swap3A_156, %swap3A_157] {strides = array<i32>} : memref<162x128xi32, #tpu.memory_space<vmem>>, vector<1x16xi32>,
    %swap3A_159 = vector.shape_cast %swap3A_158 : vector<1x16xi32> to vector<16xi32>
    %swap3A_160 = vector.shape_cast %broadcast_in_dim3A_154 : vector<16xi32> to vector<1x16xi32>
    tpu.vector_store %arg6[%swap3A_156, %swap3A_157], %swap3A_160 {strides = array<i32>} : memref<162x128xi32, #tpu.memory_space<vmem>>, vector<1x16xi32>,
    %dma_start3A = arith.constant 0 : i32
    %dma_start3A_161 = arith.constant 0 : i32
    %dma_start3A_162 = arith.constant 0 : i32
    %dma_start3A_163 = arith.constant 0 : i32
    %dma_start3A_164 = tpu.memref_slice %arg8[%dma_start3A_161, %dma_start3A_162, %dma_start3A_163] : memref<2x128x64xf32, #tpu.memory_space<vmem>> -> memref<1x128x64xf32, #tpu.memory_space<vmem>>
    %dma_start3A_165 = tpu.memref_squeeze %dma_start3A_164 : memref<1x128x64xf32, #tpu.memory_space<vmem>> -> memref<128x64xf32, #tpu.memory_space<vmem>>
    %dma_start3A_166 = arith.constant 0 : i32
    %dma_start3A_167 = tpu.memref_slice %arg6[%dma_start3A, %dma_start3A_166] : memref<162x128xi32, #tpu.memory_space<vmem>> -> memref<1x128xi32, #tpu.memory_space<vmem>>
    %dma_start3A_168 = tpu.memref_squeeze %dma_start3A_167 : memref<1x128xi32, #tpu.memory_space<vmem>> -> memref<128xi32, #tpu.memory_space<vmem>>
    %dma_start3A_169 = arith.constant 0 : i32
    %dma_start3A_170 = arith.constant 0 : i32
    %dma_start3A_171 = tpu.memref_slice %arg2[%dma_start3A_169, %dma_start3A_170] : memref<20000x64xf32, #tpu.memory_space<hbm>> -> memref<20000x64xf32, #tpu.memory_space<hbm>>
    tpu.enqueue_indirect_dma source(%dma_start3A_171 : memref<20000x64xf32, #tpu.memory_space<hbm>>) target(%dma_start3A_165 : memref<128x64xf32, #tpu.memory_space<vmem>>) offsets(%dma_start3A_168 : memref<128xi32, #tpu.memory_space<vmem>>) semaphore(%arg10 : memref<!tpu.dma_semaphore, #tpu.memory_space<semaphore_mem>>)
    %scan3A_172 = arith.constant 0 : i32
    %scan3A_173 = arith.constant 0 : i32
    %scan3A_174 = arith.constant 80 : i32
    %scan3A_175 = arith.addi %scan3A_173, %scan3A_174 : i32
    %scan3A_176 = arith.constant 1 : i32
    scf.for %scan3A_194 = %scan3A_173 to %scan3A_175 step %scan3A_176  : i32 {
      %mul3A_195 = arith.constant 2 : i32
      %mul3A_196 = arith.muli %mul3A_195, %scan3A_194 : i32
      %add3A_197 = arith.constant 1 : i32
      %add3A_198 = arith.addi %mul3A_196, %add3A_197 : i32
      %dma_start3A_199 = arith.constant 1 : i32
      %dma_start3A_200 = arith.constant 0 : i32
      %dma_start3A_201 = arith.constant 0 : i32
      %dma_start3A_202 = tpu.memref_slice %arg8[%dma_start3A_199, %dma_start3A_200, %dma_start3A_201] : memref<2x128x64xf32, #tpu.memory_space<vmem>> -> memref<1x128x64xf32, #tpu.memory_space<vmem>>
      %dma_start3A_203 = tpu.memref_squeeze %dma_start3A_202 : memref<1x128x64xf32, #tpu.memory_space<vmem>> -> memref<128x64xf32, #tpu.memory_space<vmem>>
      %dma_start3A_204 = arith.constant 0 : i32
      %dma_start3A_205 = tpu.memref_slice %arg6[%add3A_198, %dma_start3A_204] : memref<162x128xi32, #tpu.memory_space<vmem>> -> memref<1x128xi32, #tpu.memory_space<vmem>>
      %dma_start3A_206 = tpu.memref_squeeze %dma_start3A_205 : memref<1x128xi32, #tpu.memory_space<vmem>> -> memref<128xi32, #tpu.memory_space<vmem>>
      %dma_start3A_207 = arith.constant 0 : i32
      %dma_start3A_208 = arith.constant 0 : i32
      %dma_start3A_209 = tpu.memref_slice %arg2[%dma_start3A_207, %dma_start3A_208] : memref<20000x64xf32, #tpu.memory_space<hbm>> -> memref<20000x64xf32, #tpu.memory_space<hbm>>
      tpu.enqueue_indirect_dma source(%dma_start3A_209 : memref<20000x64xf32, #tpu.memory_space<hbm>>) target(%dma_start3A_203 : memref<128x64xf32, #tpu.memory_space<vmem>>) offsets(%dma_start3A_206 : memref<128xi32, #tpu.memory_space<vmem>>) semaphore(%arg11 : memref<!tpu.dma_semaphore, #tpu.memory_space<semaphore_mem>>)
      %dma_wait3A_210 = arith.constant 0 : i32
      %dma_wait3A_211 = arith.constant 0 : i32
      %dma_wait3A_212 = arith.constant 0 : i32
      %dma_wait3A_213 = tpu.memref_slice %arg8[%dma_wait3A_210, %dma_wait3A_211, %dma_wait3A_212] : memref<2x128x64xf32, #tpu.memory_space<vmem>> -> memref<1x128x64xf32, #tpu.memory_space<vmem>>
      %dma_wait3A_214 = tpu.memref_squeeze %dma_wait3A_213 : memref<1x128x64xf32, #tpu.memory_space<vmem>> -> memref<128x64xf32, #tpu.memory_space<vmem>>
      %dma_wait3A_215 = arith.constant 0 : i32
      %dma_wait3A_216 = tpu.memref_slice %arg6[%mul3A_196, %dma_wait3A_215] : memref<162x128xi32, #tpu.memory_space<vmem>> -> memref<1x128xi32, #tpu.memory_space<vmem>>
      %dma_wait3A_217 = tpu.memref_squeeze %dma_wait3A_216 : memref<1x128xi32, #tpu.memory_space<vmem>> -> memref<128xi32, #tpu.memory_space<vmem>>
      %dma_wait3A_218 = arith.constant 0 : i32
      %dma_wait3A_219 = arith.constant 0 : i32
      %dma_wait3A_220 = tpu.memref_slice %arg2[%dma_wait3A_218, %dma_wait3A_219] : memref<20000x64xf32, #tpu.memory_space<hbm>> -> memref<20000x64xf32, #tpu.memory_space<hbm>>
      tpu.wait_indirect_dma semaphore(%arg10 : memref<!tpu.dma_semaphore, #tpu.memory_space<semaphore_mem>>) src(%dma_wait3A_220 : memref<20000x64xf32, #tpu.memory_space<hbm>>) dst(%dma_wait3A_214 : memref<128x64xf32, #tpu.memory_space<vmem>>)
      %dma_start3A_221 = arith.constant 0 : i32
      %dma_start3A_222 = arith.constant 0 : i32
      %dma_start3A_223 = arith.constant 0 : i32
      %dma_start3A_224 = tpu.memref_slice %arg8[%dma_start3A_221, %dma_start3A_222, %dma_start3A_223] : memref<2x128x64xf32, #tpu.memory_space<vmem>> -> memref<1x128x64xf32, #tpu.memory_space<vmem>>
      %dma_start3A_225 = tpu.memref_squeeze %dma_start3A_224 : memref<1x128x64xf32, #tpu.memory_space<vmem>> -> memref<128x64xf32, #tpu.memory_space<vmem>>
      %dma_start3A_226 = arith.constant 0 : i32
      %dma_start3A_227 = tpu.memref_slice %arg7[%mul3A_196, %dma_start3A_226] : memref<160x128xi32, #tpu.memory_space<vmem>> -> memref<1x128xi32, #tpu.memory_space<vmem>>
      %dma_start3A_228 = tpu.memref_squeeze %dma_start3A_227 : memref<1x128xi32, #tpu.memory_space<vmem>> -> memref<128xi32, #tpu.memory_space<vmem>>
      %dma_start3A_229 = arith.constant 0 : i32
      %dma_start3A_230 = arith.constant 0 : i32
      %dma_start3A_231 = tpu.memref_slice %arg9[%dma_start3A_229, %dma_start3A_230] : memref<10240x64xf32, #tpu.memory_space<vmem_shared>> -> memref<10240x64xf32, #tpu.memory_space<vmem_shared>>
      tpu.enqueue_indirect_dma source(%dma_start3A_225 : memref<128x64xf32, #tpu.memory_space<vmem>>) target(%dma_start3A_231 : memref<10240x64xf32, #tpu.memory_space<vmem_shared>>) offsets(%dma_start3A_228 : memref<128xi32, #tpu.memory_space<vmem>>) semaphore(%arg12 : memref<!tpu.dma_semaphore, #tpu.memory_space<semaphore_mem>>) {add = true}
      %dma_wait3A_232 = arith.constant 0 : i32
      %dma_wait3A_233 = arith.constant 0 : i32
      %dma_wait3A_234 = arith.constant 0 : i32
      %dma_wait3A_235 = tpu.memref_slice %arg8[%dma_wait3A_232, %dma_wait3A_233, %dma_wait3A_234] : memref<2x128x64xf32, #tpu.memory_space<vmem>> -> memref<1x128x64xf32, #tpu.memory_space<vmem>>
      %dma_wait3A_236 = tpu.memref_squeeze %dma_wait3A_235 : memref<1x128x64xf32, #tpu.memory_space<vmem>> -> memref<128x64xf32, #tpu.memory_space<vmem>>
      %dma_wait3A_237 = arith.constant 0 : i32
      %dma_wait3A_238 = tpu.memref_slice %arg7[%mul3A_196, %dma_wait3A_237] : memref<160x128xi32, #tpu.memory_space<vmem>> -> memref<1x128xi32, #tpu.memory_space<vmem>>
      %dma_wait3A_239 = tpu.memref_squeeze %dma_wait3A_238 : memref<1x128xi32, #tpu.memory_space<vmem>> -> memref<128xi32, #tpu.memory_space<vmem>>
      %dma_wait3A_240 = arith.constant 0 : i32
      %dma_wait3A_241 = arith.constant 0 : i32
      %dma_wait3A_242 = tpu.memref_slice %arg9[%dma_wait3A_240, %dma_wait3A_241] : memref<10240x64xf32, #tpu.memory_space<vmem_shared>> -> memref<10240x64xf32, #tpu.memory_space<vmem_shared>>
      tpu.wait_indirect_dma semaphore(%arg12 : memref<!tpu.dma_semaphore, #tpu.memory_space<semaphore_mem>>) src(%dma_wait3A_236 : memref<128x64xf32, #tpu.memory_space<vmem>>) dst(%dma_wait3A_242 : memref<10240x64xf32, #tpu.memory_space<vmem_shared>>)
      %add3A_243 = arith.constant 2 : i32
      %add3A_244 = arith.addi %mul3A_196, %add3A_243 : i32
      %dma_start3A_245 = arith.constant 0 : i32
      %dma_start3A_246 = arith.constant 0 : i32
      %dma_start3A_247 = arith.constant 0 : i32
      %dma_start3A_248 = tpu.memref_slice %arg8[%dma_start3A_245, %dma_start3A_246, %dma_start3A_247] : memref<2x128x64xf32, #tpu.memory_space<vmem>> -> memref<1x128x64xf32, #tpu.memory_space<vmem>>
      %dma_start3A_249 = tpu.memref_squeeze %dma_start3A_248 : memref<1x128x64xf32, #tpu.memory_space<vmem>> -> memref<128x64xf32, #tpu.memory_space<vmem>>
      %dma_start3A_250 = arith.constant 0 : i32
      %dma_start3A_251 = tpu.memref_slice %arg6[%add3A_244, %dma_start3A_250] : memref<162x128xi32, #tpu.memory_space<vmem>> -> memref<1x128xi32, #tpu.memory_space<vmem>>
      %dma_start3A_252 = tpu.memref_squeeze %dma_start3A_251 : memref<1x128xi32, #tpu.memory_space<vmem>> -> memref<128xi32, #tpu.memory_space<vmem>>
      %dma_start3A_253 = arith.constant 0 : i32
      %dma_start3A_254 = arith.constant 0 : i32
      %dma_start3A_255 = tpu.memref_slice %arg2[%dma_start3A_253, %dma_start3A_254] : memref<20000x64xf32, #tpu.memory_space<hbm>> -> memref<20000x64xf32, #tpu.memory_space<hbm>>
      tpu.enqueue_indirect_dma source(%dma_start3A_255 : memref<20000x64xf32, #tpu.memory_space<hbm>>) target(%dma_start3A_249 : memref<128x64xf32, #tpu.memory_space<vmem>>) offsets(%dma_start3A_252 : memref<128xi32, #tpu.memory_space<vmem>>) semaphore(%arg10 : memref<!tpu.dma_semaphore, #tpu.memory_space<semaphore_mem>>)
      %add3A_256 = arith.constant 1 : i32
      %add3A_257 = arith.addi %mul3A_196, %add3A_256 : i32
      %dma_wait3A_258 = arith.constant 1 : i32
      %dma_wait3A_259 = arith.constant 0 : i32
      %dma_wait3A_260 = arith.constant 0 : i32
      %dma_wait3A_261 = tpu.memref_slice %arg8[%dma_wait3A_258, %dma_wait3A_259, %dma_wait3A_260] : memref<2x128x64xf32, #tpu.memory_space<vmem>> -> memref<1x128x64xf32, #tpu.memory_space<vmem>>
      %dma_wait3A_262 = tpu.memref_squeeze %dma_wait3A_261 : memref<1x128x64xf32, #tpu.memory_space<vmem>> -> memref<128x64xf32, #tpu.memory_space<vmem>>
      %dma_wait3A_263 = arith.constant 0 : i32
      %dma_wait3A_264 = tpu.memref_slice %arg6[%add3A_257, %dma_wait3A_263] : memref<162x128xi32, #tpu.memory_space<vmem>> -> memref<1x128xi32, #tpu.memory_space<vmem>>
      %dma_wait3A_265 = tpu.memref_squeeze %dma_wait3A_264 : memref<1x128xi32, #tpu.memory_space<vmem>> -> memref<128xi32, #tpu.memory_space<vmem>>
      %dma_wait3A_266 = arith.constant 0 : i32
      %dma_wait3A_267 = arith.constant 0 : i32
      %dma_wait3A_268 = tpu.memref_slice %arg2[%dma_wait3A_266, %dma_wait3A_267] : memref<20000x64xf32, #tpu.memory_space<hbm>> -> memref<20000x64xf32, #tpu.memory_space<hbm>>
      tpu.wait_indirect_dma semaphore(%arg11 : memref<!tpu.dma_semaphore, #tpu.memory_space<semaphore_mem>>) src(%dma_wait3A_268 : memref<20000x64xf32, #tpu.memory_space<hbm>>) dst(%dma_wait3A_262 : memref<128x64xf32, #tpu.memory_space<vmem>>)
      %add3A_269 = arith.constant 1 : i32
      %add3A_270 = arith.addi %mul3A_196, %add3A_269 : i32
      %dma_start3A_271 = arith.constant 1 : i32
      %dma_start3A_272 = arith.constant 0 : i32
      %dma_start3A_273 = arith.constant 0 : i32
      %dma_start3A_274 = tpu.memref_slice %arg8[%dma_start3A_271, %dma_start3A_272, %dma_start3A_273] : memref<2x128x64xf32, #tpu.memory_space<vmem>> -> memref<1x128x64xf32, #tpu.memory_space<vmem>>
      %dma_start3A_275 = tpu.memref_squeeze %dma_start3A_274 : memref<1x128x64xf32, #tpu.memory_space<vmem>> -> memref<128x64xf32, #tpu.memory_space<vmem>>
      %dma_start3A_276 = arith.constant 0 : i32
      %dma_start3A_277 = tpu.memref_slice %arg7[%add3A_270, %dma_start3A_276] : memref<160x128xi32, #tpu.memory_space<vmem>> -> memref<1x128xi32, #tpu.memory_space<vmem>>
      %dma_start3A_278 = tpu.memref_squeeze %dma_start3A_277 : memref<1x128xi32, #tpu.memory_space<vmem>> -> memref<128xi32, #tpu.memory_space<vmem>>
      %dma_start3A_279 = arith.constant 0 : i32
      %dma_start3A_280 = arith.constant 0 : i32
      %dma_start3A_281 = tpu.memref_slice %arg9[%dma_start3A_279, %dma_start3A_280] : memref<10240x64xf32, #tpu.memory_space<vmem_shared>> -> memref<10240x64xf32, #tpu.memory_space<vmem_shared>>
      tpu.enqueue_indirect_dma source(%dma_start3A_275 : memref<128x64xf32, #tpu.memory_space<vmem>>) target(%dma_start3A_281 : memref<10240x64xf32, #tpu.memory_space<vmem_shared>>) offsets(%dma_start3A_278 : memref<128xi32, #tpu.memory_space<vmem>>) semaphore(%arg13 : memref<!tpu.dma_semaphore, #tpu.memory_space<semaphore_mem>>) {add = true}
      %dma_wait3A_282 = arith.constant 1 : i32
      %dma_wait3A_283 = arith.constant 0 : i32
      %dma_wait3A_284 = arith.constant 0 : i32
      %dma_wait3A_285 = tpu.memref_slice %arg8[%dma_wait3A_282, %dma_wait3A_283, %dma_wait3A_284] : memref<2x128x64xf32, #tpu.memory_space<vmem>> -> memref<1x128x64xf32, #tpu.memory_space<vmem>>
      %dma_wait3A_286 = tpu.memref_squeeze %dma_wait3A_285 : memref<1x128x64xf32, #tpu.memory_space<vmem>> -> memref<128x64xf32, #tpu.memory_space<vmem>>
      %dma_wait3A_287 = arith.constant 0 : i32
      %dma_wait3A_288 = tpu.memref_slice %arg7[%add3A_270, %dma_wait3A_287] : memref<160x128xi32, #tpu.memory_space<vmem>> -> memref<1x128xi32, #tpu.memory_space<vmem>>
      %dma_wait3A_289 = tpu.memref_squeeze %dma_wait3A_288 : memref<1x128xi32, #tpu.memory_space<vmem>> -> memref<128xi32, #tpu.memory_space<vmem>>
      %dma_wait3A_290 = arith.constant 0 : i32
      %dma_wait3A_291 = arith.constant 0 : i32
      %dma_wait3A_292 = tpu.memref_slice %arg9[%dma_wait3A_290, %dma_wait3A_291] : memref<10240x64xf32, #tpu.memory_space<vmem_shared>> -> memref<10240x64xf32, #tpu.memory_space<vmem_shared>>
      tpu.wait_indirect_dma semaphore(%arg13 : memref<!tpu.dma_semaphore, #tpu.memory_space<semaphore_mem>>) src(%dma_wait3A_286 : memref<128x64xf32, #tpu.memory_space<vmem>>) dst(%dma_wait3A_292 : memref<10240x64xf32, #tpu.memory_space<vmem_shared>>)
    }
    %scan3A_177 = arith.constant 80 : i32
    %dma_wait3A = arith.constant 0 : i32
    %dma_wait3A_178 = arith.constant 0 : i32
    %dma_wait3A_179 = arith.constant 0 : i32
    %dma_wait3A_180 = arith.constant 0 : i32
    %dma_wait3A_181 = tpu.memref_slice %arg8[%dma_wait3A_178, %dma_wait3A_179, %dma_wait3A_180] : memref<2x128x64xf32, #tpu.memory_space<vmem>> -> memref<1x128x64xf32, #tpu.memory_space<vmem>>
    %dma_wait3A_182 = tpu.memref_squeeze %dma_wait3A_181 : memref<1x128x64xf32, #tpu.memory_space<vmem>> -> memref<128x64xf32, #tpu.memory_space<vmem>>
    %dma_wait3A_183 = arith.constant 0 : i32
    %dma_wait3A_184 = tpu.memref_slice %arg6[%dma_wait3A, %dma_wait3A_183] : memref<162x128xi32, #tpu.memory_space<vmem>> -> memref<1x128xi32, #tpu.memory_space<vmem>>
    %dma_wait3A_185 = tpu.memref_squeeze %dma_wait3A_184 : memref<1x128xi32, #tpu.memory_space<vmem>> -> memref<128xi32, #tpu.memory_space<vmem>>
    %dma_wait3A_186 = arith.constant 0 : i32
    %dma_wait3A_187 = arith.constant 0 : i32
    %dma_wait3A_188 = tpu.memref_slice %arg2[%dma_wait3A_186, %dma_wait3A_187] : memref<20000x64xf32, #tpu.memory_space<hbm>> -> memref<20000x64xf32, #tpu.memory_space<hbm>>
    tpu.wait_indirect_dma semaphore(%arg10 : memref<!tpu.dma_semaphore, #tpu.memory_space<semaphore_mem>>) src(%dma_wait3A_188 : memref<20000x64xf32, #tpu.memory_space<hbm>>) dst(%dma_wait3A_182 : memref<128x64xf32, #tpu.memory_space<vmem>>)
    %barrier3A_189 = arith.constant 0 : index
    tpu.barrier barrier_id(%barrier3A_189)
    %mul3A_190 = arith.constant 640 : i32
    %mul3A_191 = arith.muli %arg1, %mul3A_190 : i32
    %mul3A_192 = arith.constant 640 : i32
    %mul3A_193 = arith.muli %arg1, %mul3A_192 : i32
    "tpu.region"() ({
      %run_scoped3A_194 = tpu.sem_alloc : memref<!tpu.dma_semaphore, #tpu.memory_space<semaphore_mem>>
      %dma_start3A_195 = arith.constant 0 : i32
      %dma_start3A_196 = tpu.memref_slice %arg4[%mul3A_193, %arg0, %dma_start3A_195] : memref<10240x2x64xf32, #tpu.memory_space<hbm>> -> memref<640x1x64xf32, #tpu.memory_space<hbm>>
      %dma_start3A_197 = tpu.memref_squeeze %dma_start3A_196 : memref<640x1x64xf32, #tpu.memory_space<hbm>> -> memref<640x64xf32, #tpu.memory_space<hbm>>
      %dma_start3A_198 = arith.constant 0 : i32
      %dma_start3A_199 = tpu.memref_slice %arg9[%mul3A_191, %dma_start3A_198] : memref<10240x64xf32, #tpu.memory_space<vmem_shared>> -> memref<640x64xf32, #tpu.memory_space<vmem_shared>>
      tpu.enqueue_dma source(%dma_start3A_199 : memref<640x64xf32, #tpu.memory_space<vmem_shared>>) target(%dma_start3A_197 : memref<640x64xf32, #tpu.memory_space<hbm>>) target_semaphore(%run_scoped3A_194 : memref<!tpu.dma_semaphore, #tpu.memory_space<semaphore_mem>>)
      %dma_wait3A_200 = arith.constant 0 : i32
      %dma_wait3A_201 = tpu.memref_slice %arg4[%mul3A_193, %arg0, %dma_wait3A_200] : memref<10240x2x64xf32, #tpu.memory_space<hbm>> -> memref<640x1x64xf32, #tpu.memory_space<hbm>>
      %dma_wait3A_202 = tpu.memref_squeeze %dma_wait3A_201 : memref<640x1x64xf32, #tpu.memory_space<hbm>> -> memref<640x64xf32, #tpu.memory_space<hbm>>
      %dma_wait3A_203 = arith.constant 0 : i32
      %dma_wait3A_204 = tpu.memref_slice %arg9[%mul3A_191, %dma_wait3A_203] : memref<10240x64xf32, #tpu.memory_space<vmem_shared>> -> memref<640x64xf32, #tpu.memory_space<vmem_shared>>
      tpu.wait_dma2 semaphore(%run_scoped3A_194 : memref<!tpu.dma_semaphore, #tpu.memory_space<semaphore_mem>>) src(%dma_wait3A_204 : memref<640x64xf32, #tpu.memory_space<vmem_shared>>) dst(%dma_wait3A_202 : memref<640x64xf32, #tpu.memory_space<hbm>>)
      tpu.yield
    }) : () -> ()
    return
  }
}

module attributes {stable_mosaic.version = 14 : i64} {
  func.func @_mm1_body(%arg0: i32, %arg1: memref<1000x2x16xf32, #tpu.memory_space<vmem>>, %arg2: memref<1000x128xf32, #tpu.memory_space<vmem>>, %arg3: memref<128x128xf32, #tpu.memory_space<vmem>>, %arg4: memref<1000x128xf32, #tpu.memory_space<vmem>>) attributes {dimension_semantics = [#tpu.dimension_semantics<arbitrary>], iteration_bounds = array<i64: 10>, scalar_prefetch = 0 : i64, scratch_operands = 0 : i64, tpu.core_type = #tpu.core_type<tc>, window_params = [{transform_indices = @transform_0, window_bounds = array<i64: 1000, 2, 16>}, {transform_indices = @transform_1, window_bounds = array<i64: 1000, 128>}, {pipeline_mode = #tpu.pipeline_mode<synchronous>, transform_indices = @transform_2, window_bounds = array<i64: 128, 128>}, {transform_indices = @transform_3, window_bounds = array<i64: 1000, 128>}]} {
    %get3A = arith.constant 0 : index
    %get3A_0 = arith.constant 0 : index
    %get3A_1 = vector.load %arg2[%get3A, %get3A_0] : memref<1000x128xf32, #tpu.memory_space<vmem>>, vector<1000x128xf32>
    %get3A_2 = arith.constant 0 : index
    %get3A_3 = arith.constant 0 : index
    %get3A_4 = vector.load %arg3[%get3A_2, %get3A_3] : memref<128x128xf32, #tpu.memory_space<vmem>>, vector<128x128xf32>
    %dot_general3A = arith.constant dense<0.000000e+00> : vector<1000x128xf32>
    %dot_general3A_5 = tpu.matmul %get3A_1, %get3A_4, %dot_general3A {dimension_numbers = #tpu.dot_dimension_numbers<[1], [0], [0], [1], [0, 0, 1, 1], [], []>, transpose_lhs_hint = false} : vector<1000x128xf32>, vector<128x128xf32>, vector<1000x128xf32> -> vector<1000x128xf32>
    %get3A_6 = arith.constant 0 : index
    %get3A_7 = arith.constant 0 : index
    %get3A_8 = arith.constant 0 : index
    %get3A_9 = vector.load %arg1[%get3A_6, %get3A_7, %get3A_8] : memref<1000x2x16xf32, #tpu.memory_space<vmem>>, vector<1000x1x1xf32>
    %get3A_10 = vector.shape_cast %get3A_9 : vector<1000x1x1xf32> to vector<1000x1xf32>
    %get3A_11 = arith.constant 0 : index
    %get3A_12 = arith.constant 1 : index
    %get3A_13 = arith.constant 0 : index
    %get3A_14 = vector.load %arg1[%get3A_11, %get3A_12, %get3A_13] : memref<1000x2x16xf32, #tpu.memory_space<vmem>>, vector<1000x1x1xf32>
    %get3A_15 = vector.shape_cast %get3A_14 : vector<1000x1x1xf32> to vector<1000x1xf32>
    %add3A = arith.addf %get3A_10, %get3A_15 : vector<1000x1xf32>
    %add3A_16 = arith.constant 1.000000e+00 : f32
    %add3A_17 = vector.broadcast %add3A_16 : f32 to vector<1000x1xf32>
    %add3A_18 = arith.addf %add3A, %add3A_17 : vector<1000x1xf32>
    %rsqrt3A = math.rsqrt %add3A_18 : vector<1000x1xf32>
    %mul3A = vector.broadcast %rsqrt3A : vector<1000x1xf32> to vector<1000x128xf32>
    %mul3A_19 = arith.mulf %dot_general3A_5, %mul3A : vector<1000x128xf32>
    %swap3A = arith.constant 0 : index
    %swap3A_20 = arith.constant 0 : index
    %swap3A_21 = vector.load %arg4[%swap3A, %swap3A_20] : memref<1000x128xf32, #tpu.memory_space<vmem>>, vector<1000x128xf32>
    tpu.vector_store %arg4[%swap3A, %swap3A_20], %mul3A_19 {strides = array<i32>} : memref<1000x128xf32, #tpu.memory_space<vmem>>, vector<1000x128xf32>,
    return
  }
  func.func @transform_0(%arg0: i32) -> (i32, i32, i32) {
    %c0_i32 = arith.constant 0 : i32
    %c0_i32_0 = arith.constant 0 : i32
    %c0_i32_1 = arith.constant 0 : i32
    return %arg0, %c0_i32, %c0_i32_0 : i32, i32, i32
  }
  func.func @transform_1(%arg0: i32) -> (i32, i32) {
    %c0_i32 = arith.constant 0 : i32
    %c0_i32_0 = arith.constant 0 : i32
    return %arg0, %c0_i32 : i32, i32
  }
  func.func @transform_2(%arg0: i32) -> (i32, i32) {
    %c0_i32 = arith.constant 0 : i32
    %c0_i32_0 = arith.constant 0 : i32
    %c0_i32_1 = arith.constant 0 : i32
    return %c0_i32, %c0_i32_0 : i32, i32
  }
  func.func @transform_3(%arg0: i32) -> (i32, i32) {
    %c0_i32 = arith.constant 0 : i32
    %c0_i32_0 = arith.constant 0 : i32
    return %arg0, %c0_i32 : i32, i32
  }
}

module attributes {stable_mosaic.version = 14 : i64} {
  func.func @_mid_body(%arg0: i32, %arg1: memref<1000x2x16xf32, #tpu.memory_space<vmem>>, %arg2: memref<1000x128xf32, #tpu.memory_space<vmem>>, %arg3: memref<1000x128xf32, #tpu.memory_space<vmem>>, %arg4: memref<1x128xf32, #tpu.memory_space<vmem>>, %arg5: memref<128x128xf32, #tpu.memory_space<vmem>>, %arg6: memref<1000x128xf32, #tpu.memory_space<vmem>>) attributes {dimension_semantics = [#tpu.dimension_semantics<arbitrary>], iteration_bounds = array<i64: 10>, scalar_prefetch = 0 : i64, scratch_operands = 0 : i64, tpu.core_type = #tpu.core_type<tc>, window_params = [{transform_indices = @transform_0, window_bounds = array<i64: 1000, 2, 16>}, {transform_indices = @transform_1, window_bounds = array<i64: 1000, 128>}, {transform_indices = @transform_2, window_bounds = array<i64: 1000, 128>}, {pipeline_mode = #tpu.pipeline_mode<synchronous>, transform_indices = @transform_3, window_bounds = array<i64: 1, 128>}, {pipeline_mode = #tpu.pipeline_mode<synchronous>, transform_indices = @transform_4, window_bounds = array<i64: 128, 128>}, {transform_indices = @transform_5, window_bounds = array<i64: 1000, 128>}]} {
    %get3A = arith.constant 0 : index
    %get3A_0 = arith.constant 0 : index
    %get3A_1 = arith.constant 0 : index
    %get3A_2 = vector.load %arg1[%get3A, %get3A_0, %get3A_1] : memref<1000x2x16xf32, #tpu.memory_space<vmem>>, vector<1000x1x1xf32>
    %get3A_3 = vector.shape_cast %get3A_2 : vector<1000x1x1xf32> to vector<1000x1xf32>
    %get3A_4 = arith.constant 0 : index
    %get3A_5 = arith.constant 1 : index
    %get3A_6 = arith.constant 0 : index
    %get3A_7 = vector.load %arg1[%get3A_4, %get3A_5, %get3A_6] : memref<1000x2x16xf32, #tpu.memory_space<vmem>>, vector<1000x1x1xf32>
    %get3A_8 = vector.shape_cast %get3A_7 : vector<1000x1x1xf32> to vector<1000x1xf32>
    %add3A = arith.addf %get3A_3, %get3A_8 : vector<1000x1xf32>
    %add3A_9 = arith.constant 1.000000e+00 : f32
    %add3A_10 = vector.broadcast %add3A_9 : f32 to vector<1000x1xf32>
    %add3A_11 = arith.addf %add3A, %add3A_10 : vector<1000x1xf32>
    %rsqrt3A = math.rsqrt %add3A_11 : vector<1000x1xf32>
    %get3A_12 = arith.constant 0 : index
    %get3A_13 = arith.constant 0 : index
    %get3A_14 = vector.load %arg2[%get3A_12, %get3A_13] : memref<1000x128xf32, #tpu.memory_space<vmem>>, vector<1000x128xf32>
    %get3A_15 = arith.constant 0 : index
    %get3A_16 = arith.constant 0 : index
    %get3A_17 = vector.load %arg3[%get3A_15, %get3A_16] : memref<1000x128xf32, #tpu.memory_space<vmem>>, vector<1000x128xf32>
    %add3A_18 = arith.addf %get3A_14, %get3A_17 : vector<1000x128xf32>
    %mul3A = vector.broadcast %rsqrt3A : vector<1000x1xf32> to vector<1000x128xf32>
    %mul3A_19 = arith.mulf %add3A_18, %mul3A : vector<1000x128xf32>
    %get3A_20 = arith.constant 0 : index
    %get3A_21 = arith.constant 0 : index
    %get3A_22 = vector.load %arg4[%get3A_20, %get3A_21] : memref<1x128xf32, #tpu.memory_space<vmem>>, vector<1x128xf32>
    %add3A_23 = vector.broadcast %get3A_22 : vector<1x128xf32> to vector<1000x128xf32>
    %add3A_24 = arith.addf %mul3A_19, %add3A_23 : vector<1000x128xf32>
    %max3A = arith.constant 0.000000e+00 : f32
    %max3A_25 = vector.broadcast %max3A : f32 to vector<1000x128xf32>
    %max3A_26 = arith.maximumf %add3A_24, %max3A_25 : vector<1000x128xf32>
    %get3A_27 = arith.constant 0 : index
    %get3A_28 = arith.constant 0 : index
    %get3A_29 = vector.load %arg5[%get3A_27, %get3A_28] : memref<128x128xf32, #tpu.memory_space<vmem>>, vector<128x128xf32>
    %dot_general3A = arith.constant dense<0.000000e+00> : vector<1000x128xf32>
    %dot_general3A_30 = tpu.matmul %max3A_26, %get3A_29, %dot_general3A {dimension_numbers = #tpu.dot_dimension_numbers<[1], [0], [0], [1], [0, 0, 1, 1], [], []>, transpose_lhs_hint = false} : vector<1000x128xf32>, vector<128x128xf32>, vector<1000x128xf32> -> vector<1000x128xf32>
    %mul3A_31 = vector.broadcast %rsqrt3A : vector<1000x1xf32> to vector<1000x128xf32>
    %mul3A_32 = arith.mulf %dot_general3A_30, %mul3A_31 : vector<1000x128xf32>
    %swap3A = arith.constant 0 : index
    %swap3A_33 = arith.constant 0 : index
    %swap3A_34 = vector.load %arg6[%swap3A, %swap3A_33] : memref<1000x128xf32, #tpu.memory_space<vmem>>, vector<1000x128xf32>
    tpu.vector_store %arg6[%swap3A, %swap3A_33], %mul3A_32 {strides = array<i32>} : memref<1000x128xf32, #tpu.memory_space<vmem>>, vector<1000x128xf32>,
    return
  }
  func.func @transform_0(%arg0: i32) -> (i32, i32, i32) {
    %c0_i32 = arith.constant 0 : i32
    %c0_i32_0 = arith.constant 0 : i32
    %c0_i32_1 = arith.constant 0 : i32
    return %arg0, %c0_i32, %c0_i32_0 : i32, i32, i32
  }
  func.func @transform_1(%arg0: i32) -> (i32, i32) {
    %c0_i32 = arith.constant 0 : i32
    %c0_i32_0 = arith.constant 0 : i32
    return %arg0, %c0_i32 : i32, i32
  }
  func.func @transform_2(%arg0: i32) -> (i32, i32) {
    %c0_i32 = arith.constant 0 : i32
    %c0_i32_0 = arith.constant 0 : i32
    return %arg0, %c0_i32 : i32, i32
  }
  func.func @transform_3(%arg0: i32) -> (i32, i32) {
    %c0_i32 = arith.constant 0 : i32
    %c0_i32_0 = arith.constant 0 : i32
    %c0_i32_1 = arith.constant 0 : i32
    return %c0_i32, %c0_i32_0 : i32, i32
  }
  func.func @transform_4(%arg0: i32) -> (i32, i32) {
    %c0_i32 = arith.constant 0 : i32
    %c0_i32_0 = arith.constant 0 : i32
    %c0_i32_1 = arith.constant 0 : i32
    return %c0_i32, %c0_i32_0 : i32, i32
  }
  func.func @transform_5(%arg0: i32) -> (i32, i32) {
    %c0_i32 = arith.constant 0 : i32
    %c0_i32_0 = arith.constant 0 : i32
    return %arg0, %c0_i32 : i32, i32
  }
}

module attributes {stable_mosaic.version = 14 : i64} {
  func.func @_fin_body(%arg0: i32, %arg1: memref<1000x2x16xf32, #tpu.memory_space<vmem>>, %arg2: memref<1000x128xf32, #tpu.memory_space<vmem>>, %arg3: memref<1000x128xf32, #tpu.memory_space<vmem>>, %arg4: memref<1x128xf32, #tpu.memory_space<vmem>>, %arg5: memref<1000x128xf32, #tpu.memory_space<vmem>>) attributes {dimension_semantics = [#tpu.dimension_semantics<arbitrary>], iteration_bounds = array<i64: 10>, scalar_prefetch = 0 : i64, scratch_operands = 0 : i64, tpu.core_type = #tpu.core_type<tc>, window_params = [{transform_indices = @transform_0, window_bounds = array<i64: 1000, 2, 16>}, {transform_indices = @transform_1, window_bounds = array<i64: 1000, 128>}, {transform_indices = @transform_2, window_bounds = array<i64: 1000, 128>}, {pipeline_mode = #tpu.pipeline_mode<synchronous>, transform_indices = @transform_3, window_bounds = array<i64: 1, 128>}, {transform_indices = @transform_4, window_bounds = array<i64: 1000, 128>}]} {
    %get3A = arith.constant 0 : index
    %get3A_0 = arith.constant 0 : index
    %get3A_1 = vector.load %arg2[%get3A, %get3A_0] : memref<1000x128xf32, #tpu.memory_space<vmem>>, vector<1000x128xf32>
    %get3A_2 = arith.constant 0 : index
    %get3A_3 = arith.constant 0 : index
    %get3A_4 = vector.load %arg3[%get3A_2, %get3A_3] : memref<1000x128xf32, #tpu.memory_space<vmem>>, vector<1000x128xf32>
    %add3A = arith.addf %get3A_1, %get3A_4 : vector<1000x128xf32>
    %get3A_5 = arith.constant 0 : index
    %get3A_6 = arith.constant 0 : index
    %get3A_7 = arith.constant 0 : index
    %get3A_8 = vector.load %arg1[%get3A_5, %get3A_6, %get3A_7] : memref<1000x2x16xf32, #tpu.memory_space<vmem>>, vector<1000x1x1xf32>
    %get3A_9 = vector.shape_cast %get3A_8 : vector<1000x1x1xf32> to vector<1000x1xf32>
    %get3A_10 = arith.constant 0 : index
    %get3A_11 = arith.constant 1 : index
    %get3A_12 = arith.constant 0 : index
    %get3A_13 = vector.load %arg1[%get3A_10, %get3A_11, %get3A_12] : memref<1000x2x16xf32, #tpu.memory_space<vmem>>, vector<1000x1x1xf32>
    %get3A_14 = vector.shape_cast %get3A_13 : vector<1000x1x1xf32> to vector<1000x1xf32>
    %add3A_15 = arith.addf %get3A_9, %get3A_14 : vector<1000x1xf32>
    %add3A_16 = arith.constant 1.000000e+00 : f32
    %add3A_17 = vector.broadcast %add3A_16 : f32 to vector<1000x1xf32>
    %add3A_18 = arith.addf %add3A_15, %add3A_17 : vector<1000x1xf32>
    %rsqrt3A = math.rsqrt %add3A_18 : vector<1000x1xf32>
    %mul3A = vector.broadcast %rsqrt3A : vector<1000x1xf32> to vector<1000x128xf32>
    %mul3A_19 = arith.mulf %add3A, %mul3A : vector<1000x128xf32>
    %get3A_20 = arith.constant 0 : index
    %get3A_21 = arith.constant 0 : index
    %get3A_22 = vector.load %arg4[%get3A_20, %get3A_21] : memref<1x128xf32, #tpu.memory_space<vmem>>, vector<1x128xf32>
    %add3A_23 = vector.broadcast %get3A_22 : vector<1x128xf32> to vector<1000x128xf32>
    %add3A_24 = arith.addf %mul3A_19, %add3A_23 : vector<1000x128xf32>
    %swap3A = arith.constant 0 : index
    %swap3A_25 = arith.constant 0 : index
    %swap3A_26 = vector.load %arg5[%swap3A, %swap3A_25] : memref<1000x128xf32, #tpu.memory_space<vmem>>, vector<1000x128xf32>
    tpu.vector_store %arg5[%swap3A, %swap3A_25], %add3A_24 {strides = array<i32>} : memref<1000x128xf32, #tpu.memory_space<vmem>>, vector<1000x128xf32>,
    return
  }
  func.func @transform_0(%arg0: i32) -> (i32, i32, i32) {
    %c0_i32 = arith.constant 0 : i32
    %c0_i32_0 = arith.constant 0 : i32
    %c0_i32_1 = arith.constant 0 : i32
    return %arg0, %c0_i32, %c0_i32_0 : i32, i32, i32
  }
  func.func @transform_1(%arg0: i32) -> (i32, i32) {
    %c0_i32 = arith.constant 0 : i32
    %c0_i32_0 = arith.constant 0 : i32
    return %arg0, %c0_i32 : i32, i32
  }
  func.func @transform_2(%arg0: i32) -> (i32, i32) {
    %c0_i32 = arith.constant 0 : i32
    %c0_i32_0 = arith.constant 0 : i32
    return %arg0, %c0_i32 : i32, i32
  }
  func.func @transform_3(%arg0: i32) -> (i32, i32) {
    %c0_i32 = arith.constant 0 : i32
    %c0_i32_0 = arith.constant 0 : i32
    %c0_i32_1 = arith.constant 0 : i32
    return %c0_i32, %c0_i32_0 : i32, i32
  }
  func.func @transform_4(%arg0: i32) -> (i32, i32) {
    %c0_i32 = arith.constant 0 : i32
    %c0_i32_0 = arith.constant 0 : i32
    return %arg0, %c0_i32 : i32, i32
  }
}

</mosaic_0001>

<sc_bundles>
// kernel: kernel.11.cloned.1.call-start
scs
__scs_entry_jumppad:
0x0: {  	(pc) =	sbr.rel $0x88, $3  }
0x1: {  	(tag) =	ssettag $0x0;
	lr =	simm.s32 $0x1  }
0x2: {  	[smem:$0x3F9B] =	sst lr;
	_ =	strace $0xD0000000  }
0x3: {  	_ = 	snop  }
0x4: {  	_ = 	snop  }
0x5: {  	_ = 	snop  }
0x6: {  	_ = 	snop  }
0x7: {  	_ = 	snop  }
__scs_overlays_trampoline_lowered:
0x8: {  	[smem:$0x3FAA] =	sst s0  }
0x9: {  	[smem:$0x3FAB] =	sst s1  }
0xa: {  	[smem:$0x3FAC] =	sst s2  }
0xb: {  	[smem:$0x3FAD] =	sst s3  }
0xc: {  	[smem:$0x3FAE] =	sst s4  }
0xd: {  	[smem:$0x3FAF] =	sst s5  }
0xe: {  	[smem:$0x3FB0] =	sst s6  }
0xf: {  	[smem:$0x3FB1] =	sst s7  }
0x10: {  	[smem:$0x3FB2] =	sst s8  }
0x11: {  	[smem:$0x3FB3] =	sst s9;
	s0 =	simm.s32 @!p0 $0x0  }
0x12: {  	s1 =	sld [smem:$0x3F99];
	s0 =	simm.s32 @p0 $0x1  }
0x13: {  	[smem:$0x3FB4] =	sst s0;
	s0 =	simm.s32 @!p1 $0x0  }
0x14: {  	s2 =	sld [smem:$0x3F98];
	s0 =	simm.s32 @p1 $0x1  }
0x15: {  	[smem:$0x3FB5] =	sst s0;
	s0 =	simm.s32 @!p2 $0x0  }
0x16: {  	s3 =	sld [smem:$0x3FDB];
	s0 =	simm.s32 @p2 $0x1  }
0x17: {  	s4 =	simm.s32 $0x1BF5;
	[smem:$0x3FB7] =	sst s0  }
0x18: {  	s0 =	sld [smem:$0x3F9A];
	_ =	swait.ge [sflag:s4], $0x0  }
0x19: {  	s7 =	sld [smem:$0x3F9B]  }
0x1a: {  	s8 =	sadd.s32 $0xFFFFE003, lr  }
0x1b: {  	s9 =	sadd.s32 $0xFFFFFEF7, lr;
	s5 =	simm.s32 $0xFFFFFFFF;
	p2 =	slt.u32 s8, $0xFFFFF086  }
0x1c: {  	p1 =	slt.u32 s9, $0xF7A;
	s5 =	simm.s32 @!p2 $0x0  }
0x1d: {  	s5 =	simm.s32 @p1 $0x1;
	p0 =	seq.s32 s7, s2  }
0x1e: {  	s7 =	smul.u32 @!p0 $0xF7A, s2;
	p2 =	seq.s32 @!p0 s5, $0x0  }
0x1f: {  	s9 =	smul.u32 $0xF7A, s1;
	s8 =	simm.s32 @!p0 $0x1BF5;
	p2 =	por !p2, p0  }
0x20: {  	[sflag:s8] =	ssyncset.s32 @!p0 $0xFFFFF086;
	s6 =	sadd.s32 @!p0 s3, s7;
	s7 =	simm.s32 @!p0 $0x108  }
0x21: {  	s3 =	sadd.s32 s3, s9;
	s6 =	sadd.s32 @!p0 $0x88, s6;
	s7 =	simm.s32 @p2 $0x1082  }
0x22: {  	[simem:s7], [sflag:s8] =	dma.local @!p0 [hbm:s6], $0xF7A  }
0x23: {  	s9 =	sor.u32 $0xD0000000, s2;
	s6 =	simm.s32 $0x108;
	_ =	swait.ge @!p0 [sflag:s8], $0x0  }
0x24: {  	s3 =	sadd.s32 $0x88, s3;
	s6 =	simm.s32 @!p1 $0x1082;
	[sflag:s4] =	ssyncset.s32 $0xFFFFF086  }
0x25: {  	[simem:s6], [sflag:s4] =	dma.local [hbm:s3], $0xF7A  }
0x26: {  	[smem:$0x3F9B] =	sst s1;
	(tag) =	ssettag s2;
	_ =	strace s9  }
0x27: {  	s1 =	sld [smem:$0x3FAB]  }
0x28: {  	s2 =	sld [smem:$0x3FAC]  }
0x29: {  	s4 =	sld [smem:$0x3FAE]  }
0x2a: {  	p0 =	seq.s32 s5, $0x0;
	s5 =	sld [smem:$0x3FAF]  }
0x2b: {  	s6 =	sld [smem:$0x3FB0]  }
0x2c: {  	s7 =	sld [smem:$0x3FB1]  }
0x2d: {  	s3 =	simm.s32 $0x108;
	s8 =	sld [smem:$0x3FB2]  }
0x2e: {  	s3 =	simm.s32 @!p0 $0x1082;
	s9 =	sld [smem:$0x3FB3]  }
0x2f: {  	lr =	sadd.s32 s0, s3;
	s0 =	sld [smem:$0x3FAA]  }
0x30: {  	s3 =	sld [smem:$0x3FAD]  }
0x31: {  	[smem:$0x3FB6] =	sst s10  }
0x32: {  	s10 =	sld [smem:$0x3FB4];
	_ =	sdelay $0x3  }
0x33: {  	p0 =	seq.s32 s10, $0x1;
	s10 =	sld [smem:$0x3FB6];
	_ =	sdelay $0x3  }
0x34: {  	[smem:$0x3FB6] =	sst s10  }
0x35: {  	s10 =	sld [smem:$0x3FB5];
	_ =	sdelay $0x3  }
0x36: {  	p1 =	seq.s32 s10, $0x1;
	s10 =	sld [smem:$0x3FB6];
	_ =	sdelay $0x3  }
0x37: {  	[smem:$0x3FB6] =	sst s10  }
0x38: {  	s10 =	sld [smem:$0x3FB7]  }
0x39: {  	_ = 	snop;
	(pc) =	sbr.ind lr, $3  }
0x3a: {  	_ = 	snop  }
0x3b: {  	_ = 	snop  }
0x3c: {  	p2 =	seq.s32 s10, $0x1;
	s10 =	sld [smem:$0x3FB6]  }
0x3d: {  	_ =	shalt  }
0x3e: {  	_ =	shalt  }
0x3f: {  	_ =	shalt  }
0x40: {  	_ =	shalt  }
0x41: {  	_ =	shalt  }
0x42: {  	_ =	shalt  }
0x43: {  	_ =	shalt  }
0x44: {  	_ =	shalt  }
0x45: {  	_ =	shalt  }
0x46: {  	_ =	shalt  }
0x47: {  	_ =	shalt  }
0x48: {  	_ =	shalt  }
0x49: {  	_ =	shalt  }
0x4a: {  	_ =	shalt  }
0x4b: {  	_ =	shalt  }
0x4c: {  	_ =	shalt  }
0x4d: {  	_ =	shalt  }
0x4e: {  	_ =	shalt  }
0x4f: {  	_ =	shalt  }
0x50: {  	_ =	shalt  }
0x51: {  	_ =	shalt  }
0x52: {  	_ =	shalt  }
0x53: {  	_ =	shalt  }
0x54: {  	_ =	shalt  }
0x55: {  	_ =	shalt  }
0x56: {  	_ =	shalt  }
0x57: {  	_ =	shalt  }
0x58: {  	_ =	shalt  }
0x59: {  	_ =	shalt  }
0x5a: {  	_ =	shalt  }
0x5b: {  	_ =	shalt  }
0x5c: {  	_ =	shalt  }
0x5d: {  	_ =	shalt  }
0x5e: {  	_ =	shalt  }
0x5f: {  	_ =	shalt  }
0x60: {  	_ =	shalt  }
0x61: {  	_ =	shalt  }
0x62: {  	_ =	shalt  }
0x63: {  	_ =	shalt  }
0x64: {  	_ =	shalt  }
0x65: {  	_ =	shalt  }
0x66: {  	_ =	shalt  }
0x67: {  	_ =	shalt  }
0x68: {  	_ =	shalt  }
0x69: {  	_ =	shalt  }
0x6a: {  	_ =	shalt  }
0x6b: {  	_ =	shalt  }
0x6c: {  	_ =	shalt  }
0x6d: {  	_ =	shalt  }
0x6e: {  	_ =	shalt  }
0x6f: {  	_ =	shalt  }
0x70: {  	_ =	shalt  }
0x71: {  	_ =	shalt  }
0x72: {  	_ =	shalt  }
0x73: {  	_ =	shalt  }
0x74: {  	_ =	shalt  }
0x75: {  	_ =	shalt  }
0x76: {  	_ =	shalt  }
0x77: {  	_ =	shalt  }
0x78: {  	_ =	shalt  }
0x79: {  	_ =	shalt  }
0x7a: {  	_ =	shalt  }
0x7b: {  	_ =	shalt  }
0x7c: {  	_ =	shalt  }
0x7d: {  	_ =	shalt  }
0x7e: {  	_ =	shalt  }
0x7f: {  	_ =	shalt  }
0x80: {  	_ =	shalt  }
0x81: {  	_ =	shalt  }
0x82: {  	_ =	shalt  }
0x83: {  	_ =	shalt  }
0x84: {  	_ =	shalt  }
0x85: {  	_ =	shalt  }
0x86: {  	_ =	shalt  }
0x87: {  	_ =	shalt  }
.Lfunc_end0:
.L_simem_size_0:
called_computation.1_lowered:
.L_overlay_start_0:
0x88: {  	s2 =	sld [smem:$0x3FD9]  }
0x89: {  	s3 =	sld [smem:$0x3FFE];
	_ =	sdelay $0x1  }
0x8a: {  	s1 =	srdreg.scid  }
0x8b: {  	s0 =	sand.u32 $0x1, s1  }
0x8c: {  	s17 =	sshll.u32 s0, $0xA;
	s2 =	sadd.s32 s3, s2  }
0x8d: {  	s2 =	sadd.s32 s2, s17  }
0x8e: {  	[smem:$0x3FC2] =	sst s2  }
0x8f: {  	_ = 	snop  }
0x90: {  	s2 =	sld [smem:$0x3FD0];
	(tm) =	ssettm $0x1  }
0x91: {  	s18 =	sld [smem:$0x3FFB];
	_ =	sdelay $0x3  }
0x92: {  	_ =	strace s18  }
0x93: {  	s3 =	sld [smem:$0x3FFC];
	_ =	sdelay $0x3  }
0x94: {  	_ =	strace s3  }
0x95: {  	s3 =	sld [smem:$0x3FFD];
	_ =	sdelay $0x3  }
0x96: {  	_ =	strace s3  }
0x97: {  	_ =	strace $0x8FFFFFFF  }
0x98: {  	s19 =	sld [smem:$0x3FDB];
	_ =	sdelay $0x1  }
0x99: {  	s4 =	simm.s32 $_scs_section_size  }
0x9a: {  	s5 =	simm.s32 $_size__tile_overlayer_lowered;
	s6 =	simm.s32 $_tile_overlayer_lowered  }
0x9b: {  	s22 =	simm.s32 $0x1BFF;
	s21 =	sshll.u32 s6, $0x1;
	s3 =	sadd.s32 s4, s19  }
0x9c: {  	s7 =	simm.s32 $0x0;
	s20 =	sshll.u32 s5, $0x1;
	s5 =	sadd.s32 s21, s3  }
0x9d: {  	[timem:s7], [sflag:s22] =	dma.local [hbm:s5], s20  }
0x9e: {  	_ =	swait.ge [sflag:s22], s20  }
0x9f: {  	s4 =	ssub.s32 $0x0, s20;
	[sflag:s22] =	ssyncset.done $0x0  }
0xa0: {  	[sflag:s22] =	ssyncadd.s32 s4;
	_ =	sdelay $0x1  }
0xa1: {  	s23 =	simm.s32 $0x1B8B  }
0xa2: {  	_ =	swait.ge [sflag:s23], $0x1  }
0xa3: {  	[sflag:s23] =	ssyncset.done $0x0  }
0xa4: {  	s25 =	simm.s32 $0x1B8E;
	s24 =	sld [smem:$0x3FFE];
	[sflag:s23] =	ssyncadd.s32 $0xFFFFFFFF  }
0xa5: {  	s26 =	simm.s32 $execute0_lowered;
	[smem:$0x3FD2] =	sst s25  }
0xa6: {  	s5 =	sshll.u32 s26, $0x1;
	_ =	strace $0x80000049;
	[dreg:$0x1] =	wrdreg $0xFFFFFFFF  }
0xa7: {  	s28 =	simm.s32 $_size_execute0_lowered;
	s3 =	sadd.s32 s3, s5;
	[dreg:$0x0] =	wrdreg $0x0  }
0xa8: {  	s5 =	sshll.u32 s28, $0x1;
	[dreg:$0x2] =	wrdreg s3  }
0xa9: {  	[dreg:$0x3] =	wrdreg s5  }
0xaa: {  	[dreg:$0x4] =	wrdreg $0xC0  }
0xab: {  	_ =	task [dreg:s7], $0x5FFFF  }
0xac: {  	[dreg:$0x1] =	wrdreg $0xFFFFFFFF  }
0xad: {  	[dreg:$0x0] =	wrdreg $0x60  }
0xae: {  	[dreg:$0x2] =	wrdreg s2  }
0xaf: {  	[dreg:$0x3] =	wrdreg s24  }
0xb0: {  	[dreg:$0x4] =	wrdreg $0x131000  }
0xb1: {  	[dreg:$0x5] =	wrdreg $0x9  }
0xb2: {  	_ =	task.clear_ibuf [dreg:s7], $0x6FFFF;
	_ =	strace $0x90000049  }
0xb3: {  	s29 =	simm.s32 $0x9;
	_ =	strace $0x8000004B  }
0xb4: {  	_ =	swait.ge [sflag:s29], $0x1  }
0xb5: {  	[sflag:s29] =	ssyncadd.s32 $0xFFFFFFFF  }
0xb6: {  	_ =	strace $0x9000004B  }
0xb7: {  	_ =	sfence  }
0xb8: {  	s30 =	sld [smem:$0x0];
	_ =	sdelay $0x2  }
0xb9: {  	s31 =	sshll.u32 s1, $0xD;
	s1 =	sshrl.u32 s1, $0x2  }
0xba: {  	s3 =	sand.u32 $0x4000, s31;
	s1 =	sadd.s32 s1, s30  }
0xbb: {  	s0 =	sor.u32 s3, s0;
	s1 =	sshll.u32 s1, $0x11  }
0xbc: {  	s0 =	sor.u32 s1, s0  }
0xbd: {  	s0 =	sadd.s32 $0x8F2B, s0  }
0xbe: {  	[sflag:s0] =	ssyncadd.remote.s32 $0x1  }
0xbf: {  	_ =	sfence.sel $0xFFFF  }
0xc0: {  	[dreg:$0x0] =	wrdreg $0xFFFFFFFF;
	(pc) =	sbr.abs _section_cstart, $3  }
0xc1: {  	[dreg:$0x1] =	wrdreg $0xFFFFFFFF  }
0xc2: {  	_ =	task.clear_ibuf [dreg:s7], $0x2FFFF;
	_ =	strace $0x9FFFFFFF  }
0xc3: {  	(tm) =	ssettm $0x7FFFFFFF  }
tec
execute0_lowered:
.L_overlay_start_1:
0x0: {  	(tag) =	ssettag $0x1  }
0x1: {  	s2 =	rddreg [dreg:$0x0]  }
0x2: {  	s5 =	rddreg [dreg:$0x1]  }
0x3: {  	s3 =	rddreg [dreg:$0x2]  }
0x4: {  	s0 =	rddreg [dreg:$0x3];
	s1 =	stileid.u32  }
0x5: {  	s4 =	simm.s32 $0x0;
	s7 =	srdreg.scid;
	s13 =	simm.s32 $0xF100  }
0x6: {  	s14 =	simm.s32 $0x5;
	s15 =	simm.s32 $0x80;
	s16 =	simm.s32 $0x5000  }
0x7: {  	s17 =	simm.s32 $0x11100;
	s18 =	simm.s32 $0x1;
	s19 =	simm.s32 $0x3  }
0x8: {  	s20 =	simm.s32 $0x2;
	s22 =	simm.s32 $0x10;
	s6 =	smul.u32 $0xA00, s1  }
0x9: {  	s23 =	simm.s32 $0x8;
	[smem:$0x7FF] =	sst s4;
	s28 =	smul.u32 $0x14000, s1  }
0xa: {  	s21 =	sand.u32 $0x1, s7;
	s9 =	smul.u32 $0x28000, s1;
	_ =	strace $0x8000004A  }
0xb: {  	s8 =	sshll.u32 s21, $0x6;
	s30 =	ssub.s32 $0x2, s21;
	v0 =	vmov s21;
	s21 =	simm.s32 $0x4  }
0xc: {  	s10 =	sadd.s32 s6, s5;
	s29 =	sor.u32 s8, s28;
	s31 =	sshrl.u32 s30, $0x1  }
0xd: {  	s9 =	sshrl.u32 s9, $0x2;
	s6 =	sshrl.u32 s29, $0x3;
	s12 =	ssub.s32 s30, s31  }
0xe: {  	s10 =	sadd.s32 $0x3A00, s10;
	s11 =	sadd.s32 s6, s5;
	s5 =	sadd.s32 s9, s3  }
0xf: {  	s12 =	smax.u32 s12, $0x1;
	s6 =	sadd.s32 $0x2000, s5;
	s7 =	sadd.s32 $0x4000, s5  }
0x10: {  	v1 =	vimm.f32 $0.0e+00;
	v2 =	vimm.s32 $0x0;
	s8 =	sadd.s32 $0x6000, s5;
	s9 =	sadd.s32 $0x8000, s5;
	s11 =	sadd.s32 $0x5DA00, s11  }
.LBB2_1:
0x11: {  	s25 =	simm.s32 $0x100;
	s24 =	simm.s32 $0x0  }
.LBB2_2:
0x12: {  	p0 =	sne.s32 s25, $0x7F00;
	[tilespmem:s24+$0xF130] =	vst v1;
	s26 =	smov.u32 s25;
	s25 =	sadd.s32 $0x100, s25  }
.Ltmp0:
0x13: {  	[tilespmem:s24+$0xF120] =	vst v1;
	(pc) =	sbr.rel @p0 .LBB2_2-.Ltmp0, $3  }
0x14: {  	[tilespmem:s24+$0xF100] =	vst v1  }
0x15: {  	[tilespmem:s24+$0xF110] =	vst v1;
	_ =	sdelay $0x1  }
0x16: {  	s24 =	sshra.s32 s26, $0x2  }
0x17: {  	[tilespmem:s24+$0xF130] =	vst v1  }
0x18: {  	[tilespmem:s24+$0xF120] =	vst v1  }
0x19: {  	[tilespmem:s24+$0xF100] =	vst v1  }
0x1a: {  	[tilespmem:s24+$0xF110] =	vst v1  }
0x1b: {  	[spmem:s5] =	stream.linear.scatter [tilespmem:s13], [sflag:$0x5], $0x2000, $0x38;
	[tilespmem:$0x1D100] =	vst v63  }
0x1c: {  	_ =	swait.ge [sflag:s14], $0x2000  }
0x1d: {  	[sflag:s14] =	ssyncset.done $0x0  }
0x1e: {  	[sflag:s14] =	ssyncadd.s32 $0xFFFFE000  }
0x1f: {  	[spmem:s6] =	stream.linear.scatter [tilespmem:s13], [sflag:$0x5], $0x2000, $0x38;
	[tilespmem:$0x1D100] =	vst v63  }
0x20: {  	_ =	swait.ge [sflag:s14], $0x2000  }
0x21: {  	[sflag:s14] =	ssyncset.done $0x0  }
0x22: {  	[sflag:s14] =	ssyncadd.s32 $0xFFFFE000  }
0x23: {  	[spmem:s7] =	stream.linear.scatter [tilespmem:s13], [sflag:$0x5], $0x2000, $0x38;
	[tilespmem:$0x1D100] =	vst v63  }
0x24: {  	_ =	swait.ge [sflag:s14], $0x2000  }
0x25: {  	[sflag:s14] =	ssyncset.done $0x0  }
0x26: {  	[sflag:s14] =	ssyncadd.s32 $0xFFFFE000  }
0x27: {  	[spmem:s8] =	stream.linear.scatter [tilespmem:s13], [sflag:$0x5], $0x2000, $0x38;
	[tilespmem:$0x1D100] =	vst v63  }
0x28: {  	_ =	swait.ge [sflag:s14], $0x2000  }
0x29: {  	[sflag:s14] =	ssyncset.done $0x0  }
0x2a: {  	[sflag:s14] =	ssyncadd.s32 $0xFFFFE000  }
0x2b: {  	[spmem:s9] =	stream.linear.scatter [tilespmem:s13], [sflag:$0x5], $0x2000, $0x38;
	[tilespmem:$0x1D100] =	vst v63  }
0x2c: {  	_ =	swait.ge [sflag:s14], $0x2000  }
0x2d: {  	[sflag:s14] =	ssyncset.done $0x0  }
0x2e: {  	[sflag:s14] =	ssyncadd.s32 $0xFFFFE000  }
0x2f: {  	s31 =	simm.s32 $0x0;
	[bflag:$0x0] =	sbarrier.arrive $0xFFFF  }
0x30: {  	[tilespmem:s31], [sflag:$0x5] =	stream.linear.gather [hbm4b:s10+s31], $0x5000, $0x38;
	[tilespmem:$0x1D100] =	vst v63  }
0x31: {  	_ =	swait.ge [sflag:s14], $0x5000  }
0x32: {  	[sflag:s14] =	ssyncset.done $0x0  }
0x33: {  	s24 =	simm.s32 $0x0;
	[sflag:s14] =	ssyncadd.s32 $0xFFFFB000  }
0x34: {  	v3 =	vld [tilespmem:s24+$0x70]  }
0x35: {  	v4 =	vld [tilespmem:s24+$0x0]  }
0x36: {  	v5 =	vld [tilespmem:s24+$0x10]  }
0x37: {  	v6 =	vld [tilespmem:s24+$0x20]  }
0x38: {  	v7 =	vld [tilespmem:s24+$0x30]  }
0x39: {  	v8 =	vld [tilespmem:s24+$0x40];
	v9 =	vshra.s32 v3, $0xE;
	v3 =	vshll.u32 v3, $0x1  }
0x3a: {  	v10 =	vld [tilespmem:s24+$0x50];
	v11 =	vshra.s32 v4, $0xE;
	v4 =	vshll.u32 v4, $0x1;
	[tilespmem:s24+$0xA170] =	vst v9;
	v3 =	vand.u32 $0x7FFE, v3  }
0x3b: {  	[tilespmem:s24+$0xA100] =	vst v11;
	v4 =	vand.u32 $0x7FFE, v4;
	v9 =	vshll.u32 v5, $0x1;
	v11 =	vld [tilespmem:s24+$0x60];
	v3 =	vor.u32 v0, v3  }
0x3c: {  	v12 =	vshll.u32 v6, $0x1;
	v4 =	vor.u32 v0, v4;
	v9 =	vand.u32 $0x7FFE, v9;
	[tilespmem:s24+$0x5070] =	vst v3  }
0x3d: {  	[tilespmem:s24+$0x5000] =	vst v4;
	v3 =	vor.u32 v0, v9;
	v4 =	vand.u32 $0x7FFE, v12;
	v9 =	vshll.u32 v7, $0x1  }
0x3e: {  	[tilespmem:s24+$0x5010] =	vst v3;
	v3 =	vor.u32 v0, v4;
	v4 =	vand.u32 $0x7FFE, v9;
	v9 =	vshll.u32 v8, $0x1  }
0x3f: {  	[tilespmem:s24+$0x5020] =	vst v3;
	v3 =	vor.u32 v0, v4;
	v4 =	vand.u32 $0x7FFE, v9;
	v9 =	vshll.u32 v10, $0x1  }
0x40: {  	[tilespmem:s24+$0x5030] =	vst v3;
	v4 =	vor.u32 v0, v4;
	v9 =	vand.u32 $0x7FFE, v9;
	v63 =	vshll.u32 v11, $0x1  }
0x41: {  	v3 =	vshra.s32 v5, $0xE;
	[tilespmem:s24+$0x5040] =	vst v4;
	v5 =	vor.u32 v0, v9;
	v9 =	vand.u32 $0x7FFE, v63  }
0x42: {  	v6 =	vshra.s32 v6, $0xE;
	v8 =	vshra.s32 v8, $0xE;
	[tilespmem:s24+$0x5050] =	vst v5;
	v5 =	vor.u32 v0, v9  }
0x43: {  	s25 =	simm.s32 $0x80;
	s26 =	simm.s32 $0x400;
	v4 =	vshra.s32 v7, $0xE;
	v7 =	vshra.s32 v10, $0xE;
	[tilespmem:s24+$0x5060] =	vst v5;
	v5 =	vshra.s32 v11, $0xE  }
.LBB2_4:
0x44: {  	p0 =	sne.s32 s26, $0x13E00;
	v9 =	vld [tilespmem:s25+$0x70];
	[tilespmem:s24+$0xA110] =	vst v3  }
0x45: {  	v3 =	vld [tilespmem:s25+$0x0];
	[tilespmem:s24+$0xA120] =	vst v6  }
0x46: {  	v6 =	vld [tilespmem:s25+$0x10];
	[tilespmem:s24+$0xA130] =	vst v4  }
0x47: {  	v4 =	vld [tilespmem:s25+$0x20];
	[tilespmem:s24+$0xA140] =	vst v8  }
0x48: {  	v8 =	vld [tilespmem:s25+$0x30];
	[tilespmem:s24+$0xA150] =	vst v7  }
0x49: {  	v7 =	vld [tilespmem:s25+$0x40];
	v10 =	vshll.u32 v9, $0x1;
	v9 =	vshra.s32 v9, $0xE;
	[tilespmem:s24+$0xA160] =	vst v5;
	s24 =	smov.u32 s25  }
0x4a: {  	v5 =	vshll.u32 v3, $0x1;
	v3 =	vshra.s32 v3, $0xE;
	v11 =	vld [tilespmem:s24+$0x50];
	v10 =	vand.u32 $0x7FFE, v10;
	[tilespmem:s24+$0xA170] =	vst v9  }
0x4b: {  	v5 =	vand.u32 $0x7FFE, v5;
	[tilespmem:s24+$0xA100] =	vst v3;
	v3 =	vshll.u32 v6, $0x1;
	v9 =	vld [tilespmem:s24+$0x60];
	v10 =	vor.u32 v0, v10  }
0x4c: {  	v5 =	vor.u32 v0, v5;
	v3 =	vand.u32 $0x7FFE, v3;
	v12 =	vshll.u32 v4, $0x1;
	[tilespmem:s24+$0x5070] =	vst v10  }
0x4d: {  	[tilespmem:s24+$0x5000] =	vst v5;
	v3 =	vor.u32 v0, v3;
	v5 =	vand.u32 $0x7FFE, v12;
	v10 =	vshll.u32 v8, $0x1  }
0x4e: {  	[tilespmem:s24+$0x5010] =	vst v3;
	v3 =	vor.u32 v0, v5;
	v5 =	vand.u32 $0x7FFE, v10;
	v10 =	vshll.u32 v7, $0x1  }
.Ltmp1:
0x4f: {  	[tilespmem:s24+$0x5020] =	vst v3;
	v3 =	vor.u32 v0, v5;
	v5 =	vand.u32 $0x7FFE, v10;
	v10 =	vshll.u32 v11, $0x1;
	(pc) =	sbr.rel @p0 .LBB2_4-.Ltmp1, $4  }
0x50: {  	[tilespmem:s24+$0x5030] =	vst v3;
	v5 =	vor.u32 v0, v5;
	v10 =	vand.u32 $0x7FFE, v10;
	v12 =	vshll.u32 v9, $0x1  }
0x51: {  	v3 =	vshra.s32 v6, $0xE;
	[tilespmem:s24+$0x5040] =	vst v5;
	v5 =	vor.u32 v0, v10;
	v10 =	vand.u32 $0x7FFE, v12  }
0x52: {  	v6 =	vshra.s32 v4, $0xE;
	v4 =	vshra.s32 v8, $0xE;
	[tilespmem:s24+$0x5050] =	vst v5;
	v5 =	vor.u32 v0, v10  }
0x53: {  	s25 =	sshra.s32 s26, $0x2;
	s26 =	sadd.s32 $0x200, s26;
	v8 =	vshra.s32 v7, $0xE;
	v7 =	vshra.s32 v11, $0xE;
	[tilespmem:s24+$0x5060] =	vst v5;
	v5 =	vshra.s32 v9, $0xE  }
0x54: {  	v9 =	vld [tilespmem:s25+$0x70];
	[tilespmem:s24+$0xA110] =	vst v3  }
0x55: {  	v3 =	vld [tilespmem:s25+$0x0];
	[tilespmem:s24+$0xA120] =	vst v6  }
0x56: {  	v6 =	vld [tilespmem:s25+$0x10];
	[tilespmem:s24+$0xA130] =	vst v4  }
0x57: {  	v4 =	vld [tilespmem:s25+$0x20];
	[tilespmem:s24+$0xA140] =	vst v8  }
0x58: {  	v8 =	vld [tilespmem:s25+$0x30];
	[tilespmem:s24+$0xA150] =	vst v7  }
0x59: {  	v7 =	vld [tilespmem:s25+$0x40];
	[tilespmem:s24+$0xA160] =	vst v5;
	v48 =	vshra.s32 v9, $0xE;
	v9 =	vshll.u32 v9, $0x1  }
0x5a: {  	v11 =	vshra.s32 v3, $0xE;
	[tilespmem:s25+$0xA170] =	vst v48;
	v49 =	vand.u32 $0x7FFE, v9  }
0x5b: {  	v3 =	vshll.u32 v3, $0x1;
	[tilespmem:s25+$0xA100] =	vst v11;
	v5 =	vor.u32 v0, v49  }
0x5c: {  	v3 =	vand.u32 $0x7FFE, v3;
	v50 =	vshll.u32 v6, $0x1;
	v61 =	vshra.s32 v6, $0xE;
	[tilespmem:s25+$0x5070] =	vst v5  }
0x5d: {  	v10 =	vld [tilespmem:s25+$0x50];
	v3 =	vor.u32 v0, v3;
	v9 =	vand.u32 $0x7FFE, v50;
	[tilespmem:s25+$0xA110] =	vst v61  }
0x5e: {  	v51 =	vld [tilespmem:s25+$0x60];
	v12 =	vshll.u32 v4, $0x1;
	[tilespmem:s25+$0x5000] =	vst v3;
	v3 =	vor.u32 v0, v9  }
0x5f: {  	v52 =	vand.u32 $0x7FFE, v12;
	v53 =	vshll.u32 v8, $0x1;
	v62 =	vshra.s32 v8, $0xE;
	[tilespmem:s25+$0x5010] =	vst v3  }
0x60: {  	v3 =	vor.u32 v0, v52;
	v54 =	vand.u32 $0x7FFE, v53;
	[tilespmem:s25+$0xA130] =	vst v62  }
0x61: {  	v55 =	vshll.u32 v7, $0x1;
	[tilespmem:s25+$0x5020] =	vst v3;
	v3 =	vor.u32 v0, v54  }
0x62: {  	v56 =	vand.u32 $0x7FFE, v55;
	v57 =	vshll.u32 v10, $0x1;
	v63 =	vshra.s32 v10, $0xE;
	[tilespmem:s25+$0x5030] =	vst v3  }
0x63: {  	v59 =	vshll.u32 v51, $0x1;
	v3 =	vor.u32 v0, v56;
	v58 =	vand.u32 $0x7FFE, v57;
	[tilespmem:s25+$0xA150] =	vst v63  }
0x64: {  	v60 =	vand.u32 $0x7FFE, v59;
	[tilespmem:s25+$0x5040] =	vst v3;
	v3 =	vor.u32 v0, v58  }
0x65: {  	[tilespmem:s25+$0x5050] =	vst v3;
	v3 =	vor.u32 v0, v60  }
0x66: {  	[tilespmem:s25+$0x5060] =	vst v3;
	v3 =	vshra.s32 v4, $0xE  }
0x67: {  	[tilespmem:s25+$0xA120] =	vst v3;
	v3 =	vshra.s32 v7, $0xE  }
0x68: {  	[tilespmem:s25+$0xA140] =	vst v3;
	v3 =	vshra.s32 v51, $0xE  }
0x69: {  	[tilespmem:s25+$0xA160] =	vst v3  }
0x6a: {  	[tilespmem:$0xA000] =	vst v2  }
0x6b: {  	[tilespmem:$0xA010] =	vst v2  }
0x6c: {  	[tilespmem:$0xA020] =	vst v2  }
0x6d: {  	[tilespmem:$0xA030] =	vst v2  }
0x6e: {  	[tilespmem:$0xA040] =	vst v2  }
0x6f: {  	[tilespmem:$0xA050] =	vst v2  }
0x70: {  	[tilespmem:$0xA060] =	vst v2  }
0x71: {  	[tilespmem:$0xA070] =	vst v2  }
0x72: {  	[tilespmem:$0xA080] =	vst v2  }
0x73: {  	[tilespmem:$0xA090] =	vst v2  }
0x74: {  	[tilespmem:$0xA0A0] =	vst v2  }
0x75: {  	[tilespmem:$0xA0B0] =	vst v2  }
0x76: {  	[tilespmem:$0xA0C0] =	vst v2  }
0x77: {  	[tilespmem:$0xA0D0] =	vst v2  }
0x78: {  	[tilespmem:$0xA0E0] =	vst v2  }
0x79: {  	[tilespmem:$0xA0F0] =	vst v2  }
0x7a: {  	[tilespmem:s13], [sflag:$0x1] =	stream.indirect.gather [hbm4b:s2+s15], $0x40, s16, s15, $0xb8;
	[tilespmem:$0x1D100] =	vst v63  }
0x7b: {  	s28 =	simm.s32 $0x5080  }
0x7c: {  	[tilespmem:s17], [sflag:$0x2] =	stream.indirect.gather [hbm4b:s2+s15], $0x40, s28, s15, $0xb8;
	[tilespmem:$0x1D100] =	vst v63  }
0x7d: {  	_ =	swait.ge [sflag:s18], $0x2000  }
0x7e: {  	[sflag:s18] =	ssyncset.done $0x0  }
0x7f: {  	s29 =	simm.s32 $0xA100;
	[sflag:s18] =	ssyncadd.s32 $0xFFFFE000  }
0x80: {  	[spmem:s3] =	stream.indirect.scatter.add.f32 [tilespmem:s13], [sflag:$0x3], $0x40, s29, s15, $0xb8;
	[tilespmem:$0x1D100] =	vst v63  }
0x81: {  	_ =	swait.ge [sflag:s19], $0x2000  }
0x82: {  	[sflag:s19] =	ssyncset.done $0x0  }
0x83: {  	s30 =	simm.s32 $0x5100;
	[sflag:s19] =	ssyncadd.s32 $0xFFFFE000  }
0x84: {  	[tilespmem:s13], [sflag:$0x1] =	stream.indirect.gather [hbm4b:s2+s15], $0x40, s30, s15, $0xb8;
	[tilespmem:$0x1D100] =	vst v63  }
0x85: {  	_ =	swait.ge [sflag:s20], $0x2000  }
0x86: {  	[sflag:s20] =	ssyncset.done $0x0  }
0x87: {  	s31 =	simm.s32 $0xA180;
	[sflag:s20] =	ssyncadd.s32 $0xFFFFE000  }
0x88: {  	[spmem:s3] =	stream.indirect.scatter.add.f32 [tilespmem:s17], [sflag:$0x4], $0x40, s31, s15, $0xb8;
	[tilespmem:$0x1D100] =	vst v63  }
0x89: {  	_ =	swait.ge [sflag:s21], $0x2000  }
0x8a: {  	s24 =	simm.s32 $0x100;
	s25 =	simm.s32 $0x800;
	[sflag:s21] =	ssyncset.done $0x0  }
.LBB2_6:
0x8b: {  	s26 =	sadd.s32 $0x5080, s24  }
0x8c: {  	[sflag:s21] =	ssyncadd.s32 $0xFFFFE000;
	s28 =	smov.u32 s25;
	s29 =	sadd.s32 $0x400, s25  }
0x8d: {  	[tilespmem:s17], [sflag:$0x2] =	stream.indirect.gather [hbm4b:s2+s15], $0x40, s26, s15, $0xb8;
	[tilespmem:$0x1D100] =	vst v63  }
0x8e: {  	p0 =	sne.s32 s25, $0x13C00;
	_ =	swait.ge [sflag:s18], $0x2000  }
0x8f: {  	[sflag:s18] =	ssyncset.done $0x0  }
0x90: {  	s25 =	sadd.s32 $0xA100, s24;
	[sflag:s18] =	ssyncadd.s32 $0xFFFFE000  }
0x91: {  	[spmem:s3] =	stream.indirect.scatter.add.f32 [tilespmem:s13], [sflag:$0x3], $0x40, s25, s15, $0xb8;
	[tilespmem:$0x1D100] =	vst v63  }
0x92: {  	_ =	swait.ge [sflag:s19], $0x2000  }
0x93: {  	[sflag:s19] =	ssyncset.done $0x0  }
0x94: {  	s25 =	sadd.s32 $0x5100, s24;
	[sflag:s19] =	ssyncadd.s32 $0xFFFFE000  }
0x95: {  	[tilespmem:s13], [sflag:$0x1] =	stream.indirect.gather [hbm4b:s2+s15], $0x40, s25, s15, $0xb8;
	[tilespmem:$0x1D100] =	vst v63  }
0x96: {  	_ =	swait.ge [sflag:s20], $0x2000  }
.Ltmp2:
0x97: {  	[sflag:s20] =	ssyncset.done $0x0;
	(pc) =	sbr.rel @p0 .LBB2_6-.Ltmp2, $4  }
0x98: {  	s24 =	sadd.s32 $0xA180, s24;
	[sflag:s20] =	ssyncadd.s32 $0xFFFFE000  }
0x99: {  	[spmem:s3] =	stream.indirect.scatter.add.f32 [tilespmem:s17], [sflag:$0x4], $0x40, s24, s15, $0xb8;
	[tilespmem:$0x1D100] =	vst v63  }
0x9a: {  	_ =	swait.ge [sflag:s21], $0x2000  }
0x9b: {  	s25 =	smov.u32 s29;
	s24 =	sshra.s32 s28, $0x2;
	[sflag:s21] =	ssyncset.done $0x0  }
0x9c: {  	s25 =	sadd.s32 $0x5080, s24;
	[sflag:s21] =	ssyncadd.s32 $0xFFFFE000  }
0x9d: {  	[tilespmem:s17], [sflag:$0x2] =	stream.indirect.gather [hbm4b:s2+s15], $0x40, s25, s15, $0xb8;
	[tilespmem:$0x1D100] =	vst v63  }
0x9e: {  	_ =	swait.ge [sflag:s18], $0x2000  }
0x9f: {  	[sflag:s18] =	ssyncset.done $0x0  }
0xa0: {  	s26 =	sadd.s32 $0xA100, s24;
	[sflag:s18] =	ssyncadd.s32 $0xFFFFE000  }
0xa1: {  	[spmem:s3] =	stream.indirect.scatter.add.f32 [tilespmem:s13], [sflag:$0x3], $0x40, s26, s15, $0xb8;
	[tilespmem:$0x1D100] =	vst v63  }
0xa2: {  	_ =	swait.ge [sflag:s19], $0x2000  }
0xa3: {  	[sflag:s19] =	ssyncset.done $0x0  }
0xa4: {  	s28 =	sadd.s32 $0x5100, s24;
	[sflag:s19] =	ssyncadd.s32 $0xFFFFE000  }
0xa5: {  	[tilespmem:s13], [sflag:$0x1] =	stream.indirect.gather [hbm4b:s2+s15], $0x40, s28, s15, $0xb8;
	[tilespmem:$0x1D100] =	vst v63  }
0xa6: {  	_ =	swait.ge [sflag:s20], $0x2000  }
0xa7: {  	[sflag:s20] =	ssyncset.done $0x0  }
0xa8: {  	s29 =	sadd.s32 $0xA180, s24;
	[sflag:s20] =	ssyncadd.s32 $0xFFFFE000  }
0xa9: {  	[spmem:s3] =	stream.indirect.scatter.add.f32 [tilespmem:s17], [sflag:$0x4], $0x40, s29, s15, $0xb8;
	[tilespmem:$0x1D100] =	vst v63  }
0xaa: {  	_ =	swait.ge [sflag:s21], $0x2000  }
0xab: {  	[sflag:s21] =	ssyncset.done $0x0  }
0xac: {  	[sflag:s21] =	ssyncadd.s32 $0xFFFFE000  }
0xad: {  	_ =	swait.ge [sflag:s18], $0x2000  }
0xae: {  	s30 =	sshll.u32 s1, $0x6;
	s4 =	sadd.s32 $0x1, s4;
	[sflag:s18] =	ssyncset.done $0x0  }
0xaf: {  	s31 =	sshrl.u32 s5, $0x3;
	p0 =	sne.s32 s4, s12;
	[sflag:s18] =	ssyncadd.s32 $0xFFFFE000  }
.Ltmp3:
0xb0: {  	s24 =	sor.u32 $0x1C05, s30;
	[bflag:$0x0] =	sbarrier.arrive $0xFFFF;
	(pc) =	sbr.rel @p0 .LBB2_1-.Ltmp3, $4  }
0xb1: {  	[hbm:s11@s22], [sflag:s24] =	dma.strided [spmem:s31@s23], $0x1400, s18, $0x8   }
0xb2: {  	_ =	swait.ge [sflag:s14], $0x1400  }
0xb3: {  	[sflag:s14] =	ssyncset.done $0x0  }
0xb4: {  	[sflag:s14] =	ssyncadd.s32 $0xFFFFEC00  }
0xb5: {  	_ =	sfence.sel $0x180000  }
0xb6: {  	[bflag:$0x0] =	sbarrier.arrive $0xFFFF  }
0xb7: {  	p0 =	sne.s32 s1, $0x0;
	_ =	strace $0x9000004A  }
0xb8: {  	s0 =	sadd.s32 @!p0 $0x100000, s0;
	[bflag:$0x2] =	sbarrier.arrive $0xFFFF  }
0xb9: {  	[sflag:s0] =	ssyncadd.tile.s32 @!p0 $0x1;
	_ =	shalt  }
.Lfunc_end2:
_tile_overlayer_lowered:
.L_overlay_start_2:
0xba: {  	(tag) =	ssettag $0x2  }
0xbb: {  	s0 =	rddreg [dreg:$0x0];
	s2 =	stileid.u32  }
0xbc: {  	s1 =	rddreg [dreg:$0x1];
	p0 =	sne.s32 s2, $0x0  }
0xbd: {  	s3 =	rddreg [dreg:$0x2];
	[bflag:$0x3] =	sbarrier.arrive $0xFFFF;
	s2 =	simm.s32 @!p0 $0x1C05  }
0xbe: {  	[timem:s3], [sflag:s2] =	dma.local @!p0 [hbm:s0], s1  }
0xbf: {  	s0 =	simm.s32 @!p0 $0x5  }
0xc0: {  	_ =	swait.ge @!p0 [sflag:s0], s1  }
0xc1: {  	s1 =	ssub.s32 @!p0 $0x0, s1;
	[sflag:s0] =	ssyncset.done @!p0 $0x0  }
0xc2: {  	[sflag:s0] =	ssyncadd.s32 @!p0 s1  }
0xc3: {  	[bflag:$0x3] =	sbarrier.arrive $0xFFFF  }
0xc4: {  	_ =	shalt  }

// kernel: kernel.14.cloned.1.call-start
scs
__scs_entry_jumppad:
0x0: {  	(pc) =	sbr.rel $0x88, $3  }
0x1: {  	(tag) =	ssettag $0x0;
	lr =	simm.s32 $0x1  }
0x2: {  	[smem:$0x3F9B] =	sst lr;
	_ =	strace $0xD0000000  }
0x3: {  	_ = 	snop  }
0x4: {  	_ = 	snop  }
0x5: {  	_ = 	snop  }
0x6: {  	_ = 	snop  }
0x7: {  	_ = 	snop  }
__scs_overlays_trampoline_lowered:
0x8: {  	[smem:$0x3FAA] =	sst s0  }
0x9: {  	[smem:$0x3FAB] =	sst s1  }
0xa: {  	[smem:$0x3FAC] =	sst s2  }
0xb: {  	[smem:$0x3FAD] =	sst s3  }
0xc: {  	[smem:$0x3FAE] =	sst s4  }
0xd: {  	[smem:$0x3FAF] =	sst s5  }
0xe: {  	[smem:$0x3FB0] =	sst s6  }
0xf: {  	[smem:$0x3FB1] =	sst s7  }
0x10: {  	[smem:$0x3FB2] =	sst s8  }
0x11: {  	[smem:$0x3FB3] =	sst s9;
	s0 =	simm.s32 @!p0 $0x0  }
0x12: {  	s1 =	sld [smem:$0x3F99];
	s0 =	simm.s32 @p0 $0x1  }
0x13: {  	[smem:$0x3FB4] =	sst s0;
	s0 =	simm.s32 @!p1 $0x0  }
0x14: {  	s2 =	sld [smem:$0x3F98];
	s0 =	simm.s32 @p1 $0x1  }
0x15: {  	[smem:$0x3FB5] =	sst s0;
	s0 =	simm.s32 @!p2 $0x0  }
0x16: {  	s3 =	sld [smem:$0x3FDB];
	s0 =	simm.s32 @p2 $0x1  }
0x17: {  	s4 =	simm.s32 $0x1BF5;
	[smem:$0x3FB7] =	sst s0  }
0x18: {  	s0 =	sld [smem:$0x3F9A];
	_ =	swait.ge [sflag:s4], $0x0  }
0x19: {  	s7 =	sld [smem:$0x3F9B]  }
0x1a: {  	s8 =	sadd.s32 $0xFFFFE003, lr  }
0x1b: {  	s9 =	sadd.s32 $0xFFFFFEF7, lr;
	s5 =	simm.s32 $0xFFFFFFFF;
	p2 =	slt.u32 s8, $0xFFFFF086  }
0x1c: {  	p1 =	slt.u32 s9, $0xF7A;
	s5 =	simm.s32 @!p2 $0x0  }
0x1d: {  	s5 =	simm.s32 @p1 $0x1;
	p0 =	seq.s32 s7, s2  }
0x1e: {  	s7 =	smul.u32 @!p0 $0xF7A, s2;
	p2 =	seq.s32 @!p0 s5, $0x0  }
0x1f: {  	s9 =	smul.u32 $0xF7A, s1;
	s8 =	simm.s32 @!p0 $0x1BF5;
	p2 =	por !p2, p0  }
0x20: {  	[sflag:s8] =	ssyncset.s32 @!p0 $0xFFFFF086;
	s6 =	sadd.s32 @!p0 s3, s7;
	s7 =	simm.s32 @!p0 $0x108  }
0x21: {  	s3 =	sadd.s32 s3, s9;
	s6 =	sadd.s32 @!p0 $0x88, s6;
	s7 =	simm.s32 @p2 $0x1082  }
0x22: {  	[simem:s7], [sflag:s8] =	dma.local @!p0 [hbm:s6], $0xF7A  }
0x23: {  	s9 =	sor.u32 $0xD0000000, s2;
	s6 =	simm.s32 $0x108;
	_ =	swait.ge @!p0 [sflag:s8], $0x0  }
0x24: {  	s3 =	sadd.s32 $0x88, s3;
	s6 =	simm.s32 @!p1 $0x1082;
	[sflag:s4] =	ssyncset.s32 $0xFFFFF086  }
0x25: {  	[simem:s6], [sflag:s4] =	dma.local [hbm:s3], $0xF7A  }
0x26: {  	[smem:$0x3F9B] =	sst s1;
	(tag) =	ssettag s2;
	_ =	strace s9  }
0x27: {  	s1 =	sld [smem:$0x3FAB]  }
0x28: {  	s2 =	sld [smem:$0x3FAC]  }
0x29: {  	s4 =	sld [smem:$0x3FAE]  }
0x2a: {  	p0 =	seq.s32 s5, $0x0;
	s5 =	sld [smem:$0x3FAF]  }
0x2b: {  	s6 =	sld [smem:$0x3FB0]  }
0x2c: {  	s7 =	sld [smem:$0x3FB1]  }
0x2d: {  	s3 =	simm.s32 $0x108;
	s8 =	sld [smem:$0x3FB2]  }
0x2e: {  	s3 =	simm.s32 @!p0 $0x1082;
	s9 =	sld [smem:$0x3FB3]  }
0x2f: {  	lr =	sadd.s32 s0, s3;
	s0 =	sld [smem:$0x3FAA]  }
0x30: {  	s3 =	sld [smem:$0x3FAD]  }
0x31: {  	[smem:$0x3FB6] =	sst s10  }
0x32: {  	s10 =	sld [smem:$0x3FB4];
	_ =	sdelay $0x3  }
0x33: {  	p0 =	seq.s32 s10, $0x1;
	s10 =	sld [smem:$0x3FB6];
	_ =	sdelay $0x3  }
0x34: {  	[smem:$0x3FB6] =	sst s10  }
0x35: {  	s10 =	sld [smem:$0x3FB5];
	_ =	sdelay $0x3  }
0x36: {  	p1 =	seq.s32 s10, $0x1;
	s10 =	sld [smem:$0x3FB6];
	_ =	sdelay $0x3  }
0x37: {  	[smem:$0x3FB6] =	sst s10  }
0x38: {  	s10 =	sld [smem:$0x3FB7]  }
0x39: {  	_ = 	snop;
	(pc) =	sbr.ind lr, $3  }
0x3a: {  	_ = 	snop  }
0x3b: {  	_ = 	snop  }
0x3c: {  	p2 =	seq.s32 s10, $0x1;
	s10 =	sld [smem:$0x3FB6]  }
0x3d: {  	_ =	shalt  }
0x3e: {  	_ =	shalt  }
0x3f: {  	_ =	shalt  }
0x40: {  	_ =	shalt  }
0x41: {  	_ =	shalt  }
0x42: {  	_ =	shalt  }
0x43: {  	_ =	shalt  }
0x44: {  	_ =	shalt  }
0x45: {  	_ =	shalt  }
0x46: {  	_ =	shalt  }
0x47: {  	_ =	shalt  }
0x48: {  	_ =	shalt  }
0x49: {  	_ =	shalt  }
0x4a: {  	_ =	shalt  }
0x4b: {  	_ =	shalt  }
0x4c: {  	_ =	shalt  }
0x4d: {  	_ =	shalt  }
0x4e: {  	_ =	shalt  }
0x4f: {  	_ =	shalt  }
0x50: {  	_ =	shalt  }
0x51: {  	_ =	shalt  }
0x52: {  	_ =	shalt  }
0x53: {  	_ =	shalt  }
0x54: {  	_ =	shalt  }
0x55: {  	_ =	shalt  }
0x56: {  	_ =	shalt  }
0x57: {  	_ =	shalt  }
0x58: {  	_ =	shalt  }
0x59: {  	_ =	shalt  }
0x5a: {  	_ =	shalt  }
0x5b: {  	_ =	shalt  }
0x5c: {  	_ =	shalt  }
0x5d: {  	_ =	shalt  }
0x5e: {  	_ =	shalt  }
0x5f: {  	_ =	shalt  }
0x60: {  	_ =	shalt  }
0x61: {  	_ =	shalt  }
0x62: {  	_ =	shalt  }
0x63: {  	_ =	shalt  }
0x64: {  	_ =	shalt  }
0x65: {  	_ =	shalt  }
0x66: {  	_ =	shalt  }
0x67: {  	_ =	shalt  }
0x68: {  	_ =	shalt  }
0x69: {  	_ =	shalt  }
0x6a: {  	_ =	shalt  }
0x6b: {  	_ =	shalt  }
0x6c: {  	_ =	shalt  }
0x6d: {  	_ =	shalt  }
0x6e: {  	_ =	shalt  }
0x6f: {  	_ =	shalt  }
0x70: {  	_ =	shalt  }
0x71: {  	_ =	shalt  }
0x72: {  	_ =	shalt  }
0x73: {  	_ =	shalt  }
0x74: {  	_ =	shalt  }
0x75: {  	_ =	shalt  }
0x76: {  	_ =	shalt  }
0x77: {  	_ =	shalt  }
0x78: {  	_ =	shalt  }
0x79: {  	_ =	shalt  }
0x7a: {  	_ =	shalt  }
0x7b: {  	_ =	shalt  }
0x7c: {  	_ =	shalt  }
0x7d: {  	_ =	shalt  }
0x7e: {  	_ =	shalt  }
0x7f: {  	_ =	shalt  }
0x80: {  	_ =	shalt  }
0x81: {  	_ =	shalt  }
0x82: {  	_ =	shalt  }
0x83: {  	_ =	shalt  }
0x84: {  	_ =	shalt  }
0x85: {  	_ =	shalt  }
0x86: {  	_ =	shalt  }
0x87: {  	_ =	shalt  }
.Lfunc_end0:
.L_simem_size_0:
called_computation.2_lowered:
.L_overlay_start_0:
0x88: {  	s2 =	sld [smem:$0x3FD9]  }
0x89: {  	s3 =	sld [smem:$0x3FFE];
	_ =	sdelay $0x1  }
0x8a: {  	s1 =	srdreg.scid  }
0x8b: {  	s0 =	sand.u32 $0x1, s1  }
0x8c: {  	s17 =	sshll.u32 s0, $0xA;
	s2 =	sadd.s32 s3, s2  }
0x8d: {  	s2 =	sadd.s32 s2, s17  }
0x8e: {  	[smem:$0x3FC2] =	sst s2  }
0x8f: {  	_ = 	snop  }
0x90: {  	s2 =	sld [smem:$0x3FD0];
	(tm) =	ssettm $0x1  }
0x91: {  	s18 =	sld [smem:$0x3FFB];
	_ =	sdelay $0x3  }
0x92: {  	_ =	strace s18  }
0x93: {  	s3 =	sld [smem:$0x3FFC];
	_ =	sdelay $0x3  }
0x94: {  	_ =	strace s3  }
0x95: {  	s3 =	sld [smem:$0x3FFD];
	_ =	sdelay $0x3  }
0x96: {  	_ =	strace s3  }
0x97: {  	_ =	strace $0x8FFFFFFF  }
0x98: {  	s19 =	sld [smem:$0x3FDB];
	_ =	sdelay $0x1  }
0x99: {  	s4 =	simm.s32 $_scs_section_size  }
0x9a: {  	s5 =	simm.s32 $_size__tile_overlayer_lowered;
	s6 =	simm.s32 $_tile_overlayer_lowered  }
0x9b: {  	s22 =	simm.s32 $0x1BFF;
	s21 =	sshll.u32 s6, $0x1;
	s3 =	sadd.s32 s4, s19  }
0x9c: {  	s7 =	simm.s32 $0x0;
	s20 =	sshll.u32 s5, $0x1;
	s5 =	sadd.s32 s21, s3  }
0x9d: {  	[timem:s7], [sflag:s22] =	dma.local [hbm:s5], s20  }
0x9e: {  	_ =	swait.ge [sflag:s22], s20  }
0x9f: {  	s4 =	ssub.s32 $0x0, s20;
	[sflag:s22] =	ssyncset.done $0x0  }
0xa0: {  	[sflag:s22] =	ssyncadd.s32 s4;
	_ =	sdelay $0x1  }
0xa1: {  	s23 =	simm.s32 $0x1B8B  }
0xa2: {  	_ =	swait.ge [sflag:s23], $0x1  }
0xa3: {  	[sflag:s23] =	ssyncset.done $0x0  }
0xa4: {  	s25 =	simm.s32 $0x1B8E;
	s24 =	sld [smem:$0x3FFE];
	[sflag:s23] =	ssyncadd.s32 $0xFFFFFFFF  }
0xa5: {  	s26 =	simm.s32 $execute0_lowered;
	[smem:$0x3FD2] =	sst s25  }
0xa6: {  	s5 =	sshll.u32 s26, $0x1;
	_ =	strace $0x8000004C;
	[dreg:$0x1] =	wrdreg $0xFFFFFFFF  }
0xa7: {  	s28 =	simm.s32 $_size_execute0_lowered;
	s3 =	sadd.s32 s3, s5;
	[dreg:$0x0] =	wrdreg $0x0  }
0xa8: {  	s5 =	sshll.u32 s28, $0x1;
	[dreg:$0x2] =	wrdreg s3  }
0xa9: {  	[dreg:$0x3] =	wrdreg s5  }
0xaa: {  	[dreg:$0x4] =	wrdreg $0xC0  }
0xab: {  	_ =	task [dreg:s7], $0x5FFFF  }
0xac: {  	[dreg:$0x1] =	wrdreg $0xFFFFFFFF  }
0xad: {  	[dreg:$0x0] =	wrdreg $0x60  }
0xae: {  	[dreg:$0x2] =	wrdreg s2  }
0xaf: {  	[dreg:$0x3] =	wrdreg s24  }
0xb0: {  	[dreg:$0x4] =	wrdreg $0x131000  }
0xb1: {  	[dreg:$0x5] =	wrdreg $0x9  }
0xb2: {  	_ =	task.clear_ibuf [dreg:s7], $0x6FFFF;
	_ =	strace $0x9000004C  }
0xb3: {  	s29 =	simm.s32 $0x9;
	_ =	strace $0x8000004E  }
0xb4: {  	_ =	swait.ge [sflag:s29], $0x1  }
0xb5: {  	[sflag:s29] =	ssyncadd.s32 $0xFFFFFFFF  }
0xb6: {  	_ =	strace $0x9000004E  }
0xb7: {  	_ =	sfence  }
0xb8: {  	s30 =	sld [smem:$0x0];
	_ =	sdelay $0x2  }
0xb9: {  	s31 =	sshll.u32 s1, $0xD;
	s1 =	sshrl.u32 s1, $0x2  }
0xba: {  	s3 =	sand.u32 $0x4000, s31;
	s1 =	sadd.s32 s1, s30  }
0xbb: {  	s0 =	sor.u32 s3, s0;
	s1 =	sshll.u32 s1, $0x11  }
0xbc: {  	s0 =	sor.u32 s1, s0  }
0xbd: {  	s0 =	sadd.s32 $0x8F2B, s0  }
0xbe: {  	[sflag:s0] =	ssyncadd.remote.s32 $0x1  }
0xbf: {  	_ =	sfence.sel $0xFFFF  }
0xc0: {  	[dreg:$0x0] =	wrdreg $0xFFFFFFFF;
	(pc) =	sbr.abs _section_cstart, $3  }
0xc1: {  	[dreg:$0x1] =	wrdreg $0xFFFFFFFF  }
0xc2: {  	_ =	task.clear_ibuf [dreg:s7], $0x2FFFF;
	_ =	strace $0x9FFFFFFF  }
0xc3: {  	(tm) =	ssettm $0x7FFFFFFF  }
tec
execute0_lowered:
.L_overlay_start_1:
0x0: {  	(tag) =	ssettag $0x1  }
0x1: {  	s2 =	rddreg [dreg:$0x0]  }
0x2: {  	s5 =	rddreg [dreg:$0x1]  }
0x3: {  	s3 =	rddreg [dreg:$0x2]  }
0x4: {  	s0 =	rddreg [dreg:$0x3];
	s1 =	stileid.u32  }
0x5: {  	s4 =	simm.s32 $0x0;
	s7 =	srdreg.scid;
	s13 =	simm.s32 $0xF100  }
0x6: {  	s14 =	simm.s32 $0x5;
	s15 =	simm.s32 $0x80;
	s16 =	simm.s32 $0x5000  }
0x7: {  	s17 =	simm.s32 $0x11100;
	s18 =	simm.s32 $0x1;
	s19 =	simm.s32 $0x3  }
0x8: {  	s20 =	simm.s32 $0x2;
	s22 =	simm.s32 $0x10;
	s6 =	smul.u32 $0xA00, s1  }
0x9: {  	s23 =	simm.s32 $0x8;
	[smem:$0x7FF] =	sst s4;
	s28 =	smul.u32 $0x14000, s1  }
0xa: {  	s21 =	sand.u32 $0x1, s7;
	s9 =	smul.u32 $0x28000, s1;
	_ =	strace $0x8000004D  }
0xb: {  	s8 =	sshll.u32 s21, $0x6;
	s30 =	ssub.s32 $0x2, s21;
	v0 =	vmov s21;
	s21 =	simm.s32 $0x4  }
0xc: {  	s10 =	sadd.s32 s6, s5;
	s29 =	sor.u32 s8, s28;
	s31 =	sshrl.u32 s30, $0x1  }
0xd: {  	s9 =	sshrl.u32 s9, $0x2;
	s6 =	sshrl.u32 s29, $0x3;
	s12 =	ssub.s32 s30, s31  }
0xe: {  	s10 =	sadd.s32 $0x3A00, s10;
	s11 =	sadd.s32 s6, s5;
	s5 =	sadd.s32 s9, s3  }
0xf: {  	s12 =	smax.u32 s12, $0x1;
	s6 =	sadd.s32 $0x2000, s5;
	s7 =	sadd.s32 $0x4000, s5  }
0x10: {  	v1 =	vimm.f32 $0.0e+00;
	v2 =	vimm.s32 $0x0;
	s8 =	sadd.s32 $0x6000, s5;
	s9 =	sadd.s32 $0x8000, s5;
	s11 =	sadd.s32 $0x5DA00, s11  }
.LBB2_1:
0x11: {  	s25 =	simm.s32 $0x100;
	s24 =	simm.s32 $0x0  }
.LBB2_2:
0x12: {  	p0 =	sne.s32 s25, $0x7F00;
	[tilespmem:s24+$0xF130] =	vst v1;
	s26 =	smov.u32 s25;
	s25 =	sadd.s32 $0x100, s25  }
.Ltmp0:
0x13: {  	[tilespmem:s24+$0xF120] =	vst v1;
	(pc) =	sbr.rel @p0 .LBB2_2-.Ltmp0, $3  }
0x14: {  	[tilespmem:s24+$0xF100] =	vst v1  }
0x15: {  	[tilespmem:s24+$0xF110] =	vst v1;
	_ =	sdelay $0x1  }
0x16: {  	s24 =	sshra.s32 s26, $0x2  }
0x17: {  	[tilespmem:s24+$0xF130] =	vst v1  }
0x18: {  	[tilespmem:s24+$0xF120] =	vst v1  }
0x19: {  	[tilespmem:s24+$0xF100] =	vst v1  }
0x1a: {  	[tilespmem:s24+$0xF110] =	vst v1  }
0x1b: {  	[spmem:s5] =	stream.linear.scatter [tilespmem:s13], [sflag:$0x5], $0x2000, $0x38;
	[tilespmem:$0x1D100] =	vst v63  }
0x1c: {  	_ =	swait.ge [sflag:s14], $0x2000  }
0x1d: {  	[sflag:s14] =	ssyncset.done $0x0  }
0x1e: {  	[sflag:s14] =	ssyncadd.s32 $0xFFFFE000  }
0x1f: {  	[spmem:s6] =	stream.linear.scatter [tilespmem:s13], [sflag:$0x5], $0x2000, $0x38;
	[tilespmem:$0x1D100] =	vst v63  }
0x20: {  	_ =	swait.ge [sflag:s14], $0x2000  }
0x21: {  	[sflag:s14] =	ssyncset.done $0x0  }
0x22: {  	[sflag:s14] =	ssyncadd.s32 $0xFFFFE000  }
0x23: {  	[spmem:s7] =	stream.linear.scatter [tilespmem:s13], [sflag:$0x5], $0x2000, $0x38;
	[tilespmem:$0x1D100] =	vst v63  }
0x24: {  	_ =	swait.ge [sflag:s14], $0x2000  }
0x25: {  	[sflag:s14] =	ssyncset.done $0x0  }
0x26: {  	[sflag:s14] =	ssyncadd.s32 $0xFFFFE000  }
0x27: {  	[spmem:s8] =	stream.linear.scatter [tilespmem:s13], [sflag:$0x5], $0x2000, $0x38;
	[tilespmem:$0x1D100] =	vst v63  }
0x28: {  	_ =	swait.ge [sflag:s14], $0x2000  }
0x29: {  	[sflag:s14] =	ssyncset.done $0x0  }
0x2a: {  	[sflag:s14] =	ssyncadd.s32 $0xFFFFE000  }
0x2b: {  	[spmem:s9] =	stream.linear.scatter [tilespmem:s13], [sflag:$0x5], $0x2000, $0x38;
	[tilespmem:$0x1D100] =	vst v63  }
0x2c: {  	_ =	swait.ge [sflag:s14], $0x2000  }
0x2d: {  	[sflag:s14] =	ssyncset.done $0x0  }
0x2e: {  	[sflag:s14] =	ssyncadd.s32 $0xFFFFE000  }
0x2f: {  	s31 =	simm.s32 $0x0;
	[bflag:$0x0] =	sbarrier.arrive $0xFFFF  }
0x30: {  	[tilespmem:s31], [sflag:$0x5] =	stream.linear.gather [hbm4b:s10+s31], $0x5000, $0x38;
	[tilespmem:$0x1D100] =	vst v63  }
0x31: {  	_ =	swait.ge [sflag:s14], $0x5000  }
0x32: {  	[sflag:s14] =	ssyncset.done $0x0  }
0x33: {  	s24 =	simm.s32 $0x0;
	[sflag:s14] =	ssyncadd.s32 $0xFFFFB000  }
0x34: {  	v3 =	vld [tilespmem:s24+$0x70]  }
0x35: {  	v4 =	vld [tilespmem:s24+$0x0]  }
0x36: {  	v5 =	vld [tilespmem:s24+$0x10]  }
0x37: {  	v6 =	vld [tilespmem:s24+$0x20]  }
0x38: {  	v7 =	vld [tilespmem:s24+$0x30]  }
0x39: {  	v8 =	vld [tilespmem:s24+$0x40];
	v9 =	vshra.s32 v3, $0xE;
	v3 =	vshll.u32 v3, $0x1  }
0x3a: {  	v10 =	vld [tilespmem:s24+$0x50];
	v11 =	vshra.s32 v4, $0xE;
	v4 =	vshll.u32 v4, $0x1;
	[tilespmem:s24+$0xA170] =	vst v9;
	v3 =	vand.u32 $0x7FFE, v3  }
0x3b: {  	[tilespmem:s24+$0xA100] =	vst v11;
	v4 =	vand.u32 $0x7FFE, v4;
	v9 =	vshll.u32 v5, $0x1;
	v11 =	vld [tilespmem:s24+$0x60];
	v3 =	vor.u32 v0, v3  }
0x3c: {  	v12 =	vshll.u32 v6, $0x1;
	v4 =	vor.u32 v0, v4;
	v9 =	vand.u32 $0x7FFE, v9;
	[tilespmem:s24+$0x5070] =	vst v3  }
0x3d: {  	[tilespmem:s24+$0x5000] =	vst v4;
	v3 =	vor.u32 v0, v9;
	v4 =	vand.u32 $0x7FFE, v12;
	v9 =	vshll.u32 v7, $0x1  }
0x3e: {  	[tilespmem:s24+$0x5010] =	vst v3;
	v3 =	vor.u32 v0, v4;
	v4 =	vand.u32 $0x7FFE, v9;
	v9 =	vshll.u32 v8, $0x1  }
0x3f: {  	[tilespmem:s24+$0x5020] =	vst v3;
	v3 =	vor.u32 v0, v4;
	v4 =	vand.u32 $0x7FFE, v9;
	v9 =	vshll.u32 v10, $0x1  }
0x40: {  	[tilespmem:s24+$0x5030] =	vst v3;
	v4 =	vor.u32 v0, v4;
	v9 =	vand.u32 $0x7FFE, v9;
	v63 =	vshll.u32 v11, $0x1  }
0x41: {  	v3 =	vshra.s32 v5, $0xE;
	[tilespmem:s24+$0x5040] =	vst v4;
	v5 =	vor.u32 v0, v9;
	v9 =	vand.u32 $0x7FFE, v63  }
0x42: {  	v6 =	vshra.s32 v6, $0xE;
	v8 =	vshra.s32 v8, $0xE;
	[tilespmem:s24+$0x5050] =	vst v5;
	v5 =	vor.u32 v0, v9  }
0x43: {  	s25 =	simm.s32 $0x80;
	s26 =	simm.s32 $0x400;
	v4 =	vshra.s32 v7, $0xE;
	v7 =	vshra.s32 v10, $0xE;
	[tilespmem:s24+$0x5060] =	vst v5;
	v5 =	vshra.s32 v11, $0xE  }
.LBB2_4:
0x44: {  	p0 =	sne.s32 s26, $0x13E00;
	v9 =	vld [tilespmem:s25+$0x70];
	[tilespmem:s24+$0xA110] =	vst v3  }
0x45: {  	v3 =	vld [tilespmem:s25+$0x0];
	[tilespmem:s24+$0xA120] =	vst v6  }
0x46: {  	v6 =	vld [tilespmem:s25+$0x10];
	[tilespmem:s24+$0xA130] =	vst v4  }
0x47: {  	v4 =	vld [tilespmem:s25+$0x20];
	[tilespmem:s24+$0xA140] =	vst v8  }
0x48: {  	v8 =	vld [tilespmem:s25+$0x30];
	[tilespmem:s24+$0xA150] =	vst v7  }
0x49: {  	v7 =	vld [tilespmem:s25+$0x40];
	v10 =	vshll.u32 v9, $0x1;
	v9 =	vshra.s32 v9, $0xE;
	[tilespmem:s24+$0xA160] =	vst v5;
	s24 =	smov.u32 s25  }
0x4a: {  	v5 =	vshll.u32 v3, $0x1;
	v3 =	vshra.s32 v3, $0xE;
	v11 =	vld [tilespmem:s24+$0x50];
	v10 =	vand.u32 $0x7FFE, v10;
	[tilespmem:s24+$0xA170] =	vst v9  }
0x4b: {  	v5 =	vand.u32 $0x7FFE, v5;
	[tilespmem:s24+$0xA100] =	vst v3;
	v3 =	vshll.u32 v6, $0x1;
	v9 =	vld [tilespmem:s24+$0x60];
	v10 =	vor.u32 v0, v10  }
0x4c: {  	v5 =	vor.u32 v0, v5;
	v3 =	vand.u32 $0x7FFE, v3;
	v12 =	vshll.u32 v4, $0x1;
	[tilespmem:s24+$0x5070] =	vst v10  }
0x4d: {  	[tilespmem:s24+$0x5000] =	vst v5;
	v3 =	vor.u32 v0, v3;
	v5 =	vand.u32 $0x7FFE, v12;
	v10 =	vshll.u32 v8, $0x1  }
0x4e: {  	[tilespmem:s24+$0x5010] =	vst v3;
	v3 =	vor.u32 v0, v5;
	v5 =	vand.u32 $0x7FFE, v10;
	v10 =	vshll.u32 v7, $0x1  }
.Ltmp1:
0x4f: {  	[tilespmem:s24+$0x5020] =	vst v3;
	v3 =	vor.u32 v0, v5;
	v5 =	vand.u32 $0x7FFE, v10;
	v10 =	vshll.u32 v11, $0x1;
	(pc) =	sbr.rel @p0 .LBB2_4-.Ltmp1, $4  }
0x50: {  	[tilespmem:s24+$0x5030] =	vst v3;
	v5 =	vor.u32 v0, v5;
	v10 =	vand.u32 $0x7FFE, v10;
	v12 =	vshll.u32 v9, $0x1  }
0x51: {  	v3 =	vshra.s32 v6, $0xE;
	[tilespmem:s24+$0x5040] =	vst v5;
	v5 =	vor.u32 v0, v10;
	v10 =	vand.u32 $0x7FFE, v12  }
0x52: {  	v6 =	vshra.s32 v4, $0xE;
	v4 =	vshra.s32 v8, $0xE;
	[tilespmem:s24+$0x5050] =	vst v5;
	v5 =	vor.u32 v0, v10  }
0x53: {  	s25 =	sshra.s32 s26, $0x2;
	s26 =	sadd.s32 $0x200, s26;
	v8 =	vshra.s32 v7, $0xE;
	v7 =	vshra.s32 v11, $0xE;
	[tilespmem:s24+$0x5060] =	vst v5;
	v5 =	vshra.s32 v9, $0xE  }
0x54: {  	v9 =	vld [tilespmem:s25+$0x70];
	[tilespmem:s24+$0xA110] =	vst v3  }
0x55: {  	v3 =	vld [tilespmem:s25+$0x0];
	[tilespmem:s24+$0xA120] =	vst v6  }
0x56: {  	v6 =	vld [tilespmem:s25+$0x10];
	[tilespmem:s24+$0xA130] =	vst v4  }
0x57: {  	v4 =	vld [tilespmem:s25+$0x20];
	[tilespmem:s24+$0xA140] =	vst v8  }
0x58: {  	v8 =	vld [tilespmem:s25+$0x30];
	[tilespmem:s24+$0xA150] =	vst v7  }
0x59: {  	v7 =	vld [tilespmem:s25+$0x40];
	[tilespmem:s24+$0xA160] =	vst v5;
	v48 =	vshra.s32 v9, $0xE;
	v9 =	vshll.u32 v9, $0x1  }
0x5a: {  	v11 =	vshra.s32 v3, $0xE;
	[tilespmem:s25+$0xA170] =	vst v48;
	v49 =	vand.u32 $0x7FFE, v9  }
0x5b: {  	v3 =	vshll.u32 v3, $0x1;
	[tilespmem:s25+$0xA100] =	vst v11;
	v5 =	vor.u32 v0, v49  }
0x5c: {  	v3 =	vand.u32 $0x7FFE, v3;
	v50 =	vshll.u32 v6, $0x1;
	v61 =	vshra.s32 v6, $0xE;
	[tilespmem:s25+$0x5070] =	vst v5  }
0x5d: {  	v10 =	vld [tilespmem:s25+$0x50];
	v3 =	vor.u32 v0, v3;
	v9 =	vand.u32 $0x7FFE, v50;
	[tilespmem:s25+$0xA110] =	vst v61  }
0x5e: {  	v51 =	vld [tilespmem:s25+$0x60];
	v12 =	vshll.u32 v4, $0x1;
	[tilespmem:s25+$0x5000] =	vst v3;
	v3 =	vor.u32 v0, v9  }
0x5f: {  	v52 =	vand.u32 $0x7FFE, v12;
	v53 =	vshll.u32 v8, $0x1;
	v62 =	vshra.s32 v8, $0xE;
	[tilespmem:s25+$0x5010] =	vst v3  }
0x60: {  	v3 =	vor.u32 v0, v52;
	v54 =	vand.u32 $0x7FFE, v53;
	[tilespmem:s25+$0xA130] =	vst v62  }
0x61: {  	v55 =	vshll.u32 v7, $0x1;
	[tilespmem:s25+$0x5020] =	vst v3;
	v3 =	vor.u32 v0, v54  }
0x62: {  	v56 =	vand.u32 $0x7FFE, v55;
	v57 =	vshll.u32 v10, $0x1;
	v63 =	vshra.s32 v10, $0xE;
	[tilespmem:s25+$0x5030] =	vst v3  }
0x63: {  	v59 =	vshll.u32 v51, $0x1;
	v3 =	vor.u32 v0, v56;
	v58 =	vand.u32 $0x7FFE, v57;
	[tilespmem:s25+$0xA150] =	vst v63  }
0x64: {  	v60 =	vand.u32 $0x7FFE, v59;
	[tilespmem:s25+$0x5040] =	vst v3;
	v3 =	vor.u32 v0, v58  }
0x65: {  	[tilespmem:s25+$0x5050] =	vst v3;
	v3 =	vor.u32 v0, v60  }
0x66: {  	[tilespmem:s25+$0x5060] =	vst v3;
	v3 =	vshra.s32 v4, $0xE  }
0x67: {  	[tilespmem:s25+$0xA120] =	vst v3;
	v3 =	vshra.s32 v7, $0xE  }
0x68: {  	[tilespmem:s25+$0xA140] =	vst v3;
	v3 =	vshra.s32 v51, $0xE  }
0x69: {  	[tilespmem:s25+$0xA160] =	vst v3  }
0x6a: {  	[tilespmem:$0xA000] =	vst v2  }
0x6b: {  	[tilespmem:$0xA010] =	vst v2  }
0x6c: {  	[tilespmem:$0xA020] =	vst v2  }
0x6d: {  	[tilespmem:$0xA030] =	vst v2  }
0x6e: {  	[tilespmem:$0xA040] =	vst v2  }
0x6f: {  	[tilespmem:$0xA050] =	vst v2  }
0x70: {  	[tilespmem:$0xA060] =	vst v2  }
0x71: {  	[tilespmem:$0xA070] =	vst v2  }
0x72: {  	[tilespmem:$0xA080] =	vst v2  }
0x73: {  	[tilespmem:$0xA090] =	vst v2  }
0x74: {  	[tilespmem:$0xA0A0] =	vst v2  }
0x75: {  	[tilespmem:$0xA0B0] =	vst v2  }
0x76: {  	[tilespmem:$0xA0C0] =	vst v2  }
0x77: {  	[tilespmem:$0xA0D0] =	vst v2  }
0x78: {  	[tilespmem:$0xA0E0] =	vst v2  }
0x79: {  	[tilespmem:$0xA0F0] =	vst v2  }
0x7a: {  	[tilespmem:s13], [sflag:$0x1] =	stream.indirect.gather [hbm4b:s2+s15], $0x40, s16, s15, $0xb8;
	[tilespmem:$0x1D100] =	vst v63  }
0x7b: {  	s28 =	simm.s32 $0x5080  }
0x7c: {  	[tilespmem:s17], [sflag:$0x2] =	stream.indirect.gather [hbm4b:s2+s15], $0x40, s28, s15, $0xb8;
	[tilespmem:$0x1D100] =	vst v63  }
0x7d: {  	_ =	swait.ge [sflag:s18], $0x2000  }
0x7e: {  	[sflag:s18] =	ssyncset.done $0x0  }
0x7f: {  	s29 =	simm.s32 $0xA100;
	[sflag:s18] =	ssyncadd.s32 $0xFFFFE000  }
0x80: {  	[spmem:s3] =	stream.indirect.scatter.add.f32 [tilespmem:s13], [sflag:$0x3], $0x40, s29, s15, $0xb8;
	[tilespmem:$0x1D100] =	vst v63  }
0x81: {  	_ =	swait.ge [sflag:s19], $0x2000  }
0x82: {  	[sflag:s19] =	ssyncset.done $0x0  }
0x83: {  	s30 =	simm.s32 $0x5100;
	[sflag:s19] =	ssyncadd.s32 $0xFFFFE000  }
0x84: {  	[tilespmem:s13], [sflag:$0x1] =	stream.indirect.gather [hbm4b:s2+s15], $0x40, s30, s15, $0xb8;
	[tilespmem:$0x1D100] =	vst v63  }
0x85: {  	_ =	swait.ge [sflag:s20], $0x2000  }
0x86: {  	[sflag:s20] =	ssyncset.done $0x0  }
0x87: {  	s31 =	simm.s32 $0xA180;
	[sflag:s20] =	ssyncadd.s32 $0xFFFFE000  }
0x88: {  	[spmem:s3] =	stream.indirect.scatter.add.f32 [tilespmem:s17], [sflag:$0x4], $0x40, s31, s15, $0xb8;
	[tilespmem:$0x1D100] =	vst v63  }
0x89: {  	_ =	swait.ge [sflag:s21], $0x2000  }
0x8a: {  	s24 =	simm.s32 $0x100;
	s25 =	simm.s32 $0x800;
	[sflag:s21] =	ssyncset.done $0x0  }
.LBB2_6:
0x8b: {  	s26 =	sadd.s32 $0x5080, s24  }
0x8c: {  	[sflag:s21] =	ssyncadd.s32 $0xFFFFE000;
	s28 =	smov.u32 s25;
	s29 =	sadd.s32 $0x400, s25  }
0x8d: {  	[tilespmem:s17], [sflag:$0x2] =	stream.indirect.gather [hbm4b:s2+s15], $0x40, s26, s15, $0xb8;
	[tilespmem:$0x1D100] =	vst v63  }
0x8e: {  	p0 =	sne.s32 s25, $0x13C00;
	_ =	swait.ge [sflag:s18], $0x2000  }
0x8f: {  	[sflag:s18] =	ssyncset.done $0x0  }
0x90: {  	s25 =	sadd.s32 $0xA100, s24;
	[sflag:s18] =	ssyncadd.s32 $0xFFFFE000  }
0x91: {  	[spmem:s3] =	stream.indirect.scatter.add.f32 [tilespmem:s13], [sflag:$0x3], $0x40, s25, s15, $0xb8;
	[tilespmem:$0x1D100] =	vst v63  }
0x92: {  	_ =	swait.ge [sflag:s19], $0x2000  }
0x93: {  	[sflag:s19] =	ssyncset.done $0x0  }
0x94: {  	s25 =	sadd.s32 $0x5100, s24;
	[sflag:s19] =	ssyncadd.s32 $0xFFFFE000  }
0x95: {  	[tilespmem:s13], [sflag:$0x1] =	stream.indirect.gather [hbm4b:s2+s15], $0x40, s25, s15, $0xb8;
	[tilespmem:$0x1D100] =	vst v63  }
0x96: {  	_ =	swait.ge [sflag:s20], $0x2000  }
.Ltmp2:
0x97: {  	[sflag:s20] =	ssyncset.done $0x0;
	(pc) =	sbr.rel @p0 .LBB2_6-.Ltmp2, $4  }
0x98: {  	s24 =	sadd.s32 $0xA180, s24;
	[sflag:s20] =	ssyncadd.s32 $0xFFFFE000  }
0x99: {  	[spmem:s3] =	stream.indirect.scatter.add.f32 [tilespmem:s17], [sflag:$0x4], $0x40, s24, s15, $0xb8;
	[tilespmem:$0x1D100] =	vst v63  }
0x9a: {  	_ =	swait.ge [sflag:s21], $0x2000  }
0x9b: {  	s25 =	smov.u32 s29;
	s24 =	sshra.s32 s28, $0x2;
	[sflag:s21] =	ssyncset.done $0x0  }
0x9c: {  	s25 =	sadd.s32 $0x5080, s24;
	[sflag:s21] =	ssyncadd.s32 $0xFFFFE000  }
0x9d: {  	[tilespmem:s17], [sflag:$0x2] =	stream.indirect.gather [hbm4b:s2+s15], $0x40, s25, s15, $0xb8;
	[tilespmem:$0x1D100] =	vst v63  }
0x9e: {  	_ =	swait.ge [sflag:s18], $0x2000  }
0x9f: {  	[sflag:s18] =	ssyncset.done $0x0  }
0xa0: {  	s26 =	sadd.s32 $0xA100, s24;
	[sflag:s18] =	ssyncadd.s32 $0xFFFFE000  }
0xa1: {  	[spmem:s3] =	stream.indirect.scatter.add.f32 [tilespmem:s13], [sflag:$0x3], $0x40, s26, s15, $0xb8;
	[tilespmem:$0x1D100] =	vst v63  }
0xa2: {  	_ =	swait.ge [sflag:s19], $0x2000  }
0xa3: {  	[sflag:s19] =	ssyncset.done $0x0  }
0xa4: {  	s28 =	sadd.s32 $0x5100, s24;
	[sflag:s19] =	ssyncadd.s32 $0xFFFFE000  }
0xa5: {  	[tilespmem:s13], [sflag:$0x1] =	stream.indirect.gather [hbm4b:s2+s15], $0x40, s28, s15, $0xb8;
	[tilespmem:$0x1D100] =	vst v63  }
0xa6: {  	_ =	swait.ge [sflag:s20], $0x2000  }
0xa7: {  	[sflag:s20] =	ssyncset.done $0x0  }
0xa8: {  	s29 =	sadd.s32 $0xA180, s24;
	[sflag:s20] =	ssyncadd.s32 $0xFFFFE000  }
0xa9: {  	[spmem:s3] =	stream.indirect.scatter.add.f32 [tilespmem:s17], [sflag:$0x4], $0x40, s29, s15, $0xb8;
	[tilespmem:$0x1D100] =	vst v63  }
0xaa: {  	_ =	swait.ge [sflag:s21], $0x2000  }
0xab: {  	[sflag:s21] =	ssyncset.done $0x0  }
0xac: {  	[sflag:s21] =	ssyncadd.s32 $0xFFFFE000  }
0xad: {  	_ =	swait.ge [sflag:s18], $0x2000  }
0xae: {  	s30 =	sshll.u32 s1, $0x6;
	s4 =	sadd.s32 $0x1, s4;
	[sflag:s18] =	ssyncset.done $0x0  }
0xaf: {  	s31 =	sshrl.u32 s5, $0x3;
	p0 =	sne.s32 s4, s12;
	[sflag:s18] =	ssyncadd.s32 $0xFFFFE000  }
.Ltmp3:
0xb0: {  	s24 =	sor.u32 $0x1C05, s30;
	[bflag:$0x0] =	sbarrier.arrive $0xFFFF;
	(pc) =	sbr.rel @p0 .LBB2_1-.Ltmp3, $4  }
0xb1: {  	[hbm:s11@s22], [sflag:s24] =	dma.strided [spmem:s31@s23], $0x1400, s18, $0x8   }
0xb2: {  	_ =	swait.ge [sflag:s14], $0x1400  }
0xb3: {  	[sflag:s14] =	ssyncset.done $0x0  }
0xb4: {  	[sflag:s14] =	ssyncadd.s32 $0xFFFFEC00  }
0xb5: {  	_ =	sfence.sel $0x180000  }
0xb6: {  	[bflag:$0x0] =	sbarrier.arrive $0xFFFF  }
0xb7: {  	p0 =	sne.s32 s1, $0x0;
	_ =	strace $0x9000004D  }
0xb8: {  	s0 =	sadd.s32 @!p0 $0x100000, s0;
	[bflag:$0x2] =	sbarrier.arrive $0xFFFF  }
0xb9: {  	[sflag:s0] =	ssyncadd.tile.s32 @!p0 $0x1;
	_ =	shalt  }
.Lfunc_end2:
_tile_overlayer_lowered:
.L_overlay_start_2:
0xba: {  	(tag) =	ssettag $0x2  }
0xbb: {  	s0 =	rddreg [dreg:$0x0];
	s2 =	stileid.u32  }
0xbc: {  	s1 =	rddreg [dreg:$0x1];
	p0 =	sne.s32 s2, $0x0  }
0xbd: {  	s3 =	rddreg [dreg:$0x2];
	[bflag:$0x3] =	sbarrier.arrive $0xFFFF;
	s2 =	simm.s32 @!p0 $0x1C05  }
0xbe: {  	[timem:s3], [sflag:s2] =	dma.local @!p0 [hbm:s0], s1  }
0xbf: {  	s0 =	simm.s32 @!p0 $0x5  }
0xc0: {  	_ =	swait.ge @!p0 [sflag:s0], s1  }
0xc1: {  	s1 =	ssub.s32 @!p0 $0x0, s1;
	[sflag:s0] =	ssyncset.done @!p0 $0x0  }
0xc2: {  	[sflag:s0] =	ssyncadd.s32 @!p0 s1  }
0xc3: {  	[bflag:$0x3] =	sbarrier.arrive $0xFFFF  }
0xc4: {  	_ =	shalt  }

// kernel: kernel.8.cloned.1.call-start
scs
__scs_entry_jumppad:
0x0: {  	(pc) =	sbr.rel $0x88, $3  }
0x1: {  	(tag) =	ssettag $0x0;
	lr =	simm.s32 $0x1  }
0x2: {  	[smem:$0x3F9B] =	sst lr;
	_ =	strace $0xD0000000  }
0x3: {  	_ = 	snop  }
0x4: {  	_ = 	snop  }
0x5: {  	_ = 	snop  }
0x6: {  	_ = 	snop  }
0x7: {  	_ = 	snop  }
__scs_overlays_trampoline_lowered:
0x8: {  	[smem:$0x3FAA] =	sst s0  }
0x9: {  	[smem:$0x3FAB] =	sst s1  }
0xa: {  	[smem:$0x3FAC] =	sst s2  }
0xb: {  	[smem:$0x3FAD] =	sst s3  }
0xc: {  	[smem:$0x3FAE] =	sst s4  }
0xd: {  	[smem:$0x3FAF] =	sst s5  }
0xe: {  	[smem:$0x3FB0] =	sst s6  }
0xf: {  	[smem:$0x3FB1] =	sst s7  }
0x10: {  	[smem:$0x3FB2] =	sst s8  }
0x11: {  	[smem:$0x3FB3] =	sst s9;
	s0 =	simm.s32 @!p0 $0x0  }
0x12: {  	s1 =	sld [smem:$0x3F99];
	s0 =	simm.s32 @p0 $0x1  }
0x13: {  	[smem:$0x3FB4] =	sst s0;
	s0 =	simm.s32 @!p1 $0x0  }
0x14: {  	s2 =	sld [smem:$0x3F98];
	s0 =	simm.s32 @p1 $0x1  }
0x15: {  	[smem:$0x3FB5] =	sst s0;
	s0 =	simm.s32 @!p2 $0x0  }
0x16: {  	s3 =	sld [smem:$0x3FDB];
	s0 =	simm.s32 @p2 $0x1  }
0x17: {  	s4 =	simm.s32 $0x1BF5;
	[smem:$0x3FB7] =	sst s0  }
0x18: {  	s0 =	sld [smem:$0x3F9A];
	_ =	swait.ge [sflag:s4], $0x0  }
0x19: {  	s7 =	sld [smem:$0x3F9B]  }
0x1a: {  	s8 =	sadd.s32 $0xFFFFE003, lr  }
0x1b: {  	s9 =	sadd.s32 $0xFFFFFEF7, lr;
	s5 =	simm.s32 $0xFFFFFFFF;
	p2 =	slt.u32 s8, $0xFFFFF086  }
0x1c: {  	p1 =	slt.u32 s9, $0xF7A;
	s5 =	simm.s32 @!p2 $0x0  }
0x1d: {  	s5 =	simm.s32 @p1 $0x1;
	p0 =	seq.s32 s7, s2  }
0x1e: {  	s7 =	smul.u32 @!p0 $0xF7A, s2;
	p2 =	seq.s32 @!p0 s5, $0x0  }
0x1f: {  	s9 =	smul.u32 $0xF7A, s1;
	s8 =	simm.s32 @!p0 $0x1BF5;
	p2 =	por !p2, p0  }
0x20: {  	[sflag:s8] =	ssyncset.s32 @!p0 $0xFFFFF086;
	s6 =	sadd.s32 @!p0 s3, s7;
	s7 =	simm.s32 @!p0 $0x108  }
0x21: {  	s3 =	sadd.s32 s3, s9;
	s6 =	sadd.s32 @!p0 $0x88, s6;
	s7 =	simm.s32 @p2 $0x1082  }
0x22: {  	[simem:s7], [sflag:s8] =	dma.local @!p0 [hbm:s6], $0xF7A  }
0x23: {  	s9 =	sor.u32 $0xD0000000, s2;
	s6 =	simm.s32 $0x108;
	_ =	swait.ge @!p0 [sflag:s8], $0x0  }
0x24: {  	s3 =	sadd.s32 $0x88, s3;
	s6 =	simm.s32 @!p1 $0x1082;
	[sflag:s4] =	ssyncset.s32 $0xFFFFF086  }
0x25: {  	[simem:s6], [sflag:s4] =	dma.local [hbm:s3], $0xF7A  }
0x26: {  	[smem:$0x3F9B] =	sst s1;
	(tag) =	ssettag s2;
	_ =	strace s9  }
0x27: {  	s1 =	sld [smem:$0x3FAB]  }
0x28: {  	s2 =	sld [smem:$0x3FAC]  }
0x29: {  	s4 =	sld [smem:$0x3FAE]  }
0x2a: {  	p0 =	seq.s32 s5, $0x0;
	s5 =	sld [smem:$0x3FAF]  }
0x2b: {  	s6 =	sld [smem:$0x3FB0]  }
0x2c: {  	s7 =	sld [smem:$0x3FB1]  }
0x2d: {  	s3 =	simm.s32 $0x108;
	s8 =	sld [smem:$0x3FB2]  }
0x2e: {  	s3 =	simm.s32 @!p0 $0x1082;
	s9 =	sld [smem:$0x3FB3]  }
0x2f: {  	lr =	sadd.s32 s0, s3;
	s0 =	sld [smem:$0x3FAA]  }
0x30: {  	s3 =	sld [smem:$0x3FAD]  }
0x31: {  	[smem:$0x3FB6] =	sst s10  }
0x32: {  	s10 =	sld [smem:$0x3FB4];
	_ =	sdelay $0x3  }
0x33: {  	p0 =	seq.s32 s10, $0x1;
	s10 =	sld [smem:$0x3FB6];
	_ =	sdelay $0x3  }
0x34: {  	[smem:$0x3FB6] =	sst s10  }
0x35: {  	s10 =	sld [smem:$0x3FB5];
	_ =	sdelay $0x3  }
0x36: {  	p1 =	seq.s32 s10, $0x1;
	s10 =	sld [smem:$0x3FB6];
	_ =	sdelay $0x3  }
0x37: {  	[smem:$0x3FB6] =	sst s10  }
0x38: {  	s10 =	sld [smem:$0x3FB7]  }
0x39: {  	_ = 	snop;
	(pc) =	sbr.ind lr, $3  }
0x3a: {  	_ = 	snop  }
0x3b: {  	_ = 	snop  }
0x3c: {  	p2 =	seq.s32 s10, $0x1;
	s10 =	sld [smem:$0x3FB6]  }
0x3d: {  	_ =	shalt  }
0x3e: {  	_ =	shalt  }
0x3f: {  	_ =	shalt  }
0x40: {  	_ =	shalt  }
0x41: {  	_ =	shalt  }
0x42: {  	_ =	shalt  }
0x43: {  	_ =	shalt  }
0x44: {  	_ =	shalt  }
0x45: {  	_ =	shalt  }
0x46: {  	_ =	shalt  }
0x47: {  	_ =	shalt  }
0x48: {  	_ =	shalt  }
0x49: {  	_ =	shalt  }
0x4a: {  	_ =	shalt  }
0x4b: {  	_ =	shalt  }
0x4c: {  	_ =	shalt  }
0x4d: {  	_ =	shalt  }
0x4e: {  	_ =	shalt  }
0x4f: {  	_ =	shalt  }
0x50: {  	_ =	shalt  }
0x51: {  	_ =	shalt  }
0x52: {  	_ =	shalt  }
0x53: {  	_ =	shalt  }
0x54: {  	_ =	shalt  }
0x55: {  	_ =	shalt  }
0x56: {  	_ =	shalt  }
0x57: {  	_ =	shalt  }
0x58: {  	_ =	shalt  }
0x59: {  	_ =	shalt  }
0x5a: {  	_ =	shalt  }
0x5b: {  	_ =	shalt  }
0x5c: {  	_ =	shalt  }
0x5d: {  	_ =	shalt  }
0x5e: {  	_ =	shalt  }
0x5f: {  	_ =	shalt  }
0x60: {  	_ =	shalt  }
0x61: {  	_ =	shalt  }
0x62: {  	_ =	shalt  }
0x63: {  	_ =	shalt  }
0x64: {  	_ =	shalt  }
0x65: {  	_ =	shalt  }
0x66: {  	_ =	shalt  }
0x67: {  	_ =	shalt  }
0x68: {  	_ =	shalt  }
0x69: {  	_ =	shalt  }
0x6a: {  	_ =	shalt  }
0x6b: {  	_ =	shalt  }
0x6c: {  	_ =	shalt  }
0x6d: {  	_ =	shalt  }
0x6e: {  	_ =	shalt  }
0x6f: {  	_ =	shalt  }
0x70: {  	_ =	shalt  }
0x71: {  	_ =	shalt  }
0x72: {  	_ =	shalt  }
0x73: {  	_ =	shalt  }
0x74: {  	_ =	shalt  }
0x75: {  	_ =	shalt  }
0x76: {  	_ =	shalt  }
0x77: {  	_ =	shalt  }
0x78: {  	_ =	shalt  }
0x79: {  	_ =	shalt  }
0x7a: {  	_ =	shalt  }
0x7b: {  	_ =	shalt  }
0x7c: {  	_ =	shalt  }
0x7d: {  	_ =	shalt  }
0x7e: {  	_ =	shalt  }
0x7f: {  	_ =	shalt  }
0x80: {  	_ =	shalt  }
0x81: {  	_ =	shalt  }
0x82: {  	_ =	shalt  }
0x83: {  	_ =	shalt  }
0x84: {  	_ =	shalt  }
0x85: {  	_ =	shalt  }
0x86: {  	_ =	shalt  }
0x87: {  	_ =	shalt  }
.Lfunc_end0:
.L_simem_size_0:
called_computation_lowered:
.L_overlay_start_0:
0x88: {  	s2 =	sld [smem:$0x3FD9]  }
0x89: {  	s3 =	sld [smem:$0x3FFE];
	_ =	sdelay $0x1  }
0x8a: {  	s1 =	srdreg.scid  }
0x8b: {  	s0 =	sand.u32 $0x1, s1  }
0x8c: {  	s17 =	sshll.u32 s0, $0xA;
	s2 =	sadd.s32 s3, s2  }
0x8d: {  	s2 =	sadd.s32 s2, s17  }
0x8e: {  	[smem:$0x3FC2] =	sst s2  }
0x8f: {  	_ = 	snop  }
0x90: {  	s2 =	sld [smem:$0x3FD0];
	(tm) =	ssettm $0x1  }
0x91: {  	s18 =	sld [smem:$0x3FFB];
	_ =	sdelay $0x3  }
0x92: {  	_ =	strace s18  }
0x93: {  	s3 =	sld [smem:$0x3FFC];
	_ =	sdelay $0x3  }
0x94: {  	_ =	strace s3  }
0x95: {  	s3 =	sld [smem:$0x3FFD];
	_ =	sdelay $0x3  }
0x96: {  	_ =	strace s3  }
0x97: {  	_ =	strace $0x8FFFFFFF  }
0x98: {  	s19 =	sld [smem:$0x3FDB];
	_ =	sdelay $0x1  }
0x99: {  	s4 =	simm.s32 $_scs_section_size  }
0x9a: {  	s5 =	simm.s32 $_size__tile_overlayer_lowered;
	s6 =	simm.s32 $_tile_overlayer_lowered  }
0x9b: {  	s22 =	simm.s32 $0x1BFF;
	s21 =	sshll.u32 s6, $0x1;
	s3 =	sadd.s32 s4, s19  }
0x9c: {  	s7 =	simm.s32 $0x0;
	s20 =	sshll.u32 s5, $0x1;
	s5 =	sadd.s32 s21, s3  }
0x9d: {  	[timem:s7], [sflag:s22] =	dma.local [hbm:s5], s20  }
0x9e: {  	_ =	swait.ge [sflag:s22], s20  }
0x9f: {  	s4 =	ssub.s32 $0x0, s20;
	[sflag:s22] =	ssyncset.done $0x0  }
0xa0: {  	[sflag:s22] =	ssyncadd.s32 s4;
	_ =	sdelay $0x1  }
0xa1: {  	s23 =	simm.s32 $0x1B8B  }
0xa2: {  	_ =	swait.ge [sflag:s23], $0x1  }
0xa3: {  	[sflag:s23] =	ssyncset.done $0x0  }
0xa4: {  	s25 =	simm.s32 $0x1B8E;
	s24 =	sld [smem:$0x3FFE];
	[sflag:s23] =	ssyncadd.s32 $0xFFFFFFFF  }
0xa5: {  	s26 =	simm.s32 $execute0_lowered;
	[smem:$0x3FD2] =	sst s25  }
0xa6: {  	s5 =	sshll.u32 s26, $0x1;
	_ =	strace $0x80000046;
	[dreg:$0x1] =	wrdreg $0xFFFFFFFF  }
0xa7: {  	s28 =	simm.s32 $_size_execute0_lowered;
	s3 =	sadd.s32 s3, s5;
	[dreg:$0x0] =	wrdreg $0x0  }
0xa8: {  	s5 =	sshll.u32 s28, $0x1;
	[dreg:$0x2] =	wrdreg s3  }
0xa9: {  	[dreg:$0x3] =	wrdreg s5  }
0xaa: {  	[dreg:$0x4] =	wrdreg $0xC0  }
0xab: {  	_ =	task [dreg:s7], $0x5FFFF  }
0xac: {  	[dreg:$0x1] =	wrdreg $0xFFFFFFFF  }
0xad: {  	[dreg:$0x0] =	wrdreg $0x60  }
0xae: {  	[dreg:$0x2] =	wrdreg s24  }
0xaf: {  	[dreg:$0x3] =	wrdreg s2  }
0xb0: {  	[dreg:$0x4] =	wrdreg $0x58000  }
0xb1: {  	[dreg:$0x5] =	wrdreg $0x9  }
0xb2: {  	_ =	task.clear_ibuf [dreg:s7], $0x6FFFF;
	_ =	strace $0x90000046  }
0xb3: {  	s29 =	simm.s32 $0x9;
	_ =	strace $0x80000048  }
0xb4: {  	_ =	swait.ge [sflag:s29], $0x1  }
0xb5: {  	[sflag:s29] =	ssyncadd.s32 $0xFFFFFFFF  }
0xb6: {  	_ =	strace $0x90000048  }
0xb7: {  	_ =	sfence  }
0xb8: {  	s30 =	sld [smem:$0x0];
	_ =	sdelay $0x2  }
0xb9: {  	s31 =	sshll.u32 s1, $0xD;
	s1 =	sshrl.u32 s1, $0x2  }
0xba: {  	s3 =	sand.u32 $0x4000, s31;
	s1 =	sadd.s32 s1, s30  }
0xbb: {  	s0 =	sor.u32 s3, s0;
	s1 =	sshll.u32 s1, $0x11  }
0xbc: {  	s0 =	sor.u32 s1, s0  }
0xbd: {  	s0 =	sadd.s32 $0x8F2B, s0  }
0xbe: {  	[sflag:s0] =	ssyncadd.remote.s32 $0x1  }
0xbf: {  	_ =	sfence.sel $0xFFFF  }
0xc0: {  	[dreg:$0x0] =	wrdreg $0xFFFFFFFF;
	(pc) =	sbr.abs _section_cstart, $3  }
0xc1: {  	[dreg:$0x1] =	wrdreg $0xFFFFFFFF  }
0xc2: {  	_ =	task.clear_ibuf [dreg:s7], $0x2FFFF;
	_ =	strace $0x9FFFFFFF  }
0xc3: {  	(tm) =	ssettm $0x7FFFFFFF  }
tec
execute0_lowered:
.L_overlay_start_1:
0x0: {  	(tag) =	ssettag $0x1  }
0x1: {  	s4 =	rddreg [dreg:$0x0];
	s1 =	srdreg.scid  }
0x2: {  	s0 =	stileid.u32;
	s10 =	rddreg [dreg:$0x1]  }
0x3: {  	s2 =	rddreg [dreg:$0x2];
	s3 =	simm.s32 $0x0;
	s13 =	simm.s32 $0x1  }
0x4: {  	s14 =	simm.s32 $0x80;
	s17 =	simm.s32 $0x4;
	s18 =	simm.s32 $0x2  }
0x5: {  	s19 =	simm.s32 $0x0;
	s5 =	sand.u32 $0x1, s1;
	s1 =	rddreg [dreg:$0x3]  }
0x6: {  	s28 =	sshll.u32 s0, $0x1;
	[smem:$0x7FF] =	sst s3;
	s7 =	smul.u32 $0xA000, s0  }
0x7: {  	s8 =	smul.u32 $0x5000, s0;
	s15 =	sshll.u32 s0, $0x6;
	s6 =	sor.u32 s5, s28  }
0x8: {  	_ =	strace $0x80000047;
	s29 =	ssub.s32 $0x2, s5;
	s31 =	sshll.u32 s5, $0x4  }
0x9: {  	s15 =	sor.u32 $0x1C01, s15;
	s6 =	smul.u32 $0x500, s6;
	s30 =	sshrl.u32 s29, $0x1  }
0xa: {  	s7 =	sshrl.u32 s7, $0x2;
	s12 =	sor.u32 s31, s8;
	s11 =	ssub.s32 s29, s30  }
0xb: {  	s12 =	sshrl.u32 s12, $0x3;
	s9 =	sadd.s32 s6, s4;
	s4 =	sadd.s32 s7, s2  }
0xc: {  	s10 =	sadd.s32 s10, s12;
	s11 =	smax.u32 s11, $0x1;
	s12 =	simm.s32 $0x5000  }
0xd: {  	v0 =	vimm.f32 $0.0e+00;
	vm0 =	vcmask $0x300;
	s5 =	sadd.s32 $0x800, s4;
	s6 =	sadd.s32 $0x1000, s4;
	s7 =	sadd.s32 $0x1800, s4  }
0xe: {  	v1 =	vsel vm0, $0x3F800000, v0;
	s8 =	sadd.s32 $0x2000, s4;
	s9 =	sadd.s32 $0x3A00, s9;
	s16 =	sshrl.u32 s4, $0x3  }
.LBB2_1:
0xf: {  	[tilespmem:$0x5000] =	vst v0  }
0x10: {  	[tilespmem:$0x5010] =	vst v0  }
0x11: {  	[tilespmem:$0x5020] =	vst v0  }
0x12: {  	[tilespmem:$0x5030] =	vst v0  }
0x13: {  	[tilespmem:$0x5040] =	vst v0  }
0x14: {  	[tilespmem:$0x5050] =	vst v0  }
0x15: {  	[tilespmem:$0x5060] =	vst v0  }
0x16: {  	[tilespmem:$0x5070] =	vst v0  }
0x17: {  	[tilespmem:$0x5080] =	vst v0  }
0x18: {  	[tilespmem:$0x5090] =	vst v0  }
0x19: {  	[tilespmem:$0x50A0] =	vst v0  }
0x1a: {  	[tilespmem:$0x50B0] =	vst v0  }
0x1b: {  	[tilespmem:$0x50C0] =	vst v0  }
0x1c: {  	[tilespmem:$0x50D0] =	vst v0  }
0x1d: {  	[tilespmem:$0x50E0] =	vst v0  }
0x1e: {  	[tilespmem:$0x50F0] =	vst v0  }
0x1f: {  	[tilespmem:$0x5100] =	vst v0  }
0x20: {  	[tilespmem:$0x5110] =	vst v0  }
0x21: {  	[tilespmem:$0x5120] =	vst v0  }
0x22: {  	[tilespmem:$0x5130] =	vst v0  }
0x23: {  	[tilespmem:$0x5140] =	vst v0  }
0x24: {  	[tilespmem:$0x5150] =	vst v0  }
0x25: {  	[tilespmem:$0x5160] =	vst v0  }
0x26: {  	[tilespmem:$0x5170] =	vst v0  }
0x27: {  	[tilespmem:$0x5180] =	vst v0  }
0x28: {  	[tilespmem:$0x5190] =	vst v0  }
0x29: {  	[tilespmem:$0x51A0] =	vst v0  }
0x2a: {  	[tilespmem:$0x51B0] =	vst v0  }
0x2b: {  	[tilespmem:$0x51C0] =	vst v0  }
0x2c: {  	[tilespmem:$0x51D0] =	vst v0  }
0x2d: {  	[tilespmem:$0x51E0] =	vst v0  }
0x2e: {  	[tilespmem:$0x51F0] =	vst v0  }
0x2f: {  	[tilespmem:$0x5200] =	vst v0  }
0x30: {  	[tilespmem:$0x5210] =	vst v0  }
0x31: {  	[tilespmem:$0x5220] =	vst v0  }
0x32: {  	[tilespmem:$0x5230] =	vst v0  }
0x33: {  	[tilespmem:$0x5240] =	vst v0  }
0x34: {  	[tilespmem:$0x5250] =	vst v0  }
0x35: {  	[tilespmem:$0x5260] =	vst v0  }
0x36: {  	[tilespmem:$0x5270] =	vst v0  }
0x37: {  	[tilespmem:$0x5280] =	vst v0  }
0x38: {  	[tilespmem:$0x5290] =	vst v0  }
0x39: {  	[tilespmem:$0x52A0] =	vst v0  }
0x3a: {  	[tilespmem:$0x52B0] =	vst v0  }
0x3b: {  	[tilespmem:$0x52C0] =	vst v0  }
0x3c: {  	[tilespmem:$0x52D0] =	vst v0  }
0x3d: {  	[tilespmem:$0x52E0] =	vst v0  }
0x3e: {  	[tilespmem:$0x52F0] =	vst v0  }
0x3f: {  	[tilespmem:$0x5300] =	vst v0  }
0x40: {  	[tilespmem:$0x5310] =	vst v0  }
0x41: {  	[tilespmem:$0x5320] =	vst v0  }
0x42: {  	[tilespmem:$0x5330] =	vst v0  }
0x43: {  	[tilespmem:$0x5340] =	vst v0  }
0x44: {  	[tilespmem:$0x5350] =	vst v0  }
0x45: {  	[tilespmem:$0x5360] =	vst v0  }
0x46: {  	[tilespmem:$0x5370] =	vst v0  }
0x47: {  	[tilespmem:$0x5380] =	vst v0  }
0x48: {  	[tilespmem:$0x5390] =	vst v0  }
0x49: {  	[tilespmem:$0x53A0] =	vst v0  }
0x4a: {  	[tilespmem:$0x53B0] =	vst v0  }
0x4b: {  	[tilespmem:$0x53C0] =	vst v0  }
0x4c: {  	[tilespmem:$0x53D0] =	vst v0  }
0x4d: {  	[tilespmem:$0x53E0] =	vst v0  }
0x4e: {  	[tilespmem:$0x53F0] =	vst v0  }
0x4f: {  	[tilespmem:$0x5400] =	vst v0  }
0x50: {  	[tilespmem:$0x5410] =	vst v0  }
0x51: {  	[tilespmem:$0x5420] =	vst v0  }
0x52: {  	[tilespmem:$0x5430] =	vst v0  }
0x53: {  	[tilespmem:$0x5440] =	vst v0  }
0x54: {  	[tilespmem:$0x5450] =	vst v0  }
0x55: {  	[tilespmem:$0x5460] =	vst v0  }
0x56: {  	[tilespmem:$0x5470] =	vst v0  }
0x57: {  	[tilespmem:$0x5480] =	vst v0  }
0x58: {  	[tilespmem:$0x5490] =	vst v0  }
0x59: {  	[tilespmem:$0x54A0] =	vst v0  }
0x5a: {  	[tilespmem:$0x54B0] =	vst v0  }
0x5b: {  	[tilespmem:$0x54C0] =	vst v0  }
0x5c: {  	[tilespmem:$0x54D0] =	vst v0  }
0x5d: {  	[tilespmem:$0x54E0] =	vst v0  }
0x5e: {  	[tilespmem:$0x54F0] =	vst v0  }
0x5f: {  	[tilespmem:$0x5500] =	vst v0  }
0x60: {  	[tilespmem:$0x5510] =	vst v0  }
0x61: {  	[tilespmem:$0x5520] =	vst v0  }
0x62: {  	[tilespmem:$0x5530] =	vst v0  }
0x63: {  	[tilespmem:$0x5540] =	vst v0  }
0x64: {  	[tilespmem:$0x5550] =	vst v0  }
0x65: {  	[tilespmem:$0x5560] =	vst v0  }
0x66: {  	[tilespmem:$0x5570] =	vst v0  }
0x67: {  	[tilespmem:$0x5580] =	vst v0  }
0x68: {  	[tilespmem:$0x5590] =	vst v0  }
0x69: {  	[tilespmem:$0x55A0] =	vst v0  }
0x6a: {  	[tilespmem:$0x55B0] =	vst v0  }
0x6b: {  	[tilespmem:$0x55C0] =	vst v0  }
0x6c: {  	[tilespmem:$0x55D0] =	vst v0  }
0x6d: {  	[tilespmem:$0x55E0] =	vst v0  }
0x6e: {  	[tilespmem:$0x55F0] =	vst v0  }
0x6f: {  	[tilespmem:$0x5600] =	vst v0  }
0x70: {  	[tilespmem:$0x5610] =	vst v0  }
0x71: {  	[tilespmem:$0x5620] =	vst v0  }
0x72: {  	[tilespmem:$0x5630] =	vst v0  }
0x73: {  	[tilespmem:$0x5640] =	vst v0  }
0x74: {  	[tilespmem:$0x5650] =	vst v0  }
0x75: {  	[tilespmem:$0x5660] =	vst v0  }
0x76: {  	[tilespmem:$0x5670] =	vst v0  }
0x77: {  	[tilespmem:$0x5680] =	vst v0  }
0x78: {  	[tilespmem:$0x5690] =	vst v0  }
0x79: {  	[tilespmem:$0x56A0] =	vst v0  }
0x7a: {  	[tilespmem:$0x56B0] =	vst v0  }
0x7b: {  	[tilespmem:$0x56C0] =	vst v0  }
0x7c: {  	[tilespmem:$0x56D0] =	vst v0  }
0x7d: {  	[tilespmem:$0x56E0] =	vst v0  }
0x7e: {  	[tilespmem:$0x56F0] =	vst v0  }
0x7f: {  	[tilespmem:$0x5700] =	vst v0  }
0x80: {  	[tilespmem:$0x5710] =	vst v0  }
0x81: {  	[tilespmem:$0x5720] =	vst v0  }
0x82: {  	[tilespmem:$0x5730] =	vst v0  }
0x83: {  	[tilespmem:$0x5740] =	vst v0  }
0x84: {  	[tilespmem:$0x5750] =	vst v0  }
0x85: {  	[tilespmem:$0x5760] =	vst v0  }
0x86: {  	[tilespmem:$0x5770] =	vst v0  }
0x87: {  	[tilespmem:$0x5780] =	vst v0  }
0x88: {  	[tilespmem:$0x5790] =	vst v0  }
0x89: {  	[tilespmem:$0x57A0] =	vst v0  }
0x8a: {  	[tilespmem:$0x57B0] =	vst v0  }
0x8b: {  	[tilespmem:$0x57C0] =	vst v0  }
0x8c: {  	[tilespmem:$0x57D0] =	vst v0  }
0x8d: {  	[tilespmem:$0x57E0] =	vst v0  }
0x8e: {  	[tilespmem:$0x57F0] =	vst v0  }
0x8f: {  	[spmem:s4] =	stream.linear.scatter [tilespmem:s12], [sflag:$0x1], $0x800, $0x38;
	[tilespmem:$0x8000] =	vst v63  }
0x90: {  	_ =	swait.ge [sflag:s13], $0x800  }
0x91: {  	[sflag:s13] =	ssyncset.done $0x0  }
0x92: {  	[sflag:s13] =	ssyncadd.s32 $0xFFFFF800  }
0x93: {  	[spmem:s5] =	stream.linear.scatter [tilespmem:s12], [sflag:$0x1], $0x800, $0x38;
	[tilespmem:$0x8000] =	vst v63  }
0x94: {  	_ =	swait.ge [sflag:s13], $0x800  }
0x95: {  	[sflag:s13] =	ssyncset.done $0x0  }
0x96: {  	[sflag:s13] =	ssyncadd.s32 $0xFFFFF800  }
0x97: {  	[spmem:s6] =	stream.linear.scatter [tilespmem:s12], [sflag:$0x1], $0x800, $0x38;
	[tilespmem:$0x8000] =	vst v63  }
0x98: {  	_ =	swait.ge [sflag:s13], $0x800  }
0x99: {  	[sflag:s13] =	ssyncset.done $0x0  }
0x9a: {  	[sflag:s13] =	ssyncadd.s32 $0xFFFFF800  }
0x9b: {  	[spmem:s7] =	stream.linear.scatter [tilespmem:s12], [sflag:$0x1], $0x800, $0x38;
	[tilespmem:$0x8000] =	vst v63  }
0x9c: {  	_ =	swait.ge [sflag:s13], $0x800  }
0x9d: {  	[sflag:s13] =	ssyncset.done $0x0  }
0x9e: {  	[sflag:s13] =	ssyncadd.s32 $0xFFFFF800  }
0x9f: {  	[spmem:s8] =	stream.linear.scatter [tilespmem:s12], [sflag:$0x1], $0x800, $0x38;
	[tilespmem:$0x8000] =	vst v63  }
0xa0: {  	_ =	swait.ge [sflag:s13], $0x800  }
0xa1: {  	[sflag:s13] =	ssyncset.done $0x0  }
0xa2: {  	[sflag:s13] =	ssyncadd.s32 $0xFFFFF800  }
0xa3: {  	[tilespmem:$0x5000] =	vst v1  }
0xa4: {  	[tilespmem:$0x5010] =	vst v1  }
0xa5: {  	[tilespmem:$0x5020] =	vst v1  }
0xa6: {  	[tilespmem:$0x5030] =	vst v1  }
0xa7: {  	[tilespmem:$0x5040] =	vst v1  }
0xa8: {  	[tilespmem:$0x5050] =	vst v1  }
0xa9: {  	[tilespmem:$0x5060] =	vst v1  }
0xaa: {  	[tilespmem:$0x5070] =	vst v1  }
0xab: {  	[tilespmem:$0x5080] =	vst v1  }
0xac: {  	[tilespmem:$0x5090] =	vst v1  }
0xad: {  	[tilespmem:$0x50A0] =	vst v1  }
0xae: {  	[tilespmem:$0x50B0] =	vst v1  }
0xaf: {  	[tilespmem:$0x50C0] =	vst v1  }
0xb0: {  	[tilespmem:$0x50D0] =	vst v1  }
0xb1: {  	[tilespmem:$0x50E0] =	vst v1  }
0xb2: {  	[tilespmem:$0x50F0] =	vst v1  }
0xb3: {  	[tilespmem:$0x5100] =	vst v1  }
0xb4: {  	[tilespmem:$0x5110] =	vst v1  }
0xb5: {  	[tilespmem:$0x5120] =	vst v1  }
0xb6: {  	[tilespmem:$0x5130] =	vst v1  }
0xb7: {  	[tilespmem:$0x5140] =	vst v1  }
0xb8: {  	[tilespmem:$0x5150] =	vst v1  }
0xb9: {  	[tilespmem:$0x5160] =	vst v1  }
0xba: {  	[tilespmem:$0x5170] =	vst v1  }
0xbb: {  	[tilespmem:$0x5180] =	vst v1  }
0xbc: {  	[tilespmem:$0x5190] =	vst v1  }
0xbd: {  	[tilespmem:$0x51A0] =	vst v1  }
0xbe: {  	[tilespmem:$0x51B0] =	vst v1  }
0xbf: {  	[tilespmem:$0x51C0] =	vst v1  }
0xc0: {  	[tilespmem:$0x51D0] =	vst v1  }
0xc1: {  	[tilespmem:$0x51E0] =	vst v1  }
0xc2: {  	[tilespmem:$0x51F0] =	vst v1  }
0xc3: {  	[tilespmem:$0x5200] =	vst v1  }
0xc4: {  	[tilespmem:$0x5210] =	vst v1  }
0xc5: {  	[tilespmem:$0x5220] =	vst v1  }
0xc6: {  	[tilespmem:$0x5230] =	vst v1  }
0xc7: {  	[tilespmem:$0x5240] =	vst v1  }
0xc8: {  	[tilespmem:$0x5250] =	vst v1  }
0xc9: {  	[tilespmem:$0x5260] =	vst v1  }
0xca: {  	[tilespmem:$0x5270] =	vst v1  }
0xcb: {  	[tilespmem:$0x5280] =	vst v1  }
0xcc: {  	[tilespmem:$0x5290] =	vst v1  }
0xcd: {  	[tilespmem:$0x52A0] =	vst v1  }
0xce: {  	[tilespmem:$0x52B0] =	vst v1  }
0xcf: {  	[tilespmem:$0x52C0] =	vst v1  }
0xd0: {  	[tilespmem:$0x52D0] =	vst v1  }
0xd1: {  	[tilespmem:$0x52E0] =	vst v1  }
0xd2: {  	[tilespmem:$0x52F0] =	vst v1  }
0xd3: {  	[tilespmem:$0x5300] =	vst v1  }
0xd4: {  	[tilespmem:$0x5310] =	vst v1  }
0xd5: {  	[tilespmem:$0x5320] =	vst v1  }
0xd6: {  	[tilespmem:$0x5330] =	vst v1  }
0xd7: {  	[tilespmem:$0x5340] =	vst v1  }
0xd8: {  	[tilespmem:$0x5350] =	vst v1  }
0xd9: {  	[tilespmem:$0x5360] =	vst v1  }
0xda: {  	[tilespmem:$0x5370] =	vst v1  }
0xdb: {  	[tilespmem:$0x5380] =	vst v1  }
0xdc: {  	[tilespmem:$0x5390] =	vst v1  }
0xdd: {  	[tilespmem:$0x53A0] =	vst v1  }
0xde: {  	[tilespmem:$0x53B0] =	vst v1  }
0xdf: {  	[tilespmem:$0x53C0] =	vst v1  }
0xe0: {  	[tilespmem:$0x53D0] =	vst v1  }
0xe1: {  	[tilespmem:$0x53E0] =	vst v1  }
0xe2: {  	[tilespmem:$0x53F0] =	vst v1  }
0xe3: {  	[tilespmem:$0x5400] =	vst v1  }
0xe4: {  	[tilespmem:$0x5410] =	vst v1  }
0xe5: {  	[tilespmem:$0x5420] =	vst v1  }
0xe6: {  	[tilespmem:$0x5430] =	vst v1  }
0xe7: {  	[tilespmem:$0x5440] =	vst v1  }
0xe8: {  	[tilespmem:$0x5450] =	vst v1  }
0xe9: {  	[tilespmem:$0x5460] =	vst v1  }
0xea: {  	[tilespmem:$0x5470] =	vst v1  }
0xeb: {  	[tilespmem:$0x5480] =	vst v1  }
0xec: {  	[tilespmem:$0x5490] =	vst v1  }
0xed: {  	[tilespmem:$0x54A0] =	vst v1  }
0xee: {  	[tilespmem:$0x54B0] =	vst v1  }
0xef: {  	[tilespmem:$0x54C0] =	vst v1  }
0xf0: {  	[tilespmem:$0x54D0] =	vst v1  }
0xf1: {  	[tilespmem:$0x54E0] =	vst v1  }
0xf2: {  	[tilespmem:$0x54F0] =	vst v1  }
0xf3: {  	[tilespmem:$0x5500] =	vst v1  }
0xf4: {  	[tilespmem:$0x5510] =	vst v1  }
0xf5: {  	[tilespmem:$0x5520] =	vst v1  }
0xf6: {  	[tilespmem:$0x5530] =	vst v1  }
0xf7: {  	[tilespmem:$0x5540] =	vst v1  }
0xf8: {  	[tilespmem:$0x5550] =	vst v1  }
0xf9: {  	[tilespmem:$0x5560] =	vst v1  }
0xfa: {  	[tilespmem:$0x5570] =	vst v1  }
0xfb: {  	[tilespmem:$0x5580] =	vst v1  }
0xfc: {  	[tilespmem:$0x5590] =	vst v1  }
0xfd: {  	[tilespmem:$0x55A0] =	vst v1  }
0xfe: {  	[tilespmem:$0x55B0] =	vst v1  }
0xff: {  	[tilespmem:$0x55C0] =	vst v1  }
0x100: {  	[tilespmem:$0x55D0] =	vst v1  }
0x101: {  	[tilespmem:$0x55E0] =	vst v1  }
0x102: {  	[tilespmem:$0x55F0] =	vst v1  }
0x103: {  	[tilespmem:$0x5600] =	vst v1  }
0x104: {  	[tilespmem:$0x5610] =	vst v1  }
0x105: {  	[tilespmem:$0x5620] =	vst v1  }
0x106: {  	[tilespmem:$0x5630] =	vst v1  }
0x107: {  	[tilespmem:$0x5640] =	vst v1  }
0x108: {  	[tilespmem:$0x5650] =	vst v1  }
0x109: {  	[tilespmem:$0x5660] =	vst v1  }
0x10a: {  	[tilespmem:$0x5670] =	vst v1  }
0x10b: {  	[tilespmem:$0x5680] =	vst v1  }
0x10c: {  	[tilespmem:$0x5690] =	vst v1  }
0x10d: {  	[tilespmem:$0x56A0] =	vst v1  }
0x10e: {  	[tilespmem:$0x56B0] =	vst v1  }
0x10f: {  	[tilespmem:$0x56C0] =	vst v1  }
0x110: {  	[tilespmem:$0x56D0] =	vst v1  }
0x111: {  	[tilespmem:$0x56E0] =	vst v1  }
0x112: {  	[tilespmem:$0x56F0] =	vst v1  }
0x113: {  	[tilespmem:$0x5700] =	vst v1  }
0x114: {  	[tilespmem:$0x5710] =	vst v1  }
0x115: {  	[tilespmem:$0x5720] =	vst v1  }
0x116: {  	[tilespmem:$0x5730] =	vst v1  }
0x117: {  	[tilespmem:$0x5740] =	vst v1  }
0x118: {  	[tilespmem:$0x5750] =	vst v1  }
0x119: {  	[tilespmem:$0x5760] =	vst v1  }
0x11a: {  	[tilespmem:$0x5770] =	vst v1  }
0x11b: {  	[tilespmem:$0x5780] =	vst v1  }
0x11c: {  	[tilespmem:$0x5790] =	vst v1  }
0x11d: {  	[tilespmem:$0x57A0] =	vst v1  }
0x11e: {  	[tilespmem:$0x57B0] =	vst v1  }
0x11f: {  	[tilespmem:$0x57C0] =	vst v1  }
0x120: {  	[tilespmem:$0x57D0] =	vst v1  }
0x121: {  	[tilespmem:$0x57E0] =	vst v1  }
0x122: {  	[tilespmem:$0x57F0] =	vst v1  }
0x123: {  	[tilespmem:s3], [sflag:$0x1] =	stream.linear.gather [hbm4b:s9+s3], $0x2800, $0x38;
	[tilespmem:$0x8000] =	vst v63  }
0x124: {  	_ =	swait.ge [sflag:s13], $0x2800  }
0x125: {  	[sflag:s13] =	ssyncset.done $0x0  }
0x126: {  	s21 =	simm.s32 $0x0;
	[sflag:s13] =	ssyncadd.s32 $0xFFFFD800  }
0x127: {  	v3 =	vld [tilespmem:s21+$0x70]  }
0x128: {  	v6 =	vld [tilespmem:s21+$0x0]  }
0x129: {  	v7 =	vld [tilespmem:s21+$0x10]  }
0x12a: {  	v5 =	vld [tilespmem:s21+$0x20]  }
0x12b: {  	v4 =	vld [tilespmem:s21+$0x30]  }
0x12c: {  	v2 =	vld [tilespmem:s21+$0x40];
	v8 =	vshra.s32 v3, $0xE  }
0x12d: {  	v3 =	vld [tilespmem:s21+$0x50];
	v6 =	vshra.s32 v6, $0xE;
	[tilespmem:s21+$0x2870] =	vst v8  }
0x12e: {  	s20 =	simm.s32 $0x80;
	s22 =	simm.s32 $0x400;
	v7 =	vshra.s32 v7, $0xE;
	[tilespmem:s21+$0x2800] =	vst v6;
	v6 =	vld [tilespmem:s21+$0x60]  }
.LBB2_2:
0x12f: {  	p0 =	sne.s32 s22, $0x9E00;
	v8 =	vld [tilespmem:s20+$0x70];
	[tilespmem:s21+$0x2810] =	vst v7;
	v5 =	vshra.s32 v5, $0xE  }
0x130: {  	v7 =	vld [tilespmem:s20+$0x0];
	[tilespmem:s21+$0x2820] =	vst v5;
	v4 =	vshra.s32 v4, $0xE  }
0x131: {  	v9 =	vld [tilespmem:s20+$0x10];
	[tilespmem:s21+$0x2830] =	vst v4;
	v2 =	vshra.s32 v2, $0xE  }
.Ltmp0:
0x132: {  	v5 =	vld [tilespmem:s20+$0x20];
	[tilespmem:s21+$0x2840] =	vst v2;
	v2 =	vshra.s32 v3, $0xE;
	(pc) =	sbr.rel @p0 .LBB2_2-.Ltmp0, $4  }
0x133: {  	v4 =	vld [tilespmem:s20+$0x30];
	[tilespmem:s21+$0x2850] =	vst v2;
	v3 =	vshra.s32 v6, $0xE  }
0x134: {  	v2 =	vld [tilespmem:s20+$0x40];
	v6 =	vshra.s32 v8, $0xE;
	[tilespmem:s21+$0x2860] =	vst v3;
	s21 =	smov.u32 s20  }
0x135: {  	v7 =	vshra.s32 v7, $0xE;
	v3 =	vld [tilespmem:s21+$0x50];
	[tilespmem:s21+$0x2870] =	vst v6  }
0x136: {  	s20 =	sshra.s32 s22, $0x2;
	s22 =	sadd.s32 $0x200, s22;
	[tilespmem:s21+$0x2800] =	vst v7;
	v7 =	vshra.s32 v9, $0xE;
	v6 =	vld [tilespmem:s21+$0x60]  }
0x137: {  	v8 =	vld [tilespmem:s20+$0x70];
	[tilespmem:s21+$0x2810] =	vst v7;
	v5 =	vshra.s32 v5, $0xE  }
0x138: {  	v7 =	vld [tilespmem:s20+$0x0];
	[tilespmem:s21+$0x2820] =	vst v5;
	v4 =	vshra.s32 v4, $0xE  }
0x139: {  	v5 =	vld [tilespmem:s20+$0x10];
	[tilespmem:s21+$0x2830] =	vst v4;
	v2 =	vshra.s32 v2, $0xE  }
0x13a: {  	v4 =	vld [tilespmem:s20+$0x20];
	[tilespmem:s21+$0x2840] =	vst v2;
	v2 =	vshra.s32 v3, $0xE  }
0x13b: {  	v3 =	vld [tilespmem:s20+$0x30];
	[tilespmem:s21+$0x2850] =	vst v2;
	v2 =	vshra.s32 v6, $0xE  }
0x13c: {  	v61 =	vld [tilespmem:s20+$0x40];
	[tilespmem:s21+$0x2860] =	vst v2;
	v2 =	vshra.s32 v8, $0xE  }
0x13d: {  	v62 =	vld [tilespmem:s20+$0x50];
	v7 =	vshra.s32 v7, $0xE;
	[tilespmem:s20+$0x2870] =	vst v2  }
0x13e: {  	v63 =	vld [tilespmem:s20+$0x60];
	[tilespmem:s20+$0x2800] =	vst v7;
	v2 =	vshra.s32 v5, $0xE  }
0x13f: {  	[tilespmem:s20+$0x2810] =	vst v2;
	v2 =	vshra.s32 v4, $0xE  }
0x140: {  	[tilespmem:s20+$0x2820] =	vst v2;
	v2 =	vshra.s32 v3, $0xE  }
0x141: {  	[tilespmem:s20+$0x2830] =	vst v2;
	v2 =	vshra.s32 v61, $0xE  }
0x142: {  	[tilespmem:s20+$0x2840] =	vst v2;
	v2 =	vshra.s32 v62, $0xE  }
0x143: {  	[tilespmem:s20+$0x2850] =	vst v2;
	v2 =	vshra.s32 v63, $0xE  }
0x144: {  	[tilespmem:s20+$0x2860] =	vst v2  }
0x145: {  	s31 =	simm.s32 $0x2800;
	[bflag:$0x0] =	sbarrier.arrive $0xFFFF  }
0x146: {  	[spmem:s2] =	stream.indirect.scatter.add.f32 [tilespmem:s12], [sflag:$0x1], $0x10, s31, s14, $0xb8;
	[tilespmem:$0x8000] =	vst v63  }
0x147: {  	s20 =	simm.s32 $0x200;
	_ =	swait.ge [sflag:s13], $0x800  }
.LBB2_4:
0x148: {  	s21 =	sshra.s32 s20, $0x2;
	[sflag:s13] =	ssyncset.done $0x0;
	p0 =	sne.s32 s20, $0x9E00  }
.Ltmp1:
0x149: {  	s21 =	sadd.s32 $0x2800, s21;
	[sflag:s13] =	ssyncadd.s32 $0xFFFFF800;
	(pc) =	sbr.rel @p0 .LBB2_4-.Ltmp1, $3  }
0x14a: {  	[spmem:s2] =	stream.indirect.scatter.add.f32 [tilespmem:s12], [sflag:$0x1], $0x10, s21, s14, $0xb8;
	[tilespmem:$0x8000] =	vst v63  }
0x14b: {  	s20 =	sadd.s32 $0x200, s20;
	_ =	sdelay $0x1  }
0x14c: {  	_ =	swait.ge [sflag:s13], $0x800  }
0x14d: {  	[sflag:s13] =	ssyncset.done $0x0;
	s19 =	sadd.s32 $0x1, s19  }
0x14e: {  	[sflag:s13] =	ssyncadd.s32 $0xFFFFF800;
	p0 =	sne.s32 s19, s11  }
.Ltmp2:
0x14f: {  	[bflag:$0x0] =	sbarrier.arrive $0xFFFF;
	(pc) =	sbr.rel @p0 .LBB2_1-.Ltmp2, $4  }
0x150: {  	[hbm:s10@s17], [sflag:s15] =	dma.strided [spmem:s16@s18], $0x500, s13, $0x2   }
0x151: {  	_ =	swait.ge [sflag:s13], $0x500  }
0x152: {  	[sflag:s13] =	ssyncset.done $0x0  }
0x153: {  	[sflag:s13] =	ssyncadd.s32 $0xFFFFFB00  }
0x154: {  	_ =	sfence.sel $0x180000  }
0x155: {  	[bflag:$0x0] =	sbarrier.arrive $0xFFFF  }
0x156: {  	p0 =	sne.s32 s0, $0x0;
	_ =	strace $0x90000047  }
0x157: {  	s0 =	sadd.s32 @!p0 $0x100000, s1;
	[bflag:$0x2] =	sbarrier.arrive $0xFFFF  }
0x158: {  	[sflag:s0] =	ssyncadd.tile.s32 @!p0 $0x1;
	_ =	shalt  }
.Lfunc_end2:
_tile_overlayer_lowered:
.L_overlay_start_2:
0x159: {  	(tag) =	ssettag $0x2  }
0x15a: {  	s0 =	rddreg [dreg:$0x0];
	s2 =	stileid.u32  }
0x15b: {  	s1 =	rddreg [dreg:$0x1];
	p0 =	sne.s32 s2, $0x0  }
0x15c: {  	s3 =	rddreg [dreg:$0x2];
	[bflag:$0x3] =	sbarrier.arrive $0xFFFF;
	s2 =	simm.s32 @!p0 $0x1C01  }
0x15d: {  	[timem:s3], [sflag:s2] =	dma.local @!p0 [hbm:s0], s1  }
0x15e: {  	s0 =	simm.s32 @!p0 $0x1  }
0x15f: {  	_ =	swait.ge @!p0 [sflag:s0], s1  }
0x160: {  	s1 =	ssub.s32 @!p0 $0x0, s1;
	[sflag:s0] =	ssyncset.done @!p0 $0x0  }
0x161: {  	[sflag:s0] =	ssyncadd.s32 @!p0 s1  }
0x162: {  	[bflag:$0x3] =	sbarrier.arrive $0xFFFF  }
0x163: {  	_ =	shalt  }

</sc_bundles>
